<compile_context>
chip_gen: v7x
topology: tpu7x:2x2x1
jax: 0.10.2.dev20260603
libtpu: 0.0.44.dev20260713+nightly
codegen_flags: <defaults>
</compile_context>

<pallas_src>
import dataclasses
import functools

import jax
import jax.numpy as jnp
from jax import lax
from jax.experimental import pallas as pl
from jax.experimental.pallas import tpu as pltpu
from jax.experimental.pallas import tpu_sc as plsc

N = 10000
E = 320000
NF = 128
NH = 128

NC = 2
NS = 16
NT = NC * NS
EW = E // NT
CH = 80
NCH = 126
EWD = NCH * CH
FH = NH // NC
NCH2 = 250
EW2 = NCH2 * CH
RPT0 = 624
TAILO = NS * RPT0
TAILR = N - TAILO
ZBR = 208

BLK = 1000
GRID = N // BLK

@functools.cache
def _sc_kernels():
    mesh = plsc.VectorSubcoreMesh(core_axis_name="c", subcore_axis_name="s")
    cp = pltpu.CompilerParams()
    if "needs_layout_passes" in pltpu.CompilerParams.__dataclass_fields__:
        cp = dataclasses.replace(cp, needs_layout_passes=False)
    if "use_tc_tiling_on_sc" in pltpu.CompilerParams.__dataclass_fields__:
        cp = dataclasses.replace(cp, use_tc_tiling_on_sc=False)
    deg = functools.partial(
        pl.kernel,
        compiler_params=cp,
        out_type=jax.ShapeDtypeStruct((NC, N, 16), jnp.float32),
        mesh=mesh,
        scratch_types=[
            pltpu.VMEM((NCH, CH), jnp.float32),
            pltpu.VMEM((NCH, CH), jnp.int32),
            pltpu.VMEM((CH, 16), jnp.float32),
            pltpu.VMEM((CH, 16), jnp.float32),
            pltpu.VMEM((ZBR, 16), jnp.float32),
            pltpu.VMEM_SHARED((N, 16), jnp.float32),
            pltpu.SemaphoreType.DMA,
            pltpu.SemaphoreType.DMA,
        ],
    )(_deg_body)
    scat = functools.partial(
        pl.kernel,
        compiler_params=cp,
        out_type=jax.ShapeDtypeStruct((NC, N, FH), jnp.float32),
        mesh=mesh,
        scratch_types=[
            pltpu.VMEM((NCH2, CH), jnp.int32),
            pltpu.VMEM((NCH2, CH), jnp.float32),
            pltpu.VMEM((NCH2, CH), jnp.int32),
            pltpu.VMEM((CH, FH), jnp.float32),
            pltpu.VMEM((CH, FH), jnp.float32),
            pltpu.VMEM((ZBR, FH), jnp.float32),
            pltpu.VMEM_SHARED((N, FH), jnp.float32),
            pltpu.SemaphoreType.DMA,
            pltpu.SemaphoreType.DMA,
            pltpu.SemaphoreType.DMA,
            pltpu.SemaphoreType.DMA,
        ],
    )(_scatter_body)
    return deg, scat


_GDN = lax.GatherDimensionNumbers(offset_dims=(), collapsed_slice_dims=(0,),
                                  start_index_map=(0,))


def _bcast16(vec, k):
    idx = jnp.full((16, 1), k, jnp.int32)
    return lax.gather(vec, idx, _GDN, (1,),
                      mode=lax.GatherScatterMode.PROMISE_IN_BOUNDS)


def _zero_fill(zb, acc, sid, ncol):
    @pl.loop(0, ZBR)
    def _(r):
        for f in range(ncol // 16):
            zb[r, pl.ds(f * 16, 16)] = jnp.zeros((16,), jnp.float32)

    @pl.loop(0, RPT0 // ZBR)
    def _(k):
        pltpu.sync_copy(zb, acc.at[pl.ds(sid * RPT0 + k * ZBR, ZBR)])

    @pl.when(sid == 0)
    def _():
        pltpu.sync_copy(zb.at[pl.ds(0, TAILR)], acc.at[pl.ds(TAILO, TAILR)])


def _write_out(acc, out2d, sid):
    pltpu.sync_copy(acc.at[pl.ds(sid * RPT0, RPT0)],
                    out2d.at[pl.ds(sid * RPT0, RPT0)])

    @pl.when(sid == 0)
    def _():
        pltpu.sync_copy(acc.at[pl.ds(TAILO, TAILR)],
                        out2d.at[pl.ds(TAILO, TAILR)])


def _deg_body(dst_hbm, w_hbm, out_hbm, w_v, dst_v, val0, val1, zb, acc,
              ssem0, ssem1):
    cid = lax.axis_index("c")
    sid = lax.axis_index("s")
    tid = cid * NS + sid

    pltpu.sync_copy(w_hbm.at[tid], w_v)
    pltpu.sync_copy(dst_hbm.at[tid], dst_v)

    _zero_fill(zb, acc, sid, 16)
    plsc.subcore_barrier()

    bufs = ((val0, ssem0), (val1, ssem1))

    def _fill(val, j):
        @pl.loop(0, CH // 16)
        def _(g):
            w16 = w_v[j, pl.ds(g * 16, 16)]
            for k in range(16):
                val[g * 16 + k, pl.ds(0, 16)] = _bcast16(w16, k)

    @pl.loop(0, NCH, step=2)
    def _(j):
        for p in range(2):
            val, ssem = bufs[p]
            c = j + p

            @pl.when(c >= 2)
            def _():
                pltpu.make_async_copy(val, acc.at[dst_v.at[c - 2]],
                                      ssem).wait()

            _fill(val, c)
            pltpu.async_copy(val, acc.at[dst_v.at[c]], ssem, add=True)

    pltpu.make_async_copy(val0, acc.at[dst_v.at[NCH - 2]], ssem0).wait()
    pltpu.make_async_copy(val1, acc.at[dst_v.at[NCH - 1]], ssem1).wait()
    plsc.subcore_barrier()
    _write_out(acc, out_hbm.at[cid], sid)


def _scatter_body(ys_hbm, src_hbm, dst_hbm, w_hbm, out_hbm,
                  src_v, w_v, dst_v, rows0, rows1, zb, acc,
                  gsem0, gsem1, ssem0, ssem1):
    cid = lax.axis_index("c")
    sid = lax.axis_index("s")

    pltpu.sync_copy(src_hbm.at[sid], src_v)
    pltpu.sync_copy(w_hbm.at[sid], w_v)
    pltpu.sync_copy(dst_hbm.at[sid], dst_v)

    _zero_fill(zb, acc, sid, FH)
    plsc.subcore_barrier()

    ys2d = ys_hbm.at[cid]
    bufs = ((rows0, gsem0, ssem0), (rows1, gsem1, ssem1))

    pltpu.async_copy(ys2d.at[src_v.at[0]], rows0, gsem0)

    @pl.loop(0, NCH2, step=2)
    def _(j):
        for p in range(2):
            rows, gsem, ssem = bufs[p]
            orows, ogsem, ossem = bufs[1 - p]
            c = j + p

            @pl.when(c >= 1)
            def _():
                pltpu.make_async_copy(orows, acc.at[dst_v.at[c - 1]],
                                      ossem).wait()

            @pl.when(c + 1 < NCH2)
            def _():
                pltpu.async_copy(ys2d.at[src_v.at[c + 1]], orows, ogsem)

            pltpu.make_async_copy(ys2d.at[src_v.at[c]], rows, gsem).wait()
            jj = jnp.full((16,), c, jnp.int32)

            @pl.loop(0, CH, unroll=4)
            def _(e):
                b = plsc.load_gather(w_v,
                                     [jj, jnp.full((16,), e, jnp.int32)])
                for f in range(FH // 16):
                    sl = (e, pl.ds(f * 16, 16))
                    rows[sl] = rows[sl] * b

            pltpu.async_copy(rows, acc.at[dst_v.at[c]], ssem, add=True)

    pltpu.make_async_copy(rows1, acc.at[dst_v.at[NCH2 - 1]], ssem1).wait()
    plsc.subcore_barrier()
    _write_out(acc, out_hbm.at[cid], sid)


def _mm_sum_body(x_ref, w_ref, xw_ref, xsum_ref):
    i = pl.program_id(0)
    xb = x_ref[...]
    xw_ref[...] = jnp.dot(xb, w_ref[...], preferred_element_type=jnp.float32)

    @pl.when(i == 0)
    def _():
        xsum_ref[...] = jnp.zeros_like(xsum_ref)

    xsum_ref[...] += jnp.sum(xb, axis=0, keepdims=True)


def _mm_sum(x, w):
    return pl.pallas_call(
        _mm_sum_body,
        grid=(GRID,),
        in_specs=[pl.BlockSpec((BLK, NF), lambda i: (i, 0)),
                  pl.BlockSpec((NF, NH), lambda i: (0, 0))],
        out_specs=[pl.BlockSpec((BLK, NH), lambda i: (i, 0)),
                   pl.BlockSpec((1, NF), lambda i: (0, 0))],
        out_shape=[jax.ShapeDtypeStruct((N, NH), jnp.float32),
                   jax.ShapeDtypeStruct((1, NF), jnp.float32)],
    )(x, w)


def _dis_body(degp_ref, xw_ref, ys_ref, disr_ref):
    d = degp_ref[0] + degp_ref[1]
    dis = lax.rsqrt(d[:, 0:1] + 1.0)
    disb = jnp.broadcast_to(dis, (BLK, NH))
    disr_ref[...] = disb
    ys = xw_ref[...] * disb
    ys_ref[...] = jnp.stack([ys[:, :FH], ys[:, FH:]], axis=0)


def _dis_scale(degp, xw):
    return pl.pallas_call(
        _dis_body,
        grid=(GRID,),
        in_specs=[pl.BlockSpec((NC, BLK, 16), lambda i: (0, i, 0)),
                  pl.BlockSpec((BLK, NH), lambda i: (i, 0))],
        out_specs=[pl.BlockSpec((NC, BLK, FH), lambda i: (0, i, 0)),
                   pl.BlockSpec((BLK, NH), lambda i: (i, 0))],
        out_shape=[jax.ShapeDtypeStruct((NC, N, FH), jnp.float32),
                   jax.ShapeDtypeStruct((N, NH), jnp.float32)],
    )(degp, xw)


def _gcn_post_body(part_ref, ys_ref, disr_ref, b_ref, h_ref, st_ref):
    i = pl.program_id(0)
    acc = (jnp.concatenate([part_ref[0], part_ref[1]], axis=1)
           + jnp.concatenate([ys_ref[0], ys_ref[1]], axis=1))
    h = jnp.maximum(disr_ref[...] * acc + b_ref[...], 0.0)
    h_ref[...] = h

    @pl.when(i == 0)
    def _():
        st_ref[...] = jnp.zeros_like(st_ref)

    st_ref[0:1, :] += jnp.sum(h, axis=0, keepdims=True)
    st_ref[1:2, :] += jnp.sum(h * h, axis=0, keepdims=True)


def _gcn_post(part, ys, disr, b):
    return pl.pallas_call(
        _gcn_post_body,
        grid=(GRID,),
        in_specs=[pl.BlockSpec((NC, BLK, FH), lambda i: (0, i, 0)),
                  pl.BlockSpec((NC, BLK, FH), lambda i: (0, i, 0)),
                  pl.BlockSpec((BLK, NH), lambda i: (i, 0)),
                  pl.BlockSpec((1, NH), lambda i: (0, 0))],
        out_specs=[pl.BlockSpec((BLK, NH), lambda i: (i, 0)),
                   pl.BlockSpec((2, NH), lambda i: (0, 0))],
        out_shape=[jax.ShapeDtypeStruct((N, NH), jnp.float32),
                   jax.ShapeDtypeStruct((2, NH), jnp.float32)],
    )(part, ys, disr, b)


def _bn_mm_body(h_ref, st_ref, g_ref, be_ref, w_ref, disr_ref,
                hn_ref, ys2_ref):
    m = st_ref[0:1, :] / N
    v = st_ref[1:2, :] / N - m * m
    hn = (h_ref[...] - m) * lax.rsqrt(v + 1e-5) * g_ref[...] + be_ref[...]
    hn_ref[...] = hn
    xw2 = jnp.dot(hn, w_ref[...], preferred_element_type=jnp.float32)
    ys2 = xw2 * disr_ref[...]
    ys2_ref[...] = jnp.stack([ys2[:, :FH], ys2[:, FH:]], axis=0)


def _bn_mm(h, st, g, be, w, disr):
    return pl.pallas_call(
        _bn_mm_body,
        grid=(GRID,),
        in_specs=[pl.BlockSpec((BLK, NH), lambda i: (i, 0)),
                  pl.BlockSpec((2, NH), lambda i: (0, 0)),
                  pl.BlockSpec((1, NH), lambda i: (0, 0)),
                  pl.BlockSpec((1, NH), lambda i: (0, 0)),
                  pl.BlockSpec((NH, NH), lambda i: (0, 0)),
                  pl.BlockSpec((BLK, NH), lambda i: (i, 0))],
        out_specs=[pl.BlockSpec((BLK, NH), lambda i: (i, 0)),
                   pl.BlockSpec((NC, BLK, FH), lambda i: (0, i, 0))],
        out_shape=[jax.ShapeDtypeStruct((N, NH), jnp.float32),
                   jax.ShapeDtypeStruct((NC, N, FH), jnp.float32)],
    )(h, st, g, be, w, disr)


def _head_body(h1n_ref, h2_ref, st2_ref, g2_ref, be2_ref,
               wih1t_ref, bi1_ref, wih2t_ref, bi2_ref,
               wfc1_ref, bfc1_ref, wfc2_ref, bfc2_ref, xmean_ref, o_ref):
    m = st2_ref[0:1, :] / N
    v = st2_ref[1:2, :] / N - m * m
    h2n = ((h2_ref[...] - m) * lax.rsqrt(v + 1e-5) * g2_ref[...]
           + be2_ref[...])
    hc = jnp.concatenate([h1n_ref[...], h2n], axis=1)
    ga = jnp.dot(hc, wih1t_ref[...],
                 preferred_element_type=jnp.float32) + bi1_ref[...]
    i1 = jax.nn.sigmoid(ga[:, 0:NH])
    g1 = jnp.tanh(ga[:, NH:2 * NH])
    o1 = jax.nn.sigmoid(ga[:, 2 * NH:3 * NH])
    hn1 = o1 * jnp.tanh(i1 * g1)
    gb = jnp.dot(hn1, wih2t_ref[...],
                 preferred_element_type=jnp.float32) + bi2_ref[...]
    i2 = jax.nn.sigmoid(gb[:, 0:NH])
    g2g = jnp.tanh(gb[:, NH:2 * NH])
    o2 = jax.nn.sigmoid(gb[:, 2 * NH:3 * NH])
    hn2 = o2 * jnp.tanh(i2 * g2g)
    z = jnp.concatenate(
        [hn1, hn2, jnp.broadcast_to(xmean_ref[...], (BLK, NF))], axis=1)
    a = jnp.maximum(
        jnp.dot(z, wfc1_ref[...], preferred_element_type=jnp.float32)
        + bfc1_ref[...], 0.0)
    o_ref[...] = (jnp.dot(a, wfc2_ref[...],
                          preferred_element_type=jnp.float32)
                  + bfc2_ref[...])


def _head(h1n, h2, st2, g2, be2, wih1t, bi1, wih2t, bi2,
          wfc1, bfc1, wfc2, bfc2, xmean):
    return pl.pallas_call(
        _head_body,
        grid=(GRID,),
        in_specs=[pl.BlockSpec((BLK, NH), lambda i: (i, 0)),
                  pl.BlockSpec((BLK, NH), lambda i: (i, 0)),
                  pl.BlockSpec((2, NH), lambda i: (0, 0)),
                  pl.BlockSpec((1, NH), lambda i: (0, 0)),
                  pl.BlockSpec((1, NH), lambda i: (0, 0)),
                  pl.BlockSpec((2 * NH, 3 * NH), lambda i: (0, 0)),
                  pl.BlockSpec((1, 3 * NH), lambda i: (0, 0)),
                  pl.BlockSpec((NH, 3 * NH), lambda i: (0, 0)),
                  pl.BlockSpec((1, 3 * NH), lambda i: (0, 0)),
                  pl.BlockSpec((2 * NH + NF, NH), lambda i: (0, 0)),
                  pl.BlockSpec((1, NH), lambda i: (0, 0)),
                  pl.BlockSpec((NH, 1), lambda i: (0, 0)),
                  pl.BlockSpec((1, 1), lambda i: (0, 0)),
                  pl.BlockSpec((1, NF), lambda i: (0, 0))],
        out_specs=pl.BlockSpec((BLK, 1), lambda i: (i, 0)),
        out_shape=jax.ShapeDtypeStruct((N, 1), jnp.float32),
    )(h1n, h2, st2, g2, be2, wih1t, bi1, wih2t, bi2,
      wfc1, bfc1, wfc2, bfc2, xmean)


def kernel(x, edge_index, edge_attr, W1, b1, g1, be1, W2, b2, g2, be2,
           Wih1, Whh1, bih1, bhh1, Wih2, Whh2, bih2, bhh2,
           Wfc1, bfc1, Wfc2, bfc2):
    def _pad(a, ways, nch):
        per = E // ways
        a = a.reshape(ways, per)
        a = jnp.pad(a, ((0, 0), (0, nch * CH - per)))
        return a.reshape(ways, nch, CH)

    src = _pad(edge_index[0], NS, NCH2)
    dst16 = _pad(edge_index[1], NS, NCH2)
    ew16 = _pad(edge_attr, NS, NCH2)
    dst32 = _pad(edge_index[1], NT, NCH)
    ew32 = _pad(edge_attr, NT, NCH)

    def _prep(wih, bih, bhh):
        wt = wih.T
        wt = jnp.concatenate([wt[:, 0:NH], wt[:, 2 * NH:4 * NH]], axis=1)
        bb = (bih + bhh)
        bb = jnp.concatenate([bb[0:NH], bb[2 * NH:4 * NH]]).reshape(1, 3 * NH)
        return wt, bb

    wih1t, bi1 = _prep(Wih1, bih1, bhh1)
    wih2t, bi2 = _prep(Wih2, bih2, bhh2)

    _deg_kernel, _edge_scatter = _sc_kernels()
    degp = _deg_kernel(dst32, ew32)
    xw1, xsum = _mm_sum(x, W1)
    ys1, disr = _dis_scale(degp, xw1)
    part1 = _edge_scatter(ys1, src, dst16, ew16)
    h1, st1 = _gcn_post(part1, ys1, disr, b1.reshape(1, NH))
    h1n, ys2 = _bn_mm(h1, st1, g1.reshape(1, NH), be1.reshape(1, NH),
                      W2, disr)
    part2 = _edge_scatter(ys2, src, dst16, ew16)
    h2, st2 = _gcn_post(part2, ys2, disr, b2.reshape(1, NH))
    out = _head(h1n, h2, st2, g2.reshape(1, NH), be2.reshape(1, NH),
                wih1t, bi1, wih2t, bi2,
                Wfc1, bfc1.reshape(1, NH), Wfc2, bfc2.reshape(1, 1),
                xsum / N)
    return out.reshape(N)

# --- scband reference (transcript-rebuilt; emitter-appended) ---
"""Pipeline reference for scband-mpnn-lstm-55259049230849 (READ-ONLY COPY).

The authoritative reference and input builder live on the scoring server;
editing this copy changes nothing except your own understanding.
"""

import jax, jax.numpy as jnp
import numpy as np

N = 10000
E = 320000
NF = 128
NH = 128
NOUT = 1

def setup_inputs(seed: int = 0):
    key = jax.random.key(seed)
    ks = jax.random.split(key, 16)
    s = 0.05
    inp = {}
    inp["x"] = jax.random.normal(ks[0], (N, NF), jnp.float32)
    inp["edge_index"] = jax.random.randint(ks[1], (2, E), 0, N)
    inp["edge_attr"] = jax.random.uniform(ks[2], (E,), jnp.float32)
    inp["W1"] = jax.random.normal(ks[3], (NF, NH), jnp.float32) * s
    inp["b1"] = jnp.zeros((NH,), jnp.float32)
    inp["g1"] = jnp.ones((NH,), jnp.float32)
    inp["be1"] = jnp.zeros((NH,), jnp.float32)
    inp["W2"] = jax.random.normal(ks[4], (NH, NH), jnp.float32) * s
    inp["b2"] = jnp.zeros((NH,), jnp.float32)
    inp["g2"] = jnp.ones((NH,), jnp.float32)
    inp["be2"] = jnp.zeros((NH,), jnp.float32)
    inp["Wih1"] = jax.random.normal(ks[5], (4 * NH, 2 * NH), jnp.float32) * s
    inp["Whh1"] = jax.random.normal(ks[6], (4 * NH, NH), jnp.float32) * s
    inp["bih1"] = jnp.zeros((4 * NH,), jnp.float32)
    inp["bhh1"] = jnp.zeros((4 * NH,), jnp.float32)
    inp["Wih2"] = jax.random.normal(ks[7], (4 * NH, NH), jnp.float32) * s
    inp["Whh2"] = jax.random.normal(ks[8], (4 * NH, NH), jnp.float32) * s
    inp["bih2"] = jnp.zeros((4 * NH,), jnp.float32)
    inp["bhh2"] = jnp.zeros((4 * NH,), jnp.float32)
    inp["Wfc1"] = jax.random.normal(ks[9], (2 * NH + NF, NH), jnp.float32) * s
    inp["bfc1"] = jnp.zeros((NH,), jnp.float32)
    inp["Wfc2"] = jax.random.normal(ks[10], (NH, NOUT), jnp.float32) * s
    inp["bfc2"] = jnp.zeros((NOUT,), jnp.float32)
    return inp

def _gcn(x, src, dst, ew, W, b):
    # GCNConv with edge_weight: add self-loops (weight 1), symmetric normalization
    xw = x @ W
    loop = jnp.arange(N)
    s = jnp.concatenate([src, loop])
    d = jnp.concatenate([dst, loop])
    w = jnp.concatenate([ew, jnp.ones((N,), xw.dtype)])
    deg = jnp.zeros((N,), xw.dtype).at[d].add(w)
    dis = jnp.where(deg > 0, 1.0 / jnp.sqrt(deg), 0.0)
    norm = dis[s] * w * dis[d]
    out = jnp.zeros((N, xw.shape[1]), xw.dtype).at[d].add(xw[s] * norm[:, None])
    return out + b

def _bn(x, g, b):
    # BatchNorm1d in training mode (batch statistics)
    m = jnp.mean(x, axis=0)
    v = jnp.var(x, axis=0)
    return (x - m) / jnp.sqrt(v + 1e-5) * g + b

def _lstm1step(x, Wih, Whh, bih, bhh):
    # single-layer LSTM, seq_len=1, zero initial state -> one cell step
    h0 = jnp.zeros((x.shape[0], Whh.shape[1]), x.dtype)
    gates = x @ Wih.T + bih + h0 @ Whh.T + bhh
    i, f, g, o = jnp.split(gates, 4, axis=1)
    i = jax.nn.sigmoid(i)
    f = jax.nn.sigmoid(f)
    g = jnp.tanh(g)
    o = jax.nn.sigmoid(o)
    c = i * g
    h = o * jnp.tanh(c)
    return h

def reference(x, edge_index, edge_attr, W1, b1, g1, be1, W2, b2, g2, be2, Wih1, Whh1, bih1, bhh1, Wih2, Whh2, bih2, bhh2, Wfc1, bfc1, Wfc2, bfc2):
    src = edge_index[0]
    dst = edge_index[1]
    skip = x
    h1 = jax.nn.relu(_gcn(x, src, dst, edge_attr, W1, b1))
    h1 = _bn(h1, g1, be1)
    h2 = jax.nn.relu(_gcn(h1, src, dst, edge_attr, W2, b2))
    h2 = _bn(h2, g2, be2)
    hc = jnp.concatenate([h1, h2], axis=1)
    hn1 = _lstm1step(hc, Wih1, Whh1, bih1, bhh1)
    hn2 = _lstm1step(hn1, Wih2, Whh2, bih2, bhh2)
    z = jnp.concatenate([hn1, hn2], axis=1)
    skip_avg = jnp.mean(skip, axis=0, keepdims=True)
    skip_avg = jnp.broadcast_to(skip_avg, (z.shape[0], skip.shape[1]))
    z = jnp.concatenate([z, skip_avg], axis=1)
    z = jax.nn.relu(z @ Wfc1 + bfc1)
    out = z @ Wfc2 + bfc2
    return jnp.squeeze(out)

if __name__ == "__main__":
    import jax
    _d = setup_inputs()
    print(jax.jit(kernel)(*tuple(_d.values())))

</pallas_src>

<mosaic_0001>
#map = affine_map<(d0, d1) -> (0, 0, 0)>
module attributes {stable_mosaic.version = 14 : i64} {
  func.func @_deg_body(%arg0: i32, %arg1: i32, %arg2: memref<32x126x80xi32, #tpu.memory_space<hbm>>, %arg3: memref<32x126x80xf32, #tpu.memory_space<hbm>>, %arg4: memref<2x10000x16xf32, #tpu.memory_space<hbm>>, %arg5: memref<126x80xf32, #tpu.memory_space<vmem>>, %arg6: memref<126x80xi32, #tpu.memory_space<vmem>>, %arg7: memref<80x16xf32, #tpu.memory_space<vmem>>, %arg8: memref<80x16xf32, #tpu.memory_space<vmem>>, %arg9: memref<208x16xf32, #tpu.memory_space<vmem>>, %arg10: memref<10000x16xf32, #tpu.memory_space<vmem_shared>>, %arg11: memref<!tpu.dma_semaphore, #tpu.memory_space<semaphore_mem>>, %arg12: memref<!tpu.dma_semaphore, #tpu.memory_space<semaphore_mem>>) attributes {dimension_semantics = [#tpu.dimension_semantics<core_parallel>, #tpu.dimension_semantics<subcore_parallel>], iteration_bounds = array<i64: 2, 16>, scalar_prefetch = 0 : i64, scratch_operands = 8 : i64, tpu.core_type = #tpu.core_type<sc_vector_subcore>, window_params = [{transform_indices = #map}, {transform_indices = #map}, {transform_indices = #map}]} {
    %mul3A = arith.constant 16 : i32
    %mul3A_0 = arith.muli %arg0, %mul3A : i32
    %add3A = arith.addi %mul3A_0, %arg1 : i32
    "tpu.region"() ({
      %run_scoped3A = tpu.sem_alloc : memref<!tpu.dma_semaphore, #tpu.memory_space<semaphore_mem>>
      %dma_start3A = arith.constant 0 : i32
      %dma_start3A_40 = arith.constant 0 : i32
      %dma_start3A_41 = tpu.memref_slice %arg3[%add3A, %dma_start3A, %dma_start3A_40] : memref<32x126x80xf32, #tpu.memory_space<hbm>> -> memref<1x126x80xf32, #tpu.memory_space<hbm>>
      %dma_start3A_42 = tpu.memref_squeeze %dma_start3A_41 : memref<1x126x80xf32, #tpu.memory_space<hbm>> -> memref<126x80xf32, #tpu.memory_space<hbm>>
      %dma_start3A_43 = arith.constant 0 : i32
      %dma_start3A_44 = arith.constant 0 : i32
      %dma_start3A_45 = tpu.memref_slice %arg3[%add3A, %dma_start3A_43, %dma_start3A_44] : memref<32x126x80xf32, #tpu.memory_space<hbm>> -> memref<1x126x80xf32, #tpu.memory_space<hbm>>
      %dma_start3A_46 = tpu.memref_squeeze %dma_start3A_45 : memref<1x126x80xf32, #tpu.memory_space<hbm>> -> memref<126x80xf32, #tpu.memory_space<hbm>>
      tpu.enqueue_dma source(%dma_start3A_46 : memref<126x80xf32, #tpu.memory_space<hbm>>) target(%arg5 : memref<126x80xf32, #tpu.memory_space<vmem>>) target_semaphore(%run_scoped3A : memref<!tpu.dma_semaphore, #tpu.memory_space<semaphore_mem>>)
      %dma_wait3A_47 = arith.constant 0 : i32
      %dma_wait3A_48 = arith.constant 0 : i32
      %dma_wait3A_49 = tpu.memref_slice %arg3[%add3A, %dma_wait3A_47, %dma_wait3A_48] : memref<32x126x80xf32, #tpu.memory_space<hbm>> -> memref<1x126x80xf32, #tpu.memory_space<hbm>>
      %dma_wait3A_50 = tpu.memref_squeeze %dma_wait3A_49 : memref<1x126x80xf32, #tpu.memory_space<hbm>> -> memref<126x80xf32, #tpu.memory_space<hbm>>
      %dma_wait3A_51 = arith.constant 0 : i32
      %dma_wait3A_52 = arith.constant 0 : i32
      %dma_wait3A_53 = tpu.memref_slice %arg3[%add3A, %dma_wait3A_51, %dma_wait3A_52] : memref<32x126x80xf32, #tpu.memory_space<hbm>> -> memref<1x126x80xf32, #tpu.memory_space<hbm>>
      %dma_wait3A_54 = tpu.memref_squeeze %dma_wait3A_53 : memref<1x126x80xf32, #tpu.memory_space<hbm>> -> memref<126x80xf32, #tpu.memory_space<hbm>>
      tpu.wait_dma2 semaphore(%run_scoped3A : memref<!tpu.dma_semaphore, #tpu.memory_space<semaphore_mem>>) src(%dma_wait3A_54 : memref<126x80xf32, #tpu.memory_space<hbm>>) dst(%arg5 : memref<126x80xf32, #tpu.memory_space<vmem>>)
      tpu.yield
    }) : () -> ()
    "tpu.region"() ({
      %run_scoped3A = tpu.sem_alloc : memref<!tpu.dma_semaphore, #tpu.memory_space<semaphore_mem>>
      %dma_start3A = arith.constant 0 : i32
      %dma_start3A_40 = arith.constant 0 : i32
      %dma_start3A_41 = tpu.memref_slice %arg2[%add3A, %dma_start3A, %dma_start3A_40] : memref<32x126x80xi32, #tpu.memory_space<hbm>> -> memref<1x126x80xi32, #tpu.memory_space<hbm>>
      %dma_start3A_42 = tpu.memref_squeeze %dma_start3A_41 : memref<1x126x80xi32, #tpu.memory_space<hbm>> -> memref<126x80xi32, #tpu.memory_space<hbm>>
      %dma_start3A_43 = arith.constant 0 : i32
      %dma_start3A_44 = arith.constant 0 : i32
      %dma_start3A_45 = tpu.memref_slice %arg2[%add3A, %dma_start3A_43, %dma_start3A_44] : memref<32x126x80xi32, #tpu.memory_space<hbm>> -> memref<1x126x80xi32, #tpu.memory_space<hbm>>
      %dma_start3A_46 = tpu.memref_squeeze %dma_start3A_45 : memref<1x126x80xi32, #tpu.memory_space<hbm>> -> memref<126x80xi32, #tpu.memory_space<hbm>>
      tpu.enqueue_dma source(%dma_start3A_46 : memref<126x80xi32, #tpu.memory_space<hbm>>) target(%arg6 : memref<126x80xi32, #tpu.memory_space<vmem>>) target_semaphore(%run_scoped3A : memref<!tpu.dma_semaphore, #tpu.memory_space<semaphore_mem>>)
      %dma_wait3A_47 = arith.constant 0 : i32
      %dma_wait3A_48 = arith.constant 0 : i32
      %dma_wait3A_49 = tpu.memref_slice %arg2[%add3A, %dma_wait3A_47, %dma_wait3A_48] : memref<32x126x80xi32, #tpu.memory_space<hbm>> -> memref<1x126x80xi32, #tpu.memory_space<hbm>>
      %dma_wait3A_50 = tpu.memref_squeeze %dma_wait3A_49 : memref<1x126x80xi32, #tpu.memory_space<hbm>> -> memref<126x80xi32, #tpu.memory_space<hbm>>
      %dma_wait3A_51 = arith.constant 0 : i32
      %dma_wait3A_52 = arith.constant 0 : i32
      %dma_wait3A_53 = tpu.memref_slice %arg2[%add3A, %dma_wait3A_51, %dma_wait3A_52] : memref<32x126x80xi32, #tpu.memory_space<hbm>> -> memref<1x126x80xi32, #tpu.memory_space<hbm>>
      %dma_wait3A_54 = tpu.memref_squeeze %dma_wait3A_53 : memref<1x126x80xi32, #tpu.memory_space<hbm>> -> memref<126x80xi32, #tpu.memory_space<hbm>>
      tpu.wait_dma2 semaphore(%run_scoped3A : memref<!tpu.dma_semaphore, #tpu.memory_space<semaphore_mem>>) src(%dma_wait3A_54 : memref<126x80xi32, #tpu.memory_space<hbm>>) dst(%arg6 : memref<126x80xi32, #tpu.memory_space<vmem>>)
      tpu.yield
    }) : () -> ()
    %scan3A = arith.constant 0 : i32
    %scan3A_1 = arith.constant 208 : i32
    %scan3A_2 = arith.addi %scan3A, %scan3A_1 : i32
    %scan3A_3 = arith.constant 1 : i32
    scf.for %scan3A_40 = %scan3A to %scan3A_2 step %scan3A_3  : i32 {
      %mul3A_41 = arith.constant 1 : i32
      %mul3A_42 = arith.muli %scan3A_40, %mul3A_41 : i32
      %add3A_43 = arith.constant 0 : i32
      %add3A_44 = arith.addi %add3A_43, %mul3A_42 : i32
      %broadcast_in_dim3A = arith.constant 0.000000e+00 : f32
      %broadcast_in_dim3A_45 = vector.broadcast %broadcast_in_dim3A : f32 to vector<16xf32>
      %swap3A = arith.index_cast %add3A_44 : i32 to index
      %swap3A_46 = arith.constant 0 : index
      %swap3A_47 = tpu.vector_load %arg9[%swap3A, %swap3A_46] {strides = array<i32>} : memref<208x16xf32, #tpu.memory_space<vmem>>, vector<16xf32>,
      tpu.vector_store %arg9[%swap3A, %swap3A_46], %broadcast_in_dim3A_45 {strides = array<i32>} : memref<208x16xf32, #tpu.memory_space<vmem>>, vector<16xf32>,
    }
    %scan3A_4 = arith.constant 208 : i32
    %scan3A_5 = arith.constant 0 : i32
    %scan3A_6 = arith.constant 3 : i32
    %scan3A_7 = arith.addi %scan3A_5, %scan3A_6 : i32
    %scan3A_8 = arith.constant 1 : i32
    scf.for %scan3A_40 = %scan3A_5 to %scan3A_7 step %scan3A_8  : i32 {
      %mul3A_41 = arith.constant 1 : i32
      %mul3A_42 = arith.muli %scan3A_40, %mul3A_41 : i32
      %add3A_43 = arith.constant 0 : i32
      %add3A_44 = arith.addi %add3A_43, %mul3A_42 : i32
      %mul3A_45 = arith.constant 624 : i32
      %mul3A_46 = arith.muli %arg1, %mul3A_45 : i32
      %mul3A_47 = arith.constant 208 : i32
      %mul3A_48 = arith.muli %add3A_44, %mul3A_47 : i32
      %add3A_49 = arith.addi %mul3A_46, %mul3A_48 : i32
      "tpu.region"() ({
        %run_scoped3A = tpu.sem_alloc : memref<!tpu.dma_semaphore, #tpu.memory_space<semaphore_mem>>
        %dma_start3A = arith.constant 0 : i32
        %dma_start3A_50 = tpu.memref_slice %arg10[%add3A_49, %dma_start3A] : memref<10000x16xf32, #tpu.memory_space<vmem_shared>> -> memref<208x16xf32, #tpu.memory_space<vmem_shared>>
        %dma_start3A_51 = arith.constant 0 : i32
        %dma_start3A_52 = tpu.memref_slice %arg10[%add3A_49, %dma_start3A_51] : memref<10000x16xf32, #tpu.memory_space<vmem_shared>> -> memref<208x16xf32, #tpu.memory_space<vmem_shared>>
        tpu.enqueue_dma source(%arg9 : memref<208x16xf32, #tpu.memory_space<vmem>>) target(%dma_start3A_52 : memref<208x16xf32, #tpu.memory_space<vmem_shared>>) target_semaphore(%run_scoped3A : memref<!tpu.dma_semaphore, #tpu.memory_space<semaphore_mem>>)
        %dma_wait3A_53 = arith.constant 0 : i32
        %dma_wait3A_54 = tpu.memref_slice %arg10[%add3A_49, %dma_wait3A_53] : memref<10000x16xf32, #tpu.memory_space<vmem_shared>> -> memref<208x16xf32, #tpu.memory_space<vmem_shared>>
        %dma_wait3A_55 = arith.constant 0 : i32
        %dma_wait3A_56 = tpu.memref_slice %arg10[%add3A_49, %dma_wait3A_55] : memref<10000x16xf32, #tpu.memory_space<vmem_shared>> -> memref<208x16xf32, #tpu.memory_space<vmem_shared>>
        tpu.wait_dma2 semaphore(%run_scoped3A : memref<!tpu.dma_semaphore, #tpu.memory_space<semaphore_mem>>) src(%arg9 : memref<208x16xf32, #tpu.memory_space<vmem>>) dst(%dma_wait3A_56 : memref<208x16xf32, #tpu.memory_space<vmem_shared>>)
        tpu.yield
      }) : () -> ()
    }
    %scan3A_9 = arith.constant 3 : i32
    %eq3A = arith.constant 0 : i32
    %eq3A_10 = arith.cmpi eq, %arg1, %eq3A : i32
    %convert_element_type3A = arith.extui %eq3A_10 : i1 to i32
    %cond3A = arith.constant 0 : i32
    %cond3A_11 = arith.cmpi ne, %convert_element_type3A, %cond3A : i32
    scf.if %cond3A_11 {
      "tpu.region"() ({
        %run_scoped3A = tpu.sem_alloc : memref<!tpu.dma_semaphore, #tpu.memory_space<semaphore_mem>>
        %dma_start3A = arith.constant 0 : i32
        %dma_start3A_40 = arith.constant 0 : i32
        %dma_start3A_41 = tpu.memref_slice %arg9[%dma_start3A, %dma_start3A_40] : memref<208x16xf32, #tpu.memory_space<vmem>> -> memref<16x16xf32, #tpu.memory_space<vmem>>
        %dma_start3A_42 = arith.constant 9984 : i32
        %dma_start3A_43 = arith.constant 0 : i32
        %dma_start3A_44 = tpu.memref_slice %arg10[%dma_start3A_42, %dma_start3A_43] : memref<10000x16xf32, #tpu.memory_space<vmem_shared>> -> memref<16x16xf32, #tpu.memory_space<vmem_shared>>
        %dma_start3A_45 = arith.constant 9984 : i32
        %dma_start3A_46 = arith.constant 0 : i32
        %dma_start3A_47 = tpu.memref_slice %arg10[%dma_start3A_45, %dma_start3A_46] : memref<10000x16xf32, #tpu.memory_space<vmem_shared>> -> memref<16x16xf32, #tpu.memory_space<vmem_shared>>
        %dma_start3A_48 = arith.constant 0 : i32
        %dma_start3A_49 = arith.constant 0 : i32
        %dma_start3A_50 = tpu.memref_slice %arg9[%dma_start3A_48, %dma_start3A_49] : memref<208x16xf32, #tpu.memory_space<vmem>> -> memref<16x16xf32, #tpu.memory_space<vmem>>
        tpu.enqueue_dma source(%dma_start3A_50 : memref<16x16xf32, #tpu.memory_space<vmem>>) target(%dma_start3A_47 : memref<16x16xf32, #tpu.memory_space<vmem_shared>>) target_semaphore(%run_scoped3A : memref<!tpu.dma_semaphore, #tpu.memory_space<semaphore_mem>>)
        %dma_wait3A_51 = arith.constant 0 : i32
        %dma_wait3A_52 = arith.constant 0 : i32
        %dma_wait3A_53 = tpu.memref_slice %arg9[%dma_wait3A_51, %dma_wait3A_52] : memref<208x16xf32, #tpu.memory_space<vmem>> -> memref<16x16xf32, #tpu.memory_space<vmem>>
        %dma_wait3A_54 = arith.constant 9984 : i32
        %dma_wait3A_55 = arith.constant 0 : i32
        %dma_wait3A_56 = tpu.memref_slice %arg10[%dma_wait3A_54, %dma_wait3A_55] : memref<10000x16xf32, #tpu.memory_space<vmem_shared>> -> memref<16x16xf32, #tpu.memory_space<vmem_shared>>
        %dma_wait3A_57 = arith.constant 9984 : i32
        %dma_wait3A_58 = arith.constant 0 : i32
        %dma_wait3A_59 = tpu.memref_slice %arg10[%dma_wait3A_57, %dma_wait3A_58] : memref<10000x16xf32, #tpu.memory_space<vmem_shared>> -> memref<16x16xf32, #tpu.memory_space<vmem_shared>>
        %dma_wait3A_60 = arith.constant 0 : i32
        %dma_wait3A_61 = arith.constant 0 : i32
        %dma_wait3A_62 = tpu.memref_slice %arg9[%dma_wait3A_60, %dma_wait3A_61] : memref<208x16xf32, #tpu.memory_space<vmem>> -> memref<16x16xf32, #tpu.memory_space<vmem>>
        tpu.wait_dma2 semaphore(%run_scoped3A : memref<!tpu.dma_semaphore, #tpu.memory_space<semaphore_mem>>) src(%dma_wait3A_62 : memref<16x16xf32, #tpu.memory_space<vmem>>) dst(%dma_wait3A_59 : memref<16x16xf32, #tpu.memory_space<vmem_shared>>)
        tpu.yield
      }) : () -> ()
    } else {
    }
    %barrier3A = arith.constant 0 : index
    tpu.barrier barrier_id(%barrier3A)
    %scan3A_12 = arith.constant 0 : i32
    %scan3A_13 = arith.constant 63 : i32
    %scan3A_14 = arith.addi %scan3A_12, %scan3A_13 : i32
    %scan3A_15 = arith.constant 1 : i32
    scf.for %scan3A_40 = %scan3A_12 to %scan3A_14 step %scan3A_15  : i32 {
      %mul3A_41 = arith.constant 2 : i32
      %mul3A_42 = arith.muli %scan3A_40, %mul3A_41 : i32
      %add3A_43 = arith.constant 0 : i32
      %add3A_44 = arith.addi %add3A_43, %mul3A_42 : i32
      %add3A_45 = arith.constant 0 : i32
      %add3A_46 = arith.addi %add3A_44, %add3A_45 : i32
      %ge3A = arith.constant 2 : i32
      %ge3A_47 = arith.cmpi sge, %add3A_46, %ge3A : i32
      %convert_element_type3A_48 = arith.extui %ge3A_47 : i1 to i32
      %cond3A_49 = arith.constant 0 : i32
      %cond3A_50 = arith.cmpi ne, %convert_element_type3A_48, %cond3A_49 : i32
      scf.if %cond3A_50 {
        %sub3A = arith.constant 2 : i32
        %sub3A_79 = arith.subi %add3A_46, %sub3A : i32
        %dma_wait3A_80 = arith.constant 0 : i32
        %dma_wait3A_81 = tpu.memref_slice %arg6[%sub3A_79, %dma_wait3A_80] : memref<126x80xi32, #tpu.memory_space<vmem>> -> memref<1x80xi32, #tpu.memory_space<vmem>>
        %dma_wait3A_82 = tpu.memref_squeeze %dma_wait3A_81 : memref<1x80xi32, #tpu.memory_space<vmem>> -> memref<80xi32, #tpu.memory_space<vmem>>
        %dma_wait3A_83 = arith.constant 0 : i32
        %dma_wait3A_84 = arith.constant 0 : i32
        %dma_wait3A_85 = tpu.memref_slice %arg10[%dma_wait3A_83, %dma_wait3A_84] : memref<10000x16xf32, #tpu.memory_space<vmem_shared>> -> memref<10000x16xf32, #tpu.memory_space<vmem_shared>>
        tpu.wait_indirect_dma semaphore(%arg11 : memref<!tpu.dma_semaphore, #tpu.memory_space<semaphore_mem>>) src(%arg7 : memref<80x16xf32, #tpu.memory_space<vmem>>) dst(%dma_wait3A_85 : memref<10000x16xf32, #tpu.memory_space<vmem_shared>>)
      } else {
      }
      %scan3A_51 = arith.constant 0 : i32
      %scan3A_52 = arith.constant 5 : i32
      %scan3A_53 = arith.addi %scan3A_51, %scan3A_52 : i32
      %scan3A_54 = arith.constant 1 : i32
      scf.for %scan3A_79 = %scan3A_51 to %scan3A_53 step %scan3A_54  : i32 {
        %mul3A_80 = arith.constant 1 : i32
        %mul3A_81 = arith.muli %scan3A_79, %mul3A_80 : i32
        %add3A_82 = arith.constant 0 : i32
        %add3A_83 = arith.addi %add3A_82, %mul3A_81 : i32
        %mul3A_84 = arith.constant 16 : i32
        %mul3A_85 = arith.muli %add3A_83, %mul3A_84 : i32
        %get3A = arith.index_cast %add3A_46 : i32 to index
        %get3A_86 = arith.index_cast %mul3A_85 : i32 to index
        %get3A_87 = tpu.vector_load %arg5[%get3A, %get3A_86] {strides = array<i32>} : memref<126x80xf32, #tpu.memory_space<vmem>>, vector<16xf32>,
        %broadcast_in_dim3A = arith.constant 0 : i32
        %broadcast_in_dim3A_88 = vector.broadcast %broadcast_in_dim3A : i32 to vector<16x1xi32>
        %gather3A = vector.shape_cast %broadcast_in_dim3A_88 : vector<16x1xi32> to vector<16xi32>
        %gather3A_89 = tpu.dynamic_gather %get3A_87[%gather3A] in [0] : vector<16xf32>, vector<16xi32> -> vector<16xf32>
        %mul3A_90 = arith.constant 16 : i32
        %mul3A_91 = arith.muli %add3A_83, %mul3A_90 : i32
        %add3A_92 = arith.constant 0 : i32
        %add3A_93 = arith.addi %mul3A_91, %add3A_92 : i32
        %swap3A = arith.index_cast %add3A_93 : i32 to index
        %swap3A_94 = arith.constant 0 : index
        %swap3A_95 = tpu.vector_load %arg7[%swap3A, %swap3A_94] {strides = array<i32>} : memref<80x16xf32, #tpu.memory_space<vmem>>, vector<16xf32>,
        tpu.vector_store %arg7[%swap3A, %swap3A_94], %gather3A_89 {strides = array<i32>} : memref<80x16xf32, #tpu.memory_space<vmem>>, vector<16xf32>,
        %broadcast_in_dim3A_96 = arith.constant 1 : i32
        %broadcast_in_dim3A_97 = vector.broadcast %broadcast_in_dim3A_96 : i32 to vector<16x1xi32>
        %gather3A_98 = vector.shape_cast %broadcast_in_dim3A_97 : vector<16x1xi32> to vector<16xi32>
        %gather3A_99 = tpu.dynamic_gather %get3A_87[%gather3A_98] in [0] : vector<16xf32>, vector<16xi32> -> vector<16xf32>
        %mul3A_100 = arith.constant 16 : i32
        %mul3A_101 = arith.muli %add3A_83, %mul3A_100 : i32
        %add3A_102 = arith.constant 1 : i32
        %add3A_103 = arith.addi %mul3A_101, %add3A_102 : i32
        %swap3A_104 = arith.index_cast %add3A_103 : i32 to index
        %swap3A_105 = arith.constant 0 : index
        %swap3A_106 = tpu.vector_load %arg7[%swap3A_104, %swap3A_105] {strides = array<i32>} : memref<80x16xf32, #tpu.memory_space<vmem>>, vector<16xf32>,
        tpu.vector_store %arg7[%swap3A_104, %swap3A_105], %gather3A_99 {strides = array<i32>} : memref<80x16xf32, #tpu.memory_space<vmem>>, vector<16xf32>,
        %broadcast_in_dim3A_107 = arith.constant 2 : i32
        %broadcast_in_dim3A_108 = vector.broadcast %broadcast_in_dim3A_107 : i32 to vector<16x1xi32>
        %gather3A_109 = vector.shape_cast %broadcast_in_dim3A_108 : vector<16x1xi32> to vector<16xi32>
        %gather3A_110 = tpu.dynamic_gather %get3A_87[%gather3A_109] in [0] : vector<16xf32>, vector<16xi32> -> vector<16xf32>
        %mul3A_111 = arith.constant 16 : i32
        %mul3A_112 = arith.muli %add3A_83, %mul3A_111 : i32
        %add3A_113 = arith.constant 2 : i32
        %add3A_114 = arith.addi %mul3A_112, %add3A_113 : i32
        %swap3A_115 = arith.index_cast %add3A_114 : i32 to index
        %swap3A_116 = arith.constant 0 : index
        %swap3A_117 = tpu.vector_load %arg7[%swap3A_115, %swap3A_116] {strides = array<i32>} : memref<80x16xf32, #tpu.memory_space<vmem>>, vector<16xf32>,
        tpu.vector_store %arg7[%swap3A_115, %swap3A_116], %gather3A_110 {strides = array<i32>} : memref<80x16xf32, #tpu.memory_space<vmem>>, vector<16xf32>,
        %broadcast_in_dim3A_118 = arith.constant 3 : i32
        %broadcast_in_dim3A_119 = vector.broadcast %broadcast_in_dim3A_118 : i32 to vector<16x1xi32>
        %gather3A_120 = vector.shape_cast %broadcast_in_dim3A_119 : vector<16x1xi32> to vector<16xi32>
        %gather3A_121 = tpu.dynamic_gather %get3A_87[%gather3A_120] in [0] : vector<16xf32>, vector<16xi32> -> vector<16xf32>
        %mul3A_122 = arith.constant 16 : i32
        %mul3A_123 = arith.muli %add3A_83, %mul3A_122 : i32
        %add3A_124 = arith.constant 3 : i32
        %add3A_125 = arith.addi %mul3A_123, %add3A_124 : i32
        %swap3A_126 = arith.index_cast %add3A_125 : i32 to index
        %swap3A_127 = arith.constant 0 : index
        %swap3A_128 = tpu.vector_load %arg7[%swap3A_126, %swap3A_127] {strides = array<i32>} : memref<80x16xf32, #tpu.memory_space<vmem>>, vector<16xf32>,
        tpu.vector_store %arg7[%swap3A_126, %swap3A_127], %gather3A_121 {strides = array<i32>} : memref<80x16xf32, #tpu.memory_space<vmem>>, vector<16xf32>,
        %broadcast_in_dim3A_129 = arith.constant 4 : i32
        %broadcast_in_dim3A_130 = vector.broadcast %broadcast_in_dim3A_129 : i32 to vector<16x1xi32>
        %gather3A_131 = vector.shape_cast %broadcast_in_dim3A_130 : vector<16x1xi32> to vector<16xi32>
        %gather3A_132 = tpu.dynamic_gather %get3A_87[%gather3A_131] in [0] : vector<16xf32>, vector<16xi32> -> vector<16xf32>
        %mul3A_133 = arith.constant 16 : i32
        %mul3A_134 = arith.muli %add3A_83, %mul3A_133 : i32
        %add3A_135 = arith.constant 4 : i32
        %add3A_136 = arith.addi %mul3A_134, %add3A_135 : i32
        %swap3A_137 = arith.index_cast %add3A_136 : i32 to index
        %swap3A_138 = arith.constant 0 : index
        %swap3A_139 = tpu.vector_load %arg7[%swap3A_137, %swap3A_138] {strides = array<i32>} : memref<80x16xf32, #tpu.memory_space<vmem>>, vector<16xf32>,
        tpu.vector_store %arg7[%swap3A_137, %swap3A_138], %gather3A_132 {strides = array<i32>} : memref<80x16xf32, #tpu.memory_space<vmem>>, vector<16xf32>,
        %broadcast_in_dim3A_140 = arith.constant 5 : i32
        %broadcast_in_dim3A_141 = vector.broadcast %broadcast_in_dim3A_140 : i32 to vector<16x1xi32>
        %gather3A_142 = vector.shape_cast %broadcast_in_dim3A_141 : vector<16x1xi32> to vector<16xi32>
        %gather3A_143 = tpu.dynamic_gather %get3A_87[%gather3A_142] in [0] : vector<16xf32>, vector<16xi32> -> vector<16xf32>
        %mul3A_144 = arith.constant 16 : i32
        %mul3A_145 = arith.muli %add3A_83, %mul3A_144 : i32
        %add3A_146 = arith.constant 5 : i32
        %add3A_147 = arith.addi %mul3A_145, %add3A_146 : i32
        %swap3A_148 = arith.index_cast %add3A_147 : i32 to index
        %swap3A_149 = arith.constant 0 : index
        %swap3A_150 = tpu.vector_load %arg7[%swap3A_148, %swap3A_149] {strides = array<i32>} : memref<80x16xf32, #tpu.memory_space<vmem>>, vector<16xf32>,
        tpu.vector_store %arg7[%swap3A_148, %swap3A_149], %gather3A_143 {strides = array<i32>} : memref<80x16xf32, #tpu.memory_space<vmem>>, vector<16xf32>,
        %broadcast_in_dim3A_151 = arith.constant 6 : i32
        %broadcast_in_dim3A_152 = vector.broadcast %broadcast_in_dim3A_151 : i32 to vector<16x1xi32>
        %gather3A_153 = vector.shape_cast %broadcast_in_dim3A_152 : vector<16x1xi32> to vector<16xi32>
        %gather3A_154 = tpu.dynamic_gather %get3A_87[%gather3A_153] in [0] : vector<16xf32>, vector<16xi32> -> vector<16xf32>
        %mul3A_155 = arith.constant 16 : i32
        %mul3A_156 = arith.muli %add3A_83, %mul3A_155 : i32
        %add3A_157 = arith.constant 6 : i32
        %add3A_158 = arith.addi %mul3A_156, %add3A_157 : i32
        %swap3A_159 = arith.index_cast %add3A_158 : i32 to index
        %swap3A_160 = arith.constant 0 : index
        %swap3A_161 = tpu.vector_load %arg7[%swap3A_159, %swap3A_160] {strides = array<i32>} : memref<80x16xf32, #tpu.memory_space<vmem>>, vector<16xf32>,
        tpu.vector_store %arg7[%swap3A_159, %swap3A_160], %gather3A_154 {strides = array<i32>} : memref<80x16xf32, #tpu.memory_space<vmem>>, vector<16xf32>,
        %broadcast_in_dim3A_162 = arith.constant 7 : i32
        %broadcast_in_dim3A_163 = vector.broadcast %broadcast_in_dim3A_162 : i32 to vector<16x1xi32>
        %gather3A_164 = vector.shape_cast %broadcast_in_dim3A_163 : vector<16x1xi32> to vector<16xi32>
        %gather3A_165 = tpu.dynamic_gather %get3A_87[%gather3A_164] in [0] : vector<16xf32>, vector<16xi32> -> vector<16xf32>
        %mul3A_166 = arith.constant 16 : i32
        %mul3A_167 = arith.muli %add3A_83, %mul3A_166 : i32
        %add3A_168 = arith.constant 7 : i32
        %add3A_169 = arith.addi %mul3A_167, %add3A_168 : i32
        %swap3A_170 = arith.index_cast %add3A_169 : i32 to index
        %swap3A_171 = arith.constant 0 : index
        %swap3A_172 = tpu.vector_load %arg7[%swap3A_170, %swap3A_171] {strides = array<i32>} : memref<80x16xf32, #tpu.memory_space<vmem>>, vector<16xf32>,
        tpu.vector_store %arg7[%swap3A_170, %swap3A_171], %gather3A_165 {strides = array<i32>} : memref<80x16xf32, #tpu.memory_space<vmem>>, vector<16xf32>,
        %broadcast_in_dim3A_173 = arith.constant 8 : i32
        %broadcast_in_dim3A_174 = vector.broadcast %broadcast_in_dim3A_173 : i32 to vector<16x1xi32>
        %gather3A_175 = vector.shape_cast %broadcast_in_dim3A_174 : vector<16x1xi32> to vector<16xi32>
        %gather3A_176 = tpu.dynamic_gather %get3A_87[%gather3A_175] in [0] : vector<16xf32>, vector<16xi32> -> vector<16xf32>
        %mul3A_177 = arith.constant 16 : i32
        %mul3A_178 = arith.muli %add3A_83, %mul3A_177 : i32
        %add3A_179 = arith.constant 8 : i32
        %add3A_180 = arith.addi %mul3A_178, %add3A_179 : i32
        %swap3A_181 = arith.index_cast %add3A_180 : i32 to index
        %swap3A_182 = arith.constant 0 : index
        %swap3A_183 = tpu.vector_load %arg7[%swap3A_181, %swap3A_182] {strides = array<i32>} : memref<80x16xf32, #tpu.memory_space<vmem>>, vector<16xf32>,
        tpu.vector_store %arg7[%swap3A_181, %swap3A_182], %gather3A_176 {strides = array<i32>} : memref<80x16xf32, #tpu.memory_space<vmem>>, vector<16xf32>,
        %broadcast_in_dim3A_184 = arith.constant 9 : i32
        %broadcast_in_dim3A_185 = vector.broadcast %broadcast_in_dim3A_184 : i32 to vector<16x1xi32>
        %gather3A_186 = vector.shape_cast %broadcast_in_dim3A_185 : vector<16x1xi32> to vector<16xi32>
        %gather3A_187 = tpu.dynamic_gather %get3A_87[%gather3A_186] in [0] : vector<16xf32>, vector<16xi32> -> vector<16xf32>
        %mul3A_188 = arith.constant 16 : i32
        %mul3A_189 = arith.muli %add3A_83, %mul3A_188 : i32
        %add3A_190 = arith.constant 9 : i32
        %add3A_191 = arith.addi %mul3A_189, %add3A_190 : i32
        %swap3A_192 = arith.index_cast %add3A_191 : i32 to index
        %swap3A_193 = arith.constant 0 : index
        %swap3A_194 = tpu.vector_load %arg7[%swap3A_192, %swap3A_193] {strides = array<i32>} : memref<80x16xf32, #tpu.memory_space<vmem>>, vector<16xf32>,
        tpu.vector_store %arg7[%swap3A_192, %swap3A_193], %gather3A_187 {strides = array<i32>} : memref<80x16xf32, #tpu.memory_space<vmem>>, vector<16xf32>,
        %broadcast_in_dim3A_195 = arith.constant 10 : i32
        %broadcast_in_dim3A_196 = vector.broadcast %broadcast_in_dim3A_195 : i32 to vector<16x1xi32>
        %gather3A_197 = vector.shape_cast %broadcast_in_dim3A_196 : vector<16x1xi32> to vector<16xi32>
        %gather3A_198 = tpu.dynamic_gather %get3A_87[%gather3A_197] in [0] : vector<16xf32>, vector<16xi32> -> vector<16xf32>
        %mul3A_199 = arith.constant 16 : i32
        %mul3A_200 = arith.muli %add3A_83, %mul3A_199 : i32
        %add3A_201 = arith.constant 10 : i32
        %add3A_202 = arith.addi %mul3A_200, %add3A_201 : i32
        %swap3A_203 = arith.index_cast %add3A_202 : i32 to index
        %swap3A_204 = arith.constant 0 : index
        %swap3A_205 = tpu.vector_load %arg7[%swap3A_203, %swap3A_204] {strides = array<i32>} : memref<80x16xf32, #tpu.memory_space<vmem>>, vector<16xf32>,
        tpu.vector_store %arg7[%swap3A_203, %swap3A_204], %gather3A_198 {strides = array<i32>} : memref<80x16xf32, #tpu.memory_space<vmem>>, vector<16xf32>,
        %broadcast_in_dim3A_206 = arith.constant 11 : i32
        %broadcast_in_dim3A_207 = vector.broadcast %broadcast_in_dim3A_206 : i32 to vector<16x1xi32>
        %gather3A_208 = vector.shape_cast %broadcast_in_dim3A_207 : vector<16x1xi32> to vector<16xi32>
        %gather3A_209 = tpu.dynamic_gather %get3A_87[%gather3A_208] in [0] : vector<16xf32>, vector<16xi32> -> vector<16xf32>
        %mul3A_210 = arith.constant 16 : i32
        %mul3A_211 = arith.muli %add3A_83, %mul3A_210 : i32
        %add3A_212 = arith.constant 11 : i32
        %add3A_213 = arith.addi %mul3A_211, %add3A_212 : i32
        %swap3A_214 = arith.index_cast %add3A_213 : i32 to index
        %swap3A_215 = arith.constant 0 : index
        %swap3A_216 = tpu.vector_load %arg7[%swap3A_214, %swap3A_215] {strides = array<i32>} : memref<80x16xf32, #tpu.memory_space<vmem>>, vector<16xf32>,
        tpu.vector_store %arg7[%swap3A_214, %swap3A_215], %gather3A_209 {strides = array<i32>} : memref<80x16xf32, #tpu.memory_space<vmem>>, vector<16xf32>,
        %broadcast_in_dim3A_217 = arith.constant 12 : i32
        %broadcast_in_dim3A_218 = vector.broadcast %broadcast_in_dim3A_217 : i32 to vector<16x1xi32>
        %gather3A_219 = vector.shape_cast %broadcast_in_dim3A_218 : vector<16x1xi32> to vector<16xi32>
        %gather3A_220 = tpu.dynamic_gather %get3A_87[%gather3A_219] in [0] : vector<16xf32>, vector<16xi32> -> vector<16xf32>
        %mul3A_221 = arith.constant 16 : i32
        %mul3A_222 = arith.muli %add3A_83, %mul3A_221 : i32
        %add3A_223 = arith.constant 12 : i32
        %add3A_224 = arith.addi %mul3A_222, %add3A_223 : i32
        %swap3A_225 = arith.index_cast %add3A_224 : i32 to index
        %swap3A_226 = arith.constant 0 : index
        %swap3A_227 = tpu.vector_load %arg7[%swap3A_225, %swap3A_226] {strides = array<i32>} : memref<80x16xf32, #tpu.memory_space<vmem>>, vector<16xf32>,
        tpu.vector_store %arg7[%swap3A_225, %swap3A_226], %gather3A_220 {strides = array<i32>} : memref<80x16xf32, #tpu.memory_space<vmem>>, vector<16xf32>,
        %broadcast_in_dim3A_228 = arith.constant 13 : i32
        %broadcast_in_dim3A_229 = vector.broadcast %broadcast_in_dim3A_228 : i32 to vector<16x1xi32>
        %gather3A_230 = vector.shape_cast %broadcast_in_dim3A_229 : vector<16x1xi32> to vector<16xi32>
        %gather3A_231 = tpu.dynamic_gather %get3A_87[%gather3A_230] in [0] : vector<16xf32>, vector<16xi32> -> vector<16xf32>
        %mul3A_232 = arith.constant 16 : i32
        %mul3A_233 = arith.muli %add3A_83, %mul3A_232 : i32
        %add3A_234 = arith.constant 13 : i32
        %add3A_235 = arith.addi %mul3A_233, %add3A_234 : i32
        %swap3A_236 = arith.index_cast %add3A_235 : i32 to index
        %swap3A_237 = arith.constant 0 : index
        %swap3A_238 = tpu.vector_load %arg7[%swap3A_236, %swap3A_237] {strides = array<i32>} : memref<80x16xf32, #tpu.memory_space<vmem>>, vector<16xf32>,
        tpu.vector_store %arg7[%swap3A_236, %swap3A_237], %gather3A_231 {strides = array<i32>} : memref<80x16xf32, #tpu.memory_space<vmem>>, vector<16xf32>,
        %broadcast_in_dim3A_239 = arith.constant 14 : i32
        %broadcast_in_dim3A_240 = vector.broadcast %broadcast_in_dim3A_239 : i32 to vector<16x1xi32>
        %gather3A_241 = vector.shape_cast %broadcast_in_dim3A_240 : vector<16x1xi32> to vector<16xi32>
        %gather3A_242 = tpu.dynamic_gather %get3A_87[%gather3A_241] in [0] : vector<16xf32>, vector<16xi32> -> vector<16xf32>
        %mul3A_243 = arith.constant 16 : i32
        %mul3A_244 = arith.muli %add3A_83, %mul3A_243 : i32
        %add3A_245 = arith.constant 14 : i32
        %add3A_246 = arith.addi %mul3A_244, %add3A_245 : i32
        %swap3A_247 = arith.index_cast %add3A_246 : i32 to index
        %swap3A_248 = arith.constant 0 : index
        %swap3A_249 = tpu.vector_load %arg7[%swap3A_247, %swap3A_248] {strides = array<i32>} : memref<80x16xf32, #tpu.memory_space<vmem>>, vector<16xf32>,
        tpu.vector_store %arg7[%swap3A_247, %swap3A_248], %gather3A_242 {strides = array<i32>} : memref<80x16xf32, #tpu.memory_space<vmem>>, vector<16xf32>,
        %broadcast_in_dim3A_250 = arith.constant 15 : i32
        %broadcast_in_dim3A_251 = vector.broadcast %broadcast_in_dim3A_250 : i32 to vector<16x1xi32>
        %gather3A_252 = vector.shape_cast %broadcast_in_dim3A_251 : vector<16x1xi32> to vector<16xi32>
        %gather3A_253 = tpu.dynamic_gather %get3A_87[%gather3A_252] in [0] : vector<16xf32>, vector<16xi32> -> vector<16xf32>
        %mul3A_254 = arith.constant 16 : i32
        %mul3A_255 = arith.muli %add3A_83, %mul3A_254 : i32
        %add3A_256 = arith.constant 15 : i32
        %add3A_257 = arith.addi %mul3A_255, %add3A_256 : i32
        %swap3A_258 = arith.index_cast %add3A_257 : i32 to index
        %swap3A_259 = arith.constant 0 : index
        %swap3A_260 = tpu.vector_load %arg7[%swap3A_258, %swap3A_259] {strides = array<i32>} : memref<80x16xf32, #tpu.memory_space<vmem>>, vector<16xf32>,
        tpu.vector_store %arg7[%swap3A_258, %swap3A_259], %gather3A_253 {strides = array<i32>} : memref<80x16xf32, #tpu.memory_space<vmem>>, vector<16xf32>,
      }
      %scan3A_55 = arith.constant 5 : i32
      %dma_start3A = arith.constant 0 : i32
      %dma_start3A_56 = tpu.memref_slice %arg6[%add3A_46, %dma_start3A] : memref<126x80xi32, #tpu.memory_space<vmem>> -> memref<1x80xi32, #tpu.memory_space<vmem>>
      %dma_start3A_57 = tpu.memref_squeeze %dma_start3A_56 : memref<1x80xi32, #tpu.memory_space<vmem>> -> memref<80xi32, #tpu.memory_space<vmem>>
      %dma_start3A_58 = arith.constant 0 : i32
      %dma_start3A_59 = arith.constant 0 : i32
      %dma_start3A_60 = tpu.memref_slice %arg10[%dma_start3A_58, %dma_start3A_59] : memref<10000x16xf32, #tpu.memory_space<vmem_shared>> -> memref<10000x16xf32, #tpu.memory_space<vmem_shared>>
      tpu.enqueue_indirect_dma source(%arg7 : memref<80x16xf32, #tpu.memory_space<vmem>>) target(%dma_start3A_60 : memref<10000x16xf32, #tpu.memory_space<vmem_shared>>) offsets(%dma_start3A_57 : memref<80xi32, #tpu.memory_space<vmem>>) semaphore(%arg11 : memref<!tpu.dma_semaphore, #tpu.memory_space<semaphore_mem>>) {add = true}
      %add3A_61 = arith.constant 1 : i32
      %add3A_62 = arith.addi %add3A_44, %add3A_61 : i32
      %ge3A_63 = arith.constant 2 : i32
      %ge3A_64 = arith.cmpi sge, %add3A_62, %ge3A_63 : i32
      %convert_element_type3A_65 = arith.extui %ge3A_64 : i1 to i32
      %cond3A_66 = arith.constant 0 : i32
      %cond3A_67 = arith.cmpi ne, %convert_element_type3A_65, %cond3A_66 : i32
      scf.if %cond3A_67 {
        %sub3A = arith.constant 2 : i32
        %sub3A_79 = arith.subi %add3A_62, %sub3A : i32
        %dma_wait3A_80 = arith.constant 0 : i32
        %dma_wait3A_81 = tpu.memref_slice %arg6[%sub3A_79, %dma_wait3A_80] : memref<126x80xi32, #tpu.memory_space<vmem>> -> memref<1x80xi32, #tpu.memory_space<vmem>>
        %dma_wait3A_82 = tpu.memref_squeeze %dma_wait3A_81 : memref<1x80xi32, #tpu.memory_space<vmem>> -> memref<80xi32, #tpu.memory_space<vmem>>
        %dma_wait3A_83 = arith.constant 0 : i32
        %dma_wait3A_84 = arith.constant 0 : i32
        %dma_wait3A_85 = tpu.memref_slice %arg10[%dma_wait3A_83, %dma_wait3A_84] : memref<10000x16xf32, #tpu.memory_space<vmem_shared>> -> memref<10000x16xf32, #tpu.memory_space<vmem_shared>>
        tpu.wait_indirect_dma semaphore(%arg12 : memref<!tpu.dma_semaphore, #tpu.memory_space<semaphore_mem>>) src(%arg8 : memref<80x16xf32, #tpu.memory_space<vmem>>) dst(%dma_wait3A_85 : memref<10000x16xf32, #tpu.memory_space<vmem_shared>>)
      } else {
      }
      %scan3A_68 = arith.constant 0 : i32
      %scan3A_69 = arith.constant 5 : i32
      %scan3A_70 = arith.addi %scan3A_68, %scan3A_69 : i32
      %scan3A_71 = arith.constant 1 : i32
      scf.for %scan3A_79 = %scan3A_68 to %scan3A_70 step %scan3A_71  : i32 {
        %mul3A_80 = arith.constant 1 : i32
        %mul3A_81 = arith.muli %scan3A_79, %mul3A_80 : i32
        %add3A_82 = arith.constant 0 : i32
        %add3A_83 = arith.addi %add3A_82, %mul3A_81 : i32
        %mul3A_84 = arith.constant 16 : i32
        %mul3A_85 = arith.muli %add3A_83, %mul3A_84 : i32
        %get3A = arith.index_cast %add3A_62 : i32 to index
        %get3A_86 = arith.index_cast %mul3A_85 : i32 to index
        %get3A_87 = tpu.vector_load %arg5[%get3A, %get3A_86] {strides = array<i32>} : memref<126x80xf32, #tpu.memory_space<vmem>>, vector<16xf32>,
        %broadcast_in_dim3A = arith.constant 0 : i32
        %broadcast_in_dim3A_88 = vector.broadcast %broadcast_in_dim3A : i32 to vector<16x1xi32>
        %gather3A = vector.shape_cast %broadcast_in_dim3A_88 : vector<16x1xi32> to vector<16xi32>
        %gather3A_89 = tpu.dynamic_gather %get3A_87[%gather3A] in [0] : vector<16xf32>, vector<16xi32> -> vector<16xf32>
        %mul3A_90 = arith.constant 16 : i32
        %mul3A_91 = arith.muli %add3A_83, %mul3A_90 : i32
        %add3A_92 = arith.constant 0 : i32
        %add3A_93 = arith.addi %mul3A_91, %add3A_92 : i32
        %swap3A = arith.index_cast %add3A_93 : i32 to index
        %swap3A_94 = arith.constant 0 : index
        %swap3A_95 = tpu.vector_load %arg8[%swap3A, %swap3A_94] {strides = array<i32>} : memref<80x16xf32, #tpu.memory_space<vmem>>, vector<16xf32>,
        tpu.vector_store %arg8[%swap3A, %swap3A_94], %gather3A_89 {strides = array<i32>} : memref<80x16xf32, #tpu.memory_space<vmem>>, vector<16xf32>,
        %broadcast_in_dim3A_96 = arith.constant 1 : i32
        %broadcast_in_dim3A_97 = vector.broadcast %broadcast_in_dim3A_96 : i32 to vector<16x1xi32>
        %gather3A_98 = vector.shape_cast %broadcast_in_dim3A_97 : vector<16x1xi32> to vector<16xi32>
        %gather3A_99 = tpu.dynamic_gather %get3A_87[%gather3A_98] in [0] : vector<16xf32>, vector<16xi32> -> vector<16xf32>
        %mul3A_100 = arith.constant 16 : i32
        %mul3A_101 = arith.muli %add3A_83, %mul3A_100 : i32
        %add3A_102 = arith.constant 1 : i32
        %add3A_103 = arith.addi %mul3A_101, %add3A_102 : i32
        %swap3A_104 = arith.index_cast %add3A_103 : i32 to index
        %swap3A_105 = arith.constant 0 : index
        %swap3A_106 = tpu.vector_load %arg8[%swap3A_104, %swap3A_105] {strides = array<i32>} : memref<80x16xf32, #tpu.memory_space<vmem>>, vector<16xf32>,
        tpu.vector_store %arg8[%swap3A_104, %swap3A_105], %gather3A_99 {strides = array<i32>} : memref<80x16xf32, #tpu.memory_space<vmem>>, vector<16xf32>,
        %broadcast_in_dim3A_107 = arith.constant 2 : i32
        %broadcast_in_dim3A_108 = vector.broadcast %broadcast_in_dim3A_107 : i32 to vector<16x1xi32>
        %gather3A_109 = vector.shape_cast %broadcast_in_dim3A_108 : vector<16x1xi32> to vector<16xi32>
        %gather3A_110 = tpu.dynamic_gather %get3A_87[%gather3A_109] in [0] : vector<16xf32>, vector<16xi32> -> vector<16xf32>
        %mul3A_111 = arith.constant 16 : i32
        %mul3A_112 = arith.muli %add3A_83, %mul3A_111 : i32
        %add3A_113 = arith.constant 2 : i32
        %add3A_114 = arith.addi %mul3A_112, %add3A_113 : i32
        %swap3A_115 = arith.index_cast %add3A_114 : i32 to index
        %swap3A_116 = arith.constant 0 : index
        %swap3A_117 = tpu.vector_load %arg8[%swap3A_115, %swap3A_116] {strides = array<i32>} : memref<80x16xf32, #tpu.memory_space<vmem>>, vector<16xf32>,
        tpu.vector_store %arg8[%swap3A_115, %swap3A_116], %gather3A_110 {strides = array<i32>} : memref<80x16xf32, #tpu.memory_space<vmem>>, vector<16xf32>,
        %broadcast_in_dim3A_118 = arith.constant 3 : i32
        %broadcast_in_dim3A_119 = vector.broadcast %broadcast_in_dim3A_118 : i32 to vector<16x1xi32>
        %gather3A_120 = vector.shape_cast %broadcast_in_dim3A_119 : vector<16x1xi32> to vector<16xi32>
        %gather3A_121 = tpu.dynamic_gather %get3A_87[%gather3A_120] in [0] : vector<16xf32>, vector<16xi32> -> vector<16xf32>
        %mul3A_122 = arith.constant 16 : i32
        %mul3A_123 = arith.muli %add3A_83, %mul3A_122 : i32
        %add3A_124 = arith.constant 3 : i32
        %add3A_125 = arith.addi %mul3A_123, %add3A_124 : i32
        %swap3A_126 = arith.index_cast %add3A_125 : i32 to index
        %swap3A_127 = arith.constant 0 : index
        %swap3A_128 = tpu.vector_load %arg8[%swap3A_126, %swap3A_127] {strides = array<i32>} : memref<80x16xf32, #tpu.memory_space<vmem>>, vector<16xf32>,
        tpu.vector_store %arg8[%swap3A_126, %swap3A_127], %gather3A_121 {strides = array<i32>} : memref<80x16xf32, #tpu.memory_space<vmem>>, vector<16xf32>,
        %broadcast_in_dim3A_129 = arith.constant 4 : i32
        %broadcast_in_dim3A_130 = vector.broadcast %broadcast_in_dim3A_129 : i32 to vector<16x1xi32>
        %gather3A_131 = vector.shape_cast %broadcast_in_dim3A_130 : vector<16x1xi32> to vector<16xi32>
        %gather3A_132 = tpu.dynamic_gather %get3A_87[%gather3A_131] in [0] : vector<16xf32>, vector<16xi32> -> vector<16xf32>
        %mul3A_133 = arith.constant 16 : i32
        %mul3A_134 = arith.muli %add3A_83, %mul3A_133 : i32
        %add3A_135 = arith.constant 4 : i32
        %add3A_136 = arith.addi %mul3A_134, %add3A_135 : i32
        %swap3A_137 = arith.index_cast %add3A_136 : i32 to index
        %swap3A_138 = arith.constant 0 : index
        %swap3A_139 = tpu.vector_load %arg8[%swap3A_137, %swap3A_138] {strides = array<i32>} : memref<80x16xf32, #tpu.memory_space<vmem>>, vector<16xf32>,
        tpu.vector_store %arg8[%swap3A_137, %swap3A_138], %gather3A_132 {strides = array<i32>} : memref<80x16xf32, #tpu.memory_space<vmem>>, vector<16xf32>,
        %broadcast_in_dim3A_140 = arith.constant 5 : i32
        %broadcast_in_dim3A_141 = vector.broadcast %broadcast_in_dim3A_140 : i32 to vector<16x1xi32>
        %gather3A_142 = vector.shape_cast %broadcast_in_dim3A_141 : vector<16x1xi32> to vector<16xi32>
        %gather3A_143 = tpu.dynamic_gather %get3A_87[%gather3A_142] in [0] : vector<16xf32>, vector<16xi32> -> vector<16xf32>
        %mul3A_144 = arith.constant 16 : i32
        %mul3A_145 = arith.muli %add3A_83, %mul3A_144 : i32
        %add3A_146 = arith.constant 5 : i32
        %add3A_147 = arith.addi %mul3A_145, %add3A_146 : i32
        %swap3A_148 = arith.index_cast %add3A_147 : i32 to index
        %swap3A_149 = arith.constant 0 : index
        %swap3A_150 = tpu.vector_load %arg8[%swap3A_148, %swap3A_149] {strides = array<i32>} : memref<80x16xf32, #tpu.memory_space<vmem>>, vector<16xf32>,
        tpu.vector_store %arg8[%swap3A_148, %swap3A_149], %gather3A_143 {strides = array<i32>} : memref<80x16xf32, #tpu.memory_space<vmem>>, vector<16xf32>,
        %broadcast_in_dim3A_151 = arith.constant 6 : i32
        %broadcast_in_dim3A_152 = vector.broadcast %broadcast_in_dim3A_151 : i32 to vector<16x1xi32>
        %gather3A_153 = vector.shape_cast %broadcast_in_dim3A_152 : vector<16x1xi32> to vector<16xi32>
        %gather3A_154 = tpu.dynamic_gather %get3A_87[%gather3A_153] in [0] : vector<16xf32>, vector<16xi32> -> vector<16xf32>
        %mul3A_155 = arith.constant 16 : i32
        %mul3A_156 = arith.muli %add3A_83, %mul3A_155 : i32
        %add3A_157 = arith.constant 6 : i32
        %add3A_158 = arith.addi %mul3A_156, %add3A_157 : i32
        %swap3A_159 = arith.index_cast %add3A_158 : i32 to index
        %swap3A_160 = arith.constant 0 : index
        %swap3A_161 = tpu.vector_load %arg8[%swap3A_159, %swap3A_160] {strides = array<i32>} : memref<80x16xf32, #tpu.memory_space<vmem>>, vector<16xf32>,
        tpu.vector_store %arg8[%swap3A_159, %swap3A_160], %gather3A_154 {strides = array<i32>} : memref<80x16xf32, #tpu.memory_space<vmem>>, vector<16xf32>,
        %broadcast_in_dim3A_162 = arith.constant 7 : i32
        %broadcast_in_dim3A_163 = vector.broadcast %broadcast_in_dim3A_162 : i32 to vector<16x1xi32>
        %gather3A_164 = vector.shape_cast %broadcast_in_dim3A_163 : vector<16x1xi32> to vector<16xi32>
        %gather3A_165 = tpu.dynamic_gather %get3A_87[%gather3A_164] in [0] : vector<16xf32>, vector<16xi32> -> vector<16xf32>
        %mul3A_166 = arith.constant 16 : i32
        %mul3A_167 = arith.muli %add3A_83, %mul3A_166 : i32
        %add3A_168 = arith.constant 7 : i32
        %add3A_169 = arith.addi %mul3A_167, %add3A_168 : i32
        %swap3A_170 = arith.index_cast %add3A_169 : i32 to index
        %swap3A_171 = arith.constant 0 : index
        %swap3A_172 = tpu.vector_load %arg8[%swap3A_170, %swap3A_171] {strides = array<i32>} : memref<80x16xf32, #tpu.memory_space<vmem>>, vector<16xf32>,
        tpu.vector_store %arg8[%swap3A_170, %swap3A_171], %gather3A_165 {strides = array<i32>} : memref<80x16xf32, #tpu.memory_space<vmem>>, vector<16xf32>,
        %broadcast_in_dim3A_173 = arith.constant 8 : i32
        %broadcast_in_dim3A_174 = vector.broadcast %broadcast_in_dim3A_173 : i32 to vector<16x1xi32>
        %gather3A_175 = vector.shape_cast %broadcast_in_dim3A_174 : vector<16x1xi32> to vector<16xi32>
        %gather3A_176 = tpu.dynamic_gather %get3A_87[%gather3A_175] in [0] : vector<16xf32>, vector<16xi32> -> vector<16xf32>
        %mul3A_177 = arith.constant 16 : i32
        %mul3A_178 = arith.muli %add3A_83, %mul3A_177 : i32
        %add3A_179 = arith.constant 8 : i32
        %add3A_180 = arith.addi %mul3A_178, %add3A_179 : i32
        %swap3A_181 = arith.index_cast %add3A_180 : i32 to index
        %swap3A_182 = arith.constant 0 : index
        %swap3A_183 = tpu.vector_load %arg8[%swap3A_181, %swap3A_182] {strides = array<i32>} : memref<80x16xf32, #tpu.memory_space<vmem>>, vector<16xf32>,
        tpu.vector_store %arg8[%swap3A_181, %swap3A_182], %gather3A_176 {strides = array<i32>} : memref<80x16xf32, #tpu.memory_space<vmem>>, vector<16xf32>,
        %broadcast_in_dim3A_184 = arith.constant 9 : i32
        %broadcast_in_dim3A_185 = vector.broadcast %broadcast_in_dim3A_184 : i32 to vector<16x1xi32>
        %gather3A_186 = vector.shape_cast %broadcast_in_dim3A_185 : vector<16x1xi32> to vector<16xi32>
        %gather3A_187 = tpu.dynamic_gather %get3A_87[%gather3A_186] in [0] : vector<16xf32>, vector<16xi32> -> vector<16xf32>
        %mul3A_188 = arith.constant 16 : i32
        %mul3A_189 = arith.muli %add3A_83, %mul3A_188 : i32
        %add3A_190 = arith.constant 9 : i32
        %add3A_191 = arith.addi %mul3A_189, %add3A_190 : i32
        %swap3A_192 = arith.index_cast %add3A_191 : i32 to index
        %swap3A_193 = arith.constant 0 : index
        %swap3A_194 = tpu.vector_load %arg8[%swap3A_192, %swap3A_193] {strides = array<i32>} : memref<80x16xf32, #tpu.memory_space<vmem>>, vector<16xf32>,
        tpu.vector_store %arg8[%swap3A_192, %swap3A_193], %gather3A_187 {strides = array<i32>} : memref<80x16xf32, #tpu.memory_space<vmem>>, vector<16xf32>,
        %broadcast_in_dim3A_195 = arith.constant 10 : i32
        %broadcast_in_dim3A_196 = vector.broadcast %broadcast_in_dim3A_195 : i32 to vector<16x1xi32>
        %gather3A_197 = vector.shape_cast %broadcast_in_dim3A_196 : vector<16x1xi32> to vector<16xi32>
        %gather3A_198 = tpu.dynamic_gather %get3A_87[%gather3A_197] in [0] : vector<16xf32>, vector<16xi32> -> vector<16xf32>
        %mul3A_199 = arith.constant 16 : i32
        %mul3A_200 = arith.muli %add3A_83, %mul3A_199 : i32
        %add3A_201 = arith.constant 10 : i32
        %add3A_202 = arith.addi %mul3A_200, %add3A_201 : i32
        %swap3A_203 = arith.index_cast %add3A_202 : i32 to index
        %swap3A_204 = arith.constant 0 : index
        %swap3A_205 = tpu.vector_load %arg8[%swap3A_203, %swap3A_204] {strides = array<i32>} : memref<80x16xf32, #tpu.memory_space<vmem>>, vector<16xf32>,
        tpu.vector_store %arg8[%swap3A_203, %swap3A_204], %gather3A_198 {strides = array<i32>} : memref<80x16xf32, #tpu.memory_space<vmem>>, vector<16xf32>,
        %broadcast_in_dim3A_206 = arith.constant 11 : i32
        %broadcast_in_dim3A_207 = vector.broadcast %broadcast_in_dim3A_206 : i32 to vector<16x1xi32>
        %gather3A_208 = vector.shape_cast %broadcast_in_dim3A_207 : vector<16x1xi32> to vector<16xi32>
        %gather3A_209 = tpu.dynamic_gather %get3A_87[%gather3A_208] in [0] : vector<16xf32>, vector<16xi32> -> vector<16xf32>
        %mul3A_210 = arith.constant 16 : i32
        %mul3A_211 = arith.muli %add3A_83, %mul3A_210 : i32
        %add3A_212 = arith.constant 11 : i32
        %add3A_213 = arith.addi %mul3A_211, %add3A_212 : i32
        %swap3A_214 = arith.index_cast %add3A_213 : i32 to index
        %swap3A_215 = arith.constant 0 : index
        %swap3A_216 = tpu.vector_load %arg8[%swap3A_214, %swap3A_215] {strides = array<i32>} : memref<80x16xf32, #tpu.memory_space<vmem>>, vector<16xf32>,
        tpu.vector_store %arg8[%swap3A_214, %swap3A_215], %gather3A_209 {strides = array<i32>} : memref<80x16xf32, #tpu.memory_space<vmem>>, vector<16xf32>,
        %broadcast_in_dim3A_217 = arith.constant 12 : i32
        %broadcast_in_dim3A_218 = vector.broadcast %broadcast_in_dim3A_217 : i32 to vector<16x1xi32>
        %gather3A_219 = vector.shape_cast %broadcast_in_dim3A_218 : vector<16x1xi32> to vector<16xi32>
        %gather3A_220 = tpu.dynamic_gather %get3A_87[%gather3A_219] in [0] : vector<16xf32>, vector<16xi32> -> vector<16xf32>
        %mul3A_221 = arith.constant 16 : i32
        %mul3A_222 = arith.muli %add3A_83, %mul3A_221 : i32
        %add3A_223 = arith.constant 12 : i32
        %add3A_224 = arith.addi %mul3A_222, %add3A_223 : i32
        %swap3A_225 = arith.index_cast %add3A_224 : i32 to index
        %swap3A_226 = arith.constant 0 : index
        %swap3A_227 = tpu.vector_load %arg8[%swap3A_225, %swap3A_226] {strides = array<i32>} : memref<80x16xf32, #tpu.memory_space<vmem>>, vector<16xf32>,
        tpu.vector_store %arg8[%swap3A_225, %swap3A_226], %gather3A_220 {strides = array<i32>} : memref<80x16xf32, #tpu.memory_space<vmem>>, vector<16xf32>,
        %broadcast_in_dim3A_228 = arith.constant 13 : i32
        %broadcast_in_dim3A_229 = vector.broadcast %broadcast_in_dim3A_228 : i32 to vector<16x1xi32>
        %gather3A_230 = vector.shape_cast %broadcast_in_dim3A_229 : vector<16x1xi32> to vector<16xi32>
        %gather3A_231 = tpu.dynamic_gather %get3A_87[%gather3A_230] in [0] : vector<16xf32>, vector<16xi32> -> vector<16xf32>
        %mul3A_232 = arith.constant 16 : i32
        %mul3A_233 = arith.muli %add3A_83, %mul3A_232 : i32
        %add3A_234 = arith.constant 13 : i32
        %add3A_235 = arith.addi %mul3A_233, %add3A_234 : i32
        %swap3A_236 = arith.index_cast %add3A_235 : i32 to index
        %swap3A_237 = arith.constant 0 : index
        %swap3A_238 = tpu.vector_load %arg8[%swap3A_236, %swap3A_237] {strides = array<i32>} : memref<80x16xf32, #tpu.memory_space<vmem>>, vector<16xf32>,
        tpu.vector_store %arg8[%swap3A_236, %swap3A_237], %gather3A_231 {strides = array<i32>} : memref<80x16xf32, #tpu.memory_space<vmem>>, vector<16xf32>,
        %broadcast_in_dim3A_239 = arith.constant 14 : i32
        %broadcast_in_dim3A_240 = vector.broadcast %broadcast_in_dim3A_239 : i32 to vector<16x1xi32>
        %gather3A_241 = vector.shape_cast %broadcast_in_dim3A_240 : vector<16x1xi32> to vector<16xi32>
        %gather3A_242 = tpu.dynamic_gather %get3A_87[%gather3A_241] in [0] : vector<16xf32>, vector<16xi32> -> vector<16xf32>
        %mul3A_243 = arith.constant 16 : i32
        %mul3A_244 = arith.muli %add3A_83, %mul3A_243 : i32
        %add3A_245 = arith.constant 14 : i32
        %add3A_246 = arith.addi %mul3A_244, %add3A_245 : i32
        %swap3A_247 = arith.index_cast %add3A_246 : i32 to index
        %swap3A_248 = arith.constant 0 : index
        %swap3A_249 = tpu.vector_load %arg8[%swap3A_247, %swap3A_248] {strides = array<i32>} : memref<80x16xf32, #tpu.memory_space<vmem>>, vector<16xf32>,
        tpu.vector_store %arg8[%swap3A_247, %swap3A_248], %gather3A_242 {strides = array<i32>} : memref<80x16xf32, #tpu.memory_space<vmem>>, vector<16xf32>,
        %broadcast_in_dim3A_250 = arith.constant 15 : i32
        %broadcast_in_dim3A_251 = vector.broadcast %broadcast_in_dim3A_250 : i32 to vector<16x1xi32>
        %gather3A_252 = vector.shape_cast %broadcast_in_dim3A_251 : vector<16x1xi32> to vector<16xi32>
        %gather3A_253 = tpu.dynamic_gather %get3A_87[%gather3A_252] in [0] : vector<16xf32>, vector<16xi32> -> vector<16xf32>
        %mul3A_254 = arith.constant 16 : i32
        %mul3A_255 = arith.muli %add3A_83, %mul3A_254 : i32
        %add3A_256 = arith.constant 15 : i32
        %add3A_257 = arith.addi %mul3A_255, %add3A_256 : i32
        %swap3A_258 = arith.index_cast %add3A_257 : i32 to index
        %swap3A_259 = arith.constant 0 : index
        %swap3A_260 = tpu.vector_load %arg8[%swap3A_258, %swap3A_259] {strides = array<i32>} : memref<80x16xf32, #tpu.memory_space<vmem>>, vector<16xf32>,
        tpu.vector_store %arg8[%swap3A_258, %swap3A_259], %gather3A_253 {strides = array<i32>} : memref<80x16xf32, #tpu.memory_space<vmem>>, vector<16xf32>,
      }
      %scan3A_72 = arith.constant 5 : i32
      %dma_start3A_73 = arith.constant 0 : i32
      %dma_start3A_74 = tpu.memref_slice %arg6[%add3A_62, %dma_start3A_73] : memref<126x80xi32, #tpu.memory_space<vmem>> -> memref<1x80xi32, #tpu.memory_space<vmem>>
      %dma_start3A_75 = tpu.memref_squeeze %dma_start3A_74 : memref<1x80xi32, #tpu.memory_space<vmem>> -> memref<80xi32, #tpu.memory_space<vmem>>
      %dma_start3A_76 = arith.constant 0 : i32
      %dma_start3A_77 = arith.constant 0 : i32
      %dma_start3A_78 = tpu.memref_slice %arg10[%dma_start3A_76, %dma_start3A_77] : memref<10000x16xf32, #tpu.memory_space<vmem_shared>> -> memref<10000x16xf32, #tpu.memory_space<vmem_shared>>
      tpu.enqueue_indirect_dma source(%arg8 : memref<80x16xf32, #tpu.memory_space<vmem>>) target(%dma_start3A_78 : memref<10000x16xf32, #tpu.memory_space<vmem_shared>>) offsets(%dma_start3A_75 : memref<80xi32, #tpu.memory_space<vmem>>) semaphore(%arg12 : memref<!tpu.dma_semaphore, #tpu.memory_space<semaphore_mem>>) {add = true}
    }
    %scan3A_16 = arith.constant 63 : i32
    %dma_wait3A = arith.constant 124 : i32
    %dma_wait3A_17 = arith.constant 0 : i32
    %dma_wait3A_18 = tpu.memref_slice %arg6[%dma_wait3A, %dma_wait3A_17] : memref<126x80xi32, #tpu.memory_space<vmem>> -> memref<1x80xi32, #tpu.memory_space<vmem>>
    %dma_wait3A_19 = tpu.memref_squeeze %dma_wait3A_18 : memref<1x80xi32, #tpu.memory_space<vmem>> -> memref<80xi32, #tpu.memory_space<vmem>>
    %dma_wait3A_20 = arith.constant 0 : i32
    %dma_wait3A_21 = arith.constant 0 : i32
    %dma_wait3A_22 = tpu.memref_slice %arg10[%dma_wait3A_20, %dma_wait3A_21] : memref<10000x16xf32, #tpu.memory_space<vmem_shared>> -> memref<10000x16xf32, #tpu.memory_space<vmem_shared>>
    tpu.wait_indirect_dma semaphore(%arg11 : memref<!tpu.dma_semaphore, #tpu.memory_space<semaphore_mem>>) src(%arg7 : memref<80x16xf32, #tpu.memory_space<vmem>>) dst(%dma_wait3A_22 : memref<10000x16xf32, #tpu.memory_space<vmem_shared>>)
    %dma_wait3A_23 = arith.constant 125 : i32
    %dma_wait3A_24 = arith.constant 0 : i32
    %dma_wait3A_25 = tpu.memref_slice %arg6[%dma_wait3A_23, %dma_wait3A_24] : memref<126x80xi32, #tpu.memory_space<vmem>> -> memref<1x80xi32, #tpu.memory_space<vmem>>
    %dma_wait3A_26 = tpu.memref_squeeze %dma_wait3A_25 : memref<1x80xi32, #tpu.memory_space<vmem>> -> memref<80xi32, #tpu.memory_space<vmem>>
    %dma_wait3A_27 = arith.constant 0 : i32
    %dma_wait3A_28 = arith.constant 0 : i32
    %dma_wait3A_29 = tpu.memref_slice %arg10[%dma_wait3A_27, %dma_wait3A_28] : memref<10000x16xf32, #tpu.memory_space<vmem_shared>> -> memref<10000x16xf32, #tpu.memory_space<vmem_shared>>
    tpu.wait_indirect_dma semaphore(%arg12 : memref<!tpu.dma_semaphore, #tpu.memory_space<semaphore_mem>>) src(%arg8 : memref<80x16xf32, #tpu.memory_space<vmem>>) dst(%dma_wait3A_29 : memref<10000x16xf32, #tpu.memory_space<vmem_shared>>)
    %barrier3A_30 = arith.constant 0 : index
    tpu.barrier barrier_id(%barrier3A_30)
    %mul3A_31 = arith.constant 624 : i32
    %mul3A_32 = arith.muli %arg1, %mul3A_31 : i32
    %mul3A_33 = arith.constant 624 : i32
    %mul3A_34 = arith.muli %arg1, %mul3A_33 : i32
    "tpu.region"() ({
      %run_scoped3A = tpu.sem_alloc : memref<!tpu.dma_semaphore, #tpu.memory_space<semaphore_mem>>
      %dma_start3A = arith.constant 0 : i32
      %dma_start3A_40 = arith.constant 0 : i32
      %dma_start3A_41 = tpu.memref_slice %arg4[%arg0, %dma_start3A, %dma_start3A_40] : memref<2x10000x16xf32, #tpu.memory_space<hbm>> -> memref<1x10000x16xf32, #tpu.memory_space<hbm>>
      %dma_start3A_42 = tpu.memref_squeeze %dma_start3A_41 : memref<1x10000x16xf32, #tpu.memory_space<hbm>> -> memref<10000x16xf32, #tpu.memory_space<hbm>>
      %dma_start3A_43 = arith.constant 0 : i32
      %dma_start3A_44 = tpu.memref_slice %dma_start3A_42[%mul3A_34, %dma_start3A_43] : memref<10000x16xf32, #tpu.memory_space<hbm>> -> memref<624x16xf32, #tpu.memory_space<hbm>>
      %dma_start3A_45 = arith.constant 0 : i32
      %dma_start3A_46 = tpu.memref_slice %arg10[%mul3A_32, %dma_start3A_45] : memref<10000x16xf32, #tpu.memory_space<vmem_shared>> -> memref<624x16xf32, #tpu.memory_space<vmem_shared>>
      tpu.enqueue_dma source(%dma_start3A_46 : memref<624x16xf32, #tpu.memory_space<vmem_shared>>) target(%dma_start3A_44 : memref<624x16xf32, #tpu.memory_space<hbm>>) target_semaphore(%run_scoped3A : memref<!tpu.dma_semaphore, #tpu.memory_space<semaphore_mem>>)
      %dma_wait3A_47 = arith.constant 0 : i32
      %dma_wait3A_48 = arith.constant 0 : i32
      %dma_wait3A_49 = tpu.memref_slice %arg4[%arg0, %dma_wait3A_47, %dma_wait3A_48] : memref<2x10000x16xf32, #tpu.memory_space<hbm>> -> memref<1x10000x16xf32, #tpu.memory_space<hbm>>
      %dma_wait3A_50 = tpu.memref_squeeze %dma_wait3A_49 : memref<1x10000x16xf32, #tpu.memory_space<hbm>> -> memref<10000x16xf32, #tpu.memory_space<hbm>>
      %dma_wait3A_51 = arith.constant 0 : i32
      %dma_wait3A_52 = tpu.memref_slice %dma_wait3A_50[%mul3A_34, %dma_wait3A_51] : memref<10000x16xf32, #tpu.memory_space<hbm>> -> memref<624x16xf32, #tpu.memory_space<hbm>>
      %dma_wait3A_53 = arith.constant 0 : i32
      %dma_wait3A_54 = tpu.memref_slice %arg10[%mul3A_32, %dma_wait3A_53] : memref<10000x16xf32, #tpu.memory_space<vmem_shared>> -> memref<624x16xf32, #tpu.memory_space<vmem_shared>>
      tpu.wait_dma2 semaphore(%run_scoped3A : memref<!tpu.dma_semaphore, #tpu.memory_space<semaphore_mem>>) src(%dma_wait3A_54 : memref<624x16xf32, #tpu.memory_space<vmem_shared>>) dst(%dma_wait3A_52 : memref<624x16xf32, #tpu.memory_space<hbm>>)
      tpu.yield
    }) : () -> ()
    %eq3A_35 = arith.constant 0 : i32
    %eq3A_36 = arith.cmpi eq, %arg1, %eq3A_35 : i32
    %convert_element_type3A_37 = arith.extui %eq3A_36 : i1 to i32
    %cond3A_38 = arith.constant 0 : i32
    %cond3A_39 = arith.cmpi ne, %convert_element_type3A_37, %cond3A_38 : i32
    scf.if %cond3A_39 {
      "tpu.region"() ({
        %run_scoped3A = tpu.sem_alloc : memref<!tpu.dma_semaphore, #tpu.memory_space<semaphore_mem>>
        %dma_start3A = arith.constant 0 : i32
        %dma_start3A_40 = arith.constant 0 : i32
        %dma_start3A_41 = tpu.memref_slice %arg4[%arg0, %dma_start3A, %dma_start3A_40] : memref<2x10000x16xf32, #tpu.memory_space<hbm>> -> memref<1x10000x16xf32, #tpu.memory_space<hbm>>
        %dma_start3A_42 = tpu.memref_squeeze %dma_start3A_41 : memref<1x10000x16xf32, #tpu.memory_space<hbm>> -> memref<10000x16xf32, #tpu.memory_space<hbm>>
        %dma_start3A_43 = arith.constant 9984 : i32
        %dma_start3A_44 = arith.constant 0 : i32
        %dma_start3A_45 = tpu.memref_slice %dma_start3A_42[%dma_start3A_43, %dma_start3A_44] : memref<10000x16xf32, #tpu.memory_space<hbm>> -> memref<16x16xf32, #tpu.memory_space<hbm>>
        %dma_start3A_46 = arith.constant 9984 : i32
        %dma_start3A_47 = arith.constant 0 : i32
        %dma_start3A_48 = tpu.memref_slice %arg10[%dma_start3A_46, %dma_start3A_47] : memref<10000x16xf32, #tpu.memory_space<vmem_shared>> -> memref<16x16xf32, #tpu.memory_space<vmem_shared>>
        tpu.enqueue_dma source(%dma_start3A_48 : memref<16x16xf32, #tpu.memory_space<vmem_shared>>) target(%dma_start3A_45 : memref<16x16xf32, #tpu.memory_space<hbm>>) target_semaphore(%run_scoped3A : memref<!tpu.dma_semaphore, #tpu.memory_space<semaphore_mem>>)
        %dma_wait3A_49 = arith.constant 0 : i32
        %dma_wait3A_50 = arith.constant 0 : i32
        %dma_wait3A_51 = tpu.memref_slice %arg4[%arg0, %dma_wait3A_49, %dma_wait3A_50] : memref<2x10000x16xf32, #tpu.memory_space<hbm>> -> memref<1x10000x16xf32, #tpu.memory_space<hbm>>
        %dma_wait3A_52 = tpu.memref_squeeze %dma_wait3A_51 : memref<1x10000x16xf32, #tpu.memory_space<hbm>> -> memref<10000x16xf32, #tpu.memory_space<hbm>>
        %dma_wait3A_53 = arith.constant 9984 : i32
        %dma_wait3A_54 = arith.constant 0 : i32
        %dma_wait3A_55 = tpu.memref_slice %dma_wait3A_52[%dma_wait3A_53, %dma_wait3A_54] : memref<10000x16xf32, #tpu.memory_space<hbm>> -> memref<16x16xf32, #tpu.memory_space<hbm>>
        %dma_wait3A_56 = arith.constant 9984 : i32
        %dma_wait3A_57 = arith.constant 0 : i32
        %dma_wait3A_58 = tpu.memref_slice %arg10[%dma_wait3A_56, %dma_wait3A_57] : memref<10000x16xf32, #tpu.memory_space<vmem_shared>> -> memref<16x16xf32, #tpu.memory_space<vmem_shared>>
        tpu.wait_dma2 semaphore(%run_scoped3A : memref<!tpu.dma_semaphore, #tpu.memory_space<semaphore_mem>>) src(%dma_wait3A_58 : memref<16x16xf32, #tpu.memory_space<vmem_shared>>) dst(%dma_wait3A_55 : memref<16x16xf32, #tpu.memory_space<hbm>>)
        tpu.yield
      }) : () -> ()
    } else {
    }
    return
  }
}

#map = affine_map<(d0, d1) -> (0, 0, 0)>
module attributes {stable_mosaic.version = 14 : i64} {
  func.func @_scatter_body(%arg0: i32, %arg1: i32, %arg2: memref<2x10000x64xf32, #tpu.memory_space<hbm>>, %arg3: memref<16x250x80xi32, #tpu.memory_space<hbm>>, %arg4: memref<16x250x80xi32, #tpu.memory_space<hbm>>, %arg5: memref<16x250x80xf32, #tpu.memory_space<hbm>>, %arg6: memref<2x10000x64xf32, #tpu.memory_space<hbm>>, %arg7: memref<250x80xi32, #tpu.memory_space<vmem>>, %arg8: memref<250x80xf32, #tpu.memory_space<vmem>>, %arg9: memref<250x80xi32, #tpu.memory_space<vmem>>, %arg10: memref<80x64xf32, #tpu.memory_space<vmem>>, %arg11: memref<80x64xf32, #tpu.memory_space<vmem>>, %arg12: memref<208x64xf32, #tpu.memory_space<vmem>>, %arg13: memref<10000x64xf32, #tpu.memory_space<vmem_shared>>, %arg14: memref<!tpu.dma_semaphore, #tpu.memory_space<semaphore_mem>>, %arg15: memref<!tpu.dma_semaphore, #tpu.memory_space<semaphore_mem>>, %arg16: memref<!tpu.dma_semaphore, #tpu.memory_space<semaphore_mem>>, %arg17: memref<!tpu.dma_semaphore, #tpu.memory_space<semaphore_mem>>) attributes {dimension_semantics = [#tpu.dimension_semantics<core_parallel>, #tpu.dimension_semantics<subcore_parallel>], iteration_bounds = array<i64: 2, 16>, scalar_prefetch = 0 : i64, scratch_operands = 11 : i64, tpu.core_type = #tpu.core_type<sc_vector_subcore>, window_params = [{transform_indices = #map}, {transform_indices = #map}, {transform_indices = #map}, {transform_indices = #map}, {transform_indices = #map}]} {
    "tpu.region"() ({
      %run_scoped3A = tpu.sem_alloc : memref<!tpu.dma_semaphore, #tpu.memory_space<semaphore_mem>>
      %dma_start3A_41 = arith.constant 0 : i32
      %dma_start3A_42 = arith.constant 0 : i32
      %dma_start3A_43 = tpu.memref_slice %arg3[%arg1, %dma_start3A_41, %dma_start3A_42] : memref<16x250x80xi32, #tpu.memory_space<hbm>> -> memref<1x250x80xi32, #tpu.memory_space<hbm>>
      %dma_start3A_44 = tpu.memref_squeeze %dma_start3A_43 : memref<1x250x80xi32, #tpu.memory_space<hbm>> -> memref<250x80xi32, #tpu.memory_space<hbm>>
      %dma_start3A_45 = arith.constant 0 : i32
      %dma_start3A_46 = arith.constant 0 : i32
      %dma_start3A_47 = tpu.memref_slice %arg3[%arg1, %dma_start3A_45, %dma_start3A_46] : memref<16x250x80xi32, #tpu.memory_space<hbm>> -> memref<1x250x80xi32, #tpu.memory_space<hbm>>
      %dma_start3A_48 = tpu.memref_squeeze %dma_start3A_47 : memref<1x250x80xi32, #tpu.memory_space<hbm>> -> memref<250x80xi32, #tpu.memory_space<hbm>>
      tpu.enqueue_dma source(%dma_start3A_48 : memref<250x80xi32, #tpu.memory_space<hbm>>) target(%arg7 : memref<250x80xi32, #tpu.memory_space<vmem>>) target_semaphore(%run_scoped3A : memref<!tpu.dma_semaphore, #tpu.memory_space<semaphore_mem>>)
      %dma_wait3A_49 = arith.constant 0 : i32
      %dma_wait3A_50 = arith.constant 0 : i32
      %dma_wait3A_51 = tpu.memref_slice %arg3[%arg1, %dma_wait3A_49, %dma_wait3A_50] : memref<16x250x80xi32, #tpu.memory_space<hbm>> -> memref<1x250x80xi32, #tpu.memory_space<hbm>>
      %dma_wait3A_52 = tpu.memref_squeeze %dma_wait3A_51 : memref<1x250x80xi32, #tpu.memory_space<hbm>> -> memref<250x80xi32, #tpu.memory_space<hbm>>
      %dma_wait3A_53 = arith.constant 0 : i32
      %dma_wait3A_54 = arith.constant 0 : i32
      %dma_wait3A_55 = tpu.memref_slice %arg3[%arg1, %dma_wait3A_53, %dma_wait3A_54] : memref<16x250x80xi32, #tpu.memory_space<hbm>> -> memref<1x250x80xi32, #tpu.memory_space<hbm>>
      %dma_wait3A_56 = tpu.memref_squeeze %dma_wait3A_55 : memref<1x250x80xi32, #tpu.memory_space<hbm>> -> memref<250x80xi32, #tpu.memory_space<hbm>>
      tpu.wait_dma2 semaphore(%run_scoped3A : memref<!tpu.dma_semaphore, #tpu.memory_space<semaphore_mem>>) src(%dma_wait3A_56 : memref<250x80xi32, #tpu.memory_space<hbm>>) dst(%arg7 : memref<250x80xi32, #tpu.memory_space<vmem>>)
      tpu.yield
    }) : () -> ()
    "tpu.region"() ({
      %run_scoped3A = tpu.sem_alloc : memref<!tpu.dma_semaphore, #tpu.memory_space<semaphore_mem>>
      %dma_start3A_41 = arith.constant 0 : i32
      %dma_start3A_42 = arith.constant 0 : i32
      %dma_start3A_43 = tpu.memref_slice %arg5[%arg1, %dma_start3A_41, %dma_start3A_42] : memref<16x250x80xf32, #tpu.memory_space<hbm>> -> memref<1x250x80xf32, #tpu.memory_space<hbm>>
      %dma_start3A_44 = tpu.memref_squeeze %dma_start3A_43 : memref<1x250x80xf32, #tpu.memory_space<hbm>> -> memref<250x80xf32, #tpu.memory_space<hbm>>
      %dma_start3A_45 = arith.constant 0 : i32
      %dma_start3A_46 = arith.constant 0 : i32
      %dma_start3A_47 = tpu.memref_slice %arg5[%arg1, %dma_start3A_45, %dma_start3A_46] : memref<16x250x80xf32, #tpu.memory_space<hbm>> -> memref<1x250x80xf32, #tpu.memory_space<hbm>>
      %dma_start3A_48 = tpu.memref_squeeze %dma_start3A_47 : memref<1x250x80xf32, #tpu.memory_space<hbm>> -> memref<250x80xf32, #tpu.memory_space<hbm>>
      tpu.enqueue_dma source(%dma_start3A_48 : memref<250x80xf32, #tpu.memory_space<hbm>>) target(%arg8 : memref<250x80xf32, #tpu.memory_space<vmem>>) target_semaphore(%run_scoped3A : memref<!tpu.dma_semaphore, #tpu.memory_space<semaphore_mem>>)
      %dma_wait3A_49 = arith.constant 0 : i32
      %dma_wait3A_50 = arith.constant 0 : i32
      %dma_wait3A_51 = tpu.memref_slice %arg5[%arg1, %dma_wait3A_49, %dma_wait3A_50] : memref<16x250x80xf32, #tpu.memory_space<hbm>> -> memref<1x250x80xf32, #tpu.memory_space<hbm>>
      %dma_wait3A_52 = tpu.memref_squeeze %dma_wait3A_51 : memref<1x250x80xf32, #tpu.memory_space<hbm>> -> memref<250x80xf32, #tpu.memory_space<hbm>>
      %dma_wait3A_53 = arith.constant 0 : i32
      %dma_wait3A_54 = arith.constant 0 : i32
      %dma_wait3A_55 = tpu.memref_slice %arg5[%arg1, %dma_wait3A_53, %dma_wait3A_54] : memref<16x250x80xf32, #tpu.memory_space<hbm>> -> memref<1x250x80xf32, #tpu.memory_space<hbm>>
      %dma_wait3A_56 = tpu.memref_squeeze %dma_wait3A_55 : memref<1x250x80xf32, #tpu.memory_space<hbm>> -> memref<250x80xf32, #tpu.memory_space<hbm>>
      tpu.wait_dma2 semaphore(%run_scoped3A : memref<!tpu.dma_semaphore, #tpu.memory_space<semaphore_mem>>) src(%dma_wait3A_56 : memref<250x80xf32, #tpu.memory_space<hbm>>) dst(%arg8 : memref<250x80xf32, #tpu.memory_space<vmem>>)
      tpu.yield
    }) : () -> ()
    "tpu.region"() ({
      %run_scoped3A = tpu.sem_alloc : memref<!tpu.dma_semaphore, #tpu.memory_space<semaphore_mem>>
      %dma_start3A_41 = arith.constant 0 : i32
      %dma_start3A_42 = arith.constant 0 : i32
      %dma_start3A_43 = tpu.memref_slice %arg4[%arg1, %dma_start3A_41, %dma_start3A_42] : memref<16x250x80xi32, #tpu.memory_space<hbm>> -> memref<1x250x80xi32, #tpu.memory_space<hbm>>
      %dma_start3A_44 = tpu.memref_squeeze %dma_start3A_43 : memref<1x250x80xi32, #tpu.memory_space<hbm>> -> memref<250x80xi32, #tpu.memory_space<hbm>>
      %dma_start3A_45 = arith.constant 0 : i32
      %dma_start3A_46 = arith.constant 0 : i32
      %dma_start3A_47 = tpu.memref_slice %arg4[%arg1, %dma_start3A_45, %dma_start3A_46] : memref<16x250x80xi32, #tpu.memory_space<hbm>> -> memref<1x250x80xi32, #tpu.memory_space<hbm>>
      %dma_start3A_48 = tpu.memref_squeeze %dma_start3A_47 : memref<1x250x80xi32, #tpu.memory_space<hbm>> -> memref<250x80xi32, #tpu.memory_space<hbm>>
      tpu.enqueue_dma source(%dma_start3A_48 : memref<250x80xi32, #tpu.memory_space<hbm>>) target(%arg9 : memref<250x80xi32, #tpu.memory_space<vmem>>) target_semaphore(%run_scoped3A : memref<!tpu.dma_semaphore, #tpu.memory_space<semaphore_mem>>)
      %dma_wait3A_49 = arith.constant 0 : i32
      %dma_wait3A_50 = arith.constant 0 : i32
      %dma_wait3A_51 = tpu.memref_slice %arg4[%arg1, %dma_wait3A_49, %dma_wait3A_50] : memref<16x250x80xi32, #tpu.memory_space<hbm>> -> memref<1x250x80xi32, #tpu.memory_space<hbm>>
      %dma_wait3A_52 = tpu.memref_squeeze %dma_wait3A_51 : memref<1x250x80xi32, #tpu.memory_space<hbm>> -> memref<250x80xi32, #tpu.memory_space<hbm>>
      %dma_wait3A_53 = arith.constant 0 : i32
      %dma_wait3A_54 = arith.constant 0 : i32
      %dma_wait3A_55 = tpu.memref_slice %arg4[%arg1, %dma_wait3A_53, %dma_wait3A_54] : memref<16x250x80xi32, #tpu.memory_space<hbm>> -> memref<1x250x80xi32, #tpu.memory_space<hbm>>
      %dma_wait3A_56 = tpu.memref_squeeze %dma_wait3A_55 : memref<1x250x80xi32, #tpu.memory_space<hbm>> -> memref<250x80xi32, #tpu.memory_space<hbm>>
      tpu.wait_dma2 semaphore(%run_scoped3A : memref<!tpu.dma_semaphore, #tpu.memory_space<semaphore_mem>>) src(%dma_wait3A_56 : memref<250x80xi32, #tpu.memory_space<hbm>>) dst(%arg9 : memref<250x80xi32, #tpu.memory_space<vmem>>)
      tpu.yield
    }) : () -> ()
    %scan3A = arith.constant 0 : i32
    %scan3A_0 = arith.constant 208 : i32
    %scan3A_1 = arith.addi %scan3A, %scan3A_0 : i32
    %scan3A_2 = arith.constant 1 : i32
    scf.for %scan3A_41 = %scan3A to %scan3A_1 step %scan3A_2  : i32 {
      %mul3A_42 = arith.constant 1 : i32
      %mul3A_43 = arith.muli %scan3A_41, %mul3A_42 : i32
      %add3A = arith.constant 0 : i32
      %add3A_44 = arith.addi %add3A, %mul3A_43 : i32
      %broadcast_in_dim3A = arith.constant 0.000000e+00 : f32
      %broadcast_in_dim3A_45 = vector.broadcast %broadcast_in_dim3A : f32 to vector<16xf32>
      %swap3A = arith.index_cast %add3A_44 : i32 to index
      %swap3A_46 = arith.constant 0 : index
      %swap3A_47 = tpu.vector_load %arg12[%swap3A, %swap3A_46] {strides = array<i32>} : memref<208x64xf32, #tpu.memory_space<vmem>>, vector<16xf32>,
      tpu.vector_store %arg12[%swap3A, %swap3A_46], %broadcast_in_dim3A_45 {strides = array<i32>} : memref<208x64xf32, #tpu.memory_space<vmem>>, vector<16xf32>,
      %broadcast_in_dim3A_48 = arith.constant 0.000000e+00 : f32
      %broadcast_in_dim3A_49 = vector.broadcast %broadcast_in_dim3A_48 : f32 to vector<16xf32>
      %swap3A_50 = arith.index_cast %add3A_44 : i32 to index
      %swap3A_51 = arith.constant 16 : index
      %swap3A_52 = tpu.vector_load %arg12[%swap3A_50, %swap3A_51] {strides = array<i32>} : memref<208x64xf32, #tpu.memory_space<vmem>>, vector<16xf32>,
      tpu.vector_store %arg12[%swap3A_50, %swap3A_51], %broadcast_in_dim3A_49 {strides = array<i32>} : memref<208x64xf32, #tpu.memory_space<vmem>>, vector<16xf32>,
      %broadcast_in_dim3A_53 = arith.constant 0.000000e+00 : f32
      %broadcast_in_dim3A_54 = vector.broadcast %broadcast_in_dim3A_53 : f32 to vector<16xf32>
      %swap3A_55 = arith.index_cast %add3A_44 : i32 to index
      %swap3A_56 = arith.constant 32 : index
      %swap3A_57 = tpu.vector_load %arg12[%swap3A_55, %swap3A_56] {strides = array<i32>} : memref<208x64xf32, #tpu.memory_space<vmem>>, vector<16xf32>,
      tpu.vector_store %arg12[%swap3A_55, %swap3A_56], %broadcast_in_dim3A_54 {strides = array<i32>} : memref<208x64xf32, #tpu.memory_space<vmem>>, vector<16xf32>,
      %broadcast_in_dim3A_58 = arith.constant 0.000000e+00 : f32
      %broadcast_in_dim3A_59 = vector.broadcast %broadcast_in_dim3A_58 : f32 to vector<16xf32>
      %swap3A_60 = arith.index_cast %add3A_44 : i32 to index
      %swap3A_61 = arith.constant 48 : index
      %swap3A_62 = tpu.vector_load %arg12[%swap3A_60, %swap3A_61] {strides = array<i32>} : memref<208x64xf32, #tpu.memory_space<vmem>>, vector<16xf32>,
      tpu.vector_store %arg12[%swap3A_60, %swap3A_61], %broadcast_in_dim3A_59 {strides = array<i32>} : memref<208x64xf32, #tpu.memory_space<vmem>>, vector<16xf32>,
    }
    %scan3A_3 = arith.constant 208 : i32
    %scan3A_4 = arith.constant 0 : i32
    %scan3A_5 = arith.constant 3 : i32
    %scan3A_6 = arith.addi %scan3A_4, %scan3A_5 : i32
    %scan3A_7 = arith.constant 1 : i32
    scf.for %scan3A_41 = %scan3A_4 to %scan3A_6 step %scan3A_7  : i32 {
      %mul3A_42 = arith.constant 1 : i32
      %mul3A_43 = arith.muli %scan3A_41, %mul3A_42 : i32
      %add3A = arith.constant 0 : i32
      %add3A_44 = arith.addi %add3A, %mul3A_43 : i32
      %mul3A_45 = arith.constant 624 : i32
      %mul3A_46 = arith.muli %arg1, %mul3A_45 : i32
      %mul3A_47 = arith.constant 208 : i32
      %mul3A_48 = arith.muli %add3A_44, %mul3A_47 : i32
      %add3A_49 = arith.addi %mul3A_46, %mul3A_48 : i32
      "tpu.region"() ({
        %run_scoped3A = tpu.sem_alloc : memref<!tpu.dma_semaphore, #tpu.memory_space<semaphore_mem>>
        %dma_start3A_50 = arith.constant 0 : i32
        %dma_start3A_51 = tpu.memref_slice %arg13[%add3A_49, %dma_start3A_50] : memref<10000x64xf32, #tpu.memory_space<vmem_shared>> -> memref<208x64xf32, #tpu.memory_space<vmem_shared>>
        %dma_start3A_52 = arith.constant 0 : i32
        %dma_start3A_53 = tpu.memref_slice %arg13[%add3A_49, %dma_start3A_52] : memref<10000x64xf32, #tpu.memory_space<vmem_shared>> -> memref<208x64xf32, #tpu.memory_space<vmem_shared>>
        tpu.enqueue_dma source(%arg12 : memref<208x64xf32, #tpu.memory_space<vmem>>) target(%dma_start3A_53 : memref<208x64xf32, #tpu.memory_space<vmem_shared>>) target_semaphore(%run_scoped3A : memref<!tpu.dma_semaphore, #tpu.memory_space<semaphore_mem>>)
        %dma_wait3A_54 = arith.constant 0 : i32
        %dma_wait3A_55 = tpu.memref_slice %arg13[%add3A_49, %dma_wait3A_54] : memref<10000x64xf32, #tpu.memory_space<vmem_shared>> -> memref<208x64xf32, #tpu.memory_space<vmem_shared>>
        %dma_wait3A_56 = arith.constant 0 : i32
        %dma_wait3A_57 = tpu.memref_slice %arg13[%add3A_49, %dma_wait3A_56] : memref<10000x64xf32, #tpu.memory_space<vmem_shared>> -> memref<208x64xf32, #tpu.memory_space<vmem_shared>>
        tpu.wait_dma2 semaphore(%run_scoped3A : memref<!tpu.dma_semaphore, #tpu.memory_space<semaphore_mem>>) src(%arg12 : memref<208x64xf32, #tpu.memory_space<vmem>>) dst(%dma_wait3A_57 : memref<208x64xf32, #tpu.memory_space<vmem_shared>>)
        tpu.yield
      }) : () -> ()
    }
    %scan3A_8 = arith.constant 3 : i32
    %eq3A = arith.constant 0 : i32
    %eq3A_9 = arith.cmpi eq, %arg1, %eq3A : i32
    %convert_element_type3A = arith.extui %eq3A_9 : i1 to i32
    %cond3A = arith.constant 0 : i32
    %cond3A_10 = arith.cmpi ne, %convert_element_type3A, %cond3A : i32
    scf.if %cond3A_10 {
      "tpu.region"() ({
        %run_scoped3A = tpu.sem_alloc : memref<!tpu.dma_semaphore, #tpu.memory_space<semaphore_mem>>
        %dma_start3A_41 = arith.constant 0 : i32
        %dma_start3A_42 = arith.constant 0 : i32
        %dma_start3A_43 = tpu.memref_slice %arg12[%dma_start3A_41, %dma_start3A_42] : memref<208x64xf32, #tpu.memory_space<vmem>> -> memref<16x64xf32, #tpu.memory_space<vmem>>
        %dma_start3A_44 = arith.constant 9984 : i32
        %dma_start3A_45 = arith.constant 0 : i32
        %dma_start3A_46 = tpu.memref_slice %arg13[%dma_start3A_44, %dma_start3A_45] : memref<10000x64xf32, #tpu.memory_space<vmem_shared>> -> memref<16x64xf32, #tpu.memory_space<vmem_shared>>
        %dma_start3A_47 = arith.constant 9984 : i32
        %dma_start3A_48 = arith.constant 0 : i32
        %dma_start3A_49 = tpu.memref_slice %arg13[%dma_start3A_47, %dma_start3A_48] : memref<10000x64xf32, #tpu.memory_space<vmem_shared>> -> memref<16x64xf32, #tpu.memory_space<vmem_shared>>
        %dma_start3A_50 = arith.constant 0 : i32
        %dma_start3A_51 = arith.constant 0 : i32
        %dma_start3A_52 = tpu.memref_slice %arg12[%dma_start3A_50, %dma_start3A_51] : memref<208x64xf32, #tpu.memory_space<vmem>> -> memref<16x64xf32, #tpu.memory_space<vmem>>
        tpu.enqueue_dma source(%dma_start3A_52 : memref<16x64xf32, #tpu.memory_space<vmem>>) target(%dma_start3A_49 : memref<16x64xf32, #tpu.memory_space<vmem_shared>>) target_semaphore(%run_scoped3A : memref<!tpu.dma_semaphore, #tpu.memory_space<semaphore_mem>>)
        %dma_wait3A_53 = arith.constant 0 : i32
        %dma_wait3A_54 = arith.constant 0 : i32
        %dma_wait3A_55 = tpu.memref_slice %arg12[%dma_wait3A_53, %dma_wait3A_54] : memref<208x64xf32, #tpu.memory_space<vmem>> -> memref<16x64xf32, #tpu.memory_space<vmem>>
        %dma_wait3A_56 = arith.constant 9984 : i32
        %dma_wait3A_57 = arith.constant 0 : i32
        %dma_wait3A_58 = tpu.memref_slice %arg13[%dma_wait3A_56, %dma_wait3A_57] : memref<10000x64xf32, #tpu.memory_space<vmem_shared>> -> memref<16x64xf32, #tpu.memory_space<vmem_shared>>
        %dma_wait3A_59 = arith.constant 9984 : i32
        %dma_wait3A_60 = arith.constant 0 : i32
        %dma_wait3A_61 = tpu.memref_slice %arg13[%dma_wait3A_59, %dma_wait3A_60] : memref<10000x64xf32, #tpu.memory_space<vmem_shared>> -> memref<16x64xf32, #tpu.memory_space<vmem_shared>>
        %dma_wait3A_62 = arith.constant 0 : i32
        %dma_wait3A_63 = arith.constant 0 : i32
        %dma_wait3A_64 = tpu.memref_slice %arg12[%dma_wait3A_62, %dma_wait3A_63] : memref<208x64xf32, #tpu.memory_space<vmem>> -> memref<16x64xf32, #tpu.memory_space<vmem>>
        tpu.wait_dma2 semaphore(%run_scoped3A : memref<!tpu.dma_semaphore, #tpu.memory_space<semaphore_mem>>) src(%dma_wait3A_64 : memref<16x64xf32, #tpu.memory_space<vmem>>) dst(%dma_wait3A_61 : memref<16x64xf32, #tpu.memory_space<vmem_shared>>)
        tpu.yield
      }) : () -> ()
    } else {
    }
    %barrier3A = arith.constant 0 : index
    tpu.barrier barrier_id(%barrier3A)
    %dma_start3A = arith.constant 0 : i32
    %dma_start3A_11 = arith.constant 0 : i32
    %dma_start3A_12 = tpu.memref_slice %arg7[%dma_start3A, %dma_start3A_11] : memref<250x80xi32, #tpu.memory_space<vmem>> -> memref<1x80xi32, #tpu.memory_space<vmem>>
    %dma_start3A_13 = tpu.memref_squeeze %dma_start3A_12 : memref<1x80xi32, #tpu.memory_space<vmem>> -> memref<80xi32, #tpu.memory_space<vmem>>
    %dma_start3A_14 = arith.constant 0 : i32
    %dma_start3A_15 = arith.constant 0 : i32
    %dma_start3A_16 = tpu.memref_slice %arg2[%arg0, %dma_start3A_14, %dma_start3A_15] : memref<2x10000x64xf32, #tpu.memory_space<hbm>> -> memref<1x10000x64xf32, #tpu.memory_space<hbm>>
    %dma_start3A_17 = tpu.memref_squeeze %dma_start3A_16 : memref<1x10000x64xf32, #tpu.memory_space<hbm>> -> memref<10000x64xf32, #tpu.memory_space<hbm>>
    %dma_start3A_18 = arith.constant 0 : i32
    %dma_start3A_19 = arith.constant 0 : i32
    %dma_start3A_20 = tpu.memref_slice %dma_start3A_17[%dma_start3A_18, %dma_start3A_19] : memref<10000x64xf32, #tpu.memory_space<hbm>> -> memref<10000x64xf32, #tpu.memory_space<hbm>>
    tpu.enqueue_indirect_dma source(%dma_start3A_20 : memref<10000x64xf32, #tpu.memory_space<hbm>>) target(%arg10 : memref<80x64xf32, #tpu.memory_space<vmem>>) offsets(%dma_start3A_13 : memref<80xi32, #tpu.memory_space<vmem>>) semaphore(%arg14 : memref<!tpu.dma_semaphore, #tpu.memory_space<semaphore_mem>>)
    %scan3A_21 = arith.constant 0 : i32
    %scan3A_22 = arith.constant 125 : i32
    %scan3A_23 = arith.addi %scan3A_21, %scan3A_22 : i32
    %scan3A_24 = arith.constant 1 : i32
    scf.for %scan3A_41 = %scan3A_21 to %scan3A_23 step %scan3A_24  : i32 {
      %mul3A_42 = arith.constant 2 : i32
      %mul3A_43 = arith.muli %scan3A_41, %mul3A_42 : i32
      %add3A = arith.constant 0 : i32
      %add3A_44 = arith.addi %add3A, %mul3A_43 : i32
      %add3A_45 = arith.constant 0 : i32
      %add3A_46 = arith.addi %add3A_44, %add3A_45 : i32
      %ge3A = arith.constant 1 : i32
      %ge3A_47 = arith.cmpi sge, %add3A_46, %ge3A : i32
      %convert_element_type3A_48 = arith.extui %ge3A_47 : i1 to i32
      %cond3A_49 = arith.constant 0 : i32
      %cond3A_50 = arith.cmpi ne, %convert_element_type3A_48, %cond3A_49 : i32
      scf.if %cond3A_50 {
        %sub3A = arith.constant 1 : i32
        %sub3A_114 = arith.subi %add3A_46, %sub3A : i32
        %dma_wait3A_115 = arith.constant 0 : i32
        %dma_wait3A_116 = tpu.memref_slice %arg9[%sub3A_114, %dma_wait3A_115] : memref<250x80xi32, #tpu.memory_space<vmem>> -> memref<1x80xi32, #tpu.memory_space<vmem>>
        %dma_wait3A_117 = tpu.memref_squeeze %dma_wait3A_116 : memref<1x80xi32, #tpu.memory_space<vmem>> -> memref<80xi32, #tpu.memory_space<vmem>>
        %dma_wait3A_118 = arith.constant 0 : i32
        %dma_wait3A_119 = arith.constant 0 : i32
        %dma_wait3A_120 = tpu.memref_slice %arg13[%dma_wait3A_118, %dma_wait3A_119] : memref<10000x64xf32, #tpu.memory_space<vmem_shared>> -> memref<10000x64xf32, #tpu.memory_space<vmem_shared>>
        tpu.wait_indirect_dma semaphore(%arg17 : memref<!tpu.dma_semaphore, #tpu.memory_space<semaphore_mem>>) src(%arg11 : memref<80x64xf32, #tpu.memory_space<vmem>>) dst(%dma_wait3A_120 : memref<10000x64xf32, #tpu.memory_space<vmem_shared>>)
      } else {
      }
      %add3A_51 = arith.constant 1 : i32
      %add3A_52 = arith.addi %add3A_46, %add3A_51 : i32
      %lt3A = arith.constant 250 : i32
      %lt3A_53 = arith.cmpi slt, %add3A_52, %lt3A : i32
      %convert_element_type3A_54 = arith.extui %lt3A_53 : i1 to i32
      %cond3A_55 = arith.constant 0 : i32
      %cond3A_56 = arith.cmpi ne, %convert_element_type3A_54, %cond3A_55 : i32
      scf.if %cond3A_56 {
        %add3A_114 = arith.constant 1 : i32
        %add3A_115 = arith.addi %add3A_46, %add3A_114 : i32
        %dma_start3A_116 = arith.constant 0 : i32
        %dma_start3A_117 = tpu.memref_slice %arg7[%add3A_115, %dma_start3A_116] : memref<250x80xi32, #tpu.memory_space<vmem>> -> memref<1x80xi32, #tpu.memory_space<vmem>>
        %dma_start3A_118 = tpu.memref_squeeze %dma_start3A_117 : memref<1x80xi32, #tpu.memory_space<vmem>> -> memref<80xi32, #tpu.memory_space<vmem>>
        %dma_start3A_119 = arith.constant 0 : i32
        %dma_start3A_120 = arith.constant 0 : i32
        %dma_start3A_121 = tpu.memref_slice %arg2[%arg0, %dma_start3A_119, %dma_start3A_120] : memref<2x10000x64xf32, #tpu.memory_space<hbm>> -> memref<1x10000x64xf32, #tpu.memory_space<hbm>>
        %dma_start3A_122 = tpu.memref_squeeze %dma_start3A_121 : memref<1x10000x64xf32, #tpu.memory_space<hbm>> -> memref<10000x64xf32, #tpu.memory_space<hbm>>
        %dma_start3A_123 = arith.constant 0 : i32
        %dma_start3A_124 = arith.constant 0 : i32
        %dma_start3A_125 = tpu.memref_slice %dma_start3A_122[%dma_start3A_123, %dma_start3A_124] : memref<10000x64xf32, #tpu.memory_space<hbm>> -> memref<10000x64xf32, #tpu.memory_space<hbm>>
        tpu.enqueue_indirect_dma source(%dma_start3A_125 : memref<10000x64xf32, #tpu.memory_space<hbm>>) target(%arg11 : memref<80x64xf32, #tpu.memory_space<vmem>>) offsets(%dma_start3A_118 : memref<80xi32, #tpu.memory_space<vmem>>) semaphore(%arg15 : memref<!tpu.dma_semaphore, #tpu.memory_space<semaphore_mem>>)
      } else {
      }
      %dma_wait3A_57 = arith.constant 0 : i32
      %dma_wait3A_58 = tpu.memref_slice %arg7[%add3A_46, %dma_wait3A_57] : memref<250x80xi32, #tpu.memory_space<vmem>> -> memref<1x80xi32, #tpu.memory_space<vmem>>
      %dma_wait3A_59 = tpu.memref_squeeze %dma_wait3A_58 : memref<1x80xi32, #tpu.memory_space<vmem>> -> memref<80xi32, #tpu.memory_space<vmem>>
      %dma_wait3A_60 = arith.constant 0 : i32
      %dma_wait3A_61 = arith.constant 0 : i32
      %dma_wait3A_62 = tpu.memref_slice %arg2[%arg0, %dma_wait3A_60, %dma_wait3A_61] : memref<2x10000x64xf32, #tpu.memory_space<hbm>> -> memref<1x10000x64xf32, #tpu.memory_space<hbm>>
      %dma_wait3A_63 = tpu.memref_squeeze %dma_wait3A_62 : memref<1x10000x64xf32, #tpu.memory_space<hbm>> -> memref<10000x64xf32, #tpu.memory_space<hbm>>
      %dma_wait3A_64 = arith.constant 0 : i32
      %dma_wait3A_65 = arith.constant 0 : i32
      %dma_wait3A_66 = tpu.memref_slice %dma_wait3A_63[%dma_wait3A_64, %dma_wait3A_65] : memref<10000x64xf32, #tpu.memory_space<hbm>> -> memref<10000x64xf32, #tpu.memory_space<hbm>>
      tpu.wait_indirect_dma semaphore(%arg14 : memref<!tpu.dma_semaphore, #tpu.memory_space<semaphore_mem>>) src(%dma_wait3A_66 : memref<10000x64xf32, #tpu.memory_space<hbm>>) dst(%arg10 : memref<80x64xf32, #tpu.memory_space<vmem>>)
      %broadcast_in_dim3A = vector.broadcast %add3A_46 : i32 to vector<16xi32>
      %scan3A_67 = arith.constant 0 : i32
      %scan3A_68 = arith.constant 80 : i32
      %scan3A_69 = arith.addi %scan3A_67, %scan3A_68 : i32
      %scan3A_70 = arith.constant 4 : i32
      scf.for %scan3A_114 = %scan3A_67 to %scan3A_69 step %scan3A_70  : i32 {
        %mul3A_115 = arith.constant 1 : i32
        %mul3A_116 = arith.muli %scan3A_114, %mul3A_115 : i32
        %add3A_117 = arith.constant 0 : i32
        %add3A_118 = arith.addi %add3A_117, %mul3A_116 : i32
        %broadcast_in_dim3A_119 = vector.broadcast %add3A_118 : i32 to vector<16xi32>
        %gather3A = tpu.vector_load_idx %arg8[%broadcast_in_dim3A, %broadcast_in_dim3A_119] : memref<250x80xf32, #tpu.memory_space<vmem>>[vector<16xi32>, vector<16xi32>], vector<16xf32>,
        %get3A = arith.index_cast %add3A_118 : i32 to index
        %get3A_120 = arith.constant 0 : index
        %get3A_121 = tpu.vector_load %arg10[%get3A, %get3A_120] {strides = array<i32>} : memref<80x64xf32, #tpu.memory_space<vmem>>, vector<16xf32>,
        %mul3A_122 = arith.mulf %get3A_121, %gather3A : vector<16xf32>
        %swap3A = arith.index_cast %add3A_118 : i32 to index
        %swap3A_123 = arith.constant 0 : index
        %swap3A_124 = tpu.vector_load %arg10[%swap3A, %swap3A_123] {strides = array<i32>} : memref<80x64xf32, #tpu.memory_space<vmem>>, vector<16xf32>,
        tpu.vector_store %arg10[%swap3A, %swap3A_123], %mul3A_122 {strides = array<i32>} : memref<80x64xf32, #tpu.memory_space<vmem>>, vector<16xf32>,
        %get3A_125 = arith.index_cast %add3A_118 : i32 to index
        %get3A_126 = arith.constant 16 : index
        %get3A_127 = tpu.vector_load %arg10[%get3A_125, %get3A_126] {strides = array<i32>} : memref<80x64xf32, #tpu.memory_space<vmem>>, vector<16xf32>,
        %mul3A_128 = arith.mulf %get3A_127, %gather3A : vector<16xf32>
        %swap3A_129 = arith.index_cast %add3A_118 : i32 to index
        %swap3A_130 = arith.constant 16 : index
        %swap3A_131 = tpu.vector_load %arg10[%swap3A_129, %swap3A_130] {strides = array<i32>} : memref<80x64xf32, #tpu.memory_space<vmem>>, vector<16xf32>,
        tpu.vector_store %arg10[%swap3A_129, %swap3A_130], %mul3A_128 {strides = array<i32>} : memref<80x64xf32, #tpu.memory_space<vmem>>, vector<16xf32>,
        %get3A_132 = arith.index_cast %add3A_118 : i32 to index
        %get3A_133 = arith.constant 32 : index
        %get3A_134 = tpu.vector_load %arg10[%get3A_132, %get3A_133] {strides = array<i32>} : memref<80x64xf32, #tpu.memory_space<vmem>>, vector<16xf32>,
        %mul3A_135 = arith.mulf %get3A_134, %gather3A : vector<16xf32>
        %swap3A_136 = arith.index_cast %add3A_118 : i32 to index
        %swap3A_137 = arith.constant 32 : index
        %swap3A_138 = tpu.vector_load %arg10[%swap3A_136, %swap3A_137] {strides = array<i32>} : memref<80x64xf32, #tpu.memory_space<vmem>>, vector<16xf32>,
        tpu.vector_store %arg10[%swap3A_136, %swap3A_137], %mul3A_135 {strides = array<i32>} : memref<80x64xf32, #tpu.memory_space<vmem>>, vector<16xf32>,
        %get3A_139 = arith.index_cast %add3A_118 : i32 to index
        %get3A_140 = arith.constant 48 : index
        %get3A_141 = tpu.vector_load %arg10[%get3A_139, %get3A_140] {strides = array<i32>} : memref<80x64xf32, #tpu.memory_space<vmem>>, vector<16xf32>,
        %mul3A_142 = arith.mulf %get3A_141, %gather3A : vector<16xf32>
        %swap3A_143 = arith.index_cast %add3A_118 : i32 to index
        %swap3A_144 = arith.constant 48 : index
        %swap3A_145 = tpu.vector_load %arg10[%swap3A_143, %swap3A_144] {strides = array<i32>} : memref<80x64xf32, #tpu.memory_space<vmem>>, vector<16xf32>,
        tpu.vector_store %arg10[%swap3A_143, %swap3A_144], %mul3A_142 {strides = array<i32>} : memref<80x64xf32, #tpu.memory_space<vmem>>, vector<16xf32>,
        %scan3A_146 = arith.constant 1 : i32
        %scan3A_147 = arith.addi %scan3A_114, %scan3A_146 : i32
        %mul3A_148 = arith.constant 1 : i32
        %mul3A_149 = arith.muli %scan3A_147, %mul3A_148 : i32
        %add3A_150 = arith.constant 0 : i32
        %add3A_151 = arith.addi %add3A_150, %mul3A_149 : i32
        %broadcast_in_dim3A_152 = vector.broadcast %add3A_151 : i32 to vector<16xi32>
        %gather3A_153 = tpu.vector_load_idx %arg8[%broadcast_in_dim3A, %broadcast_in_dim3A_152] : memref<250x80xf32, #tpu.memory_space<vmem>>[vector<16xi32>, vector<16xi32>], vector<16xf32>,
        %get3A_154 = arith.index_cast %add3A_151 : i32 to index
        %get3A_155 = arith.constant 0 : index
        %get3A_156 = tpu.vector_load %arg10[%get3A_154, %get3A_155] {strides = array<i32>} : memref<80x64xf32, #tpu.memory_space<vmem>>, vector<16xf32>,
        %mul3A_157 = arith.mulf %get3A_156, %gather3A_153 : vector<16xf32>
        %swap3A_158 = arith.index_cast %add3A_151 : i32 to index
        %swap3A_159 = arith.constant 0 : index
        %swap3A_160 = tpu.vector_load %arg10[%swap3A_158, %swap3A_159] {strides = array<i32>} : memref<80x64xf32, #tpu.memory_space<vmem>>, vector<16xf32>,
        tpu.vector_store %arg10[%swap3A_158, %swap3A_159], %mul3A_157 {strides = array<i32>} : memref<80x64xf32, #tpu.memory_space<vmem>>, vector<16xf32>,
        %get3A_161 = arith.index_cast %add3A_151 : i32 to index
        %get3A_162 = arith.constant 16 : index
        %get3A_163 = tpu.vector_load %arg10[%get3A_161, %get3A_162] {strides = array<i32>} : memref<80x64xf32, #tpu.memory_space<vmem>>, vector<16xf32>,
        %mul3A_164 = arith.mulf %get3A_163, %gather3A_153 : vector<16xf32>
        %swap3A_165 = arith.index_cast %add3A_151 : i32 to index
        %swap3A_166 = arith.constant 16 : index
        %swap3A_167 = tpu.vector_load %arg10[%swap3A_165, %swap3A_166] {strides = array<i32>} : memref<80x64xf32, #tpu.memory_space<vmem>>, vector<16xf32>,
        tpu.vector_store %arg10[%swap3A_165, %swap3A_166], %mul3A_164 {strides = array<i32>} : memref<80x64xf32, #tpu.memory_space<vmem>>, vector<16xf32>,
        %get3A_168 = arith.index_cast %add3A_151 : i32 to index
        %get3A_169 = arith.constant 32 : index
        %get3A_170 = tpu.vector_load %arg10[%get3A_168, %get3A_169] {strides = array<i32>} : memref<80x64xf32, #tpu.memory_space<vmem>>, vector<16xf32>,
        %mul3A_171 = arith.mulf %get3A_170, %gather3A_153 : vector<16xf32>
        %swap3A_172 = arith.index_cast %add3A_151 : i32 to index
        %swap3A_173 = arith.constant 32 : index
        %swap3A_174 = tpu.vector_load %arg10[%swap3A_172, %swap3A_173] {strides = array<i32>} : memref<80x64xf32, #tpu.memory_space<vmem>>, vector<16xf32>,
        tpu.vector_store %arg10[%swap3A_172, %swap3A_173], %mul3A_171 {strides = array<i32>} : memref<80x64xf32, #tpu.memory_space<vmem>>, vector<16xf32>,
        %get3A_175 = arith.index_cast %add3A_151 : i32 to index
        %get3A_176 = arith.constant 48 : index
        %get3A_177 = tpu.vector_load %arg10[%get3A_175, %get3A_176] {strides = array<i32>} : memref<80x64xf32, #tpu.memory_space<vmem>>, vector<16xf32>,
        %mul3A_178 = arith.mulf %get3A_177, %gather3A_153 : vector<16xf32>
        %swap3A_179 = arith.index_cast %add3A_151 : i32 to index
        %swap3A_180 = arith.constant 48 : index
        %swap3A_181 = tpu.vector_load %arg10[%swap3A_179, %swap3A_180] {strides = array<i32>} : memref<80x64xf32, #tpu.memory_space<vmem>>, vector<16xf32>,
        tpu.vector_store %arg10[%swap3A_179, %swap3A_180], %mul3A_178 {strides = array<i32>} : memref<80x64xf32, #tpu.memory_space<vmem>>, vector<16xf32>,
        %scan3A_182 = arith.constant 2 : i32
        %scan3A_183 = arith.addi %scan3A_114, %scan3A_182 : i32
        %mul3A_184 = arith.constant 1 : i32
        %mul3A_185 = arith.muli %scan3A_183, %mul3A_184 : i32
        %add3A_186 = arith.constant 0 : i32
        %add3A_187 = arith.addi %add3A_186, %mul3A_185 : i32
        %broadcast_in_dim3A_188 = vector.broadcast %add3A_187 : i32 to vector<16xi32>
        %gather3A_189 = tpu.vector_load_idx %arg8[%broadcast_in_dim3A, %broadcast_in_dim3A_188] : memref<250x80xf32, #tpu.memory_space<vmem>>[vector<16xi32>, vector<16xi32>], vector<16xf32>,
        %get3A_190 = arith.index_cast %add3A_187 : i32 to index
        %get3A_191 = arith.constant 0 : index
        %get3A_192 = tpu.vector_load %arg10[%get3A_190, %get3A_191] {strides = array<i32>} : memref<80x64xf32, #tpu.memory_space<vmem>>, vector<16xf32>,
        %mul3A_193 = arith.mulf %get3A_192, %gather3A_189 : vector<16xf32>
        %swap3A_194 = arith.index_cast %add3A_187 : i32 to index
        %swap3A_195 = arith.constant 0 : index
        %swap3A_196 = tpu.vector_load %arg10[%swap3A_194, %swap3A_195] {strides = array<i32>} : memref<80x64xf32, #tpu.memory_space<vmem>>, vector<16xf32>,
        tpu.vector_store %arg10[%swap3A_194, %swap3A_195], %mul3A_193 {strides = array<i32>} : memref<80x64xf32, #tpu.memory_space<vmem>>, vector<16xf32>,
        %get3A_197 = arith.index_cast %add3A_187 : i32 to index
        %get3A_198 = arith.constant 16 : index
        %get3A_199 = tpu.vector_load %arg10[%get3A_197, %get3A_198] {strides = array<i32>} : memref<80x64xf32, #tpu.memory_space<vmem>>, vector<16xf32>,
        %mul3A_200 = arith.mulf %get3A_199, %gather3A_189 : vector<16xf32>
        %swap3A_201 = arith.index_cast %add3A_187 : i32 to index
        %swap3A_202 = arith.constant 16 : index
        %swap3A_203 = tpu.vector_load %arg10[%swap3A_201, %swap3A_202] {strides = array<i32>} : memref<80x64xf32, #tpu.memory_space<vmem>>, vector<16xf32>,
        tpu.vector_store %arg10[%swap3A_201, %swap3A_202], %mul3A_200 {strides = array<i32>} : memref<80x64xf32, #tpu.memory_space<vmem>>, vector<16xf32>,
        %get3A_204 = arith.index_cast %add3A_187 : i32 to index
        %get3A_205 = arith.constant 32 : index
        %get3A_206 = tpu.vector_load %arg10[%get3A_204, %get3A_205] {strides = array<i32>} : memref<80x64xf32, #tpu.memory_space<vmem>>, vector<16xf32>,
        %mul3A_207 = arith.mulf %get3A_206, %gather3A_189 : vector<16xf32>
        %swap3A_208 = arith.index_cast %add3A_187 : i32 to index
        %swap3A_209 = arith.constant 32 : index
        %swap3A_210 = tpu.vector_load %arg10[%swap3A_208, %swap3A_209] {strides = array<i32>} : memref<80x64xf32, #tpu.memory_space<vmem>>, vector<16xf32>,
        tpu.vector_store %arg10[%swap3A_208, %swap3A_209], %mul3A_207 {strides = array<i32>} : memref<80x64xf32, #tpu.memory_space<vmem>>, vector<16xf32>,
        %get3A_211 = arith.index_cast %add3A_187 : i32 to index
        %get3A_212 = arith.constant 48 : index
        %get3A_213 = tpu.vector_load %arg10[%get3A_211, %get3A_212] {strides = array<i32>} : memref<80x64xf32, #tpu.memory_space<vmem>>, vector<16xf32>,
        %mul3A_214 = arith.mulf %get3A_213, %gather3A_189 : vector<16xf32>
        %swap3A_215 = arith.index_cast %add3A_187 : i32 to index
        %swap3A_216 = arith.constant 48 : index
        %swap3A_217 = tpu.vector_load %arg10[%swap3A_215, %swap3A_216] {strides = array<i32>} : memref<80x64xf32, #tpu.memory_space<vmem>>, vector<16xf32>,
        tpu.vector_store %arg10[%swap3A_215, %swap3A_216], %mul3A_214 {strides = array<i32>} : memref<80x64xf32, #tpu.memory_space<vmem>>, vector<16xf32>,
        %scan3A_218 = arith.constant 3 : i32
        %scan3A_219 = arith.addi %scan3A_114, %scan3A_218 : i32
        %mul3A_220 = arith.constant 1 : i32
        %mul3A_221 = arith.muli %scan3A_219, %mul3A_220 : i32
        %add3A_222 = arith.constant 0 : i32
        %add3A_223 = arith.addi %add3A_222, %mul3A_221 : i32
        %broadcast_in_dim3A_224 = vector.broadcast %add3A_223 : i32 to vector<16xi32>
        %gather3A_225 = tpu.vector_load_idx %arg8[%broadcast_in_dim3A, %broadcast_in_dim3A_224] : memref<250x80xf32, #tpu.memory_space<vmem>>[vector<16xi32>, vector<16xi32>], vector<16xf32>,
        %get3A_226 = arith.index_cast %add3A_223 : i32 to index
        %get3A_227 = arith.constant 0 : index
        %get3A_228 = tpu.vector_load %arg10[%get3A_226, %get3A_227] {strides = array<i32>} : memref<80x64xf32, #tpu.memory_space<vmem>>, vector<16xf32>,
        %mul3A_229 = arith.mulf %get3A_228, %gather3A_225 : vector<16xf32>
        %swap3A_230 = arith.index_cast %add3A_223 : i32 to index
        %swap3A_231 = arith.constant 0 : index
        %swap3A_232 = tpu.vector_load %arg10[%swap3A_230, %swap3A_231] {strides = array<i32>} : memref<80x64xf32, #tpu.memory_space<vmem>>, vector<16xf32>,
        tpu.vector_store %arg10[%swap3A_230, %swap3A_231], %mul3A_229 {strides = array<i32>} : memref<80x64xf32, #tpu.memory_space<vmem>>, vector<16xf32>,
        %get3A_233 = arith.index_cast %add3A_223 : i32 to index
        %get3A_234 = arith.constant 16 : index
        %get3A_235 = tpu.vector_load %arg10[%get3A_233, %get3A_234] {strides = array<i32>} : memref<80x64xf32, #tpu.memory_space<vmem>>, vector<16xf32>,
        %mul3A_236 = arith.mulf %get3A_235, %gather3A_225 : vector<16xf32>
        %swap3A_237 = arith.index_cast %add3A_223 : i32 to index
        %swap3A_238 = arith.constant 16 : index
        %swap3A_239 = tpu.vector_load %arg10[%swap3A_237, %swap3A_238] {strides = array<i32>} : memref<80x64xf32, #tpu.memory_space<vmem>>, vector<16xf32>,
        tpu.vector_store %arg10[%swap3A_237, %swap3A_238], %mul3A_236 {strides = array<i32>} : memref<80x64xf32, #tpu.memory_space<vmem>>, vector<16xf32>,
        %get3A_240 = arith.index_cast %add3A_223 : i32 to index
        %get3A_241 = arith.constant 32 : index
        %get3A_242 = tpu.vector_load %arg10[%get3A_240, %get3A_241] {strides = array<i32>} : memref<80x64xf32, #tpu.memory_space<vmem>>, vector<16xf32>,
        %mul3A_243 = arith.mulf %get3A_242, %gather3A_225 : vector<16xf32>
        %swap3A_244 = arith.index_cast %add3A_223 : i32 to index
        %swap3A_245 = arith.constant 32 : index
        %swap3A_246 = tpu.vector_load %arg10[%swap3A_244, %swap3A_245] {strides = array<i32>} : memref<80x64xf32, #tpu.memory_space<vmem>>, vector<16xf32>,
        tpu.vector_store %arg10[%swap3A_244, %swap3A_245], %mul3A_243 {strides = array<i32>} : memref<80x64xf32, #tpu.memory_space<vmem>>, vector<16xf32>,
        %get3A_247 = arith.index_cast %add3A_223 : i32 to index
        %get3A_248 = arith.constant 48 : index
        %get3A_249 = tpu.vector_load %arg10[%get3A_247, %get3A_248] {strides = array<i32>} : memref<80x64xf32, #tpu.memory_space<vmem>>, vector<16xf32>,
        %mul3A_250 = arith.mulf %get3A_249, %gather3A_225 : vector<16xf32>
        %swap3A_251 = arith.index_cast %add3A_223 : i32 to index
        %swap3A_252 = arith.constant 48 : index
        %swap3A_253 = tpu.vector_load %arg10[%swap3A_251, %swap3A_252] {strides = array<i32>} : memref<80x64xf32, #tpu.memory_space<vmem>>, vector<16xf32>,
        tpu.vector_store %arg10[%swap3A_251, %swap3A_252], %mul3A_250 {strides = array<i32>} : memref<80x64xf32, #tpu.memory_space<vmem>>, vector<16xf32>,
      }
      %scan3A_71 = arith.constant 80 : i32
      %dma_start3A_72 = arith.constant 0 : i32
      %dma_start3A_73 = tpu.memref_slice %arg9[%add3A_46, %dma_start3A_72] : memref<250x80xi32, #tpu.memory_space<vmem>> -> memref<1x80xi32, #tpu.memory_space<vmem>>
      %dma_start3A_74 = tpu.memref_squeeze %dma_start3A_73 : memref<1x80xi32, #tpu.memory_space<vmem>> -> memref<80xi32, #tpu.memory_space<vmem>>
      %dma_start3A_75 = arith.constant 0 : i32
      %dma_start3A_76 = arith.constant 0 : i32
      %dma_start3A_77 = tpu.memref_slice %arg13[%dma_start3A_75, %dma_start3A_76] : memref<10000x64xf32, #tpu.memory_space<vmem_shared>> -> memref<10000x64xf32, #tpu.memory_space<vmem_shared>>
      tpu.enqueue_indirect_dma source(%arg10 : memref<80x64xf32, #tpu.memory_space<vmem>>) target(%dma_start3A_77 : memref<10000x64xf32, #tpu.memory_space<vmem_shared>>) offsets(%dma_start3A_74 : memref<80xi32, #tpu.memory_space<vmem>>) semaphore(%arg16 : memref<!tpu.dma_semaphore, #tpu.memory_space<semaphore_mem>>) {add = true}
      %add3A_78 = arith.constant 1 : i32
      %add3A_79 = arith.addi %add3A_44, %add3A_78 : i32
      %ge3A_80 = arith.constant 1 : i32
      %ge3A_81 = arith.cmpi sge, %add3A_79, %ge3A_80 : i32
      %convert_element_type3A_82 = arith.extui %ge3A_81 : i1 to i32
      %cond3A_83 = arith.constant 0 : i32
      %cond3A_84 = arith.cmpi ne, %convert_element_type3A_82, %cond3A_83 : i32
      scf.if %cond3A_84 {
        %sub3A = arith.constant 1 : i32
        %sub3A_114 = arith.subi %add3A_79, %sub3A : i32
        %dma_wait3A_115 = arith.constant 0 : i32
        %dma_wait3A_116 = tpu.memref_slice %arg9[%sub3A_114, %dma_wait3A_115] : memref<250x80xi32, #tpu.memory_space<vmem>> -> memref<1x80xi32, #tpu.memory_space<vmem>>
        %dma_wait3A_117 = tpu.memref_squeeze %dma_wait3A_116 : memref<1x80xi32, #tpu.memory_space<vmem>> -> memref<80xi32, #tpu.memory_space<vmem>>
        %dma_wait3A_118 = arith.constant 0 : i32
        %dma_wait3A_119 = arith.constant 0 : i32
        %dma_wait3A_120 = tpu.memref_slice %arg13[%dma_wait3A_118, %dma_wait3A_119] : memref<10000x64xf32, #tpu.memory_space<vmem_shared>> -> memref<10000x64xf32, #tpu.memory_space<vmem_shared>>
        tpu.wait_indirect_dma semaphore(%arg16 : memref<!tpu.dma_semaphore, #tpu.memory_space<semaphore_mem>>) src(%arg10 : memref<80x64xf32, #tpu.memory_space<vmem>>) dst(%dma_wait3A_120 : memref<10000x64xf32, #tpu.memory_space<vmem_shared>>)
      } else {
      }
      %add3A_85 = arith.constant 1 : i32
      %add3A_86 = arith.addi %add3A_79, %add3A_85 : i32
      %lt3A_87 = arith.constant 250 : i32
      %lt3A_88 = arith.cmpi slt, %add3A_86, %lt3A_87 : i32
      %convert_element_type3A_89 = arith.extui %lt3A_88 : i1 to i32
      %cond3A_90 = arith.constant 0 : i32
      %cond3A_91 = arith.cmpi ne, %convert_element_type3A_89, %cond3A_90 : i32
      scf.if %cond3A_91 {
        %add3A_114 = arith.constant 1 : i32
        %add3A_115 = arith.addi %add3A_79, %add3A_114 : i32
        %dma_start3A_116 = arith.constant 0 : i32
        %dma_start3A_117 = tpu.memref_slice %arg7[%add3A_115, %dma_start3A_116] : memref<250x80xi32, #tpu.memory_space<vmem>> -> memref<1x80xi32, #tpu.memory_space<vmem>>
        %dma_start3A_118 = tpu.memref_squeeze %dma_start3A_117 : memref<1x80xi32, #tpu.memory_space<vmem>> -> memref<80xi32, #tpu.memory_space<vmem>>
        %dma_start3A_119 = arith.constant 0 : i32
        %dma_start3A_120 = arith.constant 0 : i32
        %dma_start3A_121 = tpu.memref_slice %arg2[%arg0, %dma_start3A_119, %dma_start3A_120] : memref<2x10000x64xf32, #tpu.memory_space<hbm>> -> memref<1x10000x64xf32, #tpu.memory_space<hbm>>
        %dma_start3A_122 = tpu.memref_squeeze %dma_start3A_121 : memref<1x10000x64xf32, #tpu.memory_space<hbm>> -> memref<10000x64xf32, #tpu.memory_space<hbm>>
        %dma_start3A_123 = arith.constant 0 : i32
        %dma_start3A_124 = arith.constant 0 : i32
        %dma_start3A_125 = tpu.memref_slice %dma_start3A_122[%dma_start3A_123, %dma_start3A_124] : memref<10000x64xf32, #tpu.memory_space<hbm>> -> memref<10000x64xf32, #tpu.memory_space<hbm>>
        tpu.enqueue_indirect_dma source(%dma_start3A_125 : memref<10000x64xf32, #tpu.memory_space<hbm>>) target(%arg10 : memref<80x64xf32, #tpu.memory_space<vmem>>) offsets(%dma_start3A_118 : memref<80xi32, #tpu.memory_space<vmem>>) semaphore(%arg14 : memref<!tpu.dma_semaphore, #tpu.memory_space<semaphore_mem>>)
      } else {
      }
      %dma_wait3A_92 = arith.constant 0 : i32
      %dma_wait3A_93 = tpu.memref_slice %arg7[%add3A_79, %dma_wait3A_92] : memref<250x80xi32, #tpu.memory_space<vmem>> -> memref<1x80xi32, #tpu.memory_space<vmem>>
      %dma_wait3A_94 = tpu.memref_squeeze %dma_wait3A_93 : memref<1x80xi32, #tpu.memory_space<vmem>> -> memref<80xi32, #tpu.memory_space<vmem>>
      %dma_wait3A_95 = arith.constant 0 : i32
      %dma_wait3A_96 = arith.constant 0 : i32
      %dma_wait3A_97 = tpu.memref_slice %arg2[%arg0, %dma_wait3A_95, %dma_wait3A_96] : memref<2x10000x64xf32, #tpu.memory_space<hbm>> -> memref<1x10000x64xf32, #tpu.memory_space<hbm>>
      %dma_wait3A_98 = tpu.memref_squeeze %dma_wait3A_97 : memref<1x10000x64xf32, #tpu.memory_space<hbm>> -> memref<10000x64xf32, #tpu.memory_space<hbm>>
      %dma_wait3A_99 = arith.constant 0 : i32
      %dma_wait3A_100 = arith.constant 0 : i32
      %dma_wait3A_101 = tpu.memref_slice %dma_wait3A_98[%dma_wait3A_99, %dma_wait3A_100] : memref<10000x64xf32, #tpu.memory_space<hbm>> -> memref<10000x64xf32, #tpu.memory_space<hbm>>
      tpu.wait_indirect_dma semaphore(%arg15 : memref<!tpu.dma_semaphore, #tpu.memory_space<semaphore_mem>>) src(%dma_wait3A_101 : memref<10000x64xf32, #tpu.memory_space<hbm>>) dst(%arg11 : memref<80x64xf32, #tpu.memory_space<vmem>>)
      %broadcast_in_dim3A_102 = vector.broadcast %add3A_79 : i32 to vector<16xi32>
      %scan3A_103 = arith.constant 0 : i32
      %scan3A_104 = arith.constant 80 : i32
      %scan3A_105 = arith.addi %scan3A_103, %scan3A_104 : i32
      %scan3A_106 = arith.constant 4 : i32
      scf.for %scan3A_114 = %scan3A_103 to %scan3A_105 step %scan3A_106  : i32 {
        %mul3A_115 = arith.constant 1 : i32
        %mul3A_116 = arith.muli %scan3A_114, %mul3A_115 : i32
        %add3A_117 = arith.constant 0 : i32
        %add3A_118 = arith.addi %add3A_117, %mul3A_116 : i32
        %broadcast_in_dim3A_119 = vector.broadcast %add3A_118 : i32 to vector<16xi32>
        %gather3A = tpu.vector_load_idx %arg8[%broadcast_in_dim3A_102, %broadcast_in_dim3A_119] : memref<250x80xf32, #tpu.memory_space<vmem>>[vector<16xi32>, vector<16xi32>], vector<16xf32>,
        %get3A = arith.index_cast %add3A_118 : i32 to index
        %get3A_120 = arith.constant 0 : index
        %get3A_121 = tpu.vector_load %arg11[%get3A, %get3A_120] {strides = array<i32>} : memref<80x64xf32, #tpu.memory_space<vmem>>, vector<16xf32>,
        %mul3A_122 = arith.mulf %get3A_121, %gather3A : vector<16xf32>
        %swap3A = arith.index_cast %add3A_118 : i32 to index
        %swap3A_123 = arith.constant 0 : index
        %swap3A_124 = tpu.vector_load %arg11[%swap3A, %swap3A_123] {strides = array<i32>} : memref<80x64xf32, #tpu.memory_space<vmem>>, vector<16xf32>,
        tpu.vector_store %arg11[%swap3A, %swap3A_123], %mul3A_122 {strides = array<i32>} : memref<80x64xf32, #tpu.memory_space<vmem>>, vector<16xf32>,
        %get3A_125 = arith.index_cast %add3A_118 : i32 to index
        %get3A_126 = arith.constant 16 : index
        %get3A_127 = tpu.vector_load %arg11[%get3A_125, %get3A_126] {strides = array<i32>} : memref<80x64xf32, #tpu.memory_space<vmem>>, vector<16xf32>,
        %mul3A_128 = arith.mulf %get3A_127, %gather3A : vector<16xf32>
        %swap3A_129 = arith.index_cast %add3A_118 : i32 to index
        %swap3A_130 = arith.constant 16 : index
        %swap3A_131 = tpu.vector_load %arg11[%swap3A_129, %swap3A_130] {strides = array<i32>} : memref<80x64xf32, #tpu.memory_space<vmem>>, vector<16xf32>,
        tpu.vector_store %arg11[%swap3A_129, %swap3A_130], %mul3A_128 {strides = array<i32>} : memref<80x64xf32, #tpu.memory_space<vmem>>, vector<16xf32>,
        %get3A_132 = arith.index_cast %add3A_118 : i32 to index
        %get3A_133 = arith.constant 32 : index
        %get3A_134 = tpu.vector_load %arg11[%get3A_132, %get3A_133] {strides = array<i32>} : memref<80x64xf32, #tpu.memory_space<vmem>>, vector<16xf32>,
        %mul3A_135 = arith.mulf %get3A_134, %gather3A : vector<16xf32>
        %swap3A_136 = arith.index_cast %add3A_118 : i32 to index
        %swap3A_137 = arith.constant 32 : index
        %swap3A_138 = tpu.vector_load %arg11[%swap3A_136, %swap3A_137] {strides = array<i32>} : memref<80x64xf32, #tpu.memory_space<vmem>>, vector<16xf32>,
        tpu.vector_store %arg11[%swap3A_136, %swap3A_137], %mul3A_135 {strides = array<i32>} : memref<80x64xf32, #tpu.memory_space<vmem>>, vector<16xf32>,
        %get3A_139 = arith.index_cast %add3A_118 : i32 to index
        %get3A_140 = arith.constant 48 : index
        %get3A_141 = tpu.vector_load %arg11[%get3A_139, %get3A_140] {strides = array<i32>} : memref<80x64xf32, #tpu.memory_space<vmem>>, vector<16xf32>,
        %mul3A_142 = arith.mulf %get3A_141, %gather3A : vector<16xf32>
        %swap3A_143 = arith.index_cast %add3A_118 : i32 to index
        %swap3A_144 = arith.constant 48 : index
        %swap3A_145 = tpu.vector_load %arg11[%swap3A_143, %swap3A_144] {strides = array<i32>} : memref<80x64xf32, #tpu.memory_space<vmem>>, vector<16xf32>,
        tpu.vector_store %arg11[%swap3A_143, %swap3A_144], %mul3A_142 {strides = array<i32>} : memref<80x64xf32, #tpu.memory_space<vmem>>, vector<16xf32>,
        %scan3A_146 = arith.constant 1 : i32
        %scan3A_147 = arith.addi %scan3A_114, %scan3A_146 : i32
        %mul3A_148 = arith.constant 1 : i32
        %mul3A_149 = arith.muli %scan3A_147, %mul3A_148 : i32
        %add3A_150 = arith.constant 0 : i32
        %add3A_151 = arith.addi %add3A_150, %mul3A_149 : i32
        %broadcast_in_dim3A_152 = vector.broadcast %add3A_151 : i32 to vector<16xi32>
        %gather3A_153 = tpu.vector_load_idx %arg8[%broadcast_in_dim3A_102, %broadcast_in_dim3A_152] : memref<250x80xf32, #tpu.memory_space<vmem>>[vector<16xi32>, vector<16xi32>], vector<16xf32>,
        %get3A_154 = arith.index_cast %add3A_151 : i32 to index
        %get3A_155 = arith.constant 0 : index
        %get3A_156 = tpu.vector_load %arg11[%get3A_154, %get3A_155] {strides = array<i32>} : memref<80x64xf32, #tpu.memory_space<vmem>>, vector<16xf32>,
        %mul3A_157 = arith.mulf %get3A_156, %gather3A_153 : vector<16xf32>
        %swap3A_158 = arith.index_cast %add3A_151 : i32 to index
        %swap3A_159 = arith.constant 0 : index
        %swap3A_160 = tpu.vector_load %arg11[%swap3A_158, %swap3A_159] {strides = array<i32>} : memref<80x64xf32, #tpu.memory_space<vmem>>, vector<16xf32>,
        tpu.vector_store %arg11[%swap3A_158, %swap3A_159], %mul3A_157 {strides = array<i32>} : memref<80x64xf32, #tpu.memory_space<vmem>>, vector<16xf32>,
        %get3A_161 = arith.index_cast %add3A_151 : i32 to index
        %get3A_162 = arith.constant 16 : index
        %get3A_163 = tpu.vector_load %arg11[%get3A_161, %get3A_162] {strides = array<i32>} : memref<80x64xf32, #tpu.memory_space<vmem>>, vector<16xf32>,
        %mul3A_164 = arith.mulf %get3A_163, %gather3A_153 : vector<16xf32>
        %swap3A_165 = arith.index_cast %add3A_151 : i32 to index
        %swap3A_166 = arith.constant 16 : index
        %swap3A_167 = tpu.vector_load %arg11[%swap3A_165, %swap3A_166] {strides = array<i32>} : memref<80x64xf32, #tpu.memory_space<vmem>>, vector<16xf32>,
        tpu.vector_store %arg11[%swap3A_165, %swap3A_166], %mul3A_164 {strides = array<i32>} : memref<80x64xf32, #tpu.memory_space<vmem>>, vector<16xf32>,
        %get3A_168 = arith.index_cast %add3A_151 : i32 to index
        %get3A_169 = arith.constant 32 : index
        %get3A_170 = tpu.vector_load %arg11[%get3A_168, %get3A_169] {strides = array<i32>} : memref<80x64xf32, #tpu.memory_space<vmem>>, vector<16xf32>,
        %mul3A_171 = arith.mulf %get3A_170, %gather3A_153 : vector<16xf32>
        %swap3A_172 = arith.index_cast %add3A_151 : i32 to index
        %swap3A_173 = arith.constant 32 : index
        %swap3A_174 = tpu.vector_load %arg11[%swap3A_172, %swap3A_173] {strides = array<i32>} : memref<80x64xf32, #tpu.memory_space<vmem>>, vector<16xf32>,
        tpu.vector_store %arg11[%swap3A_172, %swap3A_173], %mul3A_171 {strides = array<i32>} : memref<80x64xf32, #tpu.memory_space<vmem>>, vector<16xf32>,
        %get3A_175 = arith.index_cast %add3A_151 : i32 to index
        %get3A_176 = arith.constant 48 : index
        %get3A_177 = tpu.vector_load %arg11[%get3A_175, %get3A_176] {strides = array<i32>} : memref<80x64xf32, #tpu.memory_space<vmem>>, vector<16xf32>,
        %mul3A_178 = arith.mulf %get3A_177, %gather3A_153 : vector<16xf32>
        %swap3A_179 = arith.index_cast %add3A_151 : i32 to index
        %swap3A_180 = arith.constant 48 : index
        %swap3A_181 = tpu.vector_load %arg11[%swap3A_179, %swap3A_180] {strides = array<i32>} : memref<80x64xf32, #tpu.memory_space<vmem>>, vector<16xf32>,
        tpu.vector_store %arg11[%swap3A_179, %swap3A_180], %mul3A_178 {strides = array<i32>} : memref<80x64xf32, #tpu.memory_space<vmem>>, vector<16xf32>,
        %scan3A_182 = arith.constant 2 : i32
        %scan3A_183 = arith.addi %scan3A_114, %scan3A_182 : i32
        %mul3A_184 = arith.constant 1 : i32
        %mul3A_185 = arith.muli %scan3A_183, %mul3A_184 : i32
        %add3A_186 = arith.constant 0 : i32
        %add3A_187 = arith.addi %add3A_186, %mul3A_185 : i32
        %broadcast_in_dim3A_188 = vector.broadcast %add3A_187 : i32 to vector<16xi32>
        %gather3A_189 = tpu.vector_load_idx %arg8[%broadcast_in_dim3A_102, %broadcast_in_dim3A_188] : memref<250x80xf32, #tpu.memory_space<vmem>>[vector<16xi32>, vector<16xi32>], vector<16xf32>,
        %get3A_190 = arith.index_cast %add3A_187 : i32 to index
        %get3A_191 = arith.constant 0 : index
        %get3A_192 = tpu.vector_load %arg11[%get3A_190, %get3A_191] {strides = array<i32>} : memref<80x64xf32, #tpu.memory_space<vmem>>, vector<16xf32>,
        %mul3A_193 = arith.mulf %get3A_192, %gather3A_189 : vector<16xf32>
        %swap3A_194 = arith.index_cast %add3A_187 : i32 to index
        %swap3A_195 = arith.constant 0 : index
        %swap3A_196 = tpu.vector_load %arg11[%swap3A_194, %swap3A_195] {strides = array<i32>} : memref<80x64xf32, #tpu.memory_space<vmem>>, vector<16xf32>,
        tpu.vector_store %arg11[%swap3A_194, %swap3A_195], %mul3A_193 {strides = array<i32>} : memref<80x64xf32, #tpu.memory_space<vmem>>, vector<16xf32>,
        %get3A_197 = arith.index_cast %add3A_187 : i32 to index
        %get3A_198 = arith.constant 16 : index
        %get3A_199 = tpu.vector_load %arg11[%get3A_197, %get3A_198] {strides = array<i32>} : memref<80x64xf32, #tpu.memory_space<vmem>>, vector<16xf32>,
        %mul3A_200 = arith.mulf %get3A_199, %gather3A_189 : vector<16xf32>
        %swap3A_201 = arith.index_cast %add3A_187 : i32 to index
        %swap3A_202 = arith.constant 16 : index
        %swap3A_203 = tpu.vector_load %arg11[%swap3A_201, %swap3A_202] {strides = array<i32>} : memref<80x64xf32, #tpu.memory_space<vmem>>, vector<16xf32>,
        tpu.vector_store %arg11[%swap3A_201, %swap3A_202], %mul3A_200 {strides = array<i32>} : memref<80x64xf32, #tpu.memory_space<vmem>>, vector<16xf32>,
        %get3A_204 = arith.index_cast %add3A_187 : i32 to index
        %get3A_205 = arith.constant 32 : index
        %get3A_206 = tpu.vector_load %arg11[%get3A_204, %get3A_205] {strides = array<i32>} : memref<80x64xf32, #tpu.memory_space<vmem>>, vector<16xf32>,
        %mul3A_207 = arith.mulf %get3A_206, %gather3A_189 : vector<16xf32>
        %swap3A_208 = arith.index_cast %add3A_187 : i32 to index
        %swap3A_209 = arith.constant 32 : index
        %swap3A_210 = tpu.vector_load %arg11[%swap3A_208, %swap3A_209] {strides = array<i32>} : memref<80x64xf32, #tpu.memory_space<vmem>>, vector<16xf32>,
        tpu.vector_store %arg11[%swap3A_208, %swap3A_209], %mul3A_207 {strides = array<i32>} : memref<80x64xf32, #tpu.memory_space<vmem>>, vector<16xf32>,
        %get3A_211 = arith.index_cast %add3A_187 : i32 to index
        %get3A_212 = arith.constant 48 : index
        %get3A_213 = tpu.vector_load %arg11[%get3A_211, %get3A_212] {strides = array<i32>} : memref<80x64xf32, #tpu.memory_space<vmem>>, vector<16xf32>,
        %mul3A_214 = arith.mulf %get3A_213, %gather3A_189 : vector<16xf32>
        %swap3A_215 = arith.index_cast %add3A_187 : i32 to index
        %swap3A_216 = arith.constant 48 : index
        %swap3A_217 = tpu.vector_load %arg11[%swap3A_215, %swap3A_216] {strides = array<i32>} : memref<80x64xf32, #tpu.memory_space<vmem>>, vector<16xf32>,
        tpu.vector_store %arg11[%swap3A_215, %swap3A_216], %mul3A_214 {strides = array<i32>} : memref<80x64xf32, #tpu.memory_space<vmem>>, vector<16xf32>,
        %scan3A_218 = arith.constant 3 : i32
        %scan3A_219 = arith.addi %scan3A_114, %scan3A_218 : i32
        %mul3A_220 = arith.constant 1 : i32
        %mul3A_221 = arith.muli %scan3A_219, %mul3A_220 : i32
        %add3A_222 = arith.constant 0 : i32
        %add3A_223 = arith.addi %add3A_222, %mul3A_221 : i32
        %broadcast_in_dim3A_224 = vector.broadcast %add3A_223 : i32 to vector<16xi32>
        %gather3A_225 = tpu.vector_load_idx %arg8[%broadcast_in_dim3A_102, %broadcast_in_dim3A_224] : memref<250x80xf32, #tpu.memory_space<vmem>>[vector<16xi32>, vector<16xi32>], vector<16xf32>,
        %get3A_226 = arith.index_cast %add3A_223 : i32 to index
        %get3A_227 = arith.constant 0 : index
        %get3A_228 = tpu.vector_load %arg11[%get3A_226, %get3A_227] {strides = array<i32>} : memref<80x64xf32, #tpu.memory_space<vmem>>, vector<16xf32>,
        %mul3A_229 = arith.mulf %get3A_228, %gather3A_225 : vector<16xf32>
        %swap3A_230 = arith.index_cast %add3A_223 : i32 to index
        %swap3A_231 = arith.constant 0 : index
        %swap3A_232 = tpu.vector_load %arg11[%swap3A_230, %swap3A_231] {strides = array<i32>} : memref<80x64xf32, #tpu.memory_space<vmem>>, vector<16xf32>,
        tpu.vector_store %arg11[%swap3A_230, %swap3A_231], %mul3A_229 {strides = array<i32>} : memref<80x64xf32, #tpu.memory_space<vmem>>, vector<16xf32>,
        %get3A_233 = arith.index_cast %add3A_223 : i32 to index
        %get3A_234 = arith.constant 16 : index
        %get3A_235 = tpu.vector_load %arg11[%get3A_233, %get3A_234] {strides = array<i32>} : memref<80x64xf32, #tpu.memory_space<vmem>>, vector<16xf32>,
        %mul3A_236 = arith.mulf %get3A_235, %gather3A_225 : vector<16xf32>
        %swap3A_237 = arith.index_cast %add3A_223 : i32 to index
        %swap3A_238 = arith.constant 16 : index
        %swap3A_239 = tpu.vector_load %arg11[%swap3A_237, %swap3A_238] {strides = array<i32>} : memref<80x64xf32, #tpu.memory_space<vmem>>, vector<16xf32>,
        tpu.vector_store %arg11[%swap3A_237, %swap3A_238], %mul3A_236 {strides = array<i32>} : memref<80x64xf32, #tpu.memory_space<vmem>>, vector<16xf32>,
        %get3A_240 = arith.index_cast %add3A_223 : i32 to index
        %get3A_241 = arith.constant 32 : index
        %get3A_242 = tpu.vector_load %arg11[%get3A_240, %get3A_241] {strides = array<i32>} : memref<80x64xf32, #tpu.memory_space<vmem>>, vector<16xf32>,
        %mul3A_243 = arith.mulf %get3A_242, %gather3A_225 : vector<16xf32>
        %swap3A_244 = arith.index_cast %add3A_223 : i32 to index
        %swap3A_245 = arith.constant 32 : index
        %swap3A_246 = tpu.vector_load %arg11[%swap3A_244, %swap3A_245] {strides = array<i32>} : memref<80x64xf32, #tpu.memory_space<vmem>>, vector<16xf32>,
        tpu.vector_store %arg11[%swap3A_244, %swap3A_245], %mul3A_243 {strides = array<i32>} : memref<80x64xf32, #tpu.memory_space<vmem>>, vector<16xf32>,
        %get3A_247 = arith.index_cast %add3A_223 : i32 to index
        %get3A_248 = arith.constant 48 : index
        %get3A_249 = tpu.vector_load %arg11[%get3A_247, %get3A_248] {strides = array<i32>} : memref<80x64xf32, #tpu.memory_space<vmem>>, vector<16xf32>,
        %mul3A_250 = arith.mulf %get3A_249, %gather3A_225 : vector<16xf32>
        %swap3A_251 = arith.index_cast %add3A_223 : i32 to index
        %swap3A_252 = arith.constant 48 : index
        %swap3A_253 = tpu.vector_load %arg11[%swap3A_251, %swap3A_252] {strides = array<i32>} : memref<80x64xf32, #tpu.memory_space<vmem>>, vector<16xf32>,
        tpu.vector_store %arg11[%swap3A_251, %swap3A_252], %mul3A_250 {strides = array<i32>} : memref<80x64xf32, #tpu.memory_space<vmem>>, vector<16xf32>,
      }
      %scan3A_107 = arith.constant 80 : i32
      %dma_start3A_108 = arith.constant 0 : i32
      %dma_start3A_109 = tpu.memref_slice %arg9[%add3A_79, %dma_start3A_108] : memref<250x80xi32, #tpu.memory_space<vmem>> -> memref<1x80xi32, #tpu.memory_space<vmem>>
      %dma_start3A_110 = tpu.memref_squeeze %dma_start3A_109 : memref<1x80xi32, #tpu.memory_space<vmem>> -> memref<80xi32, #tpu.memory_space<vmem>>
      %dma_start3A_111 = arith.constant 0 : i32
      %dma_start3A_112 = arith.constant 0 : i32
      %dma_start3A_113 = tpu.memref_slice %arg13[%dma_start3A_111, %dma_start3A_112] : memref<10000x64xf32, #tpu.memory_space<vmem_shared>> -> memref<10000x64xf32, #tpu.memory_space<vmem_shared>>
      tpu.enqueue_indirect_dma source(%arg11 : memref<80x64xf32, #tpu.memory_space<vmem>>) target(%dma_start3A_113 : memref<10000x64xf32, #tpu.memory_space<vmem_shared>>) offsets(%dma_start3A_110 : memref<80xi32, #tpu.memory_space<vmem>>) semaphore(%arg17 : memref<!tpu.dma_semaphore, #tpu.memory_space<semaphore_mem>>) {add = true}
    }
    %scan3A_25 = arith.constant 125 : i32
    %dma_wait3A = arith.constant 249 : i32
    %dma_wait3A_26 = arith.constant 0 : i32
    %dma_wait3A_27 = tpu.memref_slice %arg9[%dma_wait3A, %dma_wait3A_26] : memref<250x80xi32, #tpu.memory_space<vmem>> -> memref<1x80xi32, #tpu.memory_space<vmem>>
    %dma_wait3A_28 = tpu.memref_squeeze %dma_wait3A_27 : memref<1x80xi32, #tpu.memory_space<vmem>> -> memref<80xi32, #tpu.memory_space<vmem>>
    %dma_wait3A_29 = arith.constant 0 : i32
    %dma_wait3A_30 = arith.constant 0 : i32
    %dma_wait3A_31 = tpu.memref_slice %arg13[%dma_wait3A_29, %dma_wait3A_30] : memref<10000x64xf32, #tpu.memory_space<vmem_shared>> -> memref<10000x64xf32, #tpu.memory_space<vmem_shared>>
    tpu.wait_indirect_dma semaphore(%arg17 : memref<!tpu.dma_semaphore, #tpu.memory_space<semaphore_mem>>) src(%arg11 : memref<80x64xf32, #tpu.memory_space<vmem>>) dst(%dma_wait3A_31 : memref<10000x64xf32, #tpu.memory_space<vmem_shared>>)
    %barrier3A_32 = arith.constant 0 : index
    tpu.barrier barrier_id(%barrier3A_32)
    %mul3A = arith.constant 624 : i32
    %mul3A_33 = arith.muli %arg1, %mul3A : i32
    %mul3A_34 = arith.constant 624 : i32
    %mul3A_35 = arith.muli %arg1, %mul3A_34 : i32
    "tpu.region"() ({
      %run_scoped3A = tpu.sem_alloc : memref<!tpu.dma_semaphore, #tpu.memory_space<semaphore_mem>>
      %dma_start3A_41 = arith.constant 0 : i32
      %dma_start3A_42 = arith.constant 0 : i32
      %dma_start3A_43 = tpu.memref_slice %arg6[%arg0, %dma_start3A_41, %dma_start3A_42] : memref<2x10000x64xf32, #tpu.memory_space<hbm>> -> memref<1x10000x64xf32, #tpu.memory_space<hbm>>
      %dma_start3A_44 = tpu.memref_squeeze %dma_start3A_43 : memref<1x10000x64xf32, #tpu.memory_space<hbm>> -> memref<10000x64xf32, #tpu.memory_space<hbm>>
      %dma_start3A_45 = arith.constant 0 : i32
      %dma_start3A_46 = tpu.memref_slice %dma_start3A_44[%mul3A_35, %dma_start3A_45] : memref<10000x64xf32, #tpu.memory_space<hbm>> -> memref<624x64xf32, #tpu.memory_space<hbm>>
      %dma_start3A_47 = arith.constant 0 : i32
      %dma_start3A_48 = tpu.memref_slice %arg13[%mul3A_33, %dma_start3A_47] : memref<10000x64xf32, #tpu.memory_space<vmem_shared>> -> memref<624x64xf32, #tpu.memory_space<vmem_shared>>
      tpu.enqueue_dma source(%dma_start3A_48 : memref<624x64xf32, #tpu.memory_space<vmem_shared>>) target(%dma_start3A_46 : memref<624x64xf32, #tpu.memory_space<hbm>>) target_semaphore(%run_scoped3A : memref<!tpu.dma_semaphore, #tpu.memory_space<semaphore_mem>>)
      %dma_wait3A_49 = arith.constant 0 : i32
      %dma_wait3A_50 = arith.constant 0 : i32
      %dma_wait3A_51 = tpu.memref_slice %arg6[%arg0, %dma_wait3A_49, %dma_wait3A_50] : memref<2x10000x64xf32, #tpu.memory_space<hbm>> -> memref<1x10000x64xf32, #tpu.memory_space<hbm>>
      %dma_wait3A_52 = tpu.memref_squeeze %dma_wait3A_51 : memref<1x10000x64xf32, #tpu.memory_space<hbm>> -> memref<10000x64xf32, #tpu.memory_space<hbm>>
      %dma_wait3A_53 = arith.constant 0 : i32
      %dma_wait3A_54 = tpu.memref_slice %dma_wait3A_52[%mul3A_35, %dma_wait3A_53] : memref<10000x64xf32, #tpu.memory_space<hbm>> -> memref<624x64xf32, #tpu.memory_space<hbm>>
      %dma_wait3A_55 = arith.constant 0 : i32
      %dma_wait3A_56 = tpu.memref_slice %arg13[%mul3A_33, %dma_wait3A_55] : memref<10000x64xf32, #tpu.memory_space<vmem_shared>> -> memref<624x64xf32, #tpu.memory_space<vmem_shared>>
      tpu.wait_dma2 semaphore(%run_scoped3A : memref<!tpu.dma_semaphore, #tpu.memory_space<semaphore_mem>>) src(%dma_wait3A_56 : memref<624x64xf32, #tpu.memory_space<vmem_shared>>) dst(%dma_wait3A_54 : memref<624x64xf32, #tpu.memory_space<hbm>>)
      tpu.yield
    }) : () -> ()
    %eq3A_36 = arith.constant 0 : i32
    %eq3A_37 = arith.cmpi eq, %arg1, %eq3A_36 : i32
    %convert_element_type3A_38 = arith.extui %eq3A_37 : i1 to i32
    %cond3A_39 = arith.constant 0 : i32
    %cond3A_40 = arith.cmpi ne, %convert_element_type3A_38, %cond3A_39 : i32
    scf.if %cond3A_40 {
      "tpu.region"() ({
        %run_scoped3A = tpu.sem_alloc : memref<!tpu.dma_semaphore, #tpu.memory_space<semaphore_mem>>
        %dma_start3A_41 = arith.constant 0 : i32
        %dma_start3A_42 = arith.constant 0 : i32
        %dma_start3A_43 = tpu.memref_slice %arg6[%arg0, %dma_start3A_41, %dma_start3A_42] : memref<2x10000x64xf32, #tpu.memory_space<hbm>> -> memref<1x10000x64xf32, #tpu.memory_space<hbm>>
        %dma_start3A_44 = tpu.memref_squeeze %dma_start3A_43 : memref<1x10000x64xf32, #tpu.memory_space<hbm>> -> memref<10000x64xf32, #tpu.memory_space<hbm>>
        %dma_start3A_45 = arith.constant 9984 : i32
        %dma_start3A_46 = arith.constant 0 : i32
        %dma_start3A_47 = tpu.memref_slice %dma_start3A_44[%dma_start3A_45, %dma_start3A_46] : memref<10000x64xf32, #tpu.memory_space<hbm>> -> memref<16x64xf32, #tpu.memory_space<hbm>>
        %dma_start3A_48 = arith.constant 9984 : i32
        %dma_start3A_49 = arith.constant 0 : i32
        %dma_start3A_50 = tpu.memref_slice %arg13[%dma_start3A_48, %dma_start3A_49] : memref<10000x64xf32, #tpu.memory_space<vmem_shared>> -> memref<16x64xf32, #tpu.memory_space<vmem_shared>>
        tpu.enqueue_dma source(%dma_start3A_50 : memref<16x64xf32, #tpu.memory_space<vmem_shared>>) target(%dma_start3A_47 : memref<16x64xf32, #tpu.memory_space<hbm>>) target_semaphore(%run_scoped3A : memref<!tpu.dma_semaphore, #tpu.memory_space<semaphore_mem>>)
        %dma_wait3A_51 = arith.constant 0 : i32
        %dma_wait3A_52 = arith.constant 0 : i32
        %dma_wait3A_53 = tpu.memref_slice %arg6[%arg0, %dma_wait3A_51, %dma_wait3A_52] : memref<2x10000x64xf32, #tpu.memory_space<hbm>> -> memref<1x10000x64xf32, #tpu.memory_space<hbm>>
        %dma_wait3A_54 = tpu.memref_squeeze %dma_wait3A_53 : memref<1x10000x64xf32, #tpu.memory_space<hbm>> -> memref<10000x64xf32, #tpu.memory_space<hbm>>
        %dma_wait3A_55 = arith.constant 9984 : i32
        %dma_wait3A_56 = arith.constant 0 : i32
        %dma_wait3A_57 = tpu.memref_slice %dma_wait3A_54[%dma_wait3A_55, %dma_wait3A_56] : memref<10000x64xf32, #tpu.memory_space<hbm>> -> memref<16x64xf32, #tpu.memory_space<hbm>>
        %dma_wait3A_58 = arith.constant 9984 : i32
        %dma_wait3A_59 = arith.constant 0 : i32
        %dma_wait3A_60 = tpu.memref_slice %arg13[%dma_wait3A_58, %dma_wait3A_59] : memref<10000x64xf32, #tpu.memory_space<vmem_shared>> -> memref<16x64xf32, #tpu.memory_space<vmem_shared>>
        tpu.wait_dma2 semaphore(%run_scoped3A : memref<!tpu.dma_semaphore, #tpu.memory_space<semaphore_mem>>) src(%dma_wait3A_60 : memref<16x64xf32, #tpu.memory_space<vmem_shared>>) dst(%dma_wait3A_57 : memref<16x64xf32, #tpu.memory_space<hbm>>)
        tpu.yield
      }) : () -> ()
    } else {
    }
    return
  }
}

#map = affine_map<(d0, d1) -> (0, 0, 0)>
module attributes {stable_mosaic.version = 14 : i64} {
  func.func @_scatter_body(%arg0: i32, %arg1: i32, %arg2: memref<2x10000x64xf32, #tpu.memory_space<hbm>>, %arg3: memref<16x250x80xi32, #tpu.memory_space<hbm>>, %arg4: memref<16x250x80xi32, #tpu.memory_space<hbm>>, %arg5: memref<16x250x80xf32, #tpu.memory_space<hbm>>, %arg6: memref<2x10000x64xf32, #tpu.memory_space<hbm>>, %arg7: memref<250x80xi32, #tpu.memory_space<vmem>>, %arg8: memref<250x80xf32, #tpu.memory_space<vmem>>, %arg9: memref<250x80xi32, #tpu.memory_space<vmem>>, %arg10: memref<80x64xf32, #tpu.memory_space<vmem>>, %arg11: memref<80x64xf32, #tpu.memory_space<vmem>>, %arg12: memref<208x64xf32, #tpu.memory_space<vmem>>, %arg13: memref<10000x64xf32, #tpu.memory_space<vmem_shared>>, %arg14: memref<!tpu.dma_semaphore, #tpu.memory_space<semaphore_mem>>, %arg15: memref<!tpu.dma_semaphore, #tpu.memory_space<semaphore_mem>>, %arg16: memref<!tpu.dma_semaphore, #tpu.memory_space<semaphore_mem>>, %arg17: memref<!tpu.dma_semaphore, #tpu.memory_space<semaphore_mem>>) attributes {dimension_semantics = [#tpu.dimension_semantics<core_parallel>, #tpu.dimension_semantics<subcore_parallel>], iteration_bounds = array<i64: 2, 16>, scalar_prefetch = 0 : i64, scratch_operands = 11 : i64, tpu.core_type = #tpu.core_type<sc_vector_subcore>, window_params = [{transform_indices = #map}, {transform_indices = #map}, {transform_indices = #map}, {transform_indices = #map}, {transform_indices = #map}]} {
    "tpu.region"() ({
      %run_scoped3A = tpu.sem_alloc : memref<!tpu.dma_semaphore, #tpu.memory_space<semaphore_mem>>
      %dma_start3A_41 = arith.constant 0 : i32
      %dma_start3A_42 = arith.constant 0 : i32
      %dma_start3A_43 = tpu.memref_slice %arg3[%arg1, %dma_start3A_41, %dma_start3A_42] : memref<16x250x80xi32, #tpu.memory_space<hbm>> -> memref<1x250x80xi32, #tpu.memory_space<hbm>>
      %dma_start3A_44 = tpu.memref_squeeze %dma_start3A_43 : memref<1x250x80xi32, #tpu.memory_space<hbm>> -> memref<250x80xi32, #tpu.memory_space<hbm>>
      %dma_start3A_45 = arith.constant 0 : i32
      %dma_start3A_46 = arith.constant 0 : i32
      %dma_start3A_47 = tpu.memref_slice %arg3[%arg1, %dma_start3A_45, %dma_start3A_46] : memref<16x250x80xi32, #tpu.memory_space<hbm>> -> memref<1x250x80xi32, #tpu.memory_space<hbm>>
      %dma_start3A_48 = tpu.memref_squeeze %dma_start3A_47 : memref<1x250x80xi32, #tpu.memory_space<hbm>> -> memref<250x80xi32, #tpu.memory_space<hbm>>
      tpu.enqueue_dma source(%dma_start3A_48 : memref<250x80xi32, #tpu.memory_space<hbm>>) target(%arg7 : memref<250x80xi32, #tpu.memory_space<vmem>>) target_semaphore(%run_scoped3A : memref<!tpu.dma_semaphore, #tpu.memory_space<semaphore_mem>>)
      %dma_wait3A_49 = arith.constant 0 : i32
      %dma_wait3A_50 = arith.constant 0 : i32
      %dma_wait3A_51 = tpu.memref_slice %arg3[%arg1, %dma_wait3A_49, %dma_wait3A_50] : memref<16x250x80xi32, #tpu.memory_space<hbm>> -> memref<1x250x80xi32, #tpu.memory_space<hbm>>
      %dma_wait3A_52 = tpu.memref_squeeze %dma_wait3A_51 : memref<1x250x80xi32, #tpu.memory_space<hbm>> -> memref<250x80xi32, #tpu.memory_space<hbm>>
      %dma_wait3A_53 = arith.constant 0 : i32
      %dma_wait3A_54 = arith.constant 0 : i32
      %dma_wait3A_55 = tpu.memref_slice %arg3[%arg1, %dma_wait3A_53, %dma_wait3A_54] : memref<16x250x80xi32, #tpu.memory_space<hbm>> -> memref<1x250x80xi32, #tpu.memory_space<hbm>>
      %dma_wait3A_56 = tpu.memref_squeeze %dma_wait3A_55 : memref<1x250x80xi32, #tpu.memory_space<hbm>> -> memref<250x80xi32, #tpu.memory_space<hbm>>
      tpu.wait_dma2 semaphore(%run_scoped3A : memref<!tpu.dma_semaphore, #tpu.memory_space<semaphore_mem>>) src(%dma_wait3A_56 : memref<250x80xi32, #tpu.memory_space<hbm>>) dst(%arg7 : memref<250x80xi32, #tpu.memory_space<vmem>>)
      tpu.yield
    }) : () -> ()
    "tpu.region"() ({
      %run_scoped3A = tpu.sem_alloc : memref<!tpu.dma_semaphore, #tpu.memory_space<semaphore_mem>>
      %dma_start3A_41 = arith.constant 0 : i32
      %dma_start3A_42 = arith.constant 0 : i32
      %dma_start3A_43 = tpu.memref_slice %arg5[%arg1, %dma_start3A_41, %dma_start3A_42] : memref<16x250x80xf32, #tpu.memory_space<hbm>> -> memref<1x250x80xf32, #tpu.memory_space<hbm>>
      %dma_start3A_44 = tpu.memref_squeeze %dma_start3A_43 : memref<1x250x80xf32, #tpu.memory_space<hbm>> -> memref<250x80xf32, #tpu.memory_space<hbm>>
      %dma_start3A_45 = arith.constant 0 : i32
      %dma_start3A_46 = arith.constant 0 : i32
      %dma_start3A_47 = tpu.memref_slice %arg5[%arg1, %dma_start3A_45, %dma_start3A_46] : memref<16x250x80xf32, #tpu.memory_space<hbm>> -> memref<1x250x80xf32, #tpu.memory_space<hbm>>
      %dma_start3A_48 = tpu.memref_squeeze %dma_start3A_47 : memref<1x250x80xf32, #tpu.memory_space<hbm>> -> memref<250x80xf32, #tpu.memory_space<hbm>>
      tpu.enqueue_dma source(%dma_start3A_48 : memref<250x80xf32, #tpu.memory_space<hbm>>) target(%arg8 : memref<250x80xf32, #tpu.memory_space<vmem>>) target_semaphore(%run_scoped3A : memref<!tpu.dma_semaphore, #tpu.memory_space<semaphore_mem>>)
      %dma_wait3A_49 = arith.constant 0 : i32
      %dma_wait3A_50 = arith.constant 0 : i32
      %dma_wait3A_51 = tpu.memref_slice %arg5[%arg1, %dma_wait3A_49, %dma_wait3A_50] : memref<16x250x80xf32, #tpu.memory_space<hbm>> -> memref<1x250x80xf32, #tpu.memory_space<hbm>>
      %dma_wait3A_52 = tpu.memref_squeeze %dma_wait3A_51 : memref<1x250x80xf32, #tpu.memory_space<hbm>> -> memref<250x80xf32, #tpu.memory_space<hbm>>
      %dma_wait3A_53 = arith.constant 0 : i32
      %dma_wait3A_54 = arith.constant 0 : i32
      %dma_wait3A_55 = tpu.memref_slice %arg5[%arg1, %dma_wait3A_53, %dma_wait3A_54] : memref<16x250x80xf32, #tpu.memory_space<hbm>> -> memref<1x250x80xf32, #tpu.memory_space<hbm>>
      %dma_wait3A_56 = tpu.memref_squeeze %dma_wait3A_55 : memref<1x250x80xf32, #tpu.memory_space<hbm>> -> memref<250x80xf32, #tpu.memory_space<hbm>>
      tpu.wait_dma2 semaphore(%run_scoped3A : memref<!tpu.dma_semaphore, #tpu.memory_space<semaphore_mem>>) src(%dma_wait3A_56 : memref<250x80xf32, #tpu.memory_space<hbm>>) dst(%arg8 : memref<250x80xf32, #tpu.memory_space<vmem>>)
      tpu.yield
    }) : () -> ()
    "tpu.region"() ({
      %run_scoped3A = tpu.sem_alloc : memref<!tpu.dma_semaphore, #tpu.memory_space<semaphore_mem>>
      %dma_start3A_41 = arith.constant 0 : i32
      %dma_start3A_42 = arith.constant 0 : i32
      %dma_start3A_43 = tpu.memref_slice %arg4[%arg1, %dma_start3A_41, %dma_start3A_42] : memref<16x250x80xi32, #tpu.memory_space<hbm>> -> memref<1x250x80xi32, #tpu.memory_space<hbm>>
      %dma_start3A_44 = tpu.memref_squeeze %dma_start3A_43 : memref<1x250x80xi32, #tpu.memory_space<hbm>> -> memref<250x80xi32, #tpu.memory_space<hbm>>
      %dma_start3A_45 = arith.constant 0 : i32
      %dma_start3A_46 = arith.constant 0 : i32
      %dma_start3A_47 = tpu.memref_slice %arg4[%arg1, %dma_start3A_45, %dma_start3A_46] : memref<16x250x80xi32, #tpu.memory_space<hbm>> -> memref<1x250x80xi32, #tpu.memory_space<hbm>>
      %dma_start3A_48 = tpu.memref_squeeze %dma_start3A_47 : memref<1x250x80xi32, #tpu.memory_space<hbm>> -> memref<250x80xi32, #tpu.memory_space<hbm>>
      tpu.enqueue_dma source(%dma_start3A_48 : memref<250x80xi32, #tpu.memory_space<hbm>>) target(%arg9 : memref<250x80xi32, #tpu.memory_space<vmem>>) target_semaphore(%run_scoped3A : memref<!tpu.dma_semaphore, #tpu.memory_space<semaphore_mem>>)
      %dma_wait3A_49 = arith.constant 0 : i32
      %dma_wait3A_50 = arith.constant 0 : i32
      %dma_wait3A_51 = tpu.memref_slice %arg4[%arg1, %dma_wait3A_49, %dma_wait3A_50] : memref<16x250x80xi32, #tpu.memory_space<hbm>> -> memref<1x250x80xi32, #tpu.memory_space<hbm>>
      %dma_wait3A_52 = tpu.memref_squeeze %dma_wait3A_51 : memref<1x250x80xi32, #tpu.memory_space<hbm>> -> memref<250x80xi32, #tpu.memory_space<hbm>>
      %dma_wait3A_53 = arith.constant 0 : i32
      %dma_wait3A_54 = arith.constant 0 : i32
      %dma_wait3A_55 = tpu.memref_slice %arg4[%arg1, %dma_wait3A_53, %dma_wait3A_54] : memref<16x250x80xi32, #tpu.memory_space<hbm>> -> memref<1x250x80xi32, #tpu.memory_space<hbm>>
      %dma_wait3A_56 = tpu.memref_squeeze %dma_wait3A_55 : memref<1x250x80xi32, #tpu.memory_space<hbm>> -> memref<250x80xi32, #tpu.memory_space<hbm>>
      tpu.wait_dma2 semaphore(%run_scoped3A : memref<!tpu.dma_semaphore, #tpu.memory_space<semaphore_mem>>) src(%dma_wait3A_56 : memref<250x80xi32, #tpu.memory_space<hbm>>) dst(%arg9 : memref<250x80xi32, #tpu.memory_space<vmem>>)
      tpu.yield
    }) : () -> ()
    %scan3A = arith.constant 0 : i32
    %scan3A_0 = arith.constant 208 : i32
    %scan3A_1 = arith.addi %scan3A, %scan3A_0 : i32
    %scan3A_2 = arith.constant 1 : i32
    scf.for %scan3A_41 = %scan3A to %scan3A_1 step %scan3A_2  : i32 {
      %mul3A_42 = arith.constant 1 : i32
      %mul3A_43 = arith.muli %scan3A_41, %mul3A_42 : i32
      %add3A = arith.constant 0 : i32
      %add3A_44 = arith.addi %add3A, %mul3A_43 : i32
      %broadcast_in_dim3A = arith.constant 0.000000e+00 : f32
      %broadcast_in_dim3A_45 = vector.broadcast %broadcast_in_dim3A : f32 to vector<16xf32>
      %swap3A = arith.index_cast %add3A_44 : i32 to index
      %swap3A_46 = arith.constant 0 : index
      %swap3A_47 = tpu.vector_load %arg12[%swap3A, %swap3A_46] {strides = array<i32>} : memref<208x64xf32, #tpu.memory_space<vmem>>, vector<16xf32>,
      tpu.vector_store %arg12[%swap3A, %swap3A_46], %broadcast_in_dim3A_45 {strides = array<i32>} : memref<208x64xf32, #tpu.memory_space<vmem>>, vector<16xf32>,
      %broadcast_in_dim3A_48 = arith.constant 0.000000e+00 : f32
      %broadcast_in_dim3A_49 = vector.broadcast %broadcast_in_dim3A_48 : f32 to vector<16xf32>
      %swap3A_50 = arith.index_cast %add3A_44 : i32 to index
      %swap3A_51 = arith.constant 16 : index
      %swap3A_52 = tpu.vector_load %arg12[%swap3A_50, %swap3A_51] {strides = array<i32>} : memref<208x64xf32, #tpu.memory_space<vmem>>, vector<16xf32>,
      tpu.vector_store %arg12[%swap3A_50, %swap3A_51], %broadcast_in_dim3A_49 {strides = array<i32>} : memref<208x64xf32, #tpu.memory_space<vmem>>, vector<16xf32>,
      %broadcast_in_dim3A_53 = arith.constant 0.000000e+00 : f32
      %broadcast_in_dim3A_54 = vector.broadcast %broadcast_in_dim3A_53 : f32 to vector<16xf32>
      %swap3A_55 = arith.index_cast %add3A_44 : i32 to index
      %swap3A_56 = arith.constant 32 : index
      %swap3A_57 = tpu.vector_load %arg12[%swap3A_55, %swap3A_56] {strides = array<i32>} : memref<208x64xf32, #tpu.memory_space<vmem>>, vector<16xf32>,
      tpu.vector_store %arg12[%swap3A_55, %swap3A_56], %broadcast_in_dim3A_54 {strides = array<i32>} : memref<208x64xf32, #tpu.memory_space<vmem>>, vector<16xf32>,
      %broadcast_in_dim3A_58 = arith.constant 0.000000e+00 : f32
      %broadcast_in_dim3A_59 = vector.broadcast %broadcast_in_dim3A_58 : f32 to vector<16xf32>
      %swap3A_60 = arith.index_cast %add3A_44 : i32 to index
      %swap3A_61 = arith.constant 48 : index
      %swap3A_62 = tpu.vector_load %arg12[%swap3A_60, %swap3A_61] {strides = array<i32>} : memref<208x64xf32, #tpu.memory_space<vmem>>, vector<16xf32>,
      tpu.vector_store %arg12[%swap3A_60, %swap3A_61], %broadcast_in_dim3A_59 {strides = array<i32>} : memref<208x64xf32, #tpu.memory_space<vmem>>, vector<16xf32>,
    }
    %scan3A_3 = arith.constant 208 : i32
    %scan3A_4 = arith.constant 0 : i32
    %scan3A_5 = arith.constant 3 : i32
    %scan3A_6 = arith.addi %scan3A_4, %scan3A_5 : i32
    %scan3A_7 = arith.constant 1 : i32
    scf.for %scan3A_41 = %scan3A_4 to %scan3A_6 step %scan3A_7  : i32 {
      %mul3A_42 = arith.constant 1 : i32
      %mul3A_43 = arith.muli %scan3A_41, %mul3A_42 : i32
      %add3A = arith.constant 0 : i32
      %add3A_44 = arith.addi %add3A, %mul3A_43 : i32
      %mul3A_45 = arith.constant 624 : i32
      %mul3A_46 = arith.muli %arg1, %mul3A_45 : i32
      %mul3A_47 = arith.constant 208 : i32
      %mul3A_48 = arith.muli %add3A_44, %mul3A_47 : i32
      %add3A_49 = arith.addi %mul3A_46, %mul3A_48 : i32
      "tpu.region"() ({
        %run_scoped3A = tpu.sem_alloc : memref<!tpu.dma_semaphore, #tpu.memory_space<semaphore_mem>>
        %dma_start3A_50 = arith.constant 0 : i32
        %dma_start3A_51 = tpu.memref_slice %arg13[%add3A_49, %dma_start3A_50] : memref<10000x64xf32, #tpu.memory_space<vmem_shared>> -> memref<208x64xf32, #tpu.memory_space<vmem_shared>>
        %dma_start3A_52 = arith.constant 0 : i32
        %dma_start3A_53 = tpu.memref_slice %arg13[%add3A_49, %dma_start3A_52] : memref<10000x64xf32, #tpu.memory_space<vmem_shared>> -> memref<208x64xf32, #tpu.memory_space<vmem_shared>>
        tpu.enqueue_dma source(%arg12 : memref<208x64xf32, #tpu.memory_space<vmem>>) target(%dma_start3A_53 : memref<208x64xf32, #tpu.memory_space<vmem_shared>>) target_semaphore(%run_scoped3A : memref<!tpu.dma_semaphore, #tpu.memory_space<semaphore_mem>>)
        %dma_wait3A_54 = arith.constant 0 : i32
        %dma_wait3A_55 = tpu.memref_slice %arg13[%add3A_49, %dma_wait3A_54] : memref<10000x64xf32, #tpu.memory_space<vmem_shared>> -> memref<208x64xf32, #tpu.memory_space<vmem_shared>>
        %dma_wait3A_56 = arith.constant 0 : i32
        %dma_wait3A_57 = tpu.memref_slice %arg13[%add3A_49, %dma_wait3A_56] : memref<10000x64xf32, #tpu.memory_space<vmem_shared>> -> memref<208x64xf32, #tpu.memory_space<vmem_shared>>
        tpu.wait_dma2 semaphore(%run_scoped3A : memref<!tpu.dma_semaphore, #tpu.memory_space<semaphore_mem>>) src(%arg12 : memref<208x64xf32, #tpu.memory_space<vmem>>) dst(%dma_wait3A_57 : memref<208x64xf32, #tpu.memory_space<vmem_shared>>)
        tpu.yield
      }) : () -> ()
    }
    %scan3A_8 = arith.constant 3 : i32
    %eq3A = arith.constant 0 : i32
    %eq3A_9 = arith.cmpi eq, %arg1, %eq3A : i32
    %convert_element_type3A = arith.extui %eq3A_9 : i1 to i32
    %cond3A = arith.constant 0 : i32
    %cond3A_10 = arith.cmpi ne, %convert_element_type3A, %cond3A : i32
    scf.if %cond3A_10 {
      "tpu.region"() ({
        %run_scoped3A = tpu.sem_alloc : memref<!tpu.dma_semaphore, #tpu.memory_space<semaphore_mem>>
        %dma_start3A_41 = arith.constant 0 : i32
        %dma_start3A_42 = arith.constant 0 : i32
        %dma_start3A_43 = tpu.memref_slice %arg12[%dma_start3A_41, %dma_start3A_42] : memref<208x64xf32, #tpu.memory_space<vmem>> -> memref<16x64xf32, #tpu.memory_space<vmem>>
        %dma_start3A_44 = arith.constant 9984 : i32
        %dma_start3A_45 = arith.constant 0 : i32
        %dma_start3A_46 = tpu.memref_slice %arg13[%dma_start3A_44, %dma_start3A_45] : memref<10000x64xf32, #tpu.memory_space<vmem_shared>> -> memref<16x64xf32, #tpu.memory_space<vmem_shared>>
        %dma_start3A_47 = arith.constant 9984 : i32
        %dma_start3A_48 = arith.constant 0 : i32
        %dma_start3A_49 = tpu.memref_slice %arg13[%dma_start3A_47, %dma_start3A_48] : memref<10000x64xf32, #tpu.memory_space<vmem_shared>> -> memref<16x64xf32, #tpu.memory_space<vmem_shared>>
        %dma_start3A_50 = arith.constant 0 : i32
        %dma_start3A_51 = arith.constant 0 : i32
        %dma_start3A_52 = tpu.memref_slice %arg12[%dma_start3A_50, %dma_start3A_51] : memref<208x64xf32, #tpu.memory_space<vmem>> -> memref<16x64xf32, #tpu.memory_space<vmem>>
        tpu.enqueue_dma source(%dma_start3A_52 : memref<16x64xf32, #tpu.memory_space<vmem>>) target(%dma_start3A_49 : memref<16x64xf32, #tpu.memory_space<vmem_shared>>) target_semaphore(%run_scoped3A : memref<!tpu.dma_semaphore, #tpu.memory_space<semaphore_mem>>)
        %dma_wait3A_53 = arith.constant 0 : i32
        %dma_wait3A_54 = arith.constant 0 : i32
        %dma_wait3A_55 = tpu.memref_slice %arg12[%dma_wait3A_53, %dma_wait3A_54] : memref<208x64xf32, #tpu.memory_space<vmem>> -> memref<16x64xf32, #tpu.memory_space<vmem>>
        %dma_wait3A_56 = arith.constant 9984 : i32
        %dma_wait3A_57 = arith.constant 0 : i32
        %dma_wait3A_58 = tpu.memref_slice %arg13[%dma_wait3A_56, %dma_wait3A_57] : memref<10000x64xf32, #tpu.memory_space<vmem_shared>> -> memref<16x64xf32, #tpu.memory_space<vmem_shared>>
        %dma_wait3A_59 = arith.constant 9984 : i32
        %dma_wait3A_60 = arith.constant 0 : i32
        %dma_wait3A_61 = tpu.memref_slice %arg13[%dma_wait3A_59, %dma_wait3A_60] : memref<10000x64xf32, #tpu.memory_space<vmem_shared>> -> memref<16x64xf32, #tpu.memory_space<vmem_shared>>
        %dma_wait3A_62 = arith.constant 0 : i32
        %dma_wait3A_63 = arith.constant 0 : i32
        %dma_wait3A_64 = tpu.memref_slice %arg12[%dma_wait3A_62, %dma_wait3A_63] : memref<208x64xf32, #tpu.memory_space<vmem>> -> memref<16x64xf32, #tpu.memory_space<vmem>>
        tpu.wait_dma2 semaphore(%run_scoped3A : memref<!tpu.dma_semaphore, #tpu.memory_space<semaphore_mem>>) src(%dma_wait3A_64 : memref<16x64xf32, #tpu.memory_space<vmem>>) dst(%dma_wait3A_61 : memref<16x64xf32, #tpu.memory_space<vmem_shared>>)
        tpu.yield
      }) : () -> ()
    } else {
    }
    %barrier3A = arith.constant 0 : index
    tpu.barrier barrier_id(%barrier3A)
    %dma_start3A = arith.constant 0 : i32
    %dma_start3A_11 = arith.constant 0 : i32
    %dma_start3A_12 = tpu.memref_slice %arg7[%dma_start3A, %dma_start3A_11] : memref<250x80xi32, #tpu.memory_space<vmem>> -> memref<1x80xi32, #tpu.memory_space<vmem>>
    %dma_start3A_13 = tpu.memref_squeeze %dma_start3A_12 : memref<1x80xi32, #tpu.memory_space<vmem>> -> memref<80xi32, #tpu.memory_space<vmem>>
    %dma_start3A_14 = arith.constant 0 : i32
    %dma_start3A_15 = arith.constant 0 : i32
    %dma_start3A_16 = tpu.memref_slice %arg2[%arg0, %dma_start3A_14, %dma_start3A_15] : memref<2x10000x64xf32, #tpu.memory_space<hbm>> -> memref<1x10000x64xf32, #tpu.memory_space<hbm>>
    %dma_start3A_17 = tpu.memref_squeeze %dma_start3A_16 : memref<1x10000x64xf32, #tpu.memory_space<hbm>> -> memref<10000x64xf32, #tpu.memory_space<hbm>>
    %dma_start3A_18 = arith.constant 0 : i32
    %dma_start3A_19 = arith.constant 0 : i32
    %dma_start3A_20 = tpu.memref_slice %dma_start3A_17[%dma_start3A_18, %dma_start3A_19] : memref<10000x64xf32, #tpu.memory_space<hbm>> -> memref<10000x64xf32, #tpu.memory_space<hbm>>
    tpu.enqueue_indirect_dma source(%dma_start3A_20 : memref<10000x64xf32, #tpu.memory_space<hbm>>) target(%arg10 : memref<80x64xf32, #tpu.memory_space<vmem>>) offsets(%dma_start3A_13 : memref<80xi32, #tpu.memory_space<vmem>>) semaphore(%arg14 : memref<!tpu.dma_semaphore, #tpu.memory_space<semaphore_mem>>)
    %scan3A_21 = arith.constant 0 : i32
    %scan3A_22 = arith.constant 125 : i32
    %scan3A_23 = arith.addi %scan3A_21, %scan3A_22 : i32
    %scan3A_24 = arith.constant 1 : i32
    scf.for %scan3A_41 = %scan3A_21 to %scan3A_23 step %scan3A_24  : i32 {
      %mul3A_42 = arith.constant 2 : i32
      %mul3A_43 = arith.muli %scan3A_41, %mul3A_42 : i32
      %add3A = arith.constant 0 : i32
      %add3A_44 = arith.addi %add3A, %mul3A_43 : i32
      %add3A_45 = arith.constant 0 : i32
      %add3A_46 = arith.addi %add3A_44, %add3A_45 : i32
      %ge3A = arith.constant 1 : i32
      %ge3A_47 = arith.cmpi sge, %add3A_46, %ge3A : i32
      %convert_element_type3A_48 = arith.extui %ge3A_47 : i1 to i32
      %cond3A_49 = arith.constant 0 : i32
      %cond3A_50 = arith.cmpi ne, %convert_element_type3A_48, %cond3A_49 : i32
      scf.if %cond3A_50 {
        %sub3A = arith.constant 1 : i32
        %sub3A_114 = arith.subi %add3A_46, %sub3A : i32
        %dma_wait3A_115 = arith.constant 0 : i32
        %dma_wait3A_116 = tpu.memref_slice %arg9[%sub3A_114, %dma_wait3A_115] : memref<250x80xi32, #tpu.memory_space<vmem>> -> memref<1x80xi32, #tpu.memory_space<vmem>>
        %dma_wait3A_117 = tpu.memref_squeeze %dma_wait3A_116 : memref<1x80xi32, #tpu.memory_space<vmem>> -> memref<80xi32, #tpu.memory_space<vmem>>
        %dma_wait3A_118 = arith.constant 0 : i32
        %dma_wait3A_119 = arith.constant 0 : i32
        %dma_wait3A_120 = tpu.memref_slice %arg13[%dma_wait3A_118, %dma_wait3A_119] : memref<10000x64xf32, #tpu.memory_space<vmem_shared>> -> memref<10000x64xf32, #tpu.memory_space<vmem_shared>>
        tpu.wait_indirect_dma semaphore(%arg17 : memref<!tpu.dma_semaphore, #tpu.memory_space<semaphore_mem>>) src(%arg11 : memref<80x64xf32, #tpu.memory_space<vmem>>) dst(%dma_wait3A_120 : memref<10000x64xf32, #tpu.memory_space<vmem_shared>>)
      } else {
      }
      %add3A_51 = arith.constant 1 : i32
      %add3A_52 = arith.addi %add3A_46, %add3A_51 : i32
      %lt3A = arith.constant 250 : i32
      %lt3A_53 = arith.cmpi slt, %add3A_52, %lt3A : i32
      %convert_element_type3A_54 = arith.extui %lt3A_53 : i1 to i32
      %cond3A_55 = arith.constant 0 : i32
      %cond3A_56 = arith.cmpi ne, %convert_element_type3A_54, %cond3A_55 : i32
      scf.if %cond3A_56 {
        %add3A_114 = arith.constant 1 : i32
        %add3A_115 = arith.addi %add3A_46, %add3A_114 : i32
        %dma_start3A_116 = arith.constant 0 : i32
        %dma_start3A_117 = tpu.memref_slice %arg7[%add3A_115, %dma_start3A_116] : memref<250x80xi32, #tpu.memory_space<vmem>> -> memref<1x80xi32, #tpu.memory_space<vmem>>
        %dma_start3A_118 = tpu.memref_squeeze %dma_start3A_117 : memref<1x80xi32, #tpu.memory_space<vmem>> -> memref<80xi32, #tpu.memory_space<vmem>>
        %dma_start3A_119 = arith.constant 0 : i32
        %dma_start3A_120 = arith.constant 0 : i32
        %dma_start3A_121 = tpu.memref_slice %arg2[%arg0, %dma_start3A_119, %dma_start3A_120] : memref<2x10000x64xf32, #tpu.memory_space<hbm>> -> memref<1x10000x64xf32, #tpu.memory_space<hbm>>
        %dma_start3A_122 = tpu.memref_squeeze %dma_start3A_121 : memref<1x10000x64xf32, #tpu.memory_space<hbm>> -> memref<10000x64xf32, #tpu.memory_space<hbm>>
        %dma_start3A_123 = arith.constant 0 : i32
        %dma_start3A_124 = arith.constant 0 : i32
        %dma_start3A_125 = tpu.memref_slice %dma_start3A_122[%dma_start3A_123, %dma_start3A_124] : memref<10000x64xf32, #tpu.memory_space<hbm>> -> memref<10000x64xf32, #tpu.memory_space<hbm>>
        tpu.enqueue_indirect_dma source(%dma_start3A_125 : memref<10000x64xf32, #tpu.memory_space<hbm>>) target(%arg11 : memref<80x64xf32, #tpu.memory_space<vmem>>) offsets(%dma_start3A_118 : memref<80xi32, #tpu.memory_space<vmem>>) semaphore(%arg15 : memref<!tpu.dma_semaphore, #tpu.memory_space<semaphore_mem>>)
      } else {
      }
      %dma_wait3A_57 = arith.constant 0 : i32
      %dma_wait3A_58 = tpu.memref_slice %arg7[%add3A_46, %dma_wait3A_57] : memref<250x80xi32, #tpu.memory_space<vmem>> -> memref<1x80xi32, #tpu.memory_space<vmem>>
      %dma_wait3A_59 = tpu.memref_squeeze %dma_wait3A_58 : memref<1x80xi32, #tpu.memory_space<vmem>> -> memref<80xi32, #tpu.memory_space<vmem>>
      %dma_wait3A_60 = arith.constant 0 : i32
      %dma_wait3A_61 = arith.constant 0 : i32
      %dma_wait3A_62 = tpu.memref_slice %arg2[%arg0, %dma_wait3A_60, %dma_wait3A_61] : memref<2x10000x64xf32, #tpu.memory_space<hbm>> -> memref<1x10000x64xf32, #tpu.memory_space<hbm>>
      %dma_wait3A_63 = tpu.memref_squeeze %dma_wait3A_62 : memref<1x10000x64xf32, #tpu.memory_space<hbm>> -> memref<10000x64xf32, #tpu.memory_space<hbm>>
      %dma_wait3A_64 = arith.constant 0 : i32
      %dma_wait3A_65 = arith.constant 0 : i32
      %dma_wait3A_66 = tpu.memref_slice %dma_wait3A_63[%dma_wait3A_64, %dma_wait3A_65] : memref<10000x64xf32, #tpu.memory_space<hbm>> -> memref<10000x64xf32, #tpu.memory_space<hbm>>
      tpu.wait_indirect_dma semaphore(%arg14 : memref<!tpu.dma_semaphore, #tpu.memory_space<semaphore_mem>>) src(%dma_wait3A_66 : memref<10000x64xf32, #tpu.memory_space<hbm>>) dst(%arg10 : memref<80x64xf32, #tpu.memory_space<vmem>>)
      %broadcast_in_dim3A = vector.broadcast %add3A_46 : i32 to vector<16xi32>
      %scan3A_67 = arith.constant 0 : i32
      %scan3A_68 = arith.constant 80 : i32
      %scan3A_69 = arith.addi %scan3A_67, %scan3A_68 : i32
      %scan3A_70 = arith.constant 4 : i32
      scf.for %scan3A_114 = %scan3A_67 to %scan3A_69 step %scan3A_70  : i32 {
        %mul3A_115 = arith.constant 1 : i32
        %mul3A_116 = arith.muli %scan3A_114, %mul3A_115 : i32
        %add3A_117 = arith.constant 0 : i32
        %add3A_118 = arith.addi %add3A_117, %mul3A_116 : i32
        %broadcast_in_dim3A_119 = vector.broadcast %add3A_118 : i32 to vector<16xi32>
        %gather3A = tpu.vector_load_idx %arg8[%broadcast_in_dim3A, %broadcast_in_dim3A_119] : memref<250x80xf32, #tpu.memory_space<vmem>>[vector<16xi32>, vector<16xi32>], vector<16xf32>,
        %get3A = arith.index_cast %add3A_118 : i32 to index
        %get3A_120 = arith.constant 0 : index
        %get3A_121 = tpu.vector_load %arg10[%get3A, %get3A_120] {strides = array<i32>} : memref<80x64xf32, #tpu.memory_space<vmem>>, vector<16xf32>,
        %mul3A_122 = arith.mulf %get3A_121, %gather3A : vector<16xf32>
        %swap3A = arith.index_cast %add3A_118 : i32 to index
        %swap3A_123 = arith.constant 0 : index
        %swap3A_124 = tpu.vector_load %arg10[%swap3A, %swap3A_123] {strides = array<i32>} : memref<80x64xf32, #tpu.memory_space<vmem>>, vector<16xf32>,
        tpu.vector_store %arg10[%swap3A, %swap3A_123], %mul3A_122 {strides = array<i32>} : memref<80x64xf32, #tpu.memory_space<vmem>>, vector<16xf32>,
        %get3A_125 = arith.index_cast %add3A_118 : i32 to index
        %get3A_126 = arith.constant 16 : index
        %get3A_127 = tpu.vector_load %arg10[%get3A_125, %get3A_126] {strides = array<i32>} : memref<80x64xf32, #tpu.memory_space<vmem>>, vector<16xf32>,
        %mul3A_128 = arith.mulf %get3A_127, %gather3A : vector<16xf32>
        %swap3A_129 = arith.index_cast %add3A_118 : i32 to index
        %swap3A_130 = arith.constant 16 : index
        %swap3A_131 = tpu.vector_load %arg10[%swap3A_129, %swap3A_130] {strides = array<i32>} : memref<80x64xf32, #tpu.memory_space<vmem>>, vector<16xf32>,
        tpu.vector_store %arg10[%swap3A_129, %swap3A_130], %mul3A_128 {strides = array<i32>} : memref<80x64xf32, #tpu.memory_space<vmem>>, vector<16xf32>,
        %get3A_132 = arith.index_cast %add3A_118 : i32 to index
        %get3A_133 = arith.constant 32 : index
        %get3A_134 = tpu.vector_load %arg10[%get3A_132, %get3A_133] {strides = array<i32>} : memref<80x64xf32, #tpu.memory_space<vmem>>, vector<16xf32>,
        %mul3A_135 = arith.mulf %get3A_134, %gather3A : vector<16xf32>
        %swap3A_136 = arith.index_cast %add3A_118 : i32 to index
        %swap3A_137 = arith.constant 32 : index
        %swap3A_138 = tpu.vector_load %arg10[%swap3A_136, %swap3A_137] {strides = array<i32>} : memref<80x64xf32, #tpu.memory_space<vmem>>, vector<16xf32>,
        tpu.vector_store %arg10[%swap3A_136, %swap3A_137], %mul3A_135 {strides = array<i32>} : memref<80x64xf32, #tpu.memory_space<vmem>>, vector<16xf32>,
        %get3A_139 = arith.index_cast %add3A_118 : i32 to index
        %get3A_140 = arith.constant 48 : index
        %get3A_141 = tpu.vector_load %arg10[%get3A_139, %get3A_140] {strides = array<i32>} : memref<80x64xf32, #tpu.memory_space<vmem>>, vector<16xf32>,
        %mul3A_142 = arith.mulf %get3A_141, %gather3A : vector<16xf32>
        %swap3A_143 = arith.index_cast %add3A_118 : i32 to index
        %swap3A_144 = arith.constant 48 : index
        %swap3A_145 = tpu.vector_load %arg10[%swap3A_143, %swap3A_144] {strides = array<i32>} : memref<80x64xf32, #tpu.memory_space<vmem>>, vector<16xf32>,
        tpu.vector_store %arg10[%swap3A_143, %swap3A_144], %mul3A_142 {strides = array<i32>} : memref<80x64xf32, #tpu.memory_space<vmem>>, vector<16xf32>,
        %scan3A_146 = arith.constant 1 : i32
        %scan3A_147 = arith.addi %scan3A_114, %scan3A_146 : i32
        %mul3A_148 = arith.constant 1 : i32
        %mul3A_149 = arith.muli %scan3A_147, %mul3A_148 : i32
        %add3A_150 = arith.constant 0 : i32
        %add3A_151 = arith.addi %add3A_150, %mul3A_149 : i32
        %broadcast_in_dim3A_152 = vector.broadcast %add3A_151 : i32 to vector<16xi32>
        %gather3A_153 = tpu.vector_load_idx %arg8[%broadcast_in_dim3A, %broadcast_in_dim3A_152] : memref<250x80xf32, #tpu.memory_space<vmem>>[vector<16xi32>, vector<16xi32>], vector<16xf32>,
        %get3A_154 = arith.index_cast %add3A_151 : i32 to index
        %get3A_155 = arith.constant 0 : index
        %get3A_156 = tpu.vector_load %arg10[%get3A_154, %get3A_155] {strides = array<i32>} : memref<80x64xf32, #tpu.memory_space<vmem>>, vector<16xf32>,
        %mul3A_157 = arith.mulf %get3A_156, %gather3A_153 : vector<16xf32>
        %swap3A_158 = arith.index_cast %add3A_151 : i32 to index
        %swap3A_159 = arith.constant 0 : index
        %swap3A_160 = tpu.vector_load %arg10[%swap3A_158, %swap3A_159] {strides = array<i32>} : memref<80x64xf32, #tpu.memory_space<vmem>>, vector<16xf32>,
        tpu.vector_store %arg10[%swap3A_158, %swap3A_159], %mul3A_157 {strides = array<i32>} : memref<80x64xf32, #tpu.memory_space<vmem>>, vector<16xf32>,
        %get3A_161 = arith.index_cast %add3A_151 : i32 to index
        %get3A_162 = arith.constant 16 : index
        %get3A_163 = tpu.vector_load %arg10[%get3A_161, %get3A_162] {strides = array<i32>} : memref<80x64xf32, #tpu.memory_space<vmem>>, vector<16xf32>,
        %mul3A_164 = arith.mulf %get3A_163, %gather3A_153 : vector<16xf32>
        %swap3A_165 = arith.index_cast %add3A_151 : i32 to index
        %swap3A_166 = arith.constant 16 : index
        %swap3A_167 = tpu.vector_load %arg10[%swap3A_165, %swap3A_166] {strides = array<i32>} : memref<80x64xf32, #tpu.memory_space<vmem>>, vector<16xf32>,
        tpu.vector_store %arg10[%swap3A_165, %swap3A_166], %mul3A_164 {strides = array<i32>} : memref<80x64xf32, #tpu.memory_space<vmem>>, vector<16xf32>,
        %get3A_168 = arith.index_cast %add3A_151 : i32 to index
        %get3A_169 = arith.constant 32 : index
        %get3A_170 = tpu.vector_load %arg10[%get3A_168, %get3A_169] {strides = array<i32>} : memref<80x64xf32, #tpu.memory_space<vmem>>, vector<16xf32>,
        %mul3A_171 = arith.mulf %get3A_170, %gather3A_153 : vector<16xf32>
        %swap3A_172 = arith.index_cast %add3A_151 : i32 to index
        %swap3A_173 = arith.constant 32 : index
        %swap3A_174 = tpu.vector_load %arg10[%swap3A_172, %swap3A_173] {strides = array<i32>} : memref<80x64xf32, #tpu.memory_space<vmem>>, vector<16xf32>,
        tpu.vector_store %arg10[%swap3A_172, %swap3A_173], %mul3A_171 {strides = array<i32>} : memref<80x64xf32, #tpu.memory_space<vmem>>, vector<16xf32>,
        %get3A_175 = arith.index_cast %add3A_151 : i32 to index
        %get3A_176 = arith.constant 48 : index
        %get3A_177 = tpu.vector_load %arg10[%get3A_175, %get3A_176] {strides = array<i32>} : memref<80x64xf32, #tpu.memory_space<vmem>>, vector<16xf32>,
        %mul3A_178 = arith.mulf %get3A_177, %gather3A_153 : vector<16xf32>
        %swap3A_179 = arith.index_cast %add3A_151 : i32 to index
        %swap3A_180 = arith.constant 48 : index
        %swap3A_181 = tpu.vector_load %arg10[%swap3A_179, %swap3A_180] {strides = array<i32>} : memref<80x64xf32, #tpu.memory_space<vmem>>, vector<16xf32>,
        tpu.vector_store %arg10[%swap3A_179, %swap3A_180], %mul3A_178 {strides = array<i32>} : memref<80x64xf32, #tpu.memory_space<vmem>>, vector<16xf32>,
        %scan3A_182 = arith.constant 2 : i32
        %scan3A_183 = arith.addi %scan3A_114, %scan3A_182 : i32
        %mul3A_184 = arith.constant 1 : i32
        %mul3A_185 = arith.muli %scan3A_183, %mul3A_184 : i32
        %add3A_186 = arith.constant 0 : i32
        %add3A_187 = arith.addi %add3A_186, %mul3A_185 : i32
        %broadcast_in_dim3A_188 = vector.broadcast %add3A_187 : i32 to vector<16xi32>
        %gather3A_189 = tpu.vector_load_idx %arg8[%broadcast_in_dim3A, %broadcast_in_dim3A_188] : memref<250x80xf32, #tpu.memory_space<vmem>>[vector<16xi32>, vector<16xi32>], vector<16xf32>,
        %get3A_190 = arith.index_cast %add3A_187 : i32 to index
        %get3A_191 = arith.constant 0 : index
        %get3A_192 = tpu.vector_load %arg10[%get3A_190, %get3A_191] {strides = array<i32>} : memref<80x64xf32, #tpu.memory_space<vmem>>, vector<16xf32>,
        %mul3A_193 = arith.mulf %get3A_192, %gather3A_189 : vector<16xf32>
        %swap3A_194 = arith.index_cast %add3A_187 : i32 to index
        %swap3A_195 = arith.constant 0 : index
        %swap3A_196 = tpu.vector_load %arg10[%swap3A_194, %swap3A_195] {strides = array<i32>} : memref<80x64xf32, #tpu.memory_space<vmem>>, vector<16xf32>,
        tpu.vector_store %arg10[%swap3A_194, %swap3A_195], %mul3A_193 {strides = array<i32>} : memref<80x64xf32, #tpu.memory_space<vmem>>, vector<16xf32>,
        %get3A_197 = arith.index_cast %add3A_187 : i32 to index
        %get3A_198 = arith.constant 16 : index
        %get3A_199 = tpu.vector_load %arg10[%get3A_197, %get3A_198] {strides = array<i32>} : memref<80x64xf32, #tpu.memory_space<vmem>>, vector<16xf32>,
        %mul3A_200 = arith.mulf %get3A_199, %gather3A_189 : vector<16xf32>
        %swap3A_201 = arith.index_cast %add3A_187 : i32 to index
        %swap3A_202 = arith.constant 16 : index
        %swap3A_203 = tpu.vector_load %arg10[%swap3A_201, %swap3A_202] {strides = array<i32>} : memref<80x64xf32, #tpu.memory_space<vmem>>, vector<16xf32>,
        tpu.vector_store %arg10[%swap3A_201, %swap3A_202], %mul3A_200 {strides = array<i32>} : memref<80x64xf32, #tpu.memory_space<vmem>>, vector<16xf32>,
        %get3A_204 = arith.index_cast %add3A_187 : i32 to index
        %get3A_205 = arith.constant 32 : index
        %get3A_206 = tpu.vector_load %arg10[%get3A_204, %get3A_205] {strides = array<i32>} : memref<80x64xf32, #tpu.memory_space<vmem>>, vector<16xf32>,
        %mul3A_207 = arith.mulf %get3A_206, %gather3A_189 : vector<16xf32>
        %swap3A_208 = arith.index_cast %add3A_187 : i32 to index
        %swap3A_209 = arith.constant 32 : index
        %swap3A_210 = tpu.vector_load %arg10[%swap3A_208, %swap3A_209] {strides = array<i32>} : memref<80x64xf32, #tpu.memory_space<vmem>>, vector<16xf32>,
        tpu.vector_store %arg10[%swap3A_208, %swap3A_209], %mul3A_207 {strides = array<i32>} : memref<80x64xf32, #tpu.memory_space<vmem>>, vector<16xf32>,
        %get3A_211 = arith.index_cast %add3A_187 : i32 to index
        %get3A_212 = arith.constant 48 : index
        %get3A_213 = tpu.vector_load %arg10[%get3A_211, %get3A_212] {strides = array<i32>} : memref<80x64xf32, #tpu.memory_space<vmem>>, vector<16xf32>,
        %mul3A_214 = arith.mulf %get3A_213, %gather3A_189 : vector<16xf32>
        %swap3A_215 = arith.index_cast %add3A_187 : i32 to index
        %swap3A_216 = arith.constant 48 : index
        %swap3A_217 = tpu.vector_load %arg10[%swap3A_215, %swap3A_216] {strides = array<i32>} : memref<80x64xf32, #tpu.memory_space<vmem>>, vector<16xf32>,
        tpu.vector_store %arg10[%swap3A_215, %swap3A_216], %mul3A_214 {strides = array<i32>} : memref<80x64xf32, #tpu.memory_space<vmem>>, vector<16xf32>,
        %scan3A_218 = arith.constant 3 : i32
        %scan3A_219 = arith.addi %scan3A_114, %scan3A_218 : i32
        %mul3A_220 = arith.constant 1 : i32
        %mul3A_221 = arith.muli %scan3A_219, %mul3A_220 : i32
        %add3A_222 = arith.constant 0 : i32
        %add3A_223 = arith.addi %add3A_222, %mul3A_221 : i32
        %broadcast_in_dim3A_224 = vector.broadcast %add3A_223 : i32 to vector<16xi32>
        %gather3A_225 = tpu.vector_load_idx %arg8[%broadcast_in_dim3A, %broadcast_in_dim3A_224] : memref<250x80xf32, #tpu.memory_space<vmem>>[vector<16xi32>, vector<16xi32>], vector<16xf32>,
        %get3A_226 = arith.index_cast %add3A_223 : i32 to index
        %get3A_227 = arith.constant 0 : index
        %get3A_228 = tpu.vector_load %arg10[%get3A_226, %get3A_227] {strides = array<i32>} : memref<80x64xf32, #tpu.memory_space<vmem>>, vector<16xf32>,
        %mul3A_229 = arith.mulf %get3A_228, %gather3A_225 : vector<16xf32>
        %swap3A_230 = arith.index_cast %add3A_223 : i32 to index
        %swap3A_231 = arith.constant 0 : index
        %swap3A_232 = tpu.vector_load %arg10[%swap3A_230, %swap3A_231] {strides = array<i32>} : memref<80x64xf32, #tpu.memory_space<vmem>>, vector<16xf32>,
        tpu.vector_store %arg10[%swap3A_230, %swap3A_231], %mul3A_229 {strides = array<i32>} : memref<80x64xf32, #tpu.memory_space<vmem>>, vector<16xf32>,
        %get3A_233 = arith.index_cast %add3A_223 : i32 to index
        %get3A_234 = arith.constant 16 : index
        %get3A_235 = tpu.vector_load %arg10[%get3A_233, %get3A_234] {strides = array<i32>} : memref<80x64xf32, #tpu.memory_space<vmem>>, vector<16xf32>,
        %mul3A_236 = arith.mulf %get3A_235, %gather3A_225 : vector<16xf32>
        %swap3A_237 = arith.index_cast %add3A_223 : i32 to index
        %swap3A_238 = arith.constant 16 : index
        %swap3A_239 = tpu.vector_load %arg10[%swap3A_237, %swap3A_238] {strides = array<i32>} : memref<80x64xf32, #tpu.memory_space<vmem>>, vector<16xf32>,
        tpu.vector_store %arg10[%swap3A_237, %swap3A_238], %mul3A_236 {strides = array<i32>} : memref<80x64xf32, #tpu.memory_space<vmem>>, vector<16xf32>,
        %get3A_240 = arith.index_cast %add3A_223 : i32 to index
        %get3A_241 = arith.constant 32 : index
        %get3A_242 = tpu.vector_load %arg10[%get3A_240, %get3A_241] {strides = array<i32>} : memref<80x64xf32, #tpu.memory_space<vmem>>, vector<16xf32>,
        %mul3A_243 = arith.mulf %get3A_242, %gather3A_225 : vector<16xf32>
        %swap3A_244 = arith.index_cast %add3A_223 : i32 to index
        %swap3A_245 = arith.constant 32 : index
        %swap3A_246 = tpu.vector_load %arg10[%swap3A_244, %swap3A_245] {strides = array<i32>} : memref<80x64xf32, #tpu.memory_space<vmem>>, vector<16xf32>,
        tpu.vector_store %arg10[%swap3A_244, %swap3A_245], %mul3A_243 {strides = array<i32>} : memref<80x64xf32, #tpu.memory_space<vmem>>, vector<16xf32>,
        %get3A_247 = arith.index_cast %add3A_223 : i32 to index
        %get3A_248 = arith.constant 48 : index
        %get3A_249 = tpu.vector_load %arg10[%get3A_247, %get3A_248] {strides = array<i32>} : memref<80x64xf32, #tpu.memory_space<vmem>>, vector<16xf32>,
        %mul3A_250 = arith.mulf %get3A_249, %gather3A_225 : vector<16xf32>
        %swap3A_251 = arith.index_cast %add3A_223 : i32 to index
        %swap3A_252 = arith.constant 48 : index
        %swap3A_253 = tpu.vector_load %arg10[%swap3A_251, %swap3A_252] {strides = array<i32>} : memref<80x64xf32, #tpu.memory_space<vmem>>, vector<16xf32>,
        tpu.vector_store %arg10[%swap3A_251, %swap3A_252], %mul3A_250 {strides = array<i32>} : memref<80x64xf32, #tpu.memory_space<vmem>>, vector<16xf32>,
      }
      %scan3A_71 = arith.constant 80 : i32
      %dma_start3A_72 = arith.constant 0 : i32
      %dma_start3A_73 = tpu.memref_slice %arg9[%add3A_46, %dma_start3A_72] : memref<250x80xi32, #tpu.memory_space<vmem>> -> memref<1x80xi32, #tpu.memory_space<vmem>>
      %dma_start3A_74 = tpu.memref_squeeze %dma_start3A_73 : memref<1x80xi32, #tpu.memory_space<vmem>> -> memref<80xi32, #tpu.memory_space<vmem>>
      %dma_start3A_75 = arith.constant 0 : i32
      %dma_start3A_76 = arith.constant 0 : i32
      %dma_start3A_77 = tpu.memref_slice %arg13[%dma_start3A_75, %dma_start3A_76] : memref<10000x64xf32, #tpu.memory_space<vmem_shared>> -> memref<10000x64xf32, #tpu.memory_space<vmem_shared>>
      tpu.enqueue_indirect_dma source(%arg10 : memref<80x64xf32, #tpu.memory_space<vmem>>) target(%dma_start3A_77 : memref<10000x64xf32, #tpu.memory_space<vmem_shared>>) offsets(%dma_start3A_74 : memref<80xi32, #tpu.memory_space<vmem>>) semaphore(%arg16 : memref<!tpu.dma_semaphore, #tpu.memory_space<semaphore_mem>>) {add = true}
      %add3A_78 = arith.constant 1 : i32
      %add3A_79 = arith.addi %add3A_44, %add3A_78 : i32
      %ge3A_80 = arith.constant 1 : i32
      %ge3A_81 = arith.cmpi sge, %add3A_79, %ge3A_80 : i32
      %convert_element_type3A_82 = arith.extui %ge3A_81 : i1 to i32
      %cond3A_83 = arith.constant 0 : i32
      %cond3A_84 = arith.cmpi ne, %convert_element_type3A_82, %cond3A_83 : i32
      scf.if %cond3A_84 {
        %sub3A = arith.constant 1 : i32
        %sub3A_114 = arith.subi %add3A_79, %sub3A : i32
        %dma_wait3A_115 = arith.constant 0 : i32
        %dma_wait3A_116 = tpu.memref_slice %arg9[%sub3A_114, %dma_wait3A_115] : memref<250x80xi32, #tpu.memory_space<vmem>> -> memref<1x80xi32, #tpu.memory_space<vmem>>
        %dma_wait3A_117 = tpu.memref_squeeze %dma_wait3A_116 : memref<1x80xi32, #tpu.memory_space<vmem>> -> memref<80xi32, #tpu.memory_space<vmem>>
        %dma_wait3A_118 = arith.constant 0 : i32
        %dma_wait3A_119 = arith.constant 0 : i32
        %dma_wait3A_120 = tpu.memref_slice %arg13[%dma_wait3A_118, %dma_wait3A_119] : memref<10000x64xf32, #tpu.memory_space<vmem_shared>> -> memref<10000x64xf32, #tpu.memory_space<vmem_shared>>
        tpu.wait_indirect_dma semaphore(%arg16 : memref<!tpu.dma_semaphore, #tpu.memory_space<semaphore_mem>>) src(%arg10 : memref<80x64xf32, #tpu.memory_space<vmem>>) dst(%dma_wait3A_120 : memref<10000x64xf32, #tpu.memory_space<vmem_shared>>)
      } else {
      }
      %add3A_85 = arith.constant 1 : i32
      %add3A_86 = arith.addi %add3A_79, %add3A_85 : i32
      %lt3A_87 = arith.constant 250 : i32
      %lt3A_88 = arith.cmpi slt, %add3A_86, %lt3A_87 : i32
      %convert_element_type3A_89 = arith.extui %lt3A_88 : i1 to i32
      %cond3A_90 = arith.constant 0 : i32
      %cond3A_91 = arith.cmpi ne, %convert_element_type3A_89, %cond3A_90 : i32
      scf.if %cond3A_91 {
        %add3A_114 = arith.constant 1 : i32
        %add3A_115 = arith.addi %add3A_79, %add3A_114 : i32
        %dma_start3A_116 = arith.constant 0 : i32
        %dma_start3A_117 = tpu.memref_slice %arg7[%add3A_115, %dma_start3A_116] : memref<250x80xi32, #tpu.memory_space<vmem>> -> memref<1x80xi32, #tpu.memory_space<vmem>>
        %dma_start3A_118 = tpu.memref_squeeze %dma_start3A_117 : memref<1x80xi32, #tpu.memory_space<vmem>> -> memref<80xi32, #tpu.memory_space<vmem>>
        %dma_start3A_119 = arith.constant 0 : i32
        %dma_start3A_120 = arith.constant 0 : i32
        %dma_start3A_121 = tpu.memref_slice %arg2[%arg0, %dma_start3A_119, %dma_start3A_120] : memref<2x10000x64xf32, #tpu.memory_space<hbm>> -> memref<1x10000x64xf32, #tpu.memory_space<hbm>>
        %dma_start3A_122 = tpu.memref_squeeze %dma_start3A_121 : memref<1x10000x64xf32, #tpu.memory_space<hbm>> -> memref<10000x64xf32, #tpu.memory_space<hbm>>
        %dma_start3A_123 = arith.constant 0 : i32
        %dma_start3A_124 = arith.constant 0 : i32
        %dma_start3A_125 = tpu.memref_slice %dma_start3A_122[%dma_start3A_123, %dma_start3A_124] : memref<10000x64xf32, #tpu.memory_space<hbm>> -> memref<10000x64xf32, #tpu.memory_space<hbm>>
        tpu.enqueue_indirect_dma source(%dma_start3A_125 : memref<10000x64xf32, #tpu.memory_space<hbm>>) target(%arg10 : memref<80x64xf32, #tpu.memory_space<vmem>>) offsets(%dma_start3A_118 : memref<80xi32, #tpu.memory_space<vmem>>) semaphore(%arg14 : memref<!tpu.dma_semaphore, #tpu.memory_space<semaphore_mem>>)
      } else {
      }
      %dma_wait3A_92 = arith.constant 0 : i32
      %dma_wait3A_93 = tpu.memref_slice %arg7[%add3A_79, %dma_wait3A_92] : memref<250x80xi32, #tpu.memory_space<vmem>> -> memref<1x80xi32, #tpu.memory_space<vmem>>
      %dma_wait3A_94 = tpu.memref_squeeze %dma_wait3A_93 : memref<1x80xi32, #tpu.memory_space<vmem>> -> memref<80xi32, #tpu.memory_space<vmem>>
      %dma_wait3A_95 = arith.constant 0 : i32
      %dma_wait3A_96 = arith.constant 0 : i32
      %dma_wait3A_97 = tpu.memref_slice %arg2[%arg0, %dma_wait3A_95, %dma_wait3A_96] : memref<2x10000x64xf32, #tpu.memory_space<hbm>> -> memref<1x10000x64xf32, #tpu.memory_space<hbm>>
      %dma_wait3A_98 = tpu.memref_squeeze %dma_wait3A_97 : memref<1x10000x64xf32, #tpu.memory_space<hbm>> -> memref<10000x64xf32, #tpu.memory_space<hbm>>
      %dma_wait3A_99 = arith.constant 0 : i32
      %dma_wait3A_100 = arith.constant 0 : i32
      %dma_wait3A_101 = tpu.memref_slice %dma_wait3A_98[%dma_wait3A_99, %dma_wait3A_100] : memref<10000x64xf32, #tpu.memory_space<hbm>> -> memref<10000x64xf32, #tpu.memory_space<hbm>>
      tpu.wait_indirect_dma semaphore(%arg15 : memref<!tpu.dma_semaphore, #tpu.memory_space<semaphore_mem>>) src(%dma_wait3A_101 : memref<10000x64xf32, #tpu.memory_space<hbm>>) dst(%arg11 : memref<80x64xf32, #tpu.memory_space<vmem>>)
      %broadcast_in_dim3A_102 = vector.broadcast %add3A_79 : i32 to vector<16xi32>
      %scan3A_103 = arith.constant 0 : i32
      %scan3A_104 = arith.constant 80 : i32
      %scan3A_105 = arith.addi %scan3A_103, %scan3A_104 : i32
      %scan3A_106 = arith.constant 4 : i32
      scf.for %scan3A_114 = %scan3A_103 to %scan3A_105 step %scan3A_106  : i32 {
        %mul3A_115 = arith.constant 1 : i32
        %mul3A_116 = arith.muli %scan3A_114, %mul3A_115 : i32
        %add3A_117 = arith.constant 0 : i32
        %add3A_118 = arith.addi %add3A_117, %mul3A_116 : i32
        %broadcast_in_dim3A_119 = vector.broadcast %add3A_118 : i32 to vector<16xi32>
        %gather3A = tpu.vector_load_idx %arg8[%broadcast_in_dim3A_102, %broadcast_in_dim3A_119] : memref<250x80xf32, #tpu.memory_space<vmem>>[vector<16xi32>, vector<16xi32>], vector<16xf32>,
        %get3A = arith.index_cast %add3A_118 : i32 to index
        %get3A_120 = arith.constant 0 : index
        %get3A_121 = tpu.vector_load %arg11[%get3A, %get3A_120] {strides = array<i32>} : memref<80x64xf32, #tpu.memory_space<vmem>>, vector<16xf32>,
        %mul3A_122 = arith.mulf %get3A_121, %gather3A : vector<16xf32>
        %swap3A = arith.index_cast %add3A_118 : i32 to index
        %swap3A_123 = arith.constant 0 : index
        %swap3A_124 = tpu.vector_load %arg11[%swap3A, %swap3A_123] {strides = array<i32>} : memref<80x64xf32, #tpu.memory_space<vmem>>, vector<16xf32>,
        tpu.vector_store %arg11[%swap3A, %swap3A_123], %mul3A_122 {strides = array<i32>} : memref<80x64xf32, #tpu.memory_space<vmem>>, vector<16xf32>,
        %get3A_125 = arith.index_cast %add3A_118 : i32 to index
        %get3A_126 = arith.constant 16 : index
        %get3A_127 = tpu.vector_load %arg11[%get3A_125, %get3A_126] {strides = array<i32>} : memref<80x64xf32, #tpu.memory_space<vmem>>, vector<16xf32>,
        %mul3A_128 = arith.mulf %get3A_127, %gather3A : vector<16xf32>
        %swap3A_129 = arith.index_cast %add3A_118 : i32 to index
        %swap3A_130 = arith.constant 16 : index
        %swap3A_131 = tpu.vector_load %arg11[%swap3A_129, %swap3A_130] {strides = array<i32>} : memref<80x64xf32, #tpu.memory_space<vmem>>, vector<16xf32>,
        tpu.vector_store %arg11[%swap3A_129, %swap3A_130], %mul3A_128 {strides = array<i32>} : memref<80x64xf32, #tpu.memory_space<vmem>>, vector<16xf32>,
        %get3A_132 = arith.index_cast %add3A_118 : i32 to index
        %get3A_133 = arith.constant 32 : index
        %get3A_134 = tpu.vector_load %arg11[%get3A_132, %get3A_133] {strides = array<i32>} : memref<80x64xf32, #tpu.memory_space<vmem>>, vector<16xf32>,
        %mul3A_135 = arith.mulf %get3A_134, %gather3A : vector<16xf32>
        %swap3A_136 = arith.index_cast %add3A_118 : i32 to index
        %swap3A_137 = arith.constant 32 : index
        %swap3A_138 = tpu.vector_load %arg11[%swap3A_136, %swap3A_137] {strides = array<i32>} : memref<80x64xf32, #tpu.memory_space<vmem>>, vector<16xf32>,
        tpu.vector_store %arg11[%swap3A_136, %swap3A_137], %mul3A_135 {strides = array<i32>} : memref<80x64xf32, #tpu.memory_space<vmem>>, vector<16xf32>,
        %get3A_139 = arith.index_cast %add3A_118 : i32 to index
        %get3A_140 = arith.constant 48 : index
        %get3A_141 = tpu.vector_load %arg11[%get3A_139, %get3A_140] {strides = array<i32>} : memref<80x64xf32, #tpu.memory_space<vmem>>, vector<16xf32>,
        %mul3A_142 = arith.mulf %get3A_141, %gather3A : vector<16xf32>
        %swap3A_143 = arith.index_cast %add3A_118 : i32 to index
        %swap3A_144 = arith.constant 48 : index
        %swap3A_145 = tpu.vector_load %arg11[%swap3A_143, %swap3A_144] {strides = array<i32>} : memref<80x64xf32, #tpu.memory_space<vmem>>, vector<16xf32>,
        tpu.vector_store %arg11[%swap3A_143, %swap3A_144], %mul3A_142 {strides = array<i32>} : memref<80x64xf32, #tpu.memory_space<vmem>>, vector<16xf32>,
        %scan3A_146 = arith.constant 1 : i32
        %scan3A_147 = arith.addi %scan3A_114, %scan3A_146 : i32
        %mul3A_148 = arith.constant 1 : i32
        %mul3A_149 = arith.muli %scan3A_147, %mul3A_148 : i32
        %add3A_150 = arith.constant 0 : i32
        %add3A_151 = arith.addi %add3A_150, %mul3A_149 : i32
        %broadcast_in_dim3A_152 = vector.broadcast %add3A_151 : i32 to vector<16xi32>
        %gather3A_153 = tpu.vector_load_idx %arg8[%broadcast_in_dim3A_102, %broadcast_in_dim3A_152] : memref<250x80xf32, #tpu.memory_space<vmem>>[vector<16xi32>, vector<16xi32>], vector<16xf32>,
        %get3A_154 = arith.index_cast %add3A_151 : i32 to index
        %get3A_155 = arith.constant 0 : index
        %get3A_156 = tpu.vector_load %arg11[%get3A_154, %get3A_155] {strides = array<i32>} : memref<80x64xf32, #tpu.memory_space<vmem>>, vector<16xf32>,
        %mul3A_157 = arith.mulf %get3A_156, %gather3A_153 : vector<16xf32>
        %swap3A_158 = arith.index_cast %add3A_151 : i32 to index
        %swap3A_159 = arith.constant 0 : index
        %swap3A_160 = tpu.vector_load %arg11[%swap3A_158, %swap3A_159] {strides = array<i32>} : memref<80x64xf32, #tpu.memory_space<vmem>>, vector<16xf32>,
        tpu.vector_store %arg11[%swap3A_158, %swap3A_159], %mul3A_157 {strides = array<i32>} : memref<80x64xf32, #tpu.memory_space<vmem>>, vector<16xf32>,
        %get3A_161 = arith.index_cast %add3A_151 : i32 to index
        %get3A_162 = arith.constant 16 : index
        %get3A_163 = tpu.vector_load %arg11[%get3A_161, %get3A_162] {strides = array<i32>} : memref<80x64xf32, #tpu.memory_space<vmem>>, vector<16xf32>,
        %mul3A_164 = arith.mulf %get3A_163, %gather3A_153 : vector<16xf32>
        %swap3A_165 = arith.index_cast %add3A_151 : i32 to index
        %swap3A_166 = arith.constant 16 : index
        %swap3A_167 = tpu.vector_load %arg11[%swap3A_165, %swap3A_166] {strides = array<i32>} : memref<80x64xf32, #tpu.memory_space<vmem>>, vector<16xf32>,
        tpu.vector_store %arg11[%swap3A_165, %swap3A_166], %mul3A_164 {strides = array<i32>} : memref<80x64xf32, #tpu.memory_space<vmem>>, vector<16xf32>,
        %get3A_168 = arith.index_cast %add3A_151 : i32 to index
        %get3A_169 = arith.constant 32 : index
        %get3A_170 = tpu.vector_load %arg11[%get3A_168, %get3A_169] {strides = array<i32>} : memref<80x64xf32, #tpu.memory_space<vmem>>, vector<16xf32>,
        %mul3A_171 = arith.mulf %get3A_170, %gather3A_153 : vector<16xf32>
        %swap3A_172 = arith.index_cast %add3A_151 : i32 to index
        %swap3A_173 = arith.constant 32 : index
        %swap3A_174 = tpu.vector_load %arg11[%swap3A_172, %swap3A_173] {strides = array<i32>} : memref<80x64xf32, #tpu.memory_space<vmem>>, vector<16xf32>,
        tpu.vector_store %arg11[%swap3A_172, %swap3A_173], %mul3A_171 {strides = array<i32>} : memref<80x64xf32, #tpu.memory_space<vmem>>, vector<16xf32>,
        %get3A_175 = arith.index_cast %add3A_151 : i32 to index
        %get3A_176 = arith.constant 48 : index
        %get3A_177 = tpu.vector_load %arg11[%get3A_175, %get3A_176] {strides = array<i32>} : memref<80x64xf32, #tpu.memory_space<vmem>>, vector<16xf32>,
        %mul3A_178 = arith.mulf %get3A_177, %gather3A_153 : vector<16xf32>
        %swap3A_179 = arith.index_cast %add3A_151 : i32 to index
        %swap3A_180 = arith.constant 48 : index
        %swap3A_181 = tpu.vector_load %arg11[%swap3A_179, %swap3A_180] {strides = array<i32>} : memref<80x64xf32, #tpu.memory_space<vmem>>, vector<16xf32>,
        tpu.vector_store %arg11[%swap3A_179, %swap3A_180], %mul3A_178 {strides = array<i32>} : memref<80x64xf32, #tpu.memory_space<vmem>>, vector<16xf32>,
        %scan3A_182 = arith.constant 2 : i32
        %scan3A_183 = arith.addi %scan3A_114, %scan3A_182 : i32
        %mul3A_184 = arith.constant 1 : i32
        %mul3A_185 = arith.muli %scan3A_183, %mul3A_184 : i32
        %add3A_186 = arith.constant 0 : i32
        %add3A_187 = arith.addi %add3A_186, %mul3A_185 : i32
        %broadcast_in_dim3A_188 = vector.broadcast %add3A_187 : i32 to vector<16xi32>
        %gather3A_189 = tpu.vector_load_idx %arg8[%broadcast_in_dim3A_102, %broadcast_in_dim3A_188] : memref<250x80xf32, #tpu.memory_space<vmem>>[vector<16xi32>, vector<16xi32>], vector<16xf32>,
        %get3A_190 = arith.index_cast %add3A_187 : i32 to index
        %get3A_191 = arith.constant 0 : index
        %get3A_192 = tpu.vector_load %arg11[%get3A_190, %get3A_191] {strides = array<i32>} : memref<80x64xf32, #tpu.memory_space<vmem>>, vector<16xf32>,
        %mul3A_193 = arith.mulf %get3A_192, %gather3A_189 : vector<16xf32>
        %swap3A_194 = arith.index_cast %add3A_187 : i32 to index
        %swap3A_195 = arith.constant 0 : index
        %swap3A_196 = tpu.vector_load %arg11[%swap3A_194, %swap3A_195] {strides = array<i32>} : memref<80x64xf32, #tpu.memory_space<vmem>>, vector<16xf32>,
        tpu.vector_store %arg11[%swap3A_194, %swap3A_195], %mul3A_193 {strides = array<i32>} : memref<80x64xf32, #tpu.memory_space<vmem>>, vector<16xf32>,
        %get3A_197 = arith.index_cast %add3A_187 : i32 to index
        %get3A_198 = arith.constant 16 : index
        %get3A_199 = tpu.vector_load %arg11[%get3A_197, %get3A_198] {strides = array<i32>} : memref<80x64xf32, #tpu.memory_space<vmem>>, vector<16xf32>,
        %mul3A_200 = arith.mulf %get3A_199, %gather3A_189 : vector<16xf32>
        %swap3A_201 = arith.index_cast %add3A_187 : i32 to index
        %swap3A_202 = arith.constant 16 : index
        %swap3A_203 = tpu.vector_load %arg11[%swap3A_201, %swap3A_202] {strides = array<i32>} : memref<80x64xf32, #tpu.memory_space<vmem>>, vector<16xf32>,
        tpu.vector_store %arg11[%swap3A_201, %swap3A_202], %mul3A_200 {strides = array<i32>} : memref<80x64xf32, #tpu.memory_space<vmem>>, vector<16xf32>,
        %get3A_204 = arith.index_cast %add3A_187 : i32 to index
        %get3A_205 = arith.constant 32 : index
        %get3A_206 = tpu.vector_load %arg11[%get3A_204, %get3A_205] {strides = array<i32>} : memref<80x64xf32, #tpu.memory_space<vmem>>, vector<16xf32>,
        %mul3A_207 = arith.mulf %get3A_206, %gather3A_189 : vector<16xf32>
        %swap3A_208 = arith.index_cast %add3A_187 : i32 to index
        %swap3A_209 = arith.constant 32 : index
        %swap3A_210 = tpu.vector_load %arg11[%swap3A_208, %swap3A_209] {strides = array<i32>} : memref<80x64xf32, #tpu.memory_space<vmem>>, vector<16xf32>,
        tpu.vector_store %arg11[%swap3A_208, %swap3A_209], %mul3A_207 {strides = array<i32>} : memref<80x64xf32, #tpu.memory_space<vmem>>, vector<16xf32>,
        %get3A_211 = arith.index_cast %add3A_187 : i32 to index
        %get3A_212 = arith.constant 48 : index
        %get3A_213 = tpu.vector_load %arg11[%get3A_211, %get3A_212] {strides = array<i32>} : memref<80x64xf32, #tpu.memory_space<vmem>>, vector<16xf32>,
        %mul3A_214 = arith.mulf %get3A_213, %gather3A_189 : vector<16xf32>
        %swap3A_215 = arith.index_cast %add3A_187 : i32 to index
        %swap3A_216 = arith.constant 48 : index
        %swap3A_217 = tpu.vector_load %arg11[%swap3A_215, %swap3A_216] {strides = array<i32>} : memref<80x64xf32, #tpu.memory_space<vmem>>, vector<16xf32>,
        tpu.vector_store %arg11[%swap3A_215, %swap3A_216], %mul3A_214 {strides = array<i32>} : memref<80x64xf32, #tpu.memory_space<vmem>>, vector<16xf32>,
        %scan3A_218 = arith.constant 3 : i32
        %scan3A_219 = arith.addi %scan3A_114, %scan3A_218 : i32
        %mul3A_220 = arith.constant 1 : i32
        %mul3A_221 = arith.muli %scan3A_219, %mul3A_220 : i32
        %add3A_222 = arith.constant 0 : i32
        %add3A_223 = arith.addi %add3A_222, %mul3A_221 : i32
        %broadcast_in_dim3A_224 = vector.broadcast %add3A_223 : i32 to vector<16xi32>
        %gather3A_225 = tpu.vector_load_idx %arg8[%broadcast_in_dim3A_102, %broadcast_in_dim3A_224] : memref<250x80xf32, #tpu.memory_space<vmem>>[vector<16xi32>, vector<16xi32>], vector<16xf32>,
        %get3A_226 = arith.index_cast %add3A_223 : i32 to index
        %get3A_227 = arith.constant 0 : index
        %get3A_228 = tpu.vector_load %arg11[%get3A_226, %get3A_227] {strides = array<i32>} : memref<80x64xf32, #tpu.memory_space<vmem>>, vector<16xf32>,
        %mul3A_229 = arith.mulf %get3A_228, %gather3A_225 : vector<16xf32>
        %swap3A_230 = arith.index_cast %add3A_223 : i32 to index
        %swap3A_231 = arith.constant 0 : index
        %swap3A_232 = tpu.vector_load %arg11[%swap3A_230, %swap3A_231] {strides = array<i32>} : memref<80x64xf32, #tpu.memory_space<vmem>>, vector<16xf32>,
        tpu.vector_store %arg11[%swap3A_230, %swap3A_231], %mul3A_229 {strides = array<i32>} : memref<80x64xf32, #tpu.memory_space<vmem>>, vector<16xf32>,
        %get3A_233 = arith.index_cast %add3A_223 : i32 to index
        %get3A_234 = arith.constant 16 : index
        %get3A_235 = tpu.vector_load %arg11[%get3A_233, %get3A_234] {strides = array<i32>} : memref<80x64xf32, #tpu.memory_space<vmem>>, vector<16xf32>,
        %mul3A_236 = arith.mulf %get3A_235, %gather3A_225 : vector<16xf32>
        %swap3A_237 = arith.index_cast %add3A_223 : i32 to index
        %swap3A_238 = arith.constant 16 : index
        %swap3A_239 = tpu.vector_load %arg11[%swap3A_237, %swap3A_238] {strides = array<i32>} : memref<80x64xf32, #tpu.memory_space<vmem>>, vector<16xf32>,
        tpu.vector_store %arg11[%swap3A_237, %swap3A_238], %mul3A_236 {strides = array<i32>} : memref<80x64xf32, #tpu.memory_space<vmem>>, vector<16xf32>,
        %get3A_240 = arith.index_cast %add3A_223 : i32 to index
        %get3A_241 = arith.constant 32 : index
        %get3A_242 = tpu.vector_load %arg11[%get3A_240, %get3A_241] {strides = array<i32>} : memref<80x64xf32, #tpu.memory_space<vmem>>, vector<16xf32>,
        %mul3A_243 = arith.mulf %get3A_242, %gather3A_225 : vector<16xf32>
        %swap3A_244 = arith.index_cast %add3A_223 : i32 to index
        %swap3A_245 = arith.constant 32 : index
        %swap3A_246 = tpu.vector_load %arg11[%swap3A_244, %swap3A_245] {strides = array<i32>} : memref<80x64xf32, #tpu.memory_space<vmem>>, vector<16xf32>,
        tpu.vector_store %arg11[%swap3A_244, %swap3A_245], %mul3A_243 {strides = array<i32>} : memref<80x64xf32, #tpu.memory_space<vmem>>, vector<16xf32>,
        %get3A_247 = arith.index_cast %add3A_223 : i32 to index
        %get3A_248 = arith.constant 48 : index
        %get3A_249 = tpu.vector_load %arg11[%get3A_247, %get3A_248] {strides = array<i32>} : memref<80x64xf32, #tpu.memory_space<vmem>>, vector<16xf32>,
        %mul3A_250 = arith.mulf %get3A_249, %gather3A_225 : vector<16xf32>
        %swap3A_251 = arith.index_cast %add3A_223 : i32 to index
        %swap3A_252 = arith.constant 48 : index
        %swap3A_253 = tpu.vector_load %arg11[%swap3A_251, %swap3A_252] {strides = array<i32>} : memref<80x64xf32, #tpu.memory_space<vmem>>, vector<16xf32>,
        tpu.vector_store %arg11[%swap3A_251, %swap3A_252], %mul3A_250 {strides = array<i32>} : memref<80x64xf32, #tpu.memory_space<vmem>>, vector<16xf32>,
      }
      %scan3A_107 = arith.constant 80 : i32
      %dma_start3A_108 = arith.constant 0 : i32
      %dma_start3A_109 = tpu.memref_slice %arg9[%add3A_79, %dma_start3A_108] : memref<250x80xi32, #tpu.memory_space<vmem>> -> memref<1x80xi32, #tpu.memory_space<vmem>>
      %dma_start3A_110 = tpu.memref_squeeze %dma_start3A_109 : memref<1x80xi32, #tpu.memory_space<vmem>> -> memref<80xi32, #tpu.memory_space<vmem>>
      %dma_start3A_111 = arith.constant 0 : i32
      %dma_start3A_112 = arith.constant 0 : i32
      %dma_start3A_113 = tpu.memref_slice %arg13[%dma_start3A_111, %dma_start3A_112] : memref<10000x64xf32, #tpu.memory_space<vmem_shared>> -> memref<10000x64xf32, #tpu.memory_space<vmem_shared>>
      tpu.enqueue_indirect_dma source(%arg11 : memref<80x64xf32, #tpu.memory_space<vmem>>) target(%dma_start3A_113 : memref<10000x64xf32, #tpu.memory_space<vmem_shared>>) offsets(%dma_start3A_110 : memref<80xi32, #tpu.memory_space<vmem>>) semaphore(%arg17 : memref<!tpu.dma_semaphore, #tpu.memory_space<semaphore_mem>>) {add = true}
    }
    %scan3A_25 = arith.constant 125 : i32
    %dma_wait3A = arith.constant 249 : i32
    %dma_wait3A_26 = arith.constant 0 : i32
    %dma_wait3A_27 = tpu.memref_slice %arg9[%dma_wait3A, %dma_wait3A_26] : memref<250x80xi32, #tpu.memory_space<vmem>> -> memref<1x80xi32, #tpu.memory_space<vmem>>
    %dma_wait3A_28 = tpu.memref_squeeze %dma_wait3A_27 : memref<1x80xi32, #tpu.memory_space<vmem>> -> memref<80xi32, #tpu.memory_space<vmem>>
    %dma_wait3A_29 = arith.constant 0 : i32
    %dma_wait3A_30 = arith.constant 0 : i32
    %dma_wait3A_31 = tpu.memref_slice %arg13[%dma_wait3A_29, %dma_wait3A_30] : memref<10000x64xf32, #tpu.memory_space<vmem_shared>> -> memref<10000x64xf32, #tpu.memory_space<vmem_shared>>
    tpu.wait_indirect_dma semaphore(%arg17 : memref<!tpu.dma_semaphore, #tpu.memory_space<semaphore_mem>>) src(%arg11 : memref<80x64xf32, #tpu.memory_space<vmem>>) dst(%dma_wait3A_31 : memref<10000x64xf32, #tpu.memory_space<vmem_shared>>)
    %barrier3A_32 = arith.constant 0 : index
    tpu.barrier barrier_id(%barrier3A_32)
    %mul3A = arith.constant 624 : i32
    %mul3A_33 = arith.muli %arg1, %mul3A : i32
    %mul3A_34 = arith.constant 624 : i32
    %mul3A_35 = arith.muli %arg1, %mul3A_34 : i32
    "tpu.region"() ({
      %run_scoped3A = tpu.sem_alloc : memref<!tpu.dma_semaphore, #tpu.memory_space<semaphore_mem>>
      %dma_start3A_41 = arith.constant 0 : i32
      %dma_start3A_42 = arith.constant 0 : i32
      %dma_start3A_43 = tpu.memref_slice %arg6[%arg0, %dma_start3A_41, %dma_start3A_42] : memref<2x10000x64xf32, #tpu.memory_space<hbm>> -> memref<1x10000x64xf32, #tpu.memory_space<hbm>>
      %dma_start3A_44 = tpu.memref_squeeze %dma_start3A_43 : memref<1x10000x64xf32, #tpu.memory_space<hbm>> -> memref<10000x64xf32, #tpu.memory_space<hbm>>
      %dma_start3A_45 = arith.constant 0 : i32
      %dma_start3A_46 = tpu.memref_slice %dma_start3A_44[%mul3A_35, %dma_start3A_45] : memref<10000x64xf32, #tpu.memory_space<hbm>> -> memref<624x64xf32, #tpu.memory_space<hbm>>
      %dma_start3A_47 = arith.constant 0 : i32
      %dma_start3A_48 = tpu.memref_slice %arg13[%mul3A_33, %dma_start3A_47] : memref<10000x64xf32, #tpu.memory_space<vmem_shared>> -> memref<624x64xf32, #tpu.memory_space<vmem_shared>>
      tpu.enqueue_dma source(%dma_start3A_48 : memref<624x64xf32, #tpu.memory_space<vmem_shared>>) target(%dma_start3A_46 : memref<624x64xf32, #tpu.memory_space<hbm>>) target_semaphore(%run_scoped3A : memref<!tpu.dma_semaphore, #tpu.memory_space<semaphore_mem>>)
      %dma_wait3A_49 = arith.constant 0 : i32
      %dma_wait3A_50 = arith.constant 0 : i32
      %dma_wait3A_51 = tpu.memref_slice %arg6[%arg0, %dma_wait3A_49, %dma_wait3A_50] : memref<2x10000x64xf32, #tpu.memory_space<hbm>> -> memref<1x10000x64xf32, #tpu.memory_space<hbm>>
      %dma_wait3A_52 = tpu.memref_squeeze %dma_wait3A_51 : memref<1x10000x64xf32, #tpu.memory_space<hbm>> -> memref<10000x64xf32, #tpu.memory_space<hbm>>
      %dma_wait3A_53 = arith.constant 0 : i32
      %dma_wait3A_54 = tpu.memref_slice %dma_wait3A_52[%mul3A_35, %dma_wait3A_53] : memref<10000x64xf32, #tpu.memory_space<hbm>> -> memref<624x64xf32, #tpu.memory_space<hbm>>
      %dma_wait3A_55 = arith.constant 0 : i32
      %dma_wait3A_56 = tpu.memref_slice %arg13[%mul3A_33, %dma_wait3A_55] : memref<10000x64xf32, #tpu.memory_space<vmem_shared>> -> memref<624x64xf32, #tpu.memory_space<vmem_shared>>
      tpu.wait_dma2 semaphore(%run_scoped3A : memref<!tpu.dma_semaphore, #tpu.memory_space<semaphore_mem>>) src(%dma_wait3A_56 : memref<624x64xf32, #tpu.memory_space<vmem_shared>>) dst(%dma_wait3A_54 : memref<624x64xf32, #tpu.memory_space<hbm>>)
      tpu.yield
    }) : () -> ()
    %eq3A_36 = arith.constant 0 : i32
    %eq3A_37 = arith.cmpi eq, %arg1, %eq3A_36 : i32
    %convert_element_type3A_38 = arith.extui %eq3A_37 : i1 to i32
    %cond3A_39 = arith.constant 0 : i32
    %cond3A_40 = arith.cmpi ne, %convert_element_type3A_38, %cond3A_39 : i32
    scf.if %cond3A_40 {
      "tpu.region"() ({
        %run_scoped3A = tpu.sem_alloc : memref<!tpu.dma_semaphore, #tpu.memory_space<semaphore_mem>>
        %dma_start3A_41 = arith.constant 0 : i32
        %dma_start3A_42 = arith.constant 0 : i32
        %dma_start3A_43 = tpu.memref_slice %arg6[%arg0, %dma_start3A_41, %dma_start3A_42] : memref<2x10000x64xf32, #tpu.memory_space<hbm>> -> memref<1x10000x64xf32, #tpu.memory_space<hbm>>
        %dma_start3A_44 = tpu.memref_squeeze %dma_start3A_43 : memref<1x10000x64xf32, #tpu.memory_space<hbm>> -> memref<10000x64xf32, #tpu.memory_space<hbm>>
        %dma_start3A_45 = arith.constant 9984 : i32
        %dma_start3A_46 = arith.constant 0 : i32
        %dma_start3A_47 = tpu.memref_slice %dma_start3A_44[%dma_start3A_45, %dma_start3A_46] : memref<10000x64xf32, #tpu.memory_space<hbm>> -> memref<16x64xf32, #tpu.memory_space<hbm>>
        %dma_start3A_48 = arith.constant 9984 : i32
        %dma_start3A_49 = arith.constant 0 : i32
        %dma_start3A_50 = tpu.memref_slice %arg13[%dma_start3A_48, %dma_start3A_49] : memref<10000x64xf32, #tpu.memory_space<vmem_shared>> -> memref<16x64xf32, #tpu.memory_space<vmem_shared>>
        tpu.enqueue_dma source(%dma_start3A_50 : memref<16x64xf32, #tpu.memory_space<vmem_shared>>) target(%dma_start3A_47 : memref<16x64xf32, #tpu.memory_space<hbm>>) target_semaphore(%run_scoped3A : memref<!tpu.dma_semaphore, #tpu.memory_space<semaphore_mem>>)
        %dma_wait3A_51 = arith.constant 0 : i32
        %dma_wait3A_52 = arith.constant 0 : i32
        %dma_wait3A_53 = tpu.memref_slice %arg6[%arg0, %dma_wait3A_51, %dma_wait3A_52] : memref<2x10000x64xf32, #tpu.memory_space<hbm>> -> memref<1x10000x64xf32, #tpu.memory_space<hbm>>
        %dma_wait3A_54 = tpu.memref_squeeze %dma_wait3A_53 : memref<1x10000x64xf32, #tpu.memory_space<hbm>> -> memref<10000x64xf32, #tpu.memory_space<hbm>>
        %dma_wait3A_55 = arith.constant 9984 : i32
        %dma_wait3A_56 = arith.constant 0 : i32
        %dma_wait3A_57 = tpu.memref_slice %dma_wait3A_54[%dma_wait3A_55, %dma_wait3A_56] : memref<10000x64xf32, #tpu.memory_space<hbm>> -> memref<16x64xf32, #tpu.memory_space<hbm>>
        %dma_wait3A_58 = arith.constant 9984 : i32
        %dma_wait3A_59 = arith.constant 0 : i32
        %dma_wait3A_60 = tpu.memref_slice %arg13[%dma_wait3A_58, %dma_wait3A_59] : memref<10000x64xf32, #tpu.memory_space<vmem_shared>> -> memref<16x64xf32, #tpu.memory_space<vmem_shared>>
        tpu.wait_dma2 semaphore(%run_scoped3A : memref<!tpu.dma_semaphore, #tpu.memory_space<semaphore_mem>>) src(%dma_wait3A_60 : memref<16x64xf32, #tpu.memory_space<vmem_shared>>) dst(%dma_wait3A_57 : memref<16x64xf32, #tpu.memory_space<hbm>>)
        tpu.yield
      }) : () -> ()
    } else {
    }
    return
  }
}

module attributes {stable_mosaic.version = 14 : i64} {
  func.func @_mm_sum_body(%arg0: i32, %arg1: memref<1000x128xf32, #tpu.memory_space<vmem>>, %arg2: memref<128x128xf32, #tpu.memory_space<vmem>>, %arg3: memref<1000x128xf32, #tpu.memory_space<vmem>>, %arg4: memref<1x128xf32, #tpu.memory_space<vmem>>) attributes {dimension_semantics = [#tpu.dimension_semantics<arbitrary>], iteration_bounds = array<i64: 10>, scalar_prefetch = 0 : i64, scratch_operands = 0 : i64, tpu.core_type = #tpu.core_type<tc>, window_params = [{transform_indices = @transform_0, window_bounds = array<i64: 1000, 128>}, {pipeline_mode = #tpu.pipeline_mode<synchronous>, transform_indices = @transform_1, window_bounds = array<i64: 128, 128>}, {transform_indices = @transform_2, window_bounds = array<i64: 1000, 128>}, {pipeline_mode = #tpu.pipeline_mode<synchronous>, transform_indices = @transform_3, window_bounds = array<i64: 1, 128>}]} {
    %get3A = arith.constant 0 : index
    %get3A_0 = arith.constant 0 : index
    %get3A_1 = vector.load %arg1[%get3A, %get3A_0] : memref<1000x128xf32, #tpu.memory_space<vmem>>, vector<1000x128xf32>
    %get3A_2 = arith.constant 0 : index
    %get3A_3 = arith.constant 0 : index
    %get3A_4 = vector.load %arg2[%get3A_2, %get3A_3] : memref<128x128xf32, #tpu.memory_space<vmem>>, vector<128x128xf32>
    %dot_general3A = arith.constant dense<0.000000e+00> : vector<1000x128xf32>
    %dot_general3A_5 = tpu.matmul %get3A_1, %get3A_4, %dot_general3A {dimension_numbers = #tpu.dot_dimension_numbers<[1], [0], [0], [1], [0, 0, 1, 1], [], []>, transpose_lhs_hint = false} : vector<1000x128xf32>, vector<128x128xf32>, vector<1000x128xf32> -> vector<1000x128xf32>
    %swap3A = arith.constant 0 : index
    %swap3A_6 = arith.constant 0 : index
    %swap3A_7 = vector.load %arg3[%swap3A, %swap3A_6] : memref<1000x128xf32, #tpu.memory_space<vmem>>, vector<1000x128xf32>
    tpu.vector_store %arg3[%swap3A, %swap3A_6], %dot_general3A_5 {strides = array<i32>} : memref<1000x128xf32, #tpu.memory_space<vmem>>, vector<1000x128xf32>,
    %eq3A = arith.constant 0 : i32
    %eq3A_8 = arith.cmpi eq, %arg0, %eq3A : i32
    %convert_element_type3A = arith.extui %eq3A_8 : i1 to i32
    %cond3A = arith.constant 0 : i32
    %cond3A_9 = arith.cmpi ne, %convert_element_type3A, %cond3A : i32
    scf.if %cond3A_9 {
      %broadcast_in_dim3A_17 = arith.constant 0.000000e+00 : f32
      %broadcast_in_dim3A_18 = vector.broadcast %broadcast_in_dim3A_17 : f32 to vector<1x128xf32>
      %swap3A_19 = arith.constant 0 : index
      %swap3A_20 = arith.constant 0 : index
      %swap3A_21 = vector.load %arg4[%swap3A_19, %swap3A_20] : memref<1x128xf32, #tpu.memory_space<vmem>>, vector<1x128xf32>
      tpu.vector_store %arg4[%swap3A_19, %swap3A_20], %broadcast_in_dim3A_18 {strides = array<i32>} : memref<1x128xf32, #tpu.memory_space<vmem>>, vector<1x128xf32>,
    } else {
    }
    %get3A_10 = arith.constant 0 : index
    %get3A_11 = arith.constant 0 : index
    %get3A_12 = vector.load %arg4[%get3A_10, %get3A_11] : memref<1x128xf32, #tpu.memory_space<vmem>>, vector<1x128xf32>
    %reduce_sum3A = arith.constant dense<0.000000e+00> : vector<128xf32>
    %reduce_sum3A_13 = vector.multi_reduction <add>, %get3A_1, %reduce_sum3A [0] : vector<1000x128xf32> to vector<128xf32>
    %broadcast_in_dim3A = vector.shape_cast %reduce_sum3A_13 : vector<128xf32> to vector<1x128xf32>
    %add3A = arith.addf %get3A_12, %broadcast_in_dim3A : vector<1x128xf32>
    %swap3A_14 = arith.constant 0 : index
    %swap3A_15 = arith.constant 0 : index
    %swap3A_16 = vector.load %arg4[%swap3A_14, %swap3A_15] : memref<1x128xf32, #tpu.memory_space<vmem>>, vector<1x128xf32>
    tpu.vector_store %arg4[%swap3A_14, %swap3A_15], %add3A {strides = array<i32>} : memref<1x128xf32, #tpu.memory_space<vmem>>, vector<1x128xf32>,
    return
  }
  func.func @transform_0(%arg0: i32) -> (i32, i32) {
    %c0_i32 = arith.constant 0 : i32
    %c0_i32_0 = arith.constant 0 : i32
    return %arg0, %c0_i32 : i32, i32
  }
  func.func @transform_1(%arg0: i32) -> (i32, i32) {
    %c0_i32 = arith.constant 0 : i32
    %c0_i32_0 = arith.constant 0 : i32
    %c0_i32_1 = arith.constant 0 : i32
    return %c0_i32, %c0_i32_0 : i32, i32
  }
  func.func @transform_2(%arg0: i32) -> (i32, i32) {
    %c0_i32 = arith.constant 0 : i32
    %c0_i32_0 = arith.constant 0 : i32
    return %arg0, %c0_i32 : i32, i32
  }
  func.func @transform_3(%arg0: i32) -> (i32, i32) {
    %c0_i32 = arith.constant 0 : i32
    %c0_i32_0 = arith.constant 0 : i32
    %c0_i32_1 = arith.constant 0 : i32
    return %c0_i32, %c0_i32_0 : i32, i32
  }
}

module attributes {stable_mosaic.version = 14 : i64} {
  func.func @_dis_body(%arg0: i32, %arg1: memref<2x1000x16xf32, #tpu.memory_space<vmem>>, %arg2: memref<1000x128xf32, #tpu.memory_space<vmem>>, %arg3: memref<2x1000x64xf32, #tpu.memory_space<vmem>>, %arg4: memref<1000x128xf32, #tpu.memory_space<vmem>>) attributes {dimension_semantics = [#tpu.dimension_semantics<arbitrary>], iteration_bounds = array<i64: 10>, scalar_prefetch = 0 : i64, scratch_operands = 0 : i64, tpu.core_type = #tpu.core_type<tc>, window_params = [{transform_indices = @transform_0, window_bounds = array<i64: 2, 1000, 16>}, {transform_indices = @transform_1, window_bounds = array<i64: 1000, 128>}, {transform_indices = @transform_2, window_bounds = array<i64: 2, 1000, 64>}, {transform_indices = @transform_3, window_bounds = array<i64: 1000, 128>}]} {
    %get3A = arith.constant 0 : index
    %get3A_0 = arith.constant 0 : index
    %get3A_1 = arith.constant 0 : index
    %get3A_2 = vector.load %arg1[%get3A, %get3A_0, %get3A_1] : memref<2x1000x16xf32, #tpu.memory_space<vmem>>, vector<1x1000x16xf32>
    %get3A_3 = vector.shape_cast %get3A_2 : vector<1x1000x16xf32> to vector<1000x16xf32>
    %get3A_4 = arith.constant 1 : index
    %get3A_5 = arith.constant 0 : index
    %get3A_6 = arith.constant 0 : index
    %get3A_7 = vector.load %arg1[%get3A_4, %get3A_5, %get3A_6] : memref<2x1000x16xf32, #tpu.memory_space<vmem>>, vector<1x1000x16xf32>
    %get3A_8 = vector.shape_cast %get3A_7 : vector<1x1000x16xf32> to vector<1000x16xf32>
    %add3A = arith.addf %get3A_3, %get3A_8 : vector<1000x16xf32>
    %slice3A = vector.extract_strided_slice %add3A {offsets = [0, 0], sizes = [1000, 1], strides = [1, 1]} : vector<1000x16xf32> to vector<1000x1xf32>
    %add3A_9 = arith.constant 1.000000e+00 : f32
    %add3A_10 = vector.broadcast %add3A_9 : f32 to vector<1000x1xf32>
    %add3A_11 = arith.addf %slice3A, %add3A_10 : vector<1000x1xf32>
    %rsqrt3A = math.rsqrt %add3A_11 : vector<1000x1xf32>
    %broadcast_in_dim3A = vector.shape_cast %rsqrt3A : vector<1000x1xf32> to vector<1000x1xf32>
    %broadcast_in_dim3A_12 = vector.broadcast %broadcast_in_dim3A : vector<1000x1xf32> to vector<1000x128xf32>
    %swap3A = arith.constant 0 : index
    %swap3A_13 = arith.constant 0 : index
    %swap3A_14 = vector.load %arg4[%swap3A, %swap3A_13] : memref<1000x128xf32, #tpu.memory_space<vmem>>, vector<1000x128xf32>
    tpu.vector_store %arg4[%swap3A, %swap3A_13], %broadcast_in_dim3A_12 {strides = array<i32>} : memref<1000x128xf32, #tpu.memory_space<vmem>>, vector<1000x128xf32>,
    %get3A_15 = arith.constant 0 : index
    %get3A_16 = arith.constant 0 : index
    %get3A_17 = vector.load %arg2[%get3A_15, %get3A_16] : memref<1000x128xf32, #tpu.memory_space<vmem>>, vector<1000x128xf32>
    %mul3A = arith.mulf %get3A_17, %broadcast_in_dim3A_12 : vector<1000x128xf32>
    %slice3A_18 = vector.extract_strided_slice %mul3A {offsets = [0, 0], sizes = [1000, 64], strides = [1, 1]} : vector<1000x128xf32> to vector<1000x64xf32>
    %slice3A_19 = vector.extract_strided_slice %mul3A {offsets = [0, 64], sizes = [1000, 64], strides = [1, 1]} : vector<1000x128xf32> to vector<1000x64xf32>
    %stack3A = vector.shape_cast %slice3A_18 : vector<1000x64xf32> to vector<1x1000x64xf32>
    %stack3A_20 = vector.shape_cast %slice3A_19 : vector<1000x64xf32> to vector<1x1000x64xf32>
    %stack3A_21 = tpu.concatenate %stack3A, %stack3A_20 in 0 : vector<1x1000x64xf32>, vector<1x1000x64xf32> -> vector<2x1000x64xf32>
    %swap3A_22 = arith.constant 0 : index
    %swap3A_23 = arith.constant 0 : index
    %swap3A_24 = arith.constant 0 : index
    %swap3A_25 = vector.load %arg3[%swap3A_22, %swap3A_23, %swap3A_24] : memref<2x1000x64xf32, #tpu.memory_space<vmem>>, vector<2x1000x64xf32>
    tpu.vector_store %arg3[%swap3A_22, %swap3A_23, %swap3A_24], %stack3A_21 {strides = array<i32>} : memref<2x1000x64xf32, #tpu.memory_space<vmem>>, vector<2x1000x64xf32>,
    return
  }
  func.func @transform_0(%arg0: i32) -> (i32, i32, i32) {
    %c0_i32 = arith.constant 0 : i32
    %c0_i32_0 = arith.constant 0 : i32
    %c0_i32_1 = arith.constant 0 : i32
    return %c0_i32, %arg0, %c0_i32_0 : i32, i32, i32
  }
  func.func @transform_1(%arg0: i32) -> (i32, i32) {
    %c0_i32 = arith.constant 0 : i32
    %c0_i32_0 = arith.constant 0 : i32
    return %arg0, %c0_i32 : i32, i32
  }
  func.func @transform_2(%arg0: i32) -> (i32, i32, i32) {
    %c0_i32 = arith.constant 0 : i32
    %c0_i32_0 = arith.constant 0 : i32
    %c0_i32_1 = arith.constant 0 : i32
    return %c0_i32, %arg0, %c0_i32_0 : i32, i32, i32
  }
  func.func @transform_3(%arg0: i32) -> (i32, i32) {
    %c0_i32 = arith.constant 0 : i32
    %c0_i32_0 = arith.constant 0 : i32
    return %arg0, %c0_i32 : i32, i32
  }
}

module attributes {stable_mosaic.version = 14 : i64} {
  func.func @_gcn_post_body(%arg0: i32, %arg1: memref<2x1000x64xf32, #tpu.memory_space<vmem>>, %arg2: memref<2x1000x64xf32, #tpu.memory_space<vmem>>, %arg3: memref<1000x128xf32, #tpu.memory_space<vmem>>, %arg4: memref<1x128xf32, #tpu.memory_space<vmem>>, %arg5: memref<1000x128xf32, #tpu.memory_space<vmem>>, %arg6: memref<2x128xf32, #tpu.memory_space<vmem>>) attributes {dimension_semantics = [#tpu.dimension_semantics<arbitrary>], iteration_bounds = array<i64: 10>, scalar_prefetch = 0 : i64, scratch_operands = 0 : i64, tpu.core_type = #tpu.core_type<tc>, window_params = [{transform_indices = @transform_0, window_bounds = array<i64: 2, 1000, 64>}, {transform_indices = @transform_1, window_bounds = array<i64: 2, 1000, 64>}, {transform_indices = @transform_2, window_bounds = array<i64: 1000, 128>}, {pipeline_mode = #tpu.pipeline_mode<synchronous>, transform_indices = @transform_3, window_bounds = array<i64: 1, 128>}, {transform_indices = @transform_4, window_bounds = array<i64: 1000, 128>}, {pipeline_mode = #tpu.pipeline_mode<synchronous>, transform_indices = @transform_5, window_bounds = array<i64: 2, 128>}]} {
    %get3A = arith.constant 0 : index
    %get3A_0 = arith.constant 0 : index
    %get3A_1 = arith.constant 0 : index
    %get3A_2 = vector.load %arg1[%get3A, %get3A_0, %get3A_1] : memref<2x1000x64xf32, #tpu.memory_space<vmem>>, vector<1x1000x64xf32>
    %get3A_3 = vector.shape_cast %get3A_2 : vector<1x1000x64xf32> to vector<1000x64xf32>
    %get3A_4 = arith.constant 1 : index
    %get3A_5 = arith.constant 0 : index
    %get3A_6 = arith.constant 0 : index
    %get3A_7 = vector.load %arg1[%get3A_4, %get3A_5, %get3A_6] : memref<2x1000x64xf32, #tpu.memory_space<vmem>>, vector<1x1000x64xf32>
    %get3A_8 = vector.shape_cast %get3A_7 : vector<1x1000x64xf32> to vector<1000x64xf32>
    %concatenate3A = tpu.concatenate %get3A_3, %get3A_8 in 1 : vector<1000x64xf32>, vector<1000x64xf32> -> vector<1000x128xf32>
    %get3A_9 = arith.constant 0 : index
    %get3A_10 = arith.constant 0 : index
    %get3A_11 = arith.constant 0 : index
    %get3A_12 = vector.load %arg2[%get3A_9, %get3A_10, %get3A_11] : memref<2x1000x64xf32, #tpu.memory_space<vmem>>, vector<1x1000x64xf32>
    %get3A_13 = vector.shape_cast %get3A_12 : vector<1x1000x64xf32> to vector<1000x64xf32>
    %get3A_14 = arith.constant 1 : index
    %get3A_15 = arith.constant 0 : index
    %get3A_16 = arith.constant 0 : index
    %get3A_17 = vector.load %arg2[%get3A_14, %get3A_15, %get3A_16] : memref<2x1000x64xf32, #tpu.memory_space<vmem>>, vector<1x1000x64xf32>
    %get3A_18 = vector.shape_cast %get3A_17 : vector<1x1000x64xf32> to vector<1000x64xf32>
    %concatenate3A_19 = tpu.concatenate %get3A_13, %get3A_18 in 1 : vector<1000x64xf32>, vector<1000x64xf32> -> vector<1000x128xf32>
    %add3A = arith.addf %concatenate3A, %concatenate3A_19 : vector<1000x128xf32>
    %get3A_20 = arith.constant 0 : index
    %get3A_21 = arith.constant 0 : index
    %get3A_22 = vector.load %arg3[%get3A_20, %get3A_21] : memref<1000x128xf32, #tpu.memory_space<vmem>>, vector<1000x128xf32>
    %mul3A = arith.mulf %get3A_22, %add3A : vector<1000x128xf32>
    %get3A_23 = arith.constant 0 : index
    %get3A_24 = arith.constant 0 : index
    %get3A_25 = vector.load %arg4[%get3A_23, %get3A_24] : memref<1x128xf32, #tpu.memory_space<vmem>>, vector<1x128xf32>
    %add3A_26 = vector.broadcast %get3A_25 : vector<1x128xf32> to vector<1000x128xf32>
    %add3A_27 = arith.addf %mul3A, %add3A_26 : vector<1000x128xf32>
    %max3A = arith.constant 0.000000e+00 : f32
    %max3A_28 = vector.broadcast %max3A : f32 to vector<1000x128xf32>
    %max3A_29 = arith.maximumf %add3A_27, %max3A_28 : vector<1000x128xf32>
    %swap3A = arith.constant 0 : index
    %swap3A_30 = arith.constant 0 : index
    %swap3A_31 = vector.load %arg5[%swap3A, %swap3A_30] : memref<1000x128xf32, #tpu.memory_space<vmem>>, vector<1000x128xf32>
    tpu.vector_store %arg5[%swap3A, %swap3A_30], %max3A_29 {strides = array<i32>} : memref<1000x128xf32, #tpu.memory_space<vmem>>, vector<1000x128xf32>,
    %eq3A = arith.constant 0 : i32
    %eq3A_32 = arith.cmpi eq, %arg0, %eq3A : i32
    %convert_element_type3A = arith.extui %eq3A_32 : i1 to i32
    %cond3A = arith.constant 0 : i32
    %cond3A_33 = arith.cmpi ne, %convert_element_type3A, %cond3A : i32
    scf.if %cond3A_33 {
      %broadcast_in_dim3A_53 = arith.constant 0.000000e+00 : f32
      %broadcast_in_dim3A_54 = vector.broadcast %broadcast_in_dim3A_53 : f32 to vector<2x128xf32>
      %swap3A_55 = arith.constant 0 : index
      %swap3A_56 = arith.constant 0 : index
      %swap3A_57 = vector.load %arg6[%swap3A_55, %swap3A_56] : memref<2x128xf32, #tpu.memory_space<vmem>>, vector<2x128xf32>
      tpu.vector_store %arg6[%swap3A_55, %swap3A_56], %broadcast_in_dim3A_54 {strides = array<i32>} : memref<2x128xf32, #tpu.memory_space<vmem>>, vector<2x128xf32>,
    } else {
    }
    %get3A_34 = arith.constant 0 : index
    %get3A_35 = arith.constant 0 : index
    %get3A_36 = vector.load %arg6[%get3A_34, %get3A_35] : memref<2x128xf32, #tpu.memory_space<vmem>>, vector<1x128xf32>
    %reduce_sum3A = arith.constant dense<0.000000e+00> : vector<128xf32>
    %reduce_sum3A_37 = vector.multi_reduction <add>, %max3A_29, %reduce_sum3A [0] : vector<1000x128xf32> to vector<128xf32>
    %broadcast_in_dim3A = vector.shape_cast %reduce_sum3A_37 : vector<128xf32> to vector<1x128xf32>
    %add3A_38 = arith.addf %get3A_36, %broadcast_in_dim3A : vector<1x128xf32>
    %swap3A_39 = arith.constant 0 : index
    %swap3A_40 = arith.constant 0 : index
    %swap3A_41 = vector.load %arg6[%swap3A_39, %swap3A_40] : memref<2x128xf32, #tpu.memory_space<vmem>>, vector<1x128xf32>
    tpu.vector_store %arg6[%swap3A_39, %swap3A_40], %add3A_38 {strides = array<i32>} : memref<2x128xf32, #tpu.memory_space<vmem>>, vector<1x128xf32>,
    %get3A_42 = arith.constant 1 : index
    %get3A_43 = arith.constant 0 : index
    %get3A_44 = vector.load %arg6[%get3A_42, %get3A_43] : memref<2x128xf32, #tpu.memory_space<vmem>>, vector<1x128xf32>
    %mul3A_45 = arith.mulf %max3A_29, %max3A_29 : vector<1000x128xf32>
    %reduce_sum3A_46 = arith.constant dense<0.000000e+00> : vector<128xf32>
    %reduce_sum3A_47 = vector.multi_reduction <add>, %mul3A_45, %reduce_sum3A_46 [0] : vector<1000x128xf32> to vector<128xf32>
    %broadcast_in_dim3A_48 = vector.shape_cast %reduce_sum3A_47 : vector<128xf32> to vector<1x128xf32>
    %add3A_49 = arith.addf %get3A_44, %broadcast_in_dim3A_48 : vector<1x128xf32>
    %swap3A_50 = arith.constant 1 : index
    %swap3A_51 = arith.constant 0 : index
    %swap3A_52 = vector.load %arg6[%swap3A_50, %swap3A_51] : memref<2x128xf32, #tpu.memory_space<vmem>>, vector<1x128xf32>
    tpu.vector_store %arg6[%swap3A_50, %swap3A_51], %add3A_49 {strides = array<i32>} : memref<2x128xf32, #tpu.memory_space<vmem>>, vector<1x128xf32>,
    return
  }
  func.func @transform_0(%arg0: i32) -> (i32, i32, i32) {
    %c0_i32 = arith.constant 0 : i32
    %c0_i32_0 = arith.constant 0 : i32
    %c0_i32_1 = arith.constant 0 : i32
    return %c0_i32, %arg0, %c0_i32_0 : i32, i32, i32
  }
  func.func @transform_1(%arg0: i32) -> (i32, i32, i32) {
    %c0_i32 = arith.constant 0 : i32
    %c0_i32_0 = arith.constant 0 : i32
    %c0_i32_1 = arith.constant 0 : i32
    return %c0_i32, %arg0, %c0_i32_0 : i32, i32, i32
  }
  func.func @transform_2(%arg0: i32) -> (i32, i32) {
    %c0_i32 = arith.constant 0 : i32
    %c0_i32_0 = arith.constant 0 : i32
    return %arg0, %c0_i32 : i32, i32
  }
  func.func @transform_3(%arg0: i32) -> (i32, i32) {
    %c0_i32 = arith.constant 0 : i32
    %c0_i32_0 = arith.constant 0 : i32
    %c0_i32_1 = arith.constant 0 : i32
    return %c0_i32, %c0_i32_0 : i32, i32
  }
  func.func @transform_4(%arg0: i32) -> (i32, i32) {
    %c0_i32 = arith.constant 0 : i32
    %c0_i32_0 = arith.constant 0 : i32
    return %arg0, %c0_i32 : i32, i32
  }
  func.func @transform_5(%arg0: i32) -> (i32, i32) {
    %c0_i32 = arith.constant 0 : i32
    %c0_i32_0 = arith.constant 0 : i32
    %c0_i32_1 = arith.constant 0 : i32
    return %c0_i32, %c0_i32_0 : i32, i32
  }
}

module attributes {stable_mosaic.version = 14 : i64} {
  func.func @_bn_mm_body(%arg0: i32, %arg1: memref<1000x128xf32, #tpu.memory_space<vmem>>, %arg2: memref<2x128xf32, #tpu.memory_space<vmem>>, %arg3: memref<1x128xf32, #tpu.memory_space<vmem>>, %arg4: memref<1x128xf32, #tpu.memory_space<vmem>>, %arg5: memref<128x128xf32, #tpu.memory_space<vmem>>, %arg6: memref<1000x128xf32, #tpu.memory_space<vmem>>, %arg7: memref<1000x128xf32, #tpu.memory_space<vmem>>, %arg8: memref<2x1000x64xf32, #tpu.memory_space<vmem>>) attributes {dimension_semantics = [#tpu.dimension_semantics<arbitrary>], iteration_bounds = array<i64: 10>, scalar_prefetch = 0 : i64, scratch_operands = 0 : i64, tpu.core_type = #tpu.core_type<tc>, window_params = [{transform_indices = @transform_0, window_bounds = array<i64: 1000, 128>}, {pipeline_mode = #tpu.pipeline_mode<synchronous>, transform_indices = @transform_1, window_bounds = array<i64: 2, 128>}, {pipeline_mode = #tpu.pipeline_mode<synchronous>, transform_indices = @transform_2, window_bounds = array<i64: 1, 128>}, {pipeline_mode = #tpu.pipeline_mode<synchronous>, transform_indices = @transform_3, window_bounds = array<i64: 1, 128>}, {pipeline_mode = #tpu.pipeline_mode<synchronous>, transform_indices = @transform_4, window_bounds = array<i64: 128, 128>}, {transform_indices = @transform_5, window_bounds = array<i64: 1000, 128>}, {transform_indices = @transform_6, window_bounds = array<i64: 1000, 128>}, {transform_indices = @transform_7, window_bounds = array<i64: 2, 1000, 64>}]} {
    %get3A = arith.constant 0 : index
    %get3A_0 = arith.constant 0 : index
    %get3A_1 = vector.load %arg2[%get3A, %get3A_0] : memref<2x128xf32, #tpu.memory_space<vmem>>, vector<1x128xf32>
    %div3A = arith.constant 1.000000e+04 : f32
    %div3A_2 = vector.broadcast %div3A : f32 to vector<1x128xf32>
    %div3A_3 = arith.divf %get3A_1, %div3A_2 : vector<1x128xf32>
    %get3A_4 = arith.constant 1 : index
    %get3A_5 = arith.constant 0 : index
    %get3A_6 = vector.load %arg2[%get3A_4, %get3A_5] : memref<2x128xf32, #tpu.memory_space<vmem>>, vector<1x128xf32>
    %div3A_7 = arith.constant 1.000000e+04 : f32
    %div3A_8 = vector.broadcast %div3A_7 : f32 to vector<1x128xf32>
    %div3A_9 = arith.divf %get3A_6, %div3A_8 : vector<1x128xf32>
    %mul3A = arith.mulf %div3A_3, %div3A_3 : vector<1x128xf32>
    %sub3A = arith.subf %div3A_9, %mul3A : vector<1x128xf32>
    %get3A_10 = arith.constant 0 : index
    %get3A_11 = arith.constant 0 : index
    %get3A_12 = vector.load %arg1[%get3A_10, %get3A_11] : memref<1000x128xf32, #tpu.memory_space<vmem>>, vector<1000x128xf32>
    %sub3A_13 = vector.broadcast %div3A_3 : vector<1x128xf32> to vector<1000x128xf32>
    %sub3A_14 = arith.subf %get3A_12, %sub3A_13 : vector<1000x128xf32>
    %add3A = arith.constant 9.99999974E-6 : f32
    %add3A_15 = vector.broadcast %add3A : f32 to vector<1x128xf32>
    %add3A_16 = arith.addf %sub3A, %add3A_15 : vector<1x128xf32>
    %rsqrt3A = math.rsqrt %add3A_16 : vector<1x128xf32>
    %mul3A_17 = vector.broadcast %rsqrt3A : vector<1x128xf32> to vector<1000x128xf32>
    %mul3A_18 = arith.mulf %sub3A_14, %mul3A_17 : vector<1000x128xf32>
    %get3A_19 = arith.constant 0 : index
    %get3A_20 = arith.constant 0 : index
    %get3A_21 = vector.load %arg3[%get3A_19, %get3A_20] : memref<1x128xf32, #tpu.memory_space<vmem>>, vector<1x128xf32>
    %mul3A_22 = vector.broadcast %get3A_21 : vector<1x128xf32> to vector<1000x128xf32>
    %mul3A_23 = arith.mulf %mul3A_18, %mul3A_22 : vector<1000x128xf32>
    %get3A_24 = arith.constant 0 : index
    %get3A_25 = arith.constant 0 : index
    %get3A_26 = vector.load %arg4[%get3A_24, %get3A_25] : memref<1x128xf32, #tpu.memory_space<vmem>>, vector<1x128xf32>
    %add3A_27 = vector.broadcast %get3A_26 : vector<1x128xf32> to vector<1000x128xf32>
    %add3A_28 = arith.addf %mul3A_23, %add3A_27 : vector<1000x128xf32>
    %swap3A = arith.constant 0 : index
    %swap3A_29 = arith.constant 0 : index
    %swap3A_30 = vector.load %arg7[%swap3A, %swap3A_29] : memref<1000x128xf32, #tpu.memory_space<vmem>>, vector<1000x128xf32>
    tpu.vector_store %arg7[%swap3A, %swap3A_29], %add3A_28 {strides = array<i32>} : memref<1000x128xf32, #tpu.memory_space<vmem>>, vector<1000x128xf32>,
    %get3A_31 = arith.constant 0 : index
    %get3A_32 = arith.constant 0 : index
    %get3A_33 = vector.load %arg5[%get3A_31, %get3A_32] : memref<128x128xf32, #tpu.memory_space<vmem>>, vector<128x128xf32>
    %dot_general3A = arith.constant dense<0.000000e+00> : vector<1000x128xf32>
    %dot_general3A_34 = tpu.matmul %add3A_28, %get3A_33, %dot_general3A {dimension_numbers = #tpu.dot_dimension_numbers<[1], [0], [0], [1], [0, 0, 1, 1], [], []>, transpose_lhs_hint = false} : vector<1000x128xf32>, vector<128x128xf32>, vector<1000x128xf32> -> vector<1000x128xf32>
    %get3A_35 = arith.constant 0 : index
    %get3A_36 = arith.constant 0 : index
    %get3A_37 = vector.load %arg6[%get3A_35, %get3A_36] : memref<1000x128xf32, #tpu.memory_space<vmem>>, vector<1000x128xf32>
    %mul3A_38 = arith.mulf %dot_general3A_34, %get3A_37 : vector<1000x128xf32>
    %slice3A = vector.extract_strided_slice %mul3A_38 {offsets = [0, 0], sizes = [1000, 64], strides = [1, 1]} : vector<1000x128xf32> to vector<1000x64xf32>
    %slice3A_39 = vector.extract_strided_slice %mul3A_38 {offsets = [0, 64], sizes = [1000, 64], strides = [1, 1]} : vector<1000x128xf32> to vector<1000x64xf32>
    %stack3A = vector.shape_cast %slice3A : vector<1000x64xf32> to vector<1x1000x64xf32>
    %stack3A_40 = vector.shape_cast %slice3A_39 : vector<1000x64xf32> to vector<1x1000x64xf32>
    %stack3A_41 = tpu.concatenate %stack3A, %stack3A_40 in 0 : vector<1x1000x64xf32>, vector<1x1000x64xf32> -> vector<2x1000x64xf32>
    %swap3A_42 = arith.constant 0 : index
    %swap3A_43 = arith.constant 0 : index
    %swap3A_44 = arith.constant 0 : index
    %swap3A_45 = vector.load %arg8[%swap3A_42, %swap3A_43, %swap3A_44] : memref<2x1000x64xf32, #tpu.memory_space<vmem>>, vector<2x1000x64xf32>
    tpu.vector_store %arg8[%swap3A_42, %swap3A_43, %swap3A_44], %stack3A_41 {strides = array<i32>} : memref<2x1000x64xf32, #tpu.memory_space<vmem>>, vector<2x1000x64xf32>,
    return
  }
  func.func @transform_0(%arg0: i32) -> (i32, i32) {
    %c0_i32 = arith.constant 0 : i32
    %c0_i32_0 = arith.constant 0 : i32
    return %arg0, %c0_i32 : i32, i32
  }
  func.func @transform_1(%arg0: i32) -> (i32, i32) {
    %c0_i32 = arith.constant 0 : i32
    %c0_i32_0 = arith.constant 0 : i32
    %c0_i32_1 = arith.constant 0 : i32
    return %c0_i32, %c0_i32_0 : i32, i32
  }
  func.func @transform_2(%arg0: i32) -> (i32, i32) {
    %c0_i32 = arith.constant 0 : i32
    %c0_i32_0 = arith.constant 0 : i32
    %c0_i32_1 = arith.constant 0 : i32
    return %c0_i32, %c0_i32_0 : i32, i32
  }
  func.func @transform_3(%arg0: i32) -> (i32, i32) {
    %c0_i32 = arith.constant 0 : i32
    %c0_i32_0 = arith.constant 0 : i32
    %c0_i32_1 = arith.constant 0 : i32
    return %c0_i32, %c0_i32_0 : i32, i32
  }
  func.func @transform_4(%arg0: i32) -> (i32, i32) {
    %c0_i32 = arith.constant 0 : i32
    %c0_i32_0 = arith.constant 0 : i32
    %c0_i32_1 = arith.constant 0 : i32
    return %c0_i32, %c0_i32_0 : i32, i32
  }
  func.func @transform_5(%arg0: i32) -> (i32, i32) {
    %c0_i32 = arith.constant 0 : i32
    %c0_i32_0 = arith.constant 0 : i32
    return %arg0, %c0_i32 : i32, i32
  }
  func.func @transform_6(%arg0: i32) -> (i32, i32) {
    %c0_i32 = arith.constant 0 : i32
    %c0_i32_0 = arith.constant 0 : i32
    return %arg0, %c0_i32 : i32, i32
  }
  func.func @transform_7(%arg0: i32) -> (i32, i32, i32) {
    %c0_i32 = arith.constant 0 : i32
    %c0_i32_0 = arith.constant 0 : i32
    %c0_i32_1 = arith.constant 0 : i32
    return %c0_i32, %arg0, %c0_i32_0 : i32, i32, i32
  }
}

module attributes {stable_mosaic.version = 14 : i64} {
  func.func @_head_body(%arg0: i32, %arg1: memref<1000x128xf32, #tpu.memory_space<vmem>>, %arg2: memref<1000x128xf32, #tpu.memory_space<vmem>>, %arg3: memref<2x128xf32, #tpu.memory_space<vmem>>, %arg4: memref<1x128xf32, #tpu.memory_space<vmem>>, %arg5: memref<1x128xf32, #tpu.memory_space<vmem>>, %arg6: memref<256x384xf32, #tpu.memory_space<vmem>>, %arg7: memref<1x384xf32, #tpu.memory_space<vmem>>, %arg8: memref<128x384xf32, #tpu.memory_space<vmem>>, %arg9: memref<1x384xf32, #tpu.memory_space<vmem>>, %arg10: memref<384x128xf32, #tpu.memory_space<vmem>>, %arg11: memref<1x128xf32, #tpu.memory_space<vmem>>, %arg12: memref<128x1xf32, #tpu.memory_space<vmem>>, %arg13: memref<1x1xf32, #tpu.memory_space<vmem>>, %arg14: memref<1x128xf32, #tpu.memory_space<vmem>>, %arg15: memref<1000x1xf32, #tpu.memory_space<vmem>>) attributes {dimension_semantics = [#tpu.dimension_semantics<arbitrary>], iteration_bounds = array<i64: 10>, scalar_prefetch = 0 : i64, scratch_operands = 0 : i64, tpu.core_type = #tpu.core_type<tc>, window_params = [{transform_indices = @transform_0, window_bounds = array<i64: 1000, 128>}, {transform_indices = @transform_1, window_bounds = array<i64: 1000, 128>}, {pipeline_mode = #tpu.pipeline_mode<synchronous>, transform_indices = @transform_2, window_bounds = array<i64: 2, 128>}, {pipeline_mode = #tpu.pipeline_mode<synchronous>, transform_indices = @transform_3, window_bounds = array<i64: 1, 128>}, {pipeline_mode = #tpu.pipeline_mode<synchronous>, transform_indices = @transform_4, window_bounds = array<i64: 1, 128>}, {pipeline_mode = #tpu.pipeline_mode<synchronous>, transform_indices = @transform_5, window_bounds = array<i64: 256, 384>}, {pipeline_mode = #tpu.pipeline_mode<synchronous>, transform_indices = @transform_6, window_bounds = array<i64: 1, 384>}, {pipeline_mode = #tpu.pipeline_mode<synchronous>, transform_indices = @transform_7, window_bounds = array<i64: 128, 384>}, {pipeline_mode = #tpu.pipeline_mode<synchronous>, transform_indices = @transform_8, window_bounds = array<i64: 1, 384>}, {pipeline_mode = #tpu.pipeline_mode<synchronous>, transform_indices = @transform_9, window_bounds = array<i64: 384, 128>}, {pipeline_mode = #tpu.pipeline_mode<synchronous>, transform_indices = @transform_10, window_bounds = array<i64: 1, 128>}, {pipeline_mode = #tpu.pipeline_mode<synchronous>, transform_indices = @transform_11, window_bounds = array<i64: 128, 1>}, {pipeline_mode = #tpu.pipeline_mode<synchronous>, transform_indices = @transform_12, window_bounds = array<i64: 1, 1>}, {pipeline_mode = #tpu.pipeline_mode<synchronous>, transform_indices = @transform_13, window_bounds = array<i64: 1, 128>}, {transform_indices = @transform_14, window_bounds = array<i64: 1000, 1>}]} {
    %get3A = arith.constant 0 : index
    %get3A_0 = arith.constant 0 : index
    %get3A_1 = vector.load %arg3[%get3A, %get3A_0] : memref<2x128xf32, #tpu.memory_space<vmem>>, vector<1x128xf32>
    %div3A = arith.constant 1.000000e+04 : f32
    %div3A_2 = vector.broadcast %div3A : f32 to vector<1x128xf32>
    %div3A_3 = arith.divf %get3A_1, %div3A_2 : vector<1x128xf32>
    %get3A_4 = arith.constant 1 : index
    %get3A_5 = arith.constant 0 : index
    %get3A_6 = vector.load %arg3[%get3A_4, %get3A_5] : memref<2x128xf32, #tpu.memory_space<vmem>>, vector<1x128xf32>
    %div3A_7 = arith.constant 1.000000e+04 : f32
    %div3A_8 = vector.broadcast %div3A_7 : f32 to vector<1x128xf32>
    %div3A_9 = arith.divf %get3A_6, %div3A_8 : vector<1x128xf32>
    %mul3A = arith.mulf %div3A_3, %div3A_3 : vector<1x128xf32>
    %sub3A = arith.subf %div3A_9, %mul3A : vector<1x128xf32>
    %get3A_10 = arith.constant 0 : index
    %get3A_11 = arith.constant 0 : index
    %get3A_12 = vector.load %arg2[%get3A_10, %get3A_11] : memref<1000x128xf32, #tpu.memory_space<vmem>>, vector<1000x128xf32>
    %sub3A_13 = vector.broadcast %div3A_3 : vector<1x128xf32> to vector<1000x128xf32>
    %sub3A_14 = arith.subf %get3A_12, %sub3A_13 : vector<1000x128xf32>
    %add3A = arith.constant 9.99999974E-6 : f32
    %add3A_15 = vector.broadcast %add3A : f32 to vector<1x128xf32>
    %add3A_16 = arith.addf %sub3A, %add3A_15 : vector<1x128xf32>
    %rsqrt3A = math.rsqrt %add3A_16 : vector<1x128xf32>
    %mul3A_17 = vector.broadcast %rsqrt3A : vector<1x128xf32> to vector<1000x128xf32>
    %mul3A_18 = arith.mulf %sub3A_14, %mul3A_17 : vector<1000x128xf32>
    %get3A_19 = arith.constant 0 : index
    %get3A_20 = arith.constant 0 : index
    %get3A_21 = vector.load %arg4[%get3A_19, %get3A_20] : memref<1x128xf32, #tpu.memory_space<vmem>>, vector<1x128xf32>
    %mul3A_22 = vector.broadcast %get3A_21 : vector<1x128xf32> to vector<1000x128xf32>
    %mul3A_23 = arith.mulf %mul3A_18, %mul3A_22 : vector<1000x128xf32>
    %get3A_24 = arith.constant 0 : index
    %get3A_25 = arith.constant 0 : index
    %get3A_26 = vector.load %arg5[%get3A_24, %get3A_25] : memref<1x128xf32, #tpu.memory_space<vmem>>, vector<1x128xf32>
    %add3A_27 = vector.broadcast %get3A_26 : vector<1x128xf32> to vector<1000x128xf32>
    %add3A_28 = arith.addf %mul3A_23, %add3A_27 : vector<1000x128xf32>
    %get3A_29 = arith.constant 0 : index
    %get3A_30 = arith.constant 0 : index
    %get3A_31 = vector.load %arg1[%get3A_29, %get3A_30] : memref<1000x128xf32, #tpu.memory_space<vmem>>, vector<1000x128xf32>
    %concatenate3A = tpu.concatenate %get3A_31, %add3A_28 in 1 : vector<1000x128xf32>, vector<1000x128xf32> -> vector<1000x256xf32>
    %get3A_32 = arith.constant 0 : index
    %get3A_33 = arith.constant 0 : index
    %get3A_34 = vector.load %arg6[%get3A_32, %get3A_33] : memref<256x384xf32, #tpu.memory_space<vmem>>, vector<256x384xf32>
    %dot_general3A = arith.constant dense<0.000000e+00> : vector<1000x384xf32>
    %dot_general3A_35 = tpu.matmul %concatenate3A, %get3A_34, %dot_general3A {dimension_numbers = #tpu.dot_dimension_numbers<[1], [0], [0], [1], [0, 0, 1, 1], [], []>, transpose_lhs_hint = false} : vector<1000x256xf32>, vector<256x384xf32>, vector<1000x384xf32> -> vector<1000x384xf32>
    %get3A_36 = arith.constant 0 : index
    %get3A_37 = arith.constant 0 : index
    %get3A_38 = vector.load %arg7[%get3A_36, %get3A_37] : memref<1x384xf32, #tpu.memory_space<vmem>>, vector<1x384xf32>
    %add3A_39 = vector.broadcast %get3A_38 : vector<1x384xf32> to vector<1000x384xf32>
    %add3A_40 = arith.addf %dot_general3A_35, %add3A_39 : vector<1000x384xf32>
    %slice3A = vector.extract_strided_slice %add3A_40 {offsets = [0, 0], sizes = [1000, 128], strides = [1, 1]} : vector<1000x384xf32> to vector<1000x128xf32>
    %logistic3A = arith.negf %slice3A : vector<1000x128xf32>
    %logistic3A_41 = math.exp %logistic3A : vector<1000x128xf32>
    %logistic3A_42 = arith.constant 1.000000e+00 : f32
    %logistic3A_43 = vector.broadcast %logistic3A_42 : f32 to vector<1000x128xf32>
    %logistic3A_44 = arith.addf %logistic3A_43, %logistic3A_41 : vector<1000x128xf32>
    %logistic3A_45 = arith.divf %logistic3A_43, %logistic3A_44 : vector<1000x128xf32>
    %slice3A_46 = vector.extract_strided_slice %add3A_40 {offsets = [0, 128], sizes = [1000, 128], strides = [1, 1]} : vector<1000x384xf32> to vector<1000x128xf32>
    %tanh3A = math.tanh %slice3A_46 : vector<1000x128xf32>
    %slice3A_47 = vector.extract_strided_slice %add3A_40 {offsets = [0, 256], sizes = [1000, 128], strides = [1, 1]} : vector<1000x384xf32> to vector<1000x128xf32>
    %logistic3A_48 = arith.negf %slice3A_47 : vector<1000x128xf32>
    %logistic3A_49 = math.exp %logistic3A_48 : vector<1000x128xf32>
    %logistic3A_50 = arith.constant 1.000000e+00 : f32
    %logistic3A_51 = vector.broadcast %logistic3A_50 : f32 to vector<1000x128xf32>
    %logistic3A_52 = arith.addf %logistic3A_51, %logistic3A_49 : vector<1000x128xf32>
    %logistic3A_53 = arith.divf %logistic3A_51, %logistic3A_52 : vector<1000x128xf32>
    %mul3A_54 = arith.mulf %logistic3A_45, %tanh3A : vector<1000x128xf32>
    %tanh3A_55 = math.tanh %mul3A_54 : vector<1000x128xf32>
    %mul3A_56 = arith.mulf %logistic3A_53, %tanh3A_55 : vector<1000x128xf32>
    %get3A_57 = arith.constant 0 : index
    %get3A_58 = arith.constant 0 : index
    %get3A_59 = vector.load %arg8[%get3A_57, %get3A_58] : memref<128x384xf32, #tpu.memory_space<vmem>>, vector<128x384xf32>
    %dot_general3A_60 = arith.constant dense<0.000000e+00> : vector<1000x384xf32>
    %dot_general3A_61 = tpu.matmul %mul3A_56, %get3A_59, %dot_general3A_60 {dimension_numbers = #tpu.dot_dimension_numbers<[1], [0], [0], [1], [0, 0, 1, 1], [], []>, transpose_lhs_hint = false} : vector<1000x128xf32>, vector<128x384xf32>, vector<1000x384xf32> -> vector<1000x384xf32>
    %get3A_62 = arith.constant 0 : index
    %get3A_63 = arith.constant 0 : index
    %get3A_64 = vector.load %arg9[%get3A_62, %get3A_63] : memref<1x384xf32, #tpu.memory_space<vmem>>, vector<1x384xf32>
    %add3A_65 = vector.broadcast %get3A_64 : vector<1x384xf32> to vector<1000x384xf32>
    %add3A_66 = arith.addf %dot_general3A_61, %add3A_65 : vector<1000x384xf32>
    %slice3A_67 = vector.extract_strided_slice %add3A_66 {offsets = [0, 0], sizes = [1000, 128], strides = [1, 1]} : vector<1000x384xf32> to vector<1000x128xf32>
    %logistic3A_68 = arith.negf %slice3A_67 : vector<1000x128xf32>
    %logistic3A_69 = math.exp %logistic3A_68 : vector<1000x128xf32>
    %logistic3A_70 = arith.constant 1.000000e+00 : f32
    %logistic3A_71 = vector.broadcast %logistic3A_70 : f32 to vector<1000x128xf32>
    %logistic3A_72 = arith.addf %logistic3A_71, %logistic3A_69 : vector<1000x128xf32>
    %logistic3A_73 = arith.divf %logistic3A_71, %logistic3A_72 : vector<1000x128xf32>
    %slice3A_74 = vector.extract_strided_slice %add3A_66 {offsets = [0, 128], sizes = [1000, 128], strides = [1, 1]} : vector<1000x384xf32> to vector<1000x128xf32>
    %tanh3A_75 = math.tanh %slice3A_74 : vector<1000x128xf32>
    %slice3A_76 = vector.extract_strided_slice %add3A_66 {offsets = [0, 256], sizes = [1000, 128], strides = [1, 1]} : vector<1000x384xf32> to vector<1000x128xf32>
    %logistic3A_77 = arith.negf %slice3A_76 : vector<1000x128xf32>
    %logistic3A_78 = math.exp %logistic3A_77 : vector<1000x128xf32>
    %logistic3A_79 = arith.constant 1.000000e+00 : f32
    %logistic3A_80 = vector.broadcast %logistic3A_79 : f32 to vector<1000x128xf32>
    %logistic3A_81 = arith.addf %logistic3A_80, %logistic3A_78 : vector<1000x128xf32>
    %logistic3A_82 = arith.divf %logistic3A_80, %logistic3A_81 : vector<1000x128xf32>
    %mul3A_83 = arith.mulf %logistic3A_73, %tanh3A_75 : vector<1000x128xf32>
    %tanh3A_84 = math.tanh %mul3A_83 : vector<1000x128xf32>
    %mul3A_85 = arith.mulf %logistic3A_82, %tanh3A_84 : vector<1000x128xf32>
    %get3A_86 = arith.constant 0 : index
    %get3A_87 = arith.constant 0 : index
    %get3A_88 = vector.load %arg14[%get3A_86, %get3A_87] : memref<1x128xf32, #tpu.memory_space<vmem>>, vector<1x128xf32>
    %broadcast_in_dim3A = vector.shape_cast %get3A_88 : vector<1x128xf32> to vector<1x128xf32>
    %broadcast_in_dim3A_89 = vector.broadcast %broadcast_in_dim3A : vector<1x128xf32> to vector<1000x128xf32>
    %concatenate3A_90 = tpu.concatenate %mul3A_56, %mul3A_85, %broadcast_in_dim3A_89 in 1 : vector<1000x128xf32>, vector<1000x128xf32>, vector<1000x128xf32> -> vector<1000x384xf32>
    %get3A_91 = arith.constant 0 : index
    %get3A_92 = arith.constant 0 : index
    %get3A_93 = vector.load %arg10[%get3A_91, %get3A_92] : memref<384x128xf32, #tpu.memory_space<vmem>>, vector<384x128xf32>
    %dot_general3A_94 = arith.constant dense<0.000000e+00> : vector<1000x128xf32>
    %dot_general3A_95 = tpu.matmul %concatenate3A_90, %get3A_93, %dot_general3A_94 {dimension_numbers = #tpu.dot_dimension_numbers<[1], [0], [0], [1], [0, 0, 1, 1], [], []>, transpose_lhs_hint = false} : vector<1000x384xf32>, vector<384x128xf32>, vector<1000x128xf32> -> vector<1000x128xf32>
    %get3A_96 = arith.constant 0 : index
    %get3A_97 = arith.constant 0 : index
    %get3A_98 = vector.load %arg11[%get3A_96, %get3A_97] : memref<1x128xf32, #tpu.memory_space<vmem>>, vector<1x128xf32>
    %add3A_99 = vector.broadcast %get3A_98 : vector<1x128xf32> to vector<1000x128xf32>
    %add3A_100 = arith.addf %dot_general3A_95, %add3A_99 : vector<1000x128xf32>
    %max3A = arith.constant 0.000000e+00 : f32
    %max3A_101 = vector.broadcast %max3A : f32 to vector<1000x128xf32>
    %max3A_102 = arith.maximumf %add3A_100, %max3A_101 : vector<1000x128xf32>
    %get3A_103 = arith.constant 0 : index
    %get3A_104 = arith.constant 0 : index
    %get3A_105 = vector.load %arg12[%get3A_103, %get3A_104] : memref<128x1xf32, #tpu.memory_space<vmem>>, vector<128x1xf32>
    %dot_general3A_106 = arith.constant dense<0.000000e+00> : vector<1000x1xf32>
    %dot_general3A_107 = tpu.matmul %max3A_102, %get3A_105, %dot_general3A_106 {dimension_numbers = #tpu.dot_dimension_numbers<[1], [0], [0], [1], [0, 0, 1, 1], [], []>, transpose_lhs_hint = false} : vector<1000x128xf32>, vector<128x1xf32>, vector<1000x1xf32> -> vector<1000x1xf32>
    %get3A_108 = arith.constant 0 : index
    %get3A_109 = arith.constant 0 : index
    %get3A_110 = vector.load %arg13[%get3A_108, %get3A_109] : memref<1x1xf32, #tpu.memory_space<vmem>>, vector<1x1xf32>
    %add3A_111 = vector.broadcast %get3A_110 : vector<1x1xf32> to vector<1000x1xf32>
    %add3A_112 = arith.addf %dot_general3A_107, %add3A_111 : vector<1000x1xf32>
    %swap3A = arith.constant 0 : index
    %swap3A_113 = arith.constant 0 : index
    %swap3A_114 = vector.load %arg15[%swap3A, %swap3A_113] : memref<1000x1xf32, #tpu.memory_space<vmem>>, vector<1000x1xf32>
    tpu.vector_store %arg15[%swap3A, %swap3A_113], %add3A_112 {strides = array<i32>} : memref<1000x1xf32, #tpu.memory_space<vmem>>, vector<1000x1xf32>,
    return
  }
  func.func @transform_0(%arg0: i32) -> (i32, i32) {
    %c0_i32 = arith.constant 0 : i32
    %c0_i32_0 = arith.constant 0 : i32
    return %arg0, %c0_i32 : i32, i32
  }
  func.func @transform_1(%arg0: i32) -> (i32, i32) {
    %c0_i32 = arith.constant 0 : i32
    %c0_i32_0 = arith.constant 0 : i32
    return %arg0, %c0_i32 : i32, i32
  }
  func.func @transform_2(%arg0: i32) -> (i32, i32) {
    %c0_i32 = arith.constant 0 : i32
    %c0_i32_0 = arith.constant 0 : i32
    %c0_i32_1 = arith.constant 0 : i32
    return %c0_i32, %c0_i32_0 : i32, i32
  }
  func.func @transform_3(%arg0: i32) -> (i32, i32) {
    %c0_i32 = arith.constant 0 : i32
    %c0_i32_0 = arith.constant 0 : i32
    %c0_i32_1 = arith.constant 0 : i32
    return %c0_i32, %c0_i32_0 : i32, i32
  }
  func.func @transform_4(%arg0: i32) -> (i32, i32) {
    %c0_i32 = arith.constant 0 : i32
    %c0_i32_0 = arith.constant 0 : i32
    %c0_i32_1 = arith.constant 0 : i32
    return %c0_i32, %c0_i32_0 : i32, i32
  }
  func.func @transform_5(%arg0: i32) -> (i32, i32) {
    %c0_i32 = arith.constant 0 : i32
    %c0_i32_0 = arith.constant 0 : i32
    %c0_i32_1 = arith.constant 0 : i32
    return %c0_i32, %c0_i32_0 : i32, i32
  }
  func.func @transform_6(%arg0: i32) -> (i32, i32) {
    %c0_i32 = arith.constant 0 : i32
    %c0_i32_0 = arith.constant 0 : i32
    %c0_i32_1 = arith.constant 0 : i32
    return %c0_i32, %c0_i32_0 : i32, i32
  }
  func.func @transform_7(%arg0: i32) -> (i32, i32) {
    %c0_i32 = arith.constant 0 : i32
    %c0_i32_0 = arith.constant 0 : i32
    %c0_i32_1 = arith.constant 0 : i32
    return %c0_i32, %c0_i32_0 : i32, i32
  }
  func.func @transform_8(%arg0: i32) -> (i32, i32) {
    %c0_i32 = arith.constant 0 : i32
    %c0_i32_0 = arith.constant 0 : i32
    %c0_i32_1 = arith.constant 0 : i32
    return %c0_i32, %c0_i32_0 : i32, i32
  }
  func.func @transform_9(%arg0: i32) -> (i32, i32) {
    %c0_i32 = arith.constant 0 : i32
    %c0_i32_0 = arith.constant 0 : i32
    %c0_i32_1 = arith.constant 0 : i32
    return %c0_i32, %c0_i32_0 : i32, i32
  }
  func.func @transform_10(%arg0: i32) -> (i32, i32) {
    %c0_i32 = arith.constant 0 : i32
    %c0_i32_0 = arith.constant 0 : i32
    %c0_i32_1 = arith.constant 0 : i32
    return %c0_i32, %c0_i32_0 : i32, i32
  }
  func.func @transform_11(%arg0: i32) -> (i32, i32) {
    %c0_i32 = arith.constant 0 : i32
    %c0_i32_0 = arith.constant 0 : i32
    %c0_i32_1 = arith.constant 0 : i32
    return %c0_i32, %c0_i32_0 : i32, i32
  }
  func.func @transform_12(%arg0: i32) -> (i32, i32) {
    %c0_i32 = arith.constant 0 : i32
    %c0_i32_0 = arith.constant 0 : i32
    %c0_i32_1 = arith.constant 0 : i32
    return %c0_i32, %c0_i32_0 : i32, i32
  }
  func.func @transform_13(%arg0: i32) -> (i32, i32) {
    %c0_i32 = arith.constant 0 : i32
    %c0_i32_0 = arith.constant 0 : i32
    %c0_i32_1 = arith.constant 0 : i32
    return %c0_i32, %c0_i32_0 : i32, i32
  }
  func.func @transform_14(%arg0: i32) -> (i32, i32) {
    %c0_i32 = arith.constant 0 : i32
    %c0_i32_0 = arith.constant 0 : i32
    return %arg0, %c0_i32 : i32, i32
  }
}

</mosaic_0001>

<sc_bundles>
// kernel: kernel.11.cloned.1.call-start
scs
__scs_entry_jumppad:
0x0: {  	(pc) =	sbr.rel $0x88, $3  }
0x1: {  	(tag) =	ssettag $0x0;
	lr =	simm.s32 $0x1  }
0x2: {  	[smem:$0x3F8C] =	sst lr;
	_ =	strace $0xD0000000  }
0x3: {  	_ = 	snop  }
0x4: {  	_ = 	snop  }
0x5: {  	_ = 	snop  }
0x6: {  	_ = 	snop  }
0x7: {  	_ = 	snop  }
__scs_overlays_trampoline_lowered:
0x8: {  	[smem:$0x3F9B] =	sst s0  }
0x9: {  	[smem:$0x3F9C] =	sst s1  }
0xa: {  	[smem:$0x3F9D] =	sst s2  }
0xb: {  	[smem:$0x3F9E] =	sst s3  }
0xc: {  	[smem:$0x3F9F] =	sst s4  }
0xd: {  	[smem:$0x3FA0] =	sst s5  }
0xe: {  	[smem:$0x3FA1] =	sst s6  }
0xf: {  	[smem:$0x3FA2] =	sst s7  }
0x10: {  	[smem:$0x3FA3] =	sst s8  }
0x11: {  	[smem:$0x3FA4] =	sst s9;
	s0 =	simm.s32 @!p0 $0x0  }
0x12: {  	s1 =	sld [smem:$0x3F8A];
	s0 =	simm.s32 @p0 $0x1  }
0x13: {  	[smem:$0x3FA5] =	sst s0;
	s0 =	simm.s32 @!p1 $0x0  }
0x14: {  	s2 =	sld [smem:$0x3F89];
	s0 =	simm.s32 @p1 $0x1  }
0x15: {  	[smem:$0x3FA6] =	sst s0;
	s0 =	simm.s32 @!p2 $0x0  }
0x16: {  	s3 =	sld [smem:$0x3FDB];
	s0 =	simm.s32 @p2 $0x1  }
0x17: {  	s4 =	simm.s32 $0x1BF5;
	[smem:$0x3FA8] =	sst s0  }
0x18: {  	s0 =	sld [smem:$0x3F8B];
	_ =	swait.ge [sflag:s4], $0x0  }
0x19: {  	s7 =	sld [smem:$0x3F8C]  }
0x1a: {  	s8 =	sadd.s32 $0xFFFFE003, lr  }
0x1b: {  	s9 =	sadd.s32 $0xFFFFFEF7, lr;
	s5 =	simm.s32 $0xFFFFFFFF;
	p2 =	slt.u32 s8, $0xFFFFF086  }
0x1c: {  	p1 =	slt.u32 s9, $0xF7A;
	s5 =	simm.s32 @!p2 $0x0  }
0x1d: {  	s5 =	simm.s32 @p1 $0x1;
	p0 =	seq.s32 s7, s2  }
0x1e: {  	s7 =	smul.u32 @!p0 $0xF7A, s2;
	p2 =	seq.s32 @!p0 s5, $0x0  }
0x1f: {  	s9 =	smul.u32 $0xF7A, s1;
	s8 =	simm.s32 @!p0 $0x1BF5;
	p2 =	por !p2, p0  }
0x20: {  	[sflag:s8] =	ssyncset.s32 @!p0 $0xFFFFF086;
	s6 =	sadd.s32 @!p0 s3, s7;
	s7 =	simm.s32 @!p0 $0x108  }
0x21: {  	s3 =	sadd.s32 s3, s9;
	s6 =	sadd.s32 @!p0 $0x88, s6;
	s7 =	simm.s32 @p2 $0x1082  }
0x22: {  	[simem:s7], [sflag:s8] =	dma.local @!p0 [hbm:s6], $0xF7A  }
0x23: {  	s9 =	sor.u32 $0xD0000000, s2;
	s6 =	simm.s32 $0x108;
	_ =	swait.ge @!p0 [sflag:s8], $0x0  }
0x24: {  	s3 =	sadd.s32 $0x88, s3;
	s6 =	simm.s32 @!p1 $0x1082;
	[sflag:s4] =	ssyncset.s32 $0xFFFFF086  }
0x25: {  	[simem:s6], [sflag:s4] =	dma.local [hbm:s3], $0xF7A  }
0x26: {  	[smem:$0x3F8C] =	sst s1;
	(tag) =	ssettag s2;
	_ =	strace s9  }
0x27: {  	s1 =	sld [smem:$0x3F9C]  }
0x28: {  	s2 =	sld [smem:$0x3F9D]  }
0x29: {  	s4 =	sld [smem:$0x3F9F]  }
0x2a: {  	p0 =	seq.s32 s5, $0x0;
	s5 =	sld [smem:$0x3FA0]  }
0x2b: {  	s6 =	sld [smem:$0x3FA1]  }
0x2c: {  	s7 =	sld [smem:$0x3FA2]  }
0x2d: {  	s3 =	simm.s32 $0x108;
	s8 =	sld [smem:$0x3FA3]  }
0x2e: {  	s3 =	simm.s32 @!p0 $0x1082;
	s9 =	sld [smem:$0x3FA4]  }
0x2f: {  	lr =	sadd.s32 s0, s3;
	s0 =	sld [smem:$0x3F9B]  }
0x30: {  	s3 =	sld [smem:$0x3F9E]  }
0x31: {  	[smem:$0x3FA7] =	sst s10  }
0x32: {  	s10 =	sld [smem:$0x3FA5];
	_ =	sdelay $0x3  }
0x33: {  	p0 =	seq.s32 s10, $0x1;
	s10 =	sld [smem:$0x3FA7];
	_ =	sdelay $0x3  }
0x34: {  	[smem:$0x3FA7] =	sst s10  }
0x35: {  	s10 =	sld [smem:$0x3FA6];
	_ =	sdelay $0x3  }
0x36: {  	p1 =	seq.s32 s10, $0x1;
	s10 =	sld [smem:$0x3FA7];
	_ =	sdelay $0x3  }
0x37: {  	[smem:$0x3FA7] =	sst s10  }
0x38: {  	s10 =	sld [smem:$0x3FA8]  }
0x39: {  	_ = 	snop;
	(pc) =	sbr.ind lr, $3  }
0x3a: {  	_ = 	snop  }
0x3b: {  	_ = 	snop  }
0x3c: {  	p2 =	seq.s32 s10, $0x1;
	s10 =	sld [smem:$0x3FA7]  }
0x3d: {  	_ =	shalt  }
0x3e: {  	_ =	shalt  }
0x3f: {  	_ =	shalt  }
0x40: {  	_ =	shalt  }
0x41: {  	_ =	shalt  }
0x42: {  	_ =	shalt  }
0x43: {  	_ =	shalt  }
0x44: {  	_ =	shalt  }
0x45: {  	_ =	shalt  }
0x46: {  	_ =	shalt  }
0x47: {  	_ =	shalt  }
0x48: {  	_ =	shalt  }
0x49: {  	_ =	shalt  }
0x4a: {  	_ =	shalt  }
0x4b: {  	_ =	shalt  }
0x4c: {  	_ =	shalt  }
0x4d: {  	_ =	shalt  }
0x4e: {  	_ =	shalt  }
0x4f: {  	_ =	shalt  }
0x50: {  	_ =	shalt  }
0x51: {  	_ =	shalt  }
0x52: {  	_ =	shalt  }
0x53: {  	_ =	shalt  }
0x54: {  	_ =	shalt  }
0x55: {  	_ =	shalt  }
0x56: {  	_ =	shalt  }
0x57: {  	_ =	shalt  }
0x58: {  	_ =	shalt  }
0x59: {  	_ =	shalt  }
0x5a: {  	_ =	shalt  }
0x5b: {  	_ =	shalt  }
0x5c: {  	_ =	shalt  }
0x5d: {  	_ =	shalt  }
0x5e: {  	_ =	shalt  }
0x5f: {  	_ =	shalt  }
0x60: {  	_ =	shalt  }
0x61: {  	_ =	shalt  }
0x62: {  	_ =	shalt  }
0x63: {  	_ =	shalt  }
0x64: {  	_ =	shalt  }
0x65: {  	_ =	shalt  }
0x66: {  	_ =	shalt  }
0x67: {  	_ =	shalt  }
0x68: {  	_ =	shalt  }
0x69: {  	_ =	shalt  }
0x6a: {  	_ =	shalt  }
0x6b: {  	_ =	shalt  }
0x6c: {  	_ =	shalt  }
0x6d: {  	_ =	shalt  }
0x6e: {  	_ =	shalt  }
0x6f: {  	_ =	shalt  }
0x70: {  	_ =	shalt  }
0x71: {  	_ =	shalt  }
0x72: {  	_ =	shalt  }
0x73: {  	_ =	shalt  }
0x74: {  	_ =	shalt  }
0x75: {  	_ =	shalt  }
0x76: {  	_ =	shalt  }
0x77: {  	_ =	shalt  }
0x78: {  	_ =	shalt  }
0x79: {  	_ =	shalt  }
0x7a: {  	_ =	shalt  }
0x7b: {  	_ =	shalt  }
0x7c: {  	_ =	shalt  }
0x7d: {  	_ =	shalt  }
0x7e: {  	_ =	shalt  }
0x7f: {  	_ =	shalt  }
0x80: {  	_ =	shalt  }
0x81: {  	_ =	shalt  }
0x82: {  	_ =	shalt  }
0x83: {  	_ =	shalt  }
0x84: {  	_ =	shalt  }
0x85: {  	_ =	shalt  }
0x86: {  	_ =	shalt  }
0x87: {  	_ =	shalt  }
.Lfunc_end0:
.L_simem_size_0:
called_computation_lowered:
.L_overlay_start_0:
0x88: {  	s2 =	sld [smem:$0x3FD9]  }
0x89: {  	s3 =	sld [smem:$0x3FFE];
	_ =	sdelay $0x1  }
0x8a: {  	s1 =	srdreg.scid  }
0x8b: {  	s0 =	sand.u32 $0x1, s1  }
0x8c: {  	s16 =	sshll.u32 s0, $0xA;
	s2 =	sadd.s32 s3, s2  }
0x8d: {  	s2 =	sadd.s32 s2, s16  }
0x8e: {  	[smem:$0x3FB3] =	sst s2  }
0x8f: {  	_ = 	snop  }
0x90: {  	(tm) =	ssettm $0x1  }
0x91: {  	s17 =	sld [smem:$0x3FFB];
	_ =	sdelay $0x3  }
0x92: {  	_ =	strace s17  }
0x93: {  	s2 =	sld [smem:$0x3FFC];
	_ =	sdelay $0x3  }
0x94: {  	_ =	strace s2  }
0x95: {  	s2 =	sld [smem:$0x3FFD];
	_ =	sdelay $0x3  }
0x96: {  	_ =	strace s2  }
0x97: {  	_ =	strace $0x8FFFFFFF  }
0x98: {  	s18 =	sld [smem:$0x3FDB];
	_ =	sdelay $0x1  }
0x99: {  	s19 =	simm.s32 $_scs_section_size  }
0x9a: {  	s4 =	simm.s32 $_size__tile_overlayer_lowered;
	s5 =	simm.s32 $_tile_overlayer_lowered  }
0x9b: {  	s22 =	simm.s32 $0x1BFF;
	s21 =	sshll.u32 s5, $0x1;
	s2 =	sadd.s32 s19, s18  }
0x9c: {  	s6 =	simm.s32 $0x0;
	s20 =	sshll.u32 s4, $0x1;
	s4 =	sadd.s32 s21, s2  }
0x9d: {  	[timem:s6], [sflag:s22] =	dma.local [hbm:s4], s20  }
0x9e: {  	_ =	swait.ge [sflag:s22], s20  }
0x9f: {  	s3 =	ssub.s32 $0x0, s20;
	[sflag:s22] =	ssyncset.done $0x0  }
0xa0: {  	[sflag:s22] =	ssyncadd.s32 s3;
	_ =	sdelay $0x1  }
0xa1: {  	s23 =	simm.s32 $0x1B8B  }
0xa2: {  	_ =	swait.ge [sflag:s23], $0x1  }
0xa3: {  	[sflag:s23] =	ssyncset.done $0x0  }
0xa4: {  	s25 =	simm.s32 $0x1B8E;
	s24 =	sld [smem:$0x3FFE];
	[sflag:s23] =	ssyncadd.s32 $0xFFFFFFFF  }
0xa5: {  	s26 =	simm.s32 $execute0_lowered;
	[smem:$0x3FD2] =	sst s25  }
0xa6: {  	s4 =	sshll.u32 s26, $0x1;
	_ =	strace $0x80000046;
	[dreg:$0x1] =	wrdreg $0xFFFFFFFF  }
0xa7: {  	s28 =	simm.s32 $_size_execute0_lowered;
	s2 =	sadd.s32 s2, s4;
	[dreg:$0x0] =	wrdreg $0x0  }
0xa8: {  	s4 =	sshll.u32 s28, $0x1;
	[dreg:$0x2] =	wrdreg s2  }
0xa9: {  	[dreg:$0x3] =	wrdreg s4  }
0xaa: {  	[dreg:$0x4] =	wrdreg $0xC0  }
0xab: {  	_ =	task [dreg:s6], $0x5FFFF  }
0xac: {  	[dreg:$0x1] =	wrdreg $0xFFFFFFFF  }
0xad: {  	[dreg:$0x0] =	wrdreg $0x60  }
0xae: {  	[dreg:$0x2] =	wrdreg s24  }
0xaf: {  	[dreg:$0x3] =	wrdreg $0x65C00  }
0xb0: {  	[dreg:$0x4] =	wrdreg $0x9  }
0xb1: {  	_ =	task.clear_ibuf [dreg:s6], $0x5FFFF;
	_ =	strace $0x90000046  }
0xb2: {  	s29 =	simm.s32 $0x9;
	_ =	strace $0x80000048  }
0xb3: {  	_ =	swait.ge [sflag:s29], $0x1  }
0xb4: {  	[sflag:s29] =	ssyncadd.s32 $0xFFFFFFFF  }
0xb5: {  	_ =	strace $0x90000048  }
0xb6: {  	_ =	sfence  }
0xb7: {  	s30 =	sld [smem:$0x0];
	_ =	sdelay $0x2  }
0xb8: {  	s31 =	sshll.u32 s1, $0xD;
	s1 =	sshrl.u32 s1, $0x2  }
0xb9: {  	s3 =	sand.u32 $0x4000, s31;
	s1 =	sadd.s32 s1, s30  }
0xba: {  	s0 =	sor.u32 s3, s0;
	s1 =	sshll.u32 s1, $0x11  }
0xbb: {  	s0 =	sor.u32 s1, s0  }
0xbc: {  	s0 =	sadd.s32 $0x8F2B, s0  }
0xbd: {  	[sflag:s0] =	ssyncadd.remote.s32 $0x1  }
0xbe: {  	_ =	sfence.sel $0xFFFF  }
0xbf: {  	[dreg:$0x0] =	wrdreg $0xFFFFFFFF;
	(pc) =	sbr.abs _section_cstart, $3  }
0xc0: {  	[dreg:$0x1] =	wrdreg $0xFFFFFFFF  }
0xc1: {  	_ =	task.clear_ibuf [dreg:s6], $0x2FFFF;
	_ =	strace $0x9FFFFFFF  }
0xc2: {  	(tm) =	ssettm $0x7FFFFFFF  }
0xc3: {  	_ =	shalt  }
tec
execute0_lowered:
.L_overlay_start_1:
0x0: {  	(tag) =	ssettag $0x1  }
0x1: {  	s0 =	srdreg.scid;
	s5 =	rddreg [dreg:$0x0]  }
0x2: {  	s1 =	stileid.u32;
	s2 =	rddreg [dreg:$0x1]  }
0x3: {  	s3 =	simm.s32 $0x0;
	s12 =	simm.s32 $0x3;
	s13 =	simm.s32 $0x2760  }
0x4: {  	s14 =	simm.s32 $0x58C0;
	s15 =	simm.s32 $0x50;
	s16 =	simm.s32 $0x4EC0  }
0x5: {  	s17 =	simm.s32 $0x53C0;
	s18 =	simm.s32 $0x1;
	s19 =	simm.s32 $0x2  }
0x6: {  	s22 =	simm.s32 $0x0;
	s4 =	sand.u32 $0x1, s0;
	s31 =	smul.u32 $0x9C00, s1  }
0x7: {  	[smem:$0x7FF] =	sst s3;
	s10 =	smul.u32 $0x2700, s1;
	p0 =	sne.s32 s1, $0x0  }
0x8: {  	s0 =	sshll.u32 s4, $0x4;
	s7 =	smul.u32 $0x4E20, s4;
	s4 =	ssub.s32 $0x2, s4  }
0x9: {  	s6 =	sor.u32 s1, s0;
	s0 =	rddreg [dreg:$0x2];
	_ =	strace $0x80000047  }
0xa: {  	v0 =	vimm.f32 $0.0e+00;
	v1 =	vimm.s32 $0x0;
	s8 =	sshrl.u32 s4, $0x1;
	s20 =	sshrl.u32 s10, $0x3;
	s21 =	sadd.s32 s10, s2  }
0xb: {  	v2 =	vimm.s32 $0x1;
	v3 =	vimm.s32 $0x2;
	v4 =	vimm.s32 $0x3;
	s6 =	smul.u32 $0x4EC, s6;
	s7 =	sadd.s32 s7, s5;
	s9 =	ssub.s32 s4, s8  }
0xc: {  	v5 =	vimm.s32 $0x4;
	v6 =	vimm.s32 $0x5;
	v7 =	vimm.s32 $0x6;
	s8 =	sshrl.u32 s31, $0x2;
	s21 =	sshrl.u32 s21, $0x3;
	s7 =	sadd.s32 $0x2B400, s7  }
0xd: {  	v8 =	vimm.s32 $0x7;
	v9 =	vimm.s32 $0x8;
	v10 =	vimm.s32 $0x9;
	s8 =	sadd.s32 s8, s2;
	s9 =	smax.u32 s9, $0x1;
	s6 =	sadd.s32 s6, s5  }
0xe: {  	v11 =	vimm.s32 $0xA;
	v12 =	vimm.s32 $0xB;
	v13 =	vimm.s32 $0xC;
	s10 =	sadd.s32 $0xD00, s8;
	s11 =	sadd.s32 $0x1A00, s8;
	s20 =	sadd.s32 s20, s7  }
0xf: {  	v14 =	vimm.s32 $0xD;
	v15 =	vimm.s32 $0xE;
	v16 =	vimm.s32 $0xF;
	s4 =	sadd.s32 $0x21600, s6;
	s5 =	sadd.s32 $0x17800, s6;
	s6 =	sadd.s32 $0x27000, s2  }
.LBB2_1:
0x10: {  	[tilespmem:s3], [sflag:$0x3] =	stream.linear.gather [hbm4b:s4+s3], $0x2760, $0x38;
	[tilespmem:$0x8CD0] =	vst v63  }
0x11: {  	_ =	swait.ge [sflag:s12], $0x2760  }
0x12: {  	[sflag:s12] =	ssyncset.done $0x0  }
0x13: {  	[sflag:s12] =	ssyncadd.s32 $0xFFFFD8A0  }
0x14: {  	[tilespmem:s13], [sflag:$0x3] =	stream.linear.gather [hbm4b:s5+s3], $0x2760, $0x38;
	[tilespmem:$0x8CD0] =	vst v63  }
0x15: {  	_ =	swait.ge [sflag:s12], $0x2760  }
0x16: {  	[sflag:s12] =	ssyncset.done $0x0  }
0x17: {  	s23 =	simm.s32 $0x40;
	s24 =	simm.s32 $0x0;
	[sflag:s12] =	ssyncadd.s32 $0xFFFFD8A0  }
.LBB2_2:
0x18: {  	p1 =	sne.s32 s23, $0x33C0;
	[tilespmem:s24+$0x58C0] =	vst v0;
	s24 =	smov.u32 s23;
	s23 =	sadd.s32 $0x40, s23  }
.Ltmp0:
0x19: {  	(pc) =	sbr.rel @p1 .LBB2_2-.Ltmp0, $2  }
0x1a: {  	_ =	sdelay $0x2  }
0x1b: {  	s24 =	sshra.s32 s24, $0x2  }
0x1c: {  	[tilespmem:s24+$0x58C0] =	vst v0  }
0x1d: {  	[spmem:s8] =	stream.linear.scatter [tilespmem:s14], [sflag:$0x3], $0xD00, $0x38;
	[tilespmem:$0x8CD0] =	vst v63  }
0x1e: {  	_ =	swait.ge [sflag:s12], $0xD00  }
0x1f: {  	[sflag:s12] =	ssyncset.done $0x0  }
0x20: {  	[sflag:s12] =	ssyncadd.s32 $0xFFFFF300  }
0x21: {  	[spmem:s10] =	stream.linear.scatter [tilespmem:s14], [sflag:$0x3], $0xD00, $0x38;
	[tilespmem:$0x8CD0] =	vst v63  }
0x22: {  	_ =	swait.ge [sflag:s12], $0xD00  }
0x23: {  	[sflag:s12] =	ssyncset.done $0x0  }
0x24: {  	[sflag:s12] =	ssyncadd.s32 $0xFFFFF300  }
0x25: {  	[spmem:s11] =	stream.linear.scatter [tilespmem:s14], [sflag:$0x3], $0xD00, $0x38;
	[tilespmem:$0x8CD0] =	vst v63  }
0x26: {  	_ =	swait.ge [sflag:s12], $0xD00  }
0x27: {  	[sflag:s12] =	ssyncset.done $0x0  }
0x28: {  	s23 =	simm.s32 @!p0 $0x58C0;
	[sflag:s12] =	ssyncadd.s32 $0xFFFFF300  }
0x29: {  	[spmem:s6] =	stream.linear.scatter @!p0 [tilespmem:s23], [sflag:$0x3], $0x100, $0x38;
	[tilespmem:$0x8CD0] =	vst v63  }
0x2a: {  	s23 =	simm.s32 @!p0 $0x3  }
0x2b: {  	_ =	swait.ge @!p0 [sflag:s23], $0x100  }
0x2c: {  	[sflag:s23] =	ssyncset.done @!p0 $0x0  }
0x2d: {  	[sflag:s23] =	ssyncadd.s32 @!p0 $0xFFFFFF00  }
0x2e: {  	s23 =	simm.s32 $0x0;
	[bflag:$0x0] =	sbarrier.arrive $0xFFFF  }
.LBB2_4:
0x2f: {  	p1 =	seq.s32 s23, $0x0  }
0x30: {  	s24 =	simm.s32 @!p1 $0x1  }
0x31: {  	_ =	swait.ge @!p1 [sflag:s24], $0x500  }
0x32: {  	[sflag:s24] =	ssyncset.done @!p1 $0x0  }
0x33: {  	s31 =	sshra.s32 s23, $0x2;
	[sflag:s24] =	ssyncadd.s32 @!p1 $0xFFFFFB00  }
0x34: {  	v17 =	vld [tilespmem:s31+$0x0];
	_ =	sdelay $0x4  }
0x35: {  	v18 =	vperm.xlane v17, v1  }
0x36: {  	v19 =	vperm.xlane v17, v2  }
0x37: {  	[tilespmem:$0x4EC0] =	vst v18;
	v18 =	vperm.xlane v17, v3  }
0x38: {  	[tilespmem:$0x4ED0] =	vst v19;
	v19 =	vperm.xlane v17, v4  }
0x39: {  	[tilespmem:$0x4EE0] =	vst v18;
	v18 =	vperm.xlane v17, v5  }
0x3a: {  	[tilespmem:$0x4EF0] =	vst v19;
	v19 =	vperm.xlane v17, v6  }
0x3b: {  	[tilespmem:$0x4F00] =	vst v18;
	v18 =	vperm.xlane v17, v7  }
0x3c: {  	[tilespmem:$0x4F10] =	vst v19;
	v19 =	vperm.xlane v17, v8  }
0x3d: {  	[tilespmem:$0x4F20] =	vst v18;
	v18 =	vperm.xlane v17, v9  }
0x3e: {  	[tilespmem:$0x4F30] =	vst v19;
	v19 =	vperm.xlane v17, v10  }
0x3f: {  	[tilespmem:$0x4F40] =	vst v18;
	v18 =	vperm.xlane v17, v11  }
0x40: {  	[tilespmem:$0x4F50] =	vst v19;
	v19 =	vperm.xlane v17, v12  }
0x41: {  	[tilespmem:$0x4F60] =	vst v18;
	v18 =	vperm.xlane v17, v13  }
0x42: {  	[tilespmem:$0x4F70] =	vst v19;
	v19 =	vperm.xlane v17, v14  }
0x43: {  	[tilespmem:$0x4F80] =	vst v18;
	v18 =	vperm.xlane v17, v15  }
0x44: {  	[tilespmem:$0x4F90] =	vst v19;
	v17 =	vperm.xlane v17, v16  }
0x45: {  	[tilespmem:$0x4FA0] =	vst v18  }
0x46: {  	[tilespmem:$0x4FB0] =	vst v17  }
0x47: {  	v17 =	vld [tilespmem:s31+$0x10];
	_ =	sdelay $0x4  }
0x48: {  	v18 =	vperm.xlane v17, v1  }
0x49: {  	v19 =	vperm.xlane v17, v2  }
0x4a: {  	[tilespmem:$0x4FC0] =	vst v18;
	v18 =	vperm.xlane v17, v3  }
0x4b: {  	[tilespmem:$0x4FD0] =	vst v19;
	v19 =	vperm.xlane v17, v4  }
0x4c: {  	[tilespmem:$0x4FE0] =	vst v18;
	v18 =	vperm.xlane v17, v5  }
0x4d: {  	[tilespmem:$0x4FF0] =	vst v19;
	v19 =	vperm.xlane v17, v6  }
0x4e: {  	[tilespmem:$0x5000] =	vst v18;
	v18 =	vperm.xlane v17, v7  }
0x4f: {  	[tilespmem:$0x5010] =	vst v19;
	v19 =	vperm.xlane v17, v8  }
0x50: {  	[tilespmem:$0x5020] =	vst v18;
	v18 =	vperm.xlane v17, v9  }
0x51: {  	[tilespmem:$0x5030] =	vst v19;
	v19 =	vperm.xlane v17, v10  }
0x52: {  	[tilespmem:$0x5040] =	vst v18;
	v18 =	vperm.xlane v17, v11  }
0x53: {  	[tilespmem:$0x5050] =	vst v19;
	v19 =	vperm.xlane v17, v12  }
0x54: {  	[tilespmem:$0x5060] =	vst v18;
	v18 =	vperm.xlane v17, v13  }
0x55: {  	[tilespmem:$0x5070] =	vst v19;
	v19 =	vperm.xlane v17, v14  }
0x56: {  	[tilespmem:$0x5080] =	vst v18;
	v18 =	vperm.xlane v17, v15  }
0x57: {  	[tilespmem:$0x5090] =	vst v19;
	v17 =	vperm.xlane v17, v16  }
0x58: {  	[tilespmem:$0x50A0] =	vst v18  }
0x59: {  	[tilespmem:$0x50B0] =	vst v17  }
0x5a: {  	v17 =	vld [tilespmem:s31+$0x20];
	_ =	sdelay $0x4  }
0x5b: {  	v18 =	vperm.xlane v17, v1  }
0x5c: {  	v19 =	vperm.xlane v17, v2  }
0x5d: {  	[tilespmem:$0x50C0] =	vst v18;
	v18 =	vperm.xlane v17, v3  }
0x5e: {  	[tilespmem:$0x50D0] =	vst v19;
	v19 =	vperm.xlane v17, v4  }
0x5f: {  	[tilespmem:$0x50E0] =	vst v18;
	v18 =	vperm.xlane v17, v5  }
0x60: {  	[tilespmem:$0x50F0] =	vst v19;
	v19 =	vperm.xlane v17, v6  }
0x61: {  	[tilespmem:$0x5100] =	vst v18;
	v18 =	vperm.xlane v17, v7  }
0x62: {  	[tilespmem:$0x5110] =	vst v19;
	v19 =	vperm.xlane v17, v8  }
0x63: {  	[tilespmem:$0x5120] =	vst v18;
	v18 =	vperm.xlane v17, v9  }
0x64: {  	[tilespmem:$0x5130] =	vst v19;
	v19 =	vperm.xlane v17, v10  }
0x65: {  	[tilespmem:$0x5140] =	vst v18;
	v18 =	vperm.xlane v17, v11  }
0x66: {  	[tilespmem:$0x5150] =	vst v19;
	v19 =	vperm.xlane v17, v12  }
0x67: {  	[tilespmem:$0x5160] =	vst v18;
	v18 =	vperm.xlane v17, v13  }
0x68: {  	[tilespmem:$0x5170] =	vst v19;
	v19 =	vperm.xlane v17, v14  }
0x69: {  	[tilespmem:$0x5180] =	vst v18;
	v18 =	vperm.xlane v17, v15  }
0x6a: {  	[tilespmem:$0x5190] =	vst v19;
	v17 =	vperm.xlane v17, v16  }
0x6b: {  	[tilespmem:$0x51A0] =	vst v18  }
0x6c: {  	[tilespmem:$0x51B0] =	vst v17  }
0x6d: {  	v17 =	vld [tilespmem:s31+$0x30];
	_ =	sdelay $0x4  }
0x6e: {  	v18 =	vperm.xlane v17, v1  }
0x6f: {  	v19 =	vperm.xlane v17, v2  }
0x70: {  	[tilespmem:$0x51C0] =	vst v18;
	v18 =	vperm.xlane v17, v3  }
0x71: {  	[tilespmem:$0x51D0] =	vst v19;
	v19 =	vperm.xlane v17, v4  }
0x72: {  	[tilespmem:$0x51E0] =	vst v18;
	v18 =	vperm.xlane v17, v5  }
0x73: {  	[tilespmem:$0x51F0] =	vst v19;
	v19 =	vperm.xlane v17, v6  }
0x74: {  	[tilespmem:$0x5200] =	vst v18;
	v18 =	vperm.xlane v17, v7  }
0x75: {  	[tilespmem:$0x5210] =	vst v19;
	v19 =	vperm.xlane v17, v8  }
0x76: {  	[tilespmem:$0x5220] =	vst v18;
	v18 =	vperm.xlane v17, v9  }
0x77: {  	[tilespmem:$0x5230] =	vst v19;
	v19 =	vperm.xlane v17, v10  }
0x78: {  	[tilespmem:$0x5240] =	vst v18;
	v18 =	vperm.xlane v17, v11  }
0x79: {  	[tilespmem:$0x5250] =	vst v19;
	v19 =	vperm.xlane v17, v12  }
0x7a: {  	[tilespmem:$0x5260] =	vst v18;
	v18 =	vperm.xlane v17, v13  }
0x7b: {  	[tilespmem:$0x5270] =	vst v19;
	v19 =	vperm.xlane v17, v14  }
0x7c: {  	[tilespmem:$0x5280] =	vst v18;
	v18 =	vperm.xlane v17, v15  }
0x7d: {  	[tilespmem:$0x5290] =	vst v19;
	v17 =	vperm.xlane v17, v16  }
0x7e: {  	[tilespmem:$0x52A0] =	vst v18  }
0x7f: {  	[tilespmem:$0x52B0] =	vst v17  }
0x80: {  	v17 =	vld [tilespmem:s31+$0x40];
	_ =	sdelay $0x4  }
0x81: {  	v18 =	vperm.xlane v17, v1  }
0x82: {  	v19 =	vperm.xlane v17, v2  }
0x83: {  	[tilespmem:$0x52C0] =	vst v18;
	v18 =	vperm.xlane v17, v3  }
0x84: {  	[tilespmem:$0x52D0] =	vst v19;
	v19 =	vperm.xlane v17, v4  }
0x85: {  	[tilespmem:$0x52E0] =	vst v18;
	v18 =	vperm.xlane v17, v5  }
0x86: {  	[tilespmem:$0x52F0] =	vst v19;
	v19 =	vperm.xlane v17, v6  }
0x87: {  	[tilespmem:$0x5300] =	vst v18;
	v18 =	vperm.xlane v17, v7  }
0x88: {  	[tilespmem:$0x5310] =	vst v19;
	v19 =	vperm.xlane v17, v8  }
0x89: {  	[tilespmem:$0x5320] =	vst v18;
	v18 =	vperm.xlane v17, v9  }
0x8a: {  	[tilespmem:$0x5330] =	vst v19;
	v19 =	vperm.xlane v17, v10  }
0x8b: {  	[tilespmem:$0x5340] =	vst v18;
	v18 =	vperm.xlane v17, v11  }
0x8c: {  	[tilespmem:$0x5350] =	vst v19;
	v19 =	vperm.xlane v17, v12  }
0x8d: {  	[tilespmem:$0x5360] =	vst v18;
	v18 =	vperm.xlane v17, v13  }
0x8e: {  	[tilespmem:$0x5370] =	vst v19;
	v19 =	vperm.xlane v17, v14  }
0x8f: {  	[tilespmem:$0x5380] =	vst v18;
	v18 =	vperm.xlane v17, v15  }
0x90: {  	[tilespmem:$0x5390] =	vst v19;
	v17 =	vperm.xlane v17, v16  }
0x91: {  	[tilespmem:$0x53A0] =	vst v18  }
0x92: {  	s25 =	sadd.s32 $0x2760, s31;
	[tilespmem:$0x53B0] =	vst v17  }
0x93: {  	[spmem:s2] =	stream.indirect.scatter.add.f32 [tilespmem:s16], [sflag:$0x1], $0x10, s25, s15, $0xb8;
	[tilespmem:$0x8CD0] =	vst v63  }
0x94: {  	s25 =	simm.s32 @!p1 $0x2  }
0x95: {  	_ =	swait.ge @!p1 [sflag:s25], $0x500  }
0x96: {  	[sflag:s25] =	ssyncset.done @!p1 $0x0  }
0x97: {  	[sflag:s25] =	ssyncadd.s32 @!p1 $0xFFFFFB00  }
0x98: {  	v17 =	vld [tilespmem:s31+$0x50];
	_ =	sdelay $0x4  }
0x99: {  	v18 =	vperm.xlane v17, v1  }
0x9a: {  	v19 =	vperm.xlane v17, v2  }
0x9b: {  	[tilespmem:$0x53C0] =	vst v18;
	v18 =	vperm.xlane v17, v3  }
0x9c: {  	[tilespmem:$0x53D0] =	vst v19;
	v19 =	vperm.xlane v17, v4  }
0x9d: {  	[tilespmem:$0x53E0] =	vst v18;
	v18 =	vperm.xlane v17, v5  }
0x9e: {  	[tilespmem:$0x53F0] =	vst v19;
	v19 =	vperm.xlane v17, v6  }
0x9f: {  	[tilespmem:$0x5400] =	vst v18;
	v18 =	vperm.xlane v17, v7  }
0xa0: {  	[tilespmem:$0x5410] =	vst v19;
	v19 =	vperm.xlane v17, v8  }
0xa1: {  	[tilespmem:$0x5420] =	vst v18;
	v18 =	vperm.xlane v17, v9  }
0xa2: {  	[tilespmem:$0x5430] =	vst v19;
	v19 =	vperm.xlane v17, v10  }
0xa3: {  	[tilespmem:$0x5440] =	vst v18;
	v18 =	vperm.xlane v17, v11  }
0xa4: {  	[tilespmem:$0x5450] =	vst v19;
	v19 =	vperm.xlane v17, v12  }
0xa5: {  	[tilespmem:$0x5460] =	vst v18;
	v18 =	vperm.xlane v17, v13  }
0xa6: {  	[tilespmem:$0x5470] =	vst v19;
	v19 =	vperm.xlane v17, v14  }
0xa7: {  	[tilespmem:$0x5480] =	vst v18;
	v18 =	vperm.xlane v17, v15  }
0xa8: {  	[tilespmem:$0x5490] =	vst v19;
	v17 =	vperm.xlane v17, v16  }
0xa9: {  	[tilespmem:$0x54A0] =	vst v18  }
0xaa: {  	[tilespmem:$0x54B0] =	vst v17  }
0xab: {  	v17 =	vld [tilespmem:s31+$0x60];
	_ =	sdelay $0x4  }
0xac: {  	v18 =	vperm.xlane v17, v1  }
0xad: {  	v19 =	vperm.xlane v17, v2  }
0xae: {  	[tilespmem:$0x54C0] =	vst v18;
	v18 =	vperm.xlane v17, v3  }
0xaf: {  	[tilespmem:$0x54D0] =	vst v19;
	v19 =	vperm.xlane v17, v4  }
0xb0: {  	[tilespmem:$0x54E0] =	vst v18;
	v18 =	vperm.xlane v17, v5  }
0xb1: {  	[tilespmem:$0x54F0] =	vst v19;
	v19 =	vperm.xlane v17, v6  }
0xb2: {  	[tilespmem:$0x5500] =	vst v18;
	v18 =	vperm.xlane v17, v7  }
0xb3: {  	[tilespmem:$0x5510] =	vst v19;
	v19 =	vperm.xlane v17, v8  }
0xb4: {  	[tilespmem:$0x5520] =	vst v18;
	v18 =	vperm.xlane v17, v9  }
0xb5: {  	[tilespmem:$0x5530] =	vst v19;
	v19 =	vperm.xlane v17, v10  }
0xb6: {  	[tilespmem:$0x5540] =	vst v18;
	v18 =	vperm.xlane v17, v11  }
0xb7: {  	[tilespmem:$0x5550] =	vst v19;
	v19 =	vperm.xlane v17, v12  }
0xb8: {  	[tilespmem:$0x5560] =	vst v18;
	v18 =	vperm.xlane v17, v13  }
0xb9: {  	[tilespmem:$0x5570] =	vst v19;
	v19 =	vperm.xlane v17, v14  }
0xba: {  	[tilespmem:$0x5580] =	vst v18;
	v18 =	vperm.xlane v17, v15  }
0xbb: {  	[tilespmem:$0x5590] =	vst v19;
	v17 =	vperm.xlane v17, v16  }
0xbc: {  	[tilespmem:$0x55A0] =	vst v18  }
0xbd: {  	[tilespmem:$0x55B0] =	vst v17  }
0xbe: {  	v17 =	vld [tilespmem:s31+$0x70];
	_ =	sdelay $0x4  }
0xbf: {  	v18 =	vperm.xlane v17, v1  }
0xc0: {  	v19 =	vperm.xlane v17, v2  }
0xc1: {  	[tilespmem:$0x55C0] =	vst v18;
	v18 =	vperm.xlane v17, v3  }
0xc2: {  	[tilespmem:$0x55D0] =	vst v19;
	v19 =	vperm.xlane v17, v4  }
0xc3: {  	[tilespmem:$0x55E0] =	vst v18;
	v18 =	vperm.xlane v17, v5  }
0xc4: {  	[tilespmem:$0x55F0] =	vst v19;
	v19 =	vperm.xlane v17, v6  }
0xc5: {  	[tilespmem:$0x5600] =	vst v18;
	v18 =	vperm.xlane v17, v7  }
0xc6: {  	[tilespmem:$0x5610] =	vst v19;
	v19 =	vperm.xlane v17, v8  }
0xc7: {  	[tilespmem:$0x5620] =	vst v18;
	v18 =	vperm.xlane v17, v9  }
0xc8: {  	[tilespmem:$0x5630] =	vst v19;
	v19 =	vperm.xlane v17, v10  }
0xc9: {  	[tilespmem:$0x5640] =	vst v18;
	v18 =	vperm.xlane v17, v11  }
0xca: {  	[tilespmem:$0x5650] =	vst v19;
	v19 =	vperm.xlane v17, v12  }
0xcb: {  	[tilespmem:$0x5660] =	vst v18;
	v18 =	vperm.xlane v17, v13  }
0xcc: {  	[tilespmem:$0x5670] =	vst v19;
	v19 =	vperm.xlane v17, v14  }
0xcd: {  	[tilespmem:$0x5680] =	vst v18;
	v18 =	vperm.xlane v17, v15  }
0xce: {  	[tilespmem:$0x5690] =	vst v19;
	v17 =	vperm.xlane v17, v16  }
0xcf: {  	[tilespmem:$0x56A0] =	vst v18  }
0xd0: {  	[tilespmem:$0x56B0] =	vst v17  }
0xd1: {  	v17 =	vld [tilespmem:s31+$0x80];
	_ =	sdelay $0x4  }
0xd2: {  	v18 =	vperm.xlane v17, v1  }
0xd3: {  	v19 =	vperm.xlane v17, v2  }
0xd4: {  	[tilespmem:$0x56C0] =	vst v18;
	v18 =	vperm.xlane v17, v3  }
0xd5: {  	[tilespmem:$0x56D0] =	vst v19;
	v19 =	vperm.xlane v17, v4  }
0xd6: {  	[tilespmem:$0x56E0] =	vst v18;
	v18 =	vperm.xlane v17, v5  }
0xd7: {  	[tilespmem:$0x56F0] =	vst v19;
	v19 =	vperm.xlane v17, v6  }
0xd8: {  	[tilespmem:$0x5700] =	vst v18;
	v18 =	vperm.xlane v17, v7  }
0xd9: {  	[tilespmem:$0x5710] =	vst v19;
	v19 =	vperm.xlane v17, v8  }
0xda: {  	[tilespmem:$0x5720] =	vst v18;
	v18 =	vperm.xlane v17, v9  }
0xdb: {  	[tilespmem:$0x5730] =	vst v19;
	v19 =	vperm.xlane v17, v10  }
0xdc: {  	[tilespmem:$0x5740] =	vst v18;
	v18 =	vperm.xlane v17, v11  }
0xdd: {  	[tilespmem:$0x5750] =	vst v19;
	v19 =	vperm.xlane v17, v12  }
0xde: {  	[tilespmem:$0x5760] =	vst v18;
	v18 =	vperm.xlane v17, v13  }
0xdf: {  	[tilespmem:$0x5770] =	vst v19;
	v19 =	vperm.xlane v17, v14  }
0xe0: {  	[tilespmem:$0x5780] =	vst v18;
	v18 =	vperm.xlane v17, v15  }
0xe1: {  	[tilespmem:$0x5790] =	vst v19;
	v17 =	vperm.xlane v17, v16  }
0xe2: {  	[tilespmem:$0x57A0] =	vst v18  }
0xe3: {  	[tilespmem:$0x57B0] =	vst v17  }
0xe4: {  	v17 =	vld [tilespmem:s31+$0x90];
	_ =	sdelay $0x4  }
0xe5: {  	v18 =	vperm.xlane v17, v1  }
0xe6: {  	v19 =	vperm.xlane v17, v2  }
0xe7: {  	[tilespmem:$0x57C0] =	vst v18;
	v18 =	vperm.xlane v17, v3  }
0xe8: {  	[tilespmem:$0x57D0] =	vst v19;
	v19 =	vperm.xlane v17, v4  }
0xe9: {  	[tilespmem:$0x57E0] =	vst v18;
	v18 =	vperm.xlane v17, v5  }
0xea: {  	[tilespmem:$0x57F0] =	vst v19;
	v19 =	vperm.xlane v17, v6  }
0xeb: {  	[tilespmem:$0x5800] =	vst v18;
	v18 =	vperm.xlane v17, v7  }
0xec: {  	[tilespmem:$0x5810] =	vst v19;
	v19 =	vperm.xlane v17, v8  }
0xed: {  	[tilespmem:$0x5820] =	vst v18;
	v18 =	vperm.xlane v17, v9  }
0xee: {  	[tilespmem:$0x5830] =	vst v19;
	v19 =	vperm.xlane v17, v10  }
0xef: {  	[tilespmem:$0x5840] =	vst v18;
	v18 =	vperm.xlane v17, v11  }
0xf0: {  	[tilespmem:$0x5850] =	vst v19;
	v19 =	vperm.xlane v17, v12  }
0xf1: {  	s23 =	sadd.s32 $0x280, s23;
	[tilespmem:$0x5860] =	vst v18;
	v18 =	vperm.xlane v17, v13  }
0xf2: {  	p1 =	sne.s32 s23, $0x9D80;
	[tilespmem:$0x5870] =	vst v19;
	v19 =	vperm.xlane v17, v14  }
.Ltmp1:
0xf3: {  	[tilespmem:$0x5880] =	vst v18;
	v18 =	vperm.xlane v17, v15;
	(pc) =	sbr.rel @p1 .LBB2_4-.Ltmp1, $4  }
0xf4: {  	[tilespmem:$0x5890] =	vst v19;
	v17 =	vperm.xlane v17, v16  }
0xf5: {  	[tilespmem:$0x58A0] =	vst v18  }
0xf6: {  	s24 =	sadd.s32 $0x27B0, s31;
	[tilespmem:$0x58B0] =	vst v17  }
0xf7: {  	[spmem:s2] =	stream.indirect.scatter.add.f32 [tilespmem:s17], [sflag:$0x2], $0x10, s24, s15, $0xb8;
	[tilespmem:$0x8CD0] =	vst v63  }
0xf8: {  	_ =	swait.ge [sflag:s18], $0x500  }
0xf9: {  	[sflag:s18] =	ssyncset.done $0x0  }
0xfa: {  	[sflag:s18] =	ssyncadd.s32 $0xFFFFFB00  }
0xfb: {  	_ =	swait.ge [sflag:s19], $0x500  }
0xfc: {  	[sflag:s19] =	ssyncset.done $0x0  }
0xfd: {  	s23 =	sshll.u32 s1, $0x6;
	[sflag:s19] =	ssyncadd.s32 $0xFFFFFB00  }
0xfe: {  	s23 =	sor.u32 $0x1C03, s23;
	[bflag:$0x0] =	sbarrier.arrive $0xFFFF  }
0xff: {  	[hbm:s20], [sflag:s23] =	dma.local [spmem:s21], $0x4E0  }
0x100: {  	_ =	swait.ge [sflag:s12], $0x4E0  }
0x101: {  	s24 =	sadd.s32 @!p0 $0x4E00, s7;
	s22 =	sadd.s32 $0x1, s22;
	[sflag:s12] =	ssyncset.done $0x0  }
0x102: {  	s25 =	sshrl.u32 @!p0 s6, $0x3;
	p1 =	sne.s32 s22, s9;
	[sflag:s12] =	ssyncadd.s32 $0xFFFFFB20  }
0x103: {  	[hbm:s24], [sflag:s23] =	dma.local @!p0 [spmem:s25], $0x20  }
.Ltmp2:
0x104: {  	_ = 	snop;
	(pc) =	sbr.rel @p1 .LBB2_1-.Ltmp2, $4  }
0x105: {  	s23 =	simm.s32 @!p0 $0x3  }
0x106: {  	_ =	swait.ge @!p0 [sflag:s23], $0x20  }
0x107: {  	[sflag:s23] =	ssyncset.done @!p0 $0x0  }
0x108: {  	[sflag:s23] =	ssyncadd.s32 @!p0 $0xFFFFFFE0  }
0x109: {  	_ =	sfence.sel $0x180000  }
0x10a: {  	[bflag:$0x0] =	sbarrier.arrive $0xFFFF  }
0x10b: {  	_ =	strace $0x90000047  }
0x10c: {  	s0 =	sadd.s32 @!p0 $0x100000, s0;
	[bflag:$0x2] =	sbarrier.arrive $0xFFFF  }
0x10d: {  	[sflag:s0] =	ssyncadd.tile.s32 @!p0 $0x1;
	_ =	shalt  }
.Lfunc_end2:
_tile_overlayer_lowered:
.L_overlay_start_2:
0x10e: {  	(tag) =	ssettag $0x2  }
0x10f: {  	s0 =	rddreg [dreg:$0x0];
	s2 =	stileid.u32  }
0x110: {  	s1 =	rddreg [dreg:$0x1];
	p0 =	sne.s32 s2, $0x0  }
0x111: {  	s3 =	rddreg [dreg:$0x2];
	[bflag:$0x3] =	sbarrier.arrive $0xFFFF;
	s2 =	simm.s32 @!p0 $0x1C03  }
0x112: {  	[timem:s3], [sflag:s2] =	dma.local @!p0 [hbm:s0], s1  }
0x113: {  	s0 =	simm.s32 @!p0 $0x3  }
0x114: {  	_ =	swait.ge @!p0 [sflag:s0], s1  }
0x115: {  	s1 =	ssub.s32 @!p0 $0x0, s1;
	[sflag:s0] =	ssyncset.done @!p0 $0x0  }
0x116: {  	[sflag:s0] =	ssyncadd.s32 @!p0 s1  }
0x117: {  	[bflag:$0x3] =	sbarrier.arrive $0xFFFF  }
0x118: {  	_ =	shalt  }

// kernel: kernel.14.cloned.1.call-start
scs
__scs_entry_jumppad:
0x0: {  	(pc) =	sbr.rel $0x88, $3  }
0x1: {  	(tag) =	ssettag $0x0;
	lr =	simm.s32 $0x1  }
0x2: {  	[smem:$0x3F8C] =	sst lr;
	_ =	strace $0xD0000000  }
0x3: {  	_ = 	snop  }
0x4: {  	_ = 	snop  }
0x5: {  	_ = 	snop  }
0x6: {  	_ = 	snop  }
0x7: {  	_ = 	snop  }
__scs_overlays_trampoline_lowered:
0x8: {  	[smem:$0x3F9B] =	sst s0  }
0x9: {  	[smem:$0x3F9C] =	sst s1  }
0xa: {  	[smem:$0x3F9D] =	sst s2  }
0xb: {  	[smem:$0x3F9E] =	sst s3  }
0xc: {  	[smem:$0x3F9F] =	sst s4  }
0xd: {  	[smem:$0x3FA0] =	sst s5  }
0xe: {  	[smem:$0x3FA1] =	sst s6  }
0xf: {  	[smem:$0x3FA2] =	sst s7  }
0x10: {  	[smem:$0x3FA3] =	sst s8  }
0x11: {  	[smem:$0x3FA4] =	sst s9;
	s0 =	simm.s32 @!p0 $0x0  }
0x12: {  	s1 =	sld [smem:$0x3F8A];
	s0 =	simm.s32 @p0 $0x1  }
0x13: {  	[smem:$0x3FA5] =	sst s0;
	s0 =	simm.s32 @!p1 $0x0  }
0x14: {  	s2 =	sld [smem:$0x3F89];
	s0 =	simm.s32 @p1 $0x1  }
0x15: {  	[smem:$0x3FA6] =	sst s0;
	s0 =	simm.s32 @!p2 $0x0  }
0x16: {  	s3 =	sld [smem:$0x3FDB];
	s0 =	simm.s32 @p2 $0x1  }
0x17: {  	s4 =	simm.s32 $0x1BF5;
	[smem:$0x3FA8] =	sst s0  }
0x18: {  	s0 =	sld [smem:$0x3F8B];
	_ =	swait.ge [sflag:s4], $0x0  }
0x19: {  	s7 =	sld [smem:$0x3F8C]  }
0x1a: {  	s8 =	sadd.s32 $0xFFFFE003, lr  }
0x1b: {  	s9 =	sadd.s32 $0xFFFFFEF7, lr;
	s5 =	simm.s32 $0xFFFFFFFF;
	p2 =	slt.u32 s8, $0xFFFFF086  }
0x1c: {  	p1 =	slt.u32 s9, $0xF7A;
	s5 =	simm.s32 @!p2 $0x0  }
0x1d: {  	s5 =	simm.s32 @p1 $0x1;
	p0 =	seq.s32 s7, s2  }
0x1e: {  	s7 =	smul.u32 @!p0 $0xF7A, s2;
	p2 =	seq.s32 @!p0 s5, $0x0  }
0x1f: {  	s9 =	smul.u32 $0xF7A, s1;
	s8 =	simm.s32 @!p0 $0x1BF5;
	p2 =	por !p2, p0  }
0x20: {  	[sflag:s8] =	ssyncset.s32 @!p0 $0xFFFFF086;
	s6 =	sadd.s32 @!p0 s3, s7;
	s7 =	simm.s32 @!p0 $0x108  }
0x21: {  	s3 =	sadd.s32 s3, s9;
	s6 =	sadd.s32 @!p0 $0x88, s6;
	s7 =	simm.s32 @p2 $0x1082  }
0x22: {  	[simem:s7], [sflag:s8] =	dma.local @!p0 [hbm:s6], $0xF7A  }
0x23: {  	s9 =	sor.u32 $0xD0000000, s2;
	s6 =	simm.s32 $0x108;
	_ =	swait.ge @!p0 [sflag:s8], $0x0  }
0x24: {  	s3 =	sadd.s32 $0x88, s3;
	s6 =	simm.s32 @!p1 $0x1082;
	[sflag:s4] =	ssyncset.s32 $0xFFFFF086  }
0x25: {  	[simem:s6], [sflag:s4] =	dma.local [hbm:s3], $0xF7A  }
0x26: {  	[smem:$0x3F8C] =	sst s1;
	(tag) =	ssettag s2;
	_ =	strace s9  }
0x27: {  	s1 =	sld [smem:$0x3F9C]  }
0x28: {  	s2 =	sld [smem:$0x3F9D]  }
0x29: {  	s4 =	sld [smem:$0x3F9F]  }
0x2a: {  	p0 =	seq.s32 s5, $0x0;
	s5 =	sld [smem:$0x3FA0]  }
0x2b: {  	s6 =	sld [smem:$0x3FA1]  }
0x2c: {  	s7 =	sld [smem:$0x3FA2]  }
0x2d: {  	s3 =	simm.s32 $0x108;
	s8 =	sld [smem:$0x3FA3]  }
0x2e: {  	s3 =	simm.s32 @!p0 $0x1082;
	s9 =	sld [smem:$0x3FA4]  }
0x2f: {  	lr =	sadd.s32 s0, s3;
	s0 =	sld [smem:$0x3F9B]  }
0x30: {  	s3 =	sld [smem:$0x3F9E]  }
0x31: {  	[smem:$0x3FA7] =	sst s10  }
0x32: {  	s10 =	sld [smem:$0x3FA5];
	_ =	sdelay $0x3  }
0x33: {  	p0 =	seq.s32 s10, $0x1;
	s10 =	sld [smem:$0x3FA7];
	_ =	sdelay $0x3  }
0x34: {  	[smem:$0x3FA7] =	sst s10  }
0x35: {  	s10 =	sld [smem:$0x3FA6];
	_ =	sdelay $0x3  }
0x36: {  	p1 =	seq.s32 s10, $0x1;
	s10 =	sld [smem:$0x3FA7];
	_ =	sdelay $0x3  }
0x37: {  	[smem:$0x3FA7] =	sst s10  }
0x38: {  	s10 =	sld [smem:$0x3FA8]  }
0x39: {  	_ = 	snop;
	(pc) =	sbr.ind lr, $3  }
0x3a: {  	_ = 	snop  }
0x3b: {  	_ = 	snop  }
0x3c: {  	p2 =	seq.s32 s10, $0x1;
	s10 =	sld [smem:$0x3FA7]  }
0x3d: {  	_ =	shalt  }
0x3e: {  	_ =	shalt  }
0x3f: {  	_ =	shalt  }
0x40: {  	_ =	shalt  }
0x41: {  	_ =	shalt  }
0x42: {  	_ =	shalt  }
0x43: {  	_ =	shalt  }
0x44: {  	_ =	shalt  }
0x45: {  	_ =	shalt  }
0x46: {  	_ =	shalt  }
0x47: {  	_ =	shalt  }
0x48: {  	_ =	shalt  }
0x49: {  	_ =	shalt  }
0x4a: {  	_ =	shalt  }
0x4b: {  	_ =	shalt  }
0x4c: {  	_ =	shalt  }
0x4d: {  	_ =	shalt  }
0x4e: {  	_ =	shalt  }
0x4f: {  	_ =	shalt  }
0x50: {  	_ =	shalt  }
0x51: {  	_ =	shalt  }
0x52: {  	_ =	shalt  }
0x53: {  	_ =	shalt  }
0x54: {  	_ =	shalt  }
0x55: {  	_ =	shalt  }
0x56: {  	_ =	shalt  }
0x57: {  	_ =	shalt  }
0x58: {  	_ =	shalt  }
0x59: {  	_ =	shalt  }
0x5a: {  	_ =	shalt  }
0x5b: {  	_ =	shalt  }
0x5c: {  	_ =	shalt  }
0x5d: {  	_ =	shalt  }
0x5e: {  	_ =	shalt  }
0x5f: {  	_ =	shalt  }
0x60: {  	_ =	shalt  }
0x61: {  	_ =	shalt  }
0x62: {  	_ =	shalt  }
0x63: {  	_ =	shalt  }
0x64: {  	_ =	shalt  }
0x65: {  	_ =	shalt  }
0x66: {  	_ =	shalt  }
0x67: {  	_ =	shalt  }
0x68: {  	_ =	shalt  }
0x69: {  	_ =	shalt  }
0x6a: {  	_ =	shalt  }
0x6b: {  	_ =	shalt  }
0x6c: {  	_ =	shalt  }
0x6d: {  	_ =	shalt  }
0x6e: {  	_ =	shalt  }
0x6f: {  	_ =	shalt  }
0x70: {  	_ =	shalt  }
0x71: {  	_ =	shalt  }
0x72: {  	_ =	shalt  }
0x73: {  	_ =	shalt  }
0x74: {  	_ =	shalt  }
0x75: {  	_ =	shalt  }
0x76: {  	_ =	shalt  }
0x77: {  	_ =	shalt  }
0x78: {  	_ =	shalt  }
0x79: {  	_ =	shalt  }
0x7a: {  	_ =	shalt  }
0x7b: {  	_ =	shalt  }
0x7c: {  	_ =	shalt  }
0x7d: {  	_ =	shalt  }
0x7e: {  	_ =	shalt  }
0x7f: {  	_ =	shalt  }
0x80: {  	_ =	shalt  }
0x81: {  	_ =	shalt  }
0x82: {  	_ =	shalt  }
0x83: {  	_ =	shalt  }
0x84: {  	_ =	shalt  }
0x85: {  	_ =	shalt  }
0x86: {  	_ =	shalt  }
0x87: {  	_ =	shalt  }
.Lfunc_end0:
.L_simem_size_0:
called_computation.1_lowered:
.L_overlay_start_0:
0x88: {  	s2 =	sld [smem:$0x3FD9]  }
0x89: {  	s3 =	sld [smem:$0x3FFE];
	_ =	sdelay $0x1  }
0x8a: {  	s1 =	srdreg.scid  }
0x8b: {  	s0 =	sand.u32 $0x1, s1  }
0x8c: {  	s17 =	sshll.u32 s0, $0xA;
	s2 =	sadd.s32 s3, s2  }
0x8d: {  	s2 =	sadd.s32 s2, s17  }
0x8e: {  	[smem:$0x3FB3] =	sst s2  }
0x8f: {  	_ = 	snop  }
0x90: {  	s2 =	sld [smem:$0x3FC7];
	(tm) =	ssettm $0x1  }
0x91: {  	s18 =	sld [smem:$0x3FFB];
	_ =	sdelay $0x3  }
0x92: {  	_ =	strace s18  }
0x93: {  	s3 =	sld [smem:$0x3FFC];
	_ =	sdelay $0x3  }
0x94: {  	_ =	strace s3  }
0x95: {  	s3 =	sld [smem:$0x3FFD];
	_ =	sdelay $0x3  }
0x96: {  	_ =	strace s3  }
0x97: {  	_ =	strace $0x8FFFFFFF  }
0x98: {  	s19 =	sld [smem:$0x3FDB];
	_ =	sdelay $0x1  }
0x99: {  	s4 =	simm.s32 $_scs_section_size  }
0x9a: {  	s5 =	simm.s32 $_size__tile_overlayer_lowered;
	s6 =	simm.s32 $_tile_overlayer_lowered  }
0x9b: {  	s22 =	simm.s32 $0x1BFF;
	s21 =	sshll.u32 s6, $0x1;
	s3 =	sadd.s32 s4, s19  }
0x9c: {  	s7 =	simm.s32 $0x0;
	s20 =	sshll.u32 s5, $0x1;
	s5 =	sadd.s32 s21, s3  }
0x9d: {  	[timem:s7], [sflag:s22] =	dma.local [hbm:s5], s20  }
0x9e: {  	_ =	swait.ge [sflag:s22], s20  }
0x9f: {  	s4 =	ssub.s32 $0x0, s20;
	[sflag:s22] =	ssyncset.done $0x0  }
0xa0: {  	[sflag:s22] =	ssyncadd.s32 s4;
	_ =	sdelay $0x1  }
0xa1: {  	s23 =	simm.s32 $0x1B8B  }
0xa2: {  	_ =	swait.ge [sflag:s23], $0x1  }
0xa3: {  	[sflag:s23] =	ssyncset.done $0x0  }
0xa4: {  	s25 =	simm.s32 $0x1B8E;
	s24 =	sld [smem:$0x3FFE];
	[sflag:s23] =	ssyncadd.s32 $0xFFFFFFFF  }
0xa5: {  	s26 =	simm.s32 $execute0_lowered;
	[smem:$0x3FD2] =	sst s25  }
0xa6: {  	s5 =	sshll.u32 s26, $0x1;
	_ =	strace $0x80000049;
	[dreg:$0x1] =	wrdreg $0xFFFFFFFF  }
0xa7: {  	s28 =	simm.s32 $_size_execute0_lowered;
	s3 =	sadd.s32 s3, s5;
	[dreg:$0x0] =	wrdreg $0x0  }
0xa8: {  	s5 =	sshll.u32 s28, $0x1;
	[dreg:$0x2] =	wrdreg s3  }
0xa9: {  	[dreg:$0x3] =	wrdreg s5  }
0xaa: {  	[dreg:$0x4] =	wrdreg $0xC0  }
0xab: {  	_ =	task [dreg:s7], $0x5FFFF  }
0xac: {  	[dreg:$0x1] =	wrdreg $0xFFFFFFFF  }
0xad: {  	[dreg:$0x0] =	wrdreg $0x60  }
0xae: {  	[dreg:$0x2] =	wrdreg s24  }
0xaf: {  	[dreg:$0x3] =	wrdreg s2  }
0xb0: {  	[dreg:$0x4] =	wrdreg $0x146600  }
0xb1: {  	[dreg:$0x5] =	wrdreg $0x9  }
0xb2: {  	_ =	task.clear_ibuf [dreg:s7], $0x6FFFF;
	_ =	strace $0x90000049  }
0xb3: {  	s29 =	simm.s32 $0x9;
	_ =	strace $0x8000004B  }
0xb4: {  	_ =	swait.ge [sflag:s29], $0x1  }
0xb5: {  	[sflag:s29] =	ssyncadd.s32 $0xFFFFFFFF  }
0xb6: {  	_ =	strace $0x9000004B  }
0xb7: {  	_ =	sfence  }
0xb8: {  	s30 =	sld [smem:$0x0];
	_ =	sdelay $0x2  }
0xb9: {  	s31 =	sshll.u32 s1, $0xD;
	s1 =	sshrl.u32 s1, $0x2  }
0xba: {  	s3 =	sand.u32 $0x4000, s31;
	s1 =	sadd.s32 s1, s30  }
0xbb: {  	s0 =	sor.u32 s3, s0;
	s1 =	sshll.u32 s1, $0x11  }
0xbc: {  	s0 =	sor.u32 s1, s0  }
0xbd: {  	s0 =	sadd.s32 $0x8F2B, s0  }
0xbe: {  	[sflag:s0] =	ssyncadd.remote.s32 $0x1  }
0xbf: {  	_ =	sfence.sel $0xFFFF  }
0xc0: {  	[dreg:$0x0] =	wrdreg $0xFFFFFFFF;
	(pc) =	sbr.abs _section_cstart, $3  }
0xc1: {  	[dreg:$0x1] =	wrdreg $0xFFFFFFFF  }
0xc2: {  	_ =	task.clear_ibuf [dreg:s7], $0x2FFFF;
	_ =	strace $0x9FFFFFFF  }
0xc3: {  	(tm) =	ssettm $0x7FFFFFFF  }
tec
execute0_lowered:
.L_overlay_start_1:
0x0: {  	(tag) =	ssettag $0x1  }
0x1: {  	s0 =	rddreg [dreg:$0x0]  }
0x2: {  	s2 =	rddreg [dreg:$0x1]  }
0x3: {  	s1 =	rddreg [dreg:$0x2];
	s16 =	stileid.u32  }
0x4: {  	s4 =	srdreg.scid;
	s3 =	simm.s32 $0x0;
	s14 =	simm.s32 $0x5  }
0x5: {  	s15 =	simm.s32 $0x4E20;
	s17 =	simm.s32 $0x11260;
	s18 =	simm.s32 $0x50  }
0x6: {  	s19 =	simm.s32 $0xEA60;
	s20 =	simm.s32 $0xFE60;
	s21 =	simm.s32 $0x1  }
0x7: {  	s22 =	simm.s32 $0x3;
	s28 =	simm.s32 $0x0;
	s5 =	smul.u32 $0x9C4, s16  }
0x8: {  	s29 =	simm.s32 $0x0;
	s4 =	sand.u32 $0x1, s4;
	s24 =	smul.u32 $0x27000, s16  }
0x9: {  	[smem:$0x7FF] =	sst s3;
	s26 =	smul.u32 $0x9C00, s16;
	p0 =	sne.s32 s16, $0x0  }
0xa: {  	s6 =	smul.u32 $0x13880, s4;
	s4 =	ssub.s32 $0x2, s4;
	_ =	strace $0x8000004A  }
0xb: {  	s7 =	sshrl.u32 s4, $0x1;
	s8 =	sadd.s32 s5, s0;
	s2 =	sadd.s32 s2, s5  }
0xc: {  	s30 =	sshrl.u32 s24, $0x2;
	s31 =	sshrl.u32 s26, $0x3;
	s5 =	sadd.s32 s26, s1  }
0xd: {  	s26 =	simm.s32 $0x4;
	s0 =	sadd.s32 s6, s0;
	s4 =	ssub.s32 s4, s7  }
0xe: {  	s23 =	sadd.s32 $0x3C00, s8;
	[dreg:$0x5] =	wrdreg s2;
	s25 =	sadd.s32 $0xDA00, s8  }
0xf: {  	s7 =	sadd.s32 $0x9C000, s1;
	s10 =	sadd.s32 s30, s1;
	[dreg:$0x4] =	wrdreg s23  }
0x10: {  	[dreg:$0x6] =	wrdreg s25;
	s8 =	sadd.s32 $0x65A00, s0;
	s9 =	sadd.s32 $0x8CC00, s0  }
0x11: {  	s11 =	smax.u32 s4, $0x1;
	s12 =	sadd.s32 $0x3400, s10;
	s13 =	sadd.s32 $0x6800, s10  }
0x12: {  	v0 =	vimm.f32 $0.0e+00;
	s23 =	simm.s32 $0x2;
	s25 =	sshrl.u32 s5, $0x3;
	s24 =	sadd.s32 s31, s9  }
.LBB2_1:
0x13: {  	s0 =	rddreg [dreg:$0x4]  }
0x14: {  	[tilespmem:s3], [sflag:$0x5] =	stream.linear.gather [hbm4b:s0+s3], $0x4E20, $0x38;
	[tilespmem:$0x1E2A0] =	vst v63  }
0x15: {  	_ =	swait.ge [sflag:s14], $0x4E20  }
0x16: {  	[sflag:s14] =	ssyncset.done $0x0  }
0x17: {  	s30 =	rddreg [dreg:$0x5];
	[sflag:s14] =	ssyncadd.s32 $0xFFFFB1E0  }
0x18: {  	[tilespmem:s15], [sflag:$0x5] =	stream.linear.gather [hbm4b:s30+s3], $0x4E20, $0x38;
	[tilespmem:$0x1E2A0] =	vst v63  }
0x19: {  	_ =	swait.ge [sflag:s14], $0x4E20  }
0x1a: {  	[sflag:s14] =	ssyncset.done $0x0  }
0x1b: {  	s2 =	simm.s32 $0x9C40;
	s31 =	rddreg [dreg:$0x6];
	[sflag:s14] =	ssyncadd.s32 $0xFFFFB1E0  }
0x1c: {  	[tilespmem:s2], [sflag:$0x5] =	stream.linear.gather [hbm4b:s31+s3], $0x4E20, $0x38;
	[tilespmem:$0x1E2A0] =	vst v63  }
0x1d: {  	_ =	swait.ge [sflag:s14], $0x4E20  }
0x1e: {  	[sflag:s14] =	ssyncset.done $0x0  }
0x1f: {  	s0 =	simm.s32 $0x0;
	s2 =	simm.s32 $0x100;
	[sflag:s14] =	ssyncadd.s32 $0xFFFFB1E0  }
.LBB2_2:
0x20: {  	p1 =	sne.s32 s2, $0xCF00;
	[tilespmem:s0+$0x11290] =	vst v0;
	s4 =	smov.u32 s2;
	s2 =	sadd.s32 $0x100, s2  }
.Ltmp0:
0x21: {  	[tilespmem:s0+$0x11280] =	vst v0;
	(pc) =	sbr.rel @p1 .LBB2_2-.Ltmp0, $3  }
0x22: {  	[tilespmem:s0+$0x11260] =	vst v0  }
0x23: {  	[tilespmem:s0+$0x11270] =	vst v0;
	_ =	sdelay $0x1  }
0x24: {  	s0 =	sshra.s32 s4, $0x2  }
0x25: {  	[tilespmem:s0+$0x11290] =	vst v0  }
0x26: {  	[tilespmem:s0+$0x11280] =	vst v0  }
0x27: {  	[tilespmem:s0+$0x11260] =	vst v0  }
0x28: {  	[tilespmem:s0+$0x11270] =	vst v0  }
0x29: {  	[spmem:s10] =	stream.linear.scatter [tilespmem:s17], [sflag:$0x5], $0x3400, $0x38;
	[tilespmem:$0x1E2A0] =	vst v63  }
0x2a: {  	_ =	swait.ge [sflag:s14], $0x3400  }
0x2b: {  	[sflag:s14] =	ssyncset.done $0x0  }
0x2c: {  	[sflag:s14] =	ssyncadd.s32 $0xFFFFCC00  }
0x2d: {  	[spmem:s12] =	stream.linear.scatter [tilespmem:s17], [sflag:$0x5], $0x3400, $0x38;
	[tilespmem:$0x1E2A0] =	vst v63  }
0x2e: {  	_ =	swait.ge [sflag:s14], $0x3400  }
0x2f: {  	[sflag:s14] =	ssyncset.done $0x0  }
0x30: {  	[sflag:s14] =	ssyncadd.s32 $0xFFFFCC00  }
0x31: {  	[spmem:s13] =	stream.linear.scatter [tilespmem:s17], [sflag:$0x5], $0x3400, $0x38;
	[tilespmem:$0x1E2A0] =	vst v63  }
0x32: {  	_ =	swait.ge [sflag:s14], $0x3400  }
0x33: {  	[sflag:s14] =	ssyncset.done $0x0  }
0x34: {  	s0 =	simm.s32 @!p0 $0x11260;
	[sflag:s14] =	ssyncadd.s32 $0xFFFFCC00  }
0x35: {  	[spmem:s7] =	stream.linear.scatter @!p0 [tilespmem:s0], [sflag:$0x5], $0x400, $0x38;
	[tilespmem:$0x1E2A0] =	vst v63  }
0x36: {  	s0 =	simm.s32 @!p0 $0x5  }
0x37: {  	_ =	swait.ge @!p0 [sflag:s0], $0x400  }
0x38: {  	[sflag:s0] =	ssyncset.done @!p0 $0x0  }
0x39: {  	[sflag:s0] =	ssyncadd.s32 @!p0 $0xFFFFFC00  }
0x3a: {  	s30 =	simm.s32 $0x0;
	[bflag:$0x0] =	sbarrier.arrive $0xFFFF  }
0x3b: {  	[tilespmem:s19], [sflag:$0x1] =	stream.indirect.gather [hbm4b:s8+s18], $0x40, s29, s18, $0xb8;
	[tilespmem:$0x1E2A0] =	vst v63  }
.LBB2_4:
0x3c: {  	s0 =	sshll.u32 s30, $0x1  }
0x3d: {  	v1 =	vmov s0  }
0x3e: {  	p1 =	seq.s32 s30, $0x0;
	v1 =	vmul.u32 $0x50, v1  }
0x3f: {  	s2 =	simm.s32 @!p1 $0x4;
	s0 =	sor.u32 $0x1, s0  }
0x40: {  	v2 =	vmov s29;
	_ =	swait.ge @!p1 [sflag:s2], $0x1400;
	s4 =	smul.u32 $0x140, s0;
	v1 =	vbroadcast v1, $0x0  }
0x41: {  	v3 =	vand.u32 $0x78, v2;
	[sflag:s2] =	ssyncset.done @!p1 $0x0  }
0x42: {  	v2 =	vand.u32 $0x4, v2;
	[sflag:s2] =	ssyncadd.s32 @!p1 $0xFFFFEC00;
	s31 =	sshra.s32 s4, $0x2;
	v3 =	vadd.s32 v1, v3  }
0x43: {  	[tilespmem:s20], [sflag:$0x2] =	stream.indirect.gather [hbm4b:s8+s18], $0x40, s31, s18, $0xb8;
	v2 =	vor.u32 v2, v3;
	[tilespmem:$0x1E2A0] =	vst v63  }
0x44: {  	_ =	swait.ge [sflag:s21], $0x1400  }
0x45: {  	[sflag:s21] =	ssyncset.done $0x0  }
0x46: {  	s16 =	simm.s32 $0xEAE0;
	[sflag:s21] =	ssyncadd.s32 $0xFFFFEC00  }
0x47: {  	v3 =	vld [tilespmem:s16+$0xFFFFFFB0]  }
0x48: {  	v2 =	vld.idx.msk [tilespmem:v2+s15+$0x0], $0xffff  }
0x49: {  	v4 =	vld [tilespmem:s16+$0xFFFFFF80]  }
0x4a: {  	s4 =	simm.s32 $0x1;
	v5 =	vld [tilespmem:s16+$0xFFFFFF90]  }
0x4b: {  	v7 =	vmov s4;
	v6 =	vld [tilespmem:s16+$0xFFFFFFA0]  }
0x4c: {  	v8 =	vand.u32 $0x78, v7  }
0x4d: {  	v7 =	vand.u32 $0x5, v7;
	v8 =	vadd.s32 v1, v8;
	v3 =	vmul.f32 v3, v2  }
0x4e: {  	v7 =	vor.u32 v7, v8;
	v4 =	vmul.f32 v4, v2  }
0x4f: {  	v5 =	vmul.f32 v5, v2;
	[tilespmem:s16+$0xFFFFFFB0] =	vst v3  }
0x50: {  	v2 =	vmul.f32 v6, v2;
	[tilespmem:s16+$0xFFFFFF80] =	vst v4  }
0x51: {  	[tilespmem:s16+$0xFFFFFF90] =	vst v5  }
0x52: {  	[tilespmem:s16+$0xFFFFFFA0] =	vst v2;
	v3 =	vld [tilespmem:s16+$0xFFFFFFC0]  }
0x53: {  	v2 =	vld.idx.msk [tilespmem:v7+s15+$0x0], $0xffff  }
0x54: {  	v4 =	vld [tilespmem:s16+$0xFFFFFFD0]  }
0x55: {  	s5 =	simm.s32 $0x2;
	v5 =	vld [tilespmem:s16+$0xFFFFFFF0]  }
0x56: {  	v58 =	vmov s5;
	v57 =	vld [tilespmem:s16+$0xFFFFFFE0]  }
0x57: {  	v59 =	vand.u32 $0x78, v58  }
0x58: {  	v8 =	vadd.s32 v1, v59;
	v7 =	vand.u32 $0x6, v58;
	v3 =	vmul.f32 v3, v2  }
0x59: {  	v7 =	vor.u32 v7, v8;
	v4 =	vmul.f32 v4, v2  }
0x5a: {  	v5 =	vmul.f32 v5, v2;
	[tilespmem:s16+$0xFFFFFFC0] =	vst v3  }
0x5b: {  	v2 =	vmul.f32 v57, v2;
	[tilespmem:s16+$0xFFFFFFD0] =	vst v4  }
0x5c: {  	[tilespmem:s16+$0xFFFFFFF0] =	vst v5  }
0x5d: {  	[tilespmem:s16+$0xFFFFFFE0] =	vst v2;
	v2 =	vld [tilespmem:s16+$0x0]  }
0x5e: {  	v3 =	vld.idx.msk [tilespmem:v7+s15+$0x0], $0xffff;
	_ =	sdelay $0x1  }
0x5f: {  	v4 =	vld [tilespmem:s16+$0x30]  }
0x60: {  	v5 =	vld [tilespmem:s16+$0x20]  }
0x61: {  	s6 =	simm.s32 $0x3  }
0x62: {  	v61 =	vmov s6;
	v60 =	vld [tilespmem:s16+$0x10];
	v2 =	vmul.f32 v2, v3  }
0x63: {  	v62 =	vand.u32 $0x78, v61  }
0x64: {  	v63 =	vadd.s32 v1, v62;
	v4 =	vmul.f32 v4, v3;
	[tilespmem:s16+$0x0] =	vst v2;
	v2 =	vand.u32 $0x7, v61  }
0x65: {  	v5 =	vmul.f32 v5, v3;
	v2 =	vor.u32 v2, v63  }
0x66: {  	[tilespmem:s16+$0x30] =	vst v4  }
0x67: {  	s2 =	simm.s32 $0x4;
	s4 =	simm.s32 $0xEAE0;
	v3 =	vmul.f32 v60, v3;
	[tilespmem:s16+$0x20] =	vst v5  }
.LBB2_5:
0x68: {  	p1 =	slt.u32 s2, $0x4C  }
0x69: {  	[tilespmem:s16+$0x10] =	vst v3;
	v3 =	vld [tilespmem:s16+$0x70];
	s4 =	sadd.s32 $0x100, s4;
	s5 =	smov.u32 s2;
	s2 =	sadd.s32 $0x4, s2  }
0x6a: {  	v2 =	vld.idx.msk [tilespmem:v2+s15+$0x0], $0xffff  }
0x6b: {  	v4 =	vld [tilespmem:s16+$0x50]  }
0x6c: {  	v5 =	vld [tilespmem:s16+$0x60]  }
0x6d: {  	v6 =	vld [tilespmem:s16+$0x40]  }
0x6e: {  	v7 =	vmov s5  }
0x6f: {  	v8 =	vand.u32 $0x78, v7  }
0x70: {  	v7 =	vand.u32 $0x4, v7;
	v8 =	vadd.s32 v1, v8;
	v3 =	vmul.f32 v3, v2  }
0x71: {  	v7 =	vor.u32 v7, v8;
	v4 =	vmul.f32 v4, v2;
	v5 =	vmul.f32 v5, v2  }
0x72: {  	v2 =	vmul.f32 v6, v2;
	[tilespmem:s16+$0x70] =	vst v3  }
0x73: {  	[tilespmem:s16+$0x50] =	vst v4  }
0x74: {  	v3 =	vld [tilespmem:s4+$0xFFFFFFA0];
	[tilespmem:s16+$0x60] =	vst v5  }
0x75: {  	v4 =	vld [tilespmem:s4+$0xFFFFFFB0];
	[tilespmem:s16+$0x40] =	vst v2;
	s16 =	smov.u32 s4  }
0x76: {  	v2 =	vld.idx.msk [tilespmem:v7+s15+$0x0], $0xffff  }
0x77: {  	v5 =	vld [tilespmem:s4+$0xFFFFFF80]  }
0x78: {  	v6 =	vld [tilespmem:s4+$0xFFFFFF90]  }
0x79: {  	s6 =	sadd.s32 $0x1, s5  }
0x7a: {  	v7 =	vmov s6  }
0x7b: {  	v8 =	vand.u32 $0x78, v7;
	v7 =	vand.u32 $0x5, v7  }
0x7c: {  	v8 =	vadd.s32 v1, v8;
	v4 =	vmul.f32 v4, v2;
	v5 =	vmul.f32 v5, v2  }
0x7d: {  	v6 =	vmul.f32 v6, v2;
	v2 =	vmul.f32 v3, v2;
	v3 =	vor.u32 v7, v8  }
0x7e: {  	[tilespmem:s4+$0xFFFFFFB0] =	vst v4  }
0x7f: {  	[tilespmem:s4+$0xFFFFFF80] =	vst v5  }
0x80: {  	[tilespmem:s4+$0xFFFFFF90] =	vst v6;
	v4 =	vld [tilespmem:s4+$0xFFFFFFF0]  }
0x81: {  	[tilespmem:s4+$0xFFFFFFA0] =	vst v2;
	v2 =	vld [tilespmem:s4+$0xFFFFFFD0]  }
0x82: {  	v3 =	vld.idx.msk [tilespmem:v3+s15+$0x0], $0xffff  }
0x83: {  	v5 =	vld [tilespmem:s4+$0xFFFFFFC0]  }
0x84: {  	v6 =	vld [tilespmem:s4+$0xFFFFFFE0]  }
0x85: {  	s6 =	sadd.s32 $0x2, s5  }
0x86: {  	v7 =	vmov s6  }
0x87: {  	v8 =	vand.u32 $0x78, v7;
	v7 =	vand.u32 $0x6, v7  }
0x88: {  	v8 =	vadd.s32 v1, v8;
	v2 =	vmul.f32 v2, v3;
	v5 =	vmul.f32 v5, v3  }
0x89: {  	v6 =	vmul.f32 v6, v3;
	v3 =	vmul.f32 v4, v3;
	v4 =	vor.u32 v7, v8  }
0x8a: {  	[tilespmem:s4+$0xFFFFFFC0] =	vst v5  }
0x8b: {  	[tilespmem:s4+$0xFFFFFFD0] =	vst v2  }
0x8c: {  	[tilespmem:s4+$0xFFFFFFF0] =	vst v3;
	v2 =	vld [tilespmem:s4+$0x30]  }
0x8d: {  	[tilespmem:s4+$0xFFFFFFE0] =	vst v6;
	v3 =	vld [tilespmem:s4+$0x0]  }
0x8e: {  	v4 =	vld.idx.msk [tilespmem:v4+s15+$0x0], $0xffff  }
0x8f: {  	v5 =	vld [tilespmem:s4+$0x10]  }
0x90: {  	v6 =	vld [tilespmem:s4+$0x20]  }
0x91: {  	s5 =	sadd.s32 $0x3, s5  }
0x92: {  	v7 =	vmov s5  }
0x93: {  	v8 =	vand.u32 $0x78, v7;
	v7 =	vand.u32 $0x7, v7  }
.Ltmp1:
0x94: {  	v9 =	vmul.f32 v3, v4;
	v3 =	vmul.f32 v5, v4;
	v5 =	vadd.s32 v1, v8;
	(pc) =	sbr.rel @p1 .LBB2_5-.Ltmp1, $4  }
0x95: {  	v6 =	vmul.f32 v6, v4;
	v4 =	vmul.f32 v2, v4;
	v2 =	vor.u32 v7, v5  }
0x96: {  	[tilespmem:s4+$0x0] =	vst v9  }
0x97: {  	[tilespmem:s4+$0x30] =	vst v4  }
0x98: {  	[tilespmem:s4+$0x20] =	vst v6  }
0x99: {  	_ =	sdelay $0x2  }
0x9a: {  	[tilespmem:s16+$0x10] =	vst v3;
	v1 =	vld [tilespmem:s16+$0x70]  }
0x9b: {  	v2 =	vld.idx.msk [tilespmem:v2+s15+$0x0], $0xffff  }
0x9c: {  	v3 =	vld [tilespmem:s16+$0x50]  }
0x9d: {  	v4 =	vld [tilespmem:s16+$0x60]  }
0x9e: {  	v5 =	vld [tilespmem:s16+$0x40];
	_ =	sdelay $0x1  }
0x9f: {  	v1 =	vmul.f32 v1, v2  }
0xa0: {  	v3 =	vmul.f32 v3, v2  }
0xa1: {  	s2 =	smul.u32 $0x280, s30;
	v4 =	vmul.f32 v4, v2;
	[tilespmem:s16+$0x70] =	vst v1  }
0xa2: {  	v1 =	vmul.f32 v5, v2;
	[tilespmem:s16+$0x50] =	vst v3  }
0xa3: {  	s4 =	sshra.s32 s2, $0x2;
	[tilespmem:s16+$0x60] =	vst v4  }
0xa4: {  	s4 =	sadd.s32 $0x9C40, s4;
	[tilespmem:s16+$0x40] =	vst v1;
	v1 =	vmov s0  }
0xa5: {  	[spmem:s1] =	stream.indirect.scatter.add.f32 [tilespmem:s19], [sflag:$0x3], $0x40, s4, s18, $0xb8;
	v1 =	vmul.u32 $0x50, v1;
	[tilespmem:$0x1E2A0] =	vst v63  }
0xa6: {  	s4 =	simm.s32 $0x0  }
0xa7: {  	p1 =	seq.s32 s30, $0x7C;
	_ =	swait.ge [sflag:s22], $0x1400;
	v2 =	vmov s4;
	v1 =	vbroadcast v1, $0x0  }
0xa8: {  	s0 =	sshra.s32 @!p1 s2, $0x2;
	s2 =	simm.s32 @!p1 $0x50;
	[sflag:s22] =	ssyncset.done $0x0;
	v3 =	vand.u32 $0x78, v2  }
0xa9: {  	s0 =	sadd.s32 @!p1 $0xA0, s0;
	s4 =	simm.s32 @!p1 $0xEA60;
	v2 =	vand.u32 $0x4, v2;
	[sflag:s22] =	ssyncadd.s32 $0xFFFFEC00;
	v3 =	vadd.s32 v1, v3  }
0xaa: {  	[tilespmem:s4], [sflag:$0x1] =	stream.indirect.gather @!p1 [hbm4b:s8+s2], $0x40, s0, s2, $0xb8;
	v2 =	vor.u32 v2, v3;
	[tilespmem:$0x1E2A0] =	vst v63  }
0xab: {  	_ =	swait.ge [sflag:s23], $0x1400  }
0xac: {  	[sflag:s23] =	ssyncset.done $0x0  }
0xad: {  	s0 =	simm.s32 $0xFEE0;
	[sflag:s23] =	ssyncadd.s32 $0xFFFFEC00  }
0xae: {  	v3 =	vld [tilespmem:s0+$0xFFFFFFB0]  }
0xaf: {  	v2 =	vld.idx.msk [tilespmem:v2+s15+$0x0], $0xffff  }
0xb0: {  	v4 =	vld [tilespmem:s0+$0xFFFFFF80]  }
0xb1: {  	s5 =	simm.s32 $0x1;
	v5 =	vld [tilespmem:s0+$0xFFFFFF90]  }
0xb2: {  	v7 =	vmov s5;
	v6 =	vld [tilespmem:s0+$0xFFFFFFA0]  }
0xb3: {  	v8 =	vand.u32 $0x78, v7  }
0xb4: {  	v7 =	vand.u32 $0x5, v7;
	v8 =	vadd.s32 v1, v8;
	v3 =	vmul.f32 v3, v2  }
0xb5: {  	v7 =	vor.u32 v7, v8;
	v4 =	vmul.f32 v4, v2  }
0xb6: {  	v5 =	vmul.f32 v5, v2;
	[tilespmem:s0+$0xFFFFFFB0] =	vst v3  }
0xb7: {  	v2 =	vmul.f32 v6, v2;
	[tilespmem:s0+$0xFFFFFF80] =	vst v4  }
0xb8: {  	[tilespmem:s0+$0xFFFFFF90] =	vst v5  }
0xb9: {  	[tilespmem:s0+$0xFFFFFFA0] =	vst v2;
	v3 =	vld [tilespmem:s0+$0xFFFFFFC0]  }
0xba: {  	v2 =	vld.idx.msk [tilespmem:v7+s15+$0x0], $0xffff  }
0xbb: {  	v4 =	vld [tilespmem:s0+$0xFFFFFFD0]  }
0xbc: {  	s6 =	simm.s32 $0x2;
	v5 =	vld [tilespmem:s0+$0xFFFFFFF0]  }
0xbd: {  	v58 =	vmov s6;
	v57 =	vld [tilespmem:s0+$0xFFFFFFE0]  }
0xbe: {  	v59 =	vand.u32 $0x78, v58  }
0xbf: {  	v8 =	vadd.s32 v1, v59;
	v7 =	vand.u32 $0x6, v58;
	v3 =	vmul.f32 v3, v2  }
0xc0: {  	v7 =	vor.u32 v7, v8;
	v4 =	vmul.f32 v4, v2  }
0xc1: {  	v5 =	vmul.f32 v5, v2;
	[tilespmem:s0+$0xFFFFFFC0] =	vst v3  }
0xc2: {  	v2 =	vmul.f32 v57, v2;
	[tilespmem:s0+$0xFFFFFFD0] =	vst v4  }
0xc3: {  	[tilespmem:s0+$0xFFFFFFF0] =	vst v5  }
0xc4: {  	[tilespmem:s0+$0xFFFFFFE0] =	vst v2;
	v2 =	vld [tilespmem:s0+$0x0]  }
0xc5: {  	v3 =	vld.idx.msk [tilespmem:v7+s15+$0x0], $0xffff;
	_ =	sdelay $0x1  }
0xc6: {  	v4 =	vld [tilespmem:s0+$0x30]  }
0xc7: {  	v5 =	vld [tilespmem:s0+$0x20]  }
0xc8: {  	s16 =	simm.s32 $0x3  }
0xc9: {  	v61 =	vmov s16;
	v60 =	vld [tilespmem:s0+$0x10];
	v2 =	vmul.f32 v2, v3  }
0xca: {  	v62 =	vand.u32 $0x78, v61  }
0xcb: {  	v63 =	vadd.s32 v1, v62;
	v4 =	vmul.f32 v4, v3;
	[tilespmem:s0+$0x0] =	vst v2;
	v2 =	vand.u32 $0x7, v61  }
0xcc: {  	v5 =	vmul.f32 v5, v3;
	v2 =	vor.u32 v2, v63  }
0xcd: {  	[tilespmem:s0+$0x30] =	vst v4  }
0xce: {  	s2 =	simm.s32 $0x4;
	s4 =	simm.s32 $0xFEE0;
	v3 =	vmul.f32 v60, v3;
	[tilespmem:s0+$0x20] =	vst v5  }
.LBB2_7:
0xcf: {  	p1 =	slt.u32 s2, $0x4C  }
0xd0: {  	[tilespmem:s0+$0x10] =	vst v3;
	v3 =	vld [tilespmem:s0+$0x70];
	s4 =	sadd.s32 $0x100, s4;
	s5 =	smov.u32 s2;
	s2 =	sadd.s32 $0x4, s2  }
0xd1: {  	v2 =	vld.idx.msk [tilespmem:v2+s15+$0x0], $0xffff  }
0xd2: {  	v4 =	vld [tilespmem:s0+$0x50]  }
0xd3: {  	v5 =	vld [tilespmem:s0+$0x60]  }
0xd4: {  	v6 =	vld [tilespmem:s0+$0x40]  }
0xd5: {  	v7 =	vmov s5  }
0xd6: {  	v8 =	vand.u32 $0x78, v7  }
0xd7: {  	v7 =	vand.u32 $0x4, v7;
	v8 =	vadd.s32 v1, v8;
	v3 =	vmul.f32 v3, v2  }
0xd8: {  	v7 =	vor.u32 v7, v8;
	v4 =	vmul.f32 v4, v2;
	v5 =	vmul.f32 v5, v2  }
0xd9: {  	v2 =	vmul.f32 v6, v2;
	[tilespmem:s0+$0x70] =	vst v3  }
0xda: {  	[tilespmem:s0+$0x50] =	vst v4  }
0xdb: {  	v3 =	vld [tilespmem:s4+$0xFFFFFFA0];
	[tilespmem:s0+$0x60] =	vst v5  }
0xdc: {  	v4 =	vld [tilespmem:s4+$0xFFFFFFB0];
	[tilespmem:s0+$0x40] =	vst v2;
	s0 =	smov.u32 s4  }
0xdd: {  	v2 =	vld.idx.msk [tilespmem:v7+s15+$0x0], $0xffff  }
0xde: {  	v5 =	vld [tilespmem:s4+$0xFFFFFF80]  }
0xdf: {  	v6 =	vld [tilespmem:s4+$0xFFFFFF90]  }
0xe0: {  	s6 =	sadd.s32 $0x1, s5  }
0xe1: {  	v7 =	vmov s6  }
0xe2: {  	v8 =	vand.u32 $0x78, v7;
	v7 =	vand.u32 $0x5, v7  }
0xe3: {  	v8 =	vadd.s32 v1, v8;
	v4 =	vmul.f32 v4, v2;
	v5 =	vmul.f32 v5, v2  }
0xe4: {  	v6 =	vmul.f32 v6, v2;
	v2 =	vmul.f32 v3, v2;
	v3 =	vor.u32 v7, v8  }
0xe5: {  	[tilespmem:s4+$0xFFFFFFB0] =	vst v4  }
0xe6: {  	[tilespmem:s4+$0xFFFFFF80] =	vst v5  }
0xe7: {  	[tilespmem:s4+$0xFFFFFF90] =	vst v6;
	v4 =	vld [tilespmem:s4+$0xFFFFFFF0]  }
0xe8: {  	[tilespmem:s4+$0xFFFFFFA0] =	vst v2;
	v2 =	vld [tilespmem:s4+$0xFFFFFFD0]  }
0xe9: {  	v3 =	vld.idx.msk [tilespmem:v3+s15+$0x0], $0xffff  }
0xea: {  	v5 =	vld [tilespmem:s4+$0xFFFFFFC0]  }
0xeb: {  	v6 =	vld [tilespmem:s4+$0xFFFFFFE0]  }
0xec: {  	s6 =	sadd.s32 $0x2, s5  }
0xed: {  	v7 =	vmov s6  }
0xee: {  	v8 =	vand.u32 $0x78, v7;
	v7 =	vand.u32 $0x6, v7  }
0xef: {  	v8 =	vadd.s32 v1, v8;
	v2 =	vmul.f32 v2, v3;
	v5 =	vmul.f32 v5, v3  }
0xf0: {  	v6 =	vmul.f32 v6, v3;
	v3 =	vmul.f32 v4, v3;
	v4 =	vor.u32 v7, v8  }
0xf1: {  	[tilespmem:s4+$0xFFFFFFC0] =	vst v5  }
0xf2: {  	[tilespmem:s4+$0xFFFFFFD0] =	vst v2  }
0xf3: {  	[tilespmem:s4+$0xFFFFFFF0] =	vst v3;
	v2 =	vld [tilespmem:s4+$0x30]  }
0xf4: {  	[tilespmem:s4+$0xFFFFFFE0] =	vst v6;
	v3 =	vld [tilespmem:s4+$0x0]  }
0xf5: {  	v4 =	vld.idx.msk [tilespmem:v4+s15+$0x0], $0xffff  }
0xf6: {  	v5 =	vld [tilespmem:s4+$0x10]  }
0xf7: {  	v6 =	vld [tilespmem:s4+$0x20]  }
0xf8: {  	s5 =	sadd.s32 $0x3, s5  }
0xf9: {  	v7 =	vmov s5  }
0xfa: {  	v8 =	vand.u32 $0x78, v7;
	v7 =	vand.u32 $0x7, v7  }
.Ltmp2:
0xfb: {  	v9 =	vmul.f32 v3, v4;
	v3 =	vmul.f32 v5, v4;
	v5 =	vadd.s32 v1, v8;
	(pc) =	sbr.rel @p1 .LBB2_7-.Ltmp2, $4  }
0xfc: {  	v6 =	vmul.f32 v6, v4;
	v4 =	vmul.f32 v2, v4;
	v2 =	vor.u32 v7, v5  }
0xfd: {  	[tilespmem:s4+$0x0] =	vst v9  }
0xfe: {  	[tilespmem:s4+$0x30] =	vst v4  }
0xff: {  	[tilespmem:s4+$0x20] =	vst v6  }
0x100: {  	_ =	sdelay $0x2  }
0x101: {  	[tilespmem:s0+$0x10] =	vst v3;
	v1 =	vld [tilespmem:s0+$0x70]  }
0x102: {  	v2 =	vld.idx.msk [tilespmem:v2+s15+$0x0], $0xffff  }
0x103: {  	v3 =	vld [tilespmem:s0+$0x50]  }
0x104: {  	v4 =	vld [tilespmem:s0+$0x60]  }
0x105: {  	v5 =	vld [tilespmem:s0+$0x40];
	_ =	sdelay $0x1  }
0x106: {  	s30 =	sadd.s32 $0x1, s30;
	v1 =	vmul.f32 v1, v2  }
0x107: {  	p1 =	sne.s32 s30, $0x7D;
	v3 =	vmul.f32 v3, v2  }
.Ltmp3:
0x108: {  	v4 =	vmul.f32 v4, v2;
	[tilespmem:s0+$0x70] =	vst v1;
	(pc) =	sbr.rel @p1 .LBB2_4-.Ltmp3, $4  }
0x109: {  	v1 =	vmul.f32 v5, v2;
	[tilespmem:s0+$0x50] =	vst v3  }
0x10a: {  	[tilespmem:s0+$0x60] =	vst v4  }
0x10b: {  	s31 =	sadd.s32 $0x9C40, s31;
	[tilespmem:s0+$0x40] =	vst v1  }
0x10c: {  	[spmem:s1] =	stream.indirect.scatter.add.f32 [tilespmem:s20], [sflag:$0x4], $0x40, s31, s18, $0xb8;
	[tilespmem:$0x1E2A0] =	vst v63  }
0x10d: {  	_ =	swait.ge [sflag:s26], $0x1400  }
0x10e: {  	s0 =	stileid.u32;
	[sflag:s26] =	ssyncset.done $0x0  }
0x10f: {  	s0 =	sshll.u32 s0, $0x6;
	[sflag:s26] =	ssyncadd.s32 $0xFFFFEC00  }
0x110: {  	s0 =	sor.u32 $0x1C05, s0;
	[bflag:$0x0] =	sbarrier.arrive $0xFFFF  }
0x111: {  	[hbm:s24], [sflag:s0] =	dma.local [spmem:s25], $0x1380  }
0x112: {  	_ =	swait.ge [sflag:s14], $0x1380  }
0x113: {  	s2 =	sadd.s32 @!p0 $0x13800, s9;
	s28 =	sadd.s32 $0x1, s28;
	[sflag:s14] =	ssyncset.done $0x0  }
0x114: {  	s4 =	sshrl.u32 @!p0 s7, $0x3;
	p1 =	sne.s32 s28, s11;
	[sflag:s14] =	ssyncadd.s32 $0xFFFFEC80  }
0x115: {  	[hbm:s2], [sflag:s0] =	dma.local @!p0 [spmem:s4], $0x80  }
.Ltmp4:
0x116: {  	_ = 	snop;
	(pc) =	sbr.rel @p1 .LBB2_1-.Ltmp4, $4  }
0x117: {  	s0 =	simm.s32 @!p0 $0x5  }
0x118: {  	_ =	swait.ge @!p0 [sflag:s0], $0x80  }
0x119: {  	[sflag:s0] =	ssyncset.done @!p0 $0x0  }
0x11a: {  	[sflag:s0] =	ssyncadd.s32 @!p0 $0xFFFFFF80  }
0x11b: {  	_ =	sfence.sel $0x180000  }
0x11c: {  	[bflag:$0x0] =	sbarrier.arrive $0xFFFF  }
0x11d: {  	_ =	strace $0x9000004A  }
0x11e: {  	[bflag:$0x2] =	sbarrier.arrive $0xFFFF  }
0x11f: {  	s0 =	rddreg [dreg:$0x3]  }
0x120: {  	s0 =	sadd.s32 @!p0 $0x100000, s0  }
0x121: {  	[sflag:s0] =	ssyncadd.tile.s32 @!p0 $0x1;
	_ =	shalt  }
.Lfunc_end2:
_tile_overlayer_lowered:
.L_overlay_start_2:
0x122: {  	(tag) =	ssettag $0x2  }
0x123: {  	s0 =	rddreg [dreg:$0x0];
	s2 =	stileid.u32  }
0x124: {  	s1 =	rddreg [dreg:$0x1];
	p0 =	sne.s32 s2, $0x0  }
0x125: {  	s3 =	rddreg [dreg:$0x2];
	[bflag:$0x3] =	sbarrier.arrive $0xFFFF;
	s2 =	simm.s32 @!p0 $0x1C05  }
0x126: {  	[timem:s3], [sflag:s2] =	dma.local @!p0 [hbm:s0], s1  }
0x127: {  	s0 =	simm.s32 @!p0 $0x5  }
0x128: {  	_ =	swait.ge @!p0 [sflag:s0], s1  }
0x129: {  	s1 =	ssub.s32 @!p0 $0x0, s1;
	[sflag:s0] =	ssyncset.done @!p0 $0x0  }
0x12a: {  	[sflag:s0] =	ssyncadd.s32 @!p0 s1  }
0x12b: {  	[bflag:$0x3] =	sbarrier.arrive $0xFFFF  }
0x12c: {  	_ =	shalt  }

// kernel: kernel.17.cloned.1.call-start
scs
__scs_entry_jumppad:
0x0: {  	(pc) =	sbr.rel $0x88, $3  }
0x1: {  	(tag) =	ssettag $0x0;
	lr =	simm.s32 $0x1  }
0x2: {  	[smem:$0x3F8C] =	sst lr;
	_ =	strace $0xD0000000  }
0x3: {  	_ = 	snop  }
0x4: {  	_ = 	snop  }
0x5: {  	_ = 	snop  }
0x6: {  	_ = 	snop  }
0x7: {  	_ = 	snop  }
__scs_overlays_trampoline_lowered:
0x8: {  	[smem:$0x3F9B] =	sst s0  }
0x9: {  	[smem:$0x3F9C] =	sst s1  }
0xa: {  	[smem:$0x3F9D] =	sst s2  }
0xb: {  	[smem:$0x3F9E] =	sst s3  }
0xc: {  	[smem:$0x3F9F] =	sst s4  }
0xd: {  	[smem:$0x3FA0] =	sst s5  }
0xe: {  	[smem:$0x3FA1] =	sst s6  }
0xf: {  	[smem:$0x3FA2] =	sst s7  }
0x10: {  	[smem:$0x3FA3] =	sst s8  }
0x11: {  	[smem:$0x3FA4] =	sst s9;
	s0 =	simm.s32 @!p0 $0x0  }
0x12: {  	s1 =	sld [smem:$0x3F8A];
	s0 =	simm.s32 @p0 $0x1  }
0x13: {  	[smem:$0x3FA5] =	sst s0;
	s0 =	simm.s32 @!p1 $0x0  }
0x14: {  	s2 =	sld [smem:$0x3F89];
	s0 =	simm.s32 @p1 $0x1  }
0x15: {  	[smem:$0x3FA6] =	sst s0;
	s0 =	simm.s32 @!p2 $0x0  }
0x16: {  	s3 =	sld [smem:$0x3FDB];
	s0 =	simm.s32 @p2 $0x1  }
0x17: {  	s4 =	simm.s32 $0x1BF5;
	[smem:$0x3FA8] =	sst s0  }
0x18: {  	s0 =	sld [smem:$0x3F8B];
	_ =	swait.ge [sflag:s4], $0x0  }
0x19: {  	s7 =	sld [smem:$0x3F8C]  }
0x1a: {  	s8 =	sadd.s32 $0xFFFFE003, lr  }
0x1b: {  	s9 =	sadd.s32 $0xFFFFFEF7, lr;
	s5 =	simm.s32 $0xFFFFFFFF;
	p2 =	slt.u32 s8, $0xFFFFF086  }
0x1c: {  	p1 =	slt.u32 s9, $0xF7A;
	s5 =	simm.s32 @!p2 $0x0  }
0x1d: {  	s5 =	simm.s32 @p1 $0x1;
	p0 =	seq.s32 s7, s2  }
0x1e: {  	s7 =	smul.u32 @!p0 $0xF7A, s2;
	p2 =	seq.s32 @!p0 s5, $0x0  }
0x1f: {  	s9 =	smul.u32 $0xF7A, s1;
	s8 =	simm.s32 @!p0 $0x1BF5;
	p2 =	por !p2, p0  }
0x20: {  	[sflag:s8] =	ssyncset.s32 @!p0 $0xFFFFF086;
	s6 =	sadd.s32 @!p0 s3, s7;
	s7 =	simm.s32 @!p0 $0x108  }
0x21: {  	s3 =	sadd.s32 s3, s9;
	s6 =	sadd.s32 @!p0 $0x88, s6;
	s7 =	simm.s32 @p2 $0x1082  }
0x22: {  	[simem:s7], [sflag:s8] =	dma.local @!p0 [hbm:s6], $0xF7A  }
0x23: {  	s9 =	sor.u32 $0xD0000000, s2;
	s6 =	simm.s32 $0x108;
	_ =	swait.ge @!p0 [sflag:s8], $0x0  }
0x24: {  	s3 =	sadd.s32 $0x88, s3;
	s6 =	simm.s32 @!p1 $0x1082;
	[sflag:s4] =	ssyncset.s32 $0xFFFFF086  }
0x25: {  	[simem:s6], [sflag:s4] =	dma.local [hbm:s3], $0xF7A  }
0x26: {  	[smem:$0x3F8C] =	sst s1;
	(tag) =	ssettag s2;
	_ =	strace s9  }
0x27: {  	s1 =	sld [smem:$0x3F9C]  }
0x28: {  	s2 =	sld [smem:$0x3F9D]  }
0x29: {  	s4 =	sld [smem:$0x3F9F]  }
0x2a: {  	p0 =	seq.s32 s5, $0x0;
	s5 =	sld [smem:$0x3FA0]  }
0x2b: {  	s6 =	sld [smem:$0x3FA1]  }
0x2c: {  	s7 =	sld [smem:$0x3FA2]  }
0x2d: {  	s3 =	simm.s32 $0x108;
	s8 =	sld [smem:$0x3FA3]  }
0x2e: {  	s3 =	simm.s32 @!p0 $0x1082;
	s9 =	sld [smem:$0x3FA4]  }
0x2f: {  	lr =	sadd.s32 s0, s3;
	s0 =	sld [smem:$0x3F9B]  }
0x30: {  	s3 =	sld [smem:$0x3F9E]  }
0x31: {  	[smem:$0x3FA7] =	sst s10  }
0x32: {  	s10 =	sld [smem:$0x3FA5];
	_ =	sdelay $0x3  }
0x33: {  	p0 =	seq.s32 s10, $0x1;
	s10 =	sld [smem:$0x3FA7];
	_ =	sdelay $0x3  }
0x34: {  	[smem:$0x3FA7] =	sst s10  }
0x35: {  	s10 =	sld [smem:$0x3FA6];
	_ =	sdelay $0x3  }
0x36: {  	p1 =	seq.s32 s10, $0x1;
	s10 =	sld [smem:$0x3FA7];
	_ =	sdelay $0x3  }
0x37: {  	[smem:$0x3FA7] =	sst s10  }
0x38: {  	s10 =	sld [smem:$0x3FA8]  }
0x39: {  	_ = 	snop;
	(pc) =	sbr.ind lr, $3  }
0x3a: {  	_ = 	snop  }
0x3b: {  	_ = 	snop  }
0x3c: {  	p2 =	seq.s32 s10, $0x1;
	s10 =	sld [smem:$0x3FA7]  }
0x3d: {  	_ =	shalt  }
0x3e: {  	_ =	shalt  }
0x3f: {  	_ =	shalt  }
0x40: {  	_ =	shalt  }
0x41: {  	_ =	shalt  }
0x42: {  	_ =	shalt  }
0x43: {  	_ =	shalt  }
0x44: {  	_ =	shalt  }
0x45: {  	_ =	shalt  }
0x46: {  	_ =	shalt  }
0x47: {  	_ =	shalt  }
0x48: {  	_ =	shalt  }
0x49: {  	_ =	shalt  }
0x4a: {  	_ =	shalt  }
0x4b: {  	_ =	shalt  }
0x4c: {  	_ =	shalt  }
0x4d: {  	_ =	shalt  }
0x4e: {  	_ =	shalt  }
0x4f: {  	_ =	shalt  }
0x50: {  	_ =	shalt  }
0x51: {  	_ =	shalt  }
0x52: {  	_ =	shalt  }
0x53: {  	_ =	shalt  }
0x54: {  	_ =	shalt  }
0x55: {  	_ =	shalt  }
0x56: {  	_ =	shalt  }
0x57: {  	_ =	shalt  }
0x58: {  	_ =	shalt  }
0x59: {  	_ =	shalt  }
0x5a: {  	_ =	shalt  }
0x5b: {  	_ =	shalt  }
0x5c: {  	_ =	shalt  }
0x5d: {  	_ =	shalt  }
0x5e: {  	_ =	shalt  }
0x5f: {  	_ =	shalt  }
0x60: {  	_ =	shalt  }
0x61: {  	_ =	shalt  }
0x62: {  	_ =	shalt  }
0x63: {  	_ =	shalt  }
0x64: {  	_ =	shalt  }
0x65: {  	_ =	shalt  }
0x66: {  	_ =	shalt  }
0x67: {  	_ =	shalt  }
0x68: {  	_ =	shalt  }
0x69: {  	_ =	shalt  }
0x6a: {  	_ =	shalt  }
0x6b: {  	_ =	shalt  }
0x6c: {  	_ =	shalt  }
0x6d: {  	_ =	shalt  }
0x6e: {  	_ =	shalt  }
0x6f: {  	_ =	shalt  }
0x70: {  	_ =	shalt  }
0x71: {  	_ =	shalt  }
0x72: {  	_ =	shalt  }
0x73: {  	_ =	shalt  }
0x74: {  	_ =	shalt  }
0x75: {  	_ =	shalt  }
0x76: {  	_ =	shalt  }
0x77: {  	_ =	shalt  }
0x78: {  	_ =	shalt  }
0x79: {  	_ =	shalt  }
0x7a: {  	_ =	shalt  }
0x7b: {  	_ =	shalt  }
0x7c: {  	_ =	shalt  }
0x7d: {  	_ =	shalt  }
0x7e: {  	_ =	shalt  }
0x7f: {  	_ =	shalt  }
0x80: {  	_ =	shalt  }
0x81: {  	_ =	shalt  }
0x82: {  	_ =	shalt  }
0x83: {  	_ =	shalt  }
0x84: {  	_ =	shalt  }
0x85: {  	_ =	shalt  }
0x86: {  	_ =	shalt  }
0x87: {  	_ =	shalt  }
.Lfunc_end0:
.L_simem_size_0:
called_computation.2_lowered:
.L_overlay_start_0:
0x88: {  	s2 =	sld [smem:$0x3FD9]  }
0x89: {  	s3 =	sld [smem:$0x3FFE];
	_ =	sdelay $0x1  }
0x8a: {  	s1 =	srdreg.scid  }
0x8b: {  	s0 =	sand.u32 $0x1, s1  }
0x8c: {  	s17 =	sshll.u32 s0, $0xA;
	s2 =	sadd.s32 s3, s2  }
0x8d: {  	s2 =	sadd.s32 s2, s17  }
0x8e: {  	[smem:$0x3FB3] =	sst s2  }
0x8f: {  	_ = 	snop  }
0x90: {  	s2 =	sld [smem:$0x3FC7];
	(tm) =	ssettm $0x1  }
0x91: {  	s18 =	sld [smem:$0x3FFB];
	_ =	sdelay $0x3  }
0x92: {  	_ =	strace s18  }
0x93: {  	s3 =	sld [smem:$0x3FFC];
	_ =	sdelay $0x3  }
0x94: {  	_ =	strace s3  }
0x95: {  	s3 =	sld [smem:$0x3FFD];
	_ =	sdelay $0x3  }
0x96: {  	_ =	strace s3  }
0x97: {  	_ =	strace $0x8FFFFFFF  }
0x98: {  	s19 =	sld [smem:$0x3FDB];
	_ =	sdelay $0x1  }
0x99: {  	s4 =	simm.s32 $_scs_section_size  }
0x9a: {  	s5 =	simm.s32 $_size__tile_overlayer_lowered;
	s6 =	simm.s32 $_tile_overlayer_lowered  }
0x9b: {  	s22 =	simm.s32 $0x1BFF;
	s21 =	sshll.u32 s6, $0x1;
	s3 =	sadd.s32 s4, s19  }
0x9c: {  	s7 =	simm.s32 $0x0;
	s20 =	sshll.u32 s5, $0x1;
	s5 =	sadd.s32 s21, s3  }
0x9d: {  	[timem:s7], [sflag:s22] =	dma.local [hbm:s5], s20  }
0x9e: {  	_ =	swait.ge [sflag:s22], s20  }
0x9f: {  	s4 =	ssub.s32 $0x0, s20;
	[sflag:s22] =	ssyncset.done $0x0  }
0xa0: {  	[sflag:s22] =	ssyncadd.s32 s4;
	_ =	sdelay $0x1  }
0xa1: {  	s23 =	simm.s32 $0x1B8B  }
0xa2: {  	_ =	swait.ge [sflag:s23], $0x1  }
0xa3: {  	[sflag:s23] =	ssyncset.done $0x0  }
0xa4: {  	s25 =	simm.s32 $0x1B8E;
	s24 =	sld [smem:$0x3FFE];
	[sflag:s23] =	ssyncadd.s32 $0xFFFFFFFF  }
0xa5: {  	s26 =	simm.s32 $execute0_lowered;
	[smem:$0x3FD2] =	sst s25  }
0xa6: {  	s5 =	sshll.u32 s26, $0x1;
	_ =	strace $0x8000004C;
	[dreg:$0x1] =	wrdreg $0xFFFFFFFF  }
0xa7: {  	s28 =	simm.s32 $_size_execute0_lowered;
	s3 =	sadd.s32 s3, s5;
	[dreg:$0x0] =	wrdreg $0x0  }
0xa8: {  	s5 =	sshll.u32 s28, $0x1;
	[dreg:$0x2] =	wrdreg s3  }
0xa9: {  	[dreg:$0x3] =	wrdreg s5  }
0xaa: {  	[dreg:$0x4] =	wrdreg $0xC0  }
0xab: {  	_ =	task [dreg:s7], $0x5FFFF  }
0xac: {  	[dreg:$0x1] =	wrdreg $0xFFFFFFFF  }
0xad: {  	[dreg:$0x0] =	wrdreg $0x60  }
0xae: {  	[dreg:$0x2] =	wrdreg s24  }
0xaf: {  	[dreg:$0x3] =	wrdreg s2  }
0xb0: {  	[dreg:$0x4] =	wrdreg $0x146600  }
0xb1: {  	[dreg:$0x5] =	wrdreg $0x9  }
0xb2: {  	_ =	task.clear_ibuf [dreg:s7], $0x6FFFF;
	_ =	strace $0x9000004C  }
0xb3: {  	s29 =	simm.s32 $0x9;
	_ =	strace $0x8000004E  }
0xb4: {  	_ =	swait.ge [sflag:s29], $0x1  }
0xb5: {  	[sflag:s29] =	ssyncadd.s32 $0xFFFFFFFF  }
0xb6: {  	_ =	strace $0x9000004E  }
0xb7: {  	_ =	sfence  }
0xb8: {  	s30 =	sld [smem:$0x0];
	_ =	sdelay $0x2  }
0xb9: {  	s31 =	sshll.u32 s1, $0xD;
	s1 =	sshrl.u32 s1, $0x2  }
0xba: {  	s3 =	sand.u32 $0x4000, s31;
	s1 =	sadd.s32 s1, s30  }
0xbb: {  	s0 =	sor.u32 s3, s0;
	s1 =	sshll.u32 s1, $0x11  }
0xbc: {  	s0 =	sor.u32 s1, s0  }
0xbd: {  	s0 =	sadd.s32 $0x8F2B, s0  }
0xbe: {  	[sflag:s0] =	ssyncadd.remote.s32 $0x1  }
0xbf: {  	_ =	sfence.sel $0xFFFF  }
0xc0: {  	[dreg:$0x0] =	wrdreg $0xFFFFFFFF;
	(pc) =	sbr.abs _section_cstart, $3  }
0xc1: {  	[dreg:$0x1] =	wrdreg $0xFFFFFFFF  }
0xc2: {  	_ =	task.clear_ibuf [dreg:s7], $0x2FFFF;
	_ =	strace $0x9FFFFFFF  }
0xc3: {  	(tm) =	ssettm $0x7FFFFFFF  }
tec
execute0_lowered:
.L_overlay_start_1:
0x0: {  	(tag) =	ssettag $0x1  }
0x1: {  	s0 =	rddreg [dreg:$0x0]  }
0x2: {  	s2 =	rddreg [dreg:$0x1]  }
0x3: {  	s1 =	rddreg [dreg:$0x2];
	s16 =	stileid.u32  }
0x4: {  	s4 =	srdreg.scid;
	s3 =	simm.s32 $0x0;
	s14 =	simm.s32 $0x5  }
0x5: {  	s15 =	simm.s32 $0x4E20;
	s17 =	simm.s32 $0x11260;
	s18 =	simm.s32 $0x50  }
0x6: {  	s19 =	simm.s32 $0xEA60;
	s20 =	simm.s32 $0xFE60;
	s21 =	simm.s32 $0x1  }
0x7: {  	s22 =	simm.s32 $0x3;
	s28 =	simm.s32 $0x0;
	s5 =	smul.u32 $0x9C4, s16  }
0x8: {  	s29 =	simm.s32 $0x0;
	s4 =	sand.u32 $0x1, s4;
	s24 =	smul.u32 $0x27000, s16  }
0x9: {  	[smem:$0x7FF] =	sst s3;
	s26 =	smul.u32 $0x9C00, s16;
	p0 =	sne.s32 s16, $0x0  }
0xa: {  	s6 =	smul.u32 $0x13880, s4;
	s4 =	ssub.s32 $0x2, s4;
	_ =	strace $0x8000004D  }
0xb: {  	s7 =	sshrl.u32 s4, $0x1;
	s8 =	sadd.s32 s5, s0;
	s2 =	sadd.s32 s2, s5  }
0xc: {  	s30 =	sshrl.u32 s24, $0x2;
	s31 =	sshrl.u32 s26, $0x3;
	s5 =	sadd.s32 s26, s1  }
0xd: {  	s26 =	simm.s32 $0x4;
	s0 =	sadd.s32 s6, s0;
	s4 =	ssub.s32 s4, s7  }
0xe: {  	s23 =	sadd.s32 $0x3C00, s8;
	[dreg:$0x5] =	wrdreg s2;
	s25 =	sadd.s32 $0xDA00, s8  }
0xf: {  	s7 =	sadd.s32 $0x9C000, s1;
	s10 =	sadd.s32 s30, s1;
	[dreg:$0x4] =	wrdreg s23  }
0x10: {  	[dreg:$0x6] =	wrdreg s25;
	s8 =	sadd.s32 $0x65A00, s0;
	s9 =	sadd.s32 $0x8CC00, s0  }
0x11: {  	s11 =	smax.u32 s4, $0x1;
	s12 =	sadd.s32 $0x3400, s10;
	s13 =	sadd.s32 $0x6800, s10  }
0x12: {  	v0 =	vimm.f32 $0.0e+00;
	s23 =	simm.s32 $0x2;
	s25 =	sshrl.u32 s5, $0x3;
	s24 =	sadd.s32 s31, s9  }
.LBB2_1:
0x13: {  	s0 =	rddreg [dreg:$0x4]  }
0x14: {  	[tilespmem:s3], [sflag:$0x5] =	stream.linear.gather [hbm4b:s0+s3], $0x4E20, $0x38;
	[tilespmem:$0x1E2A0] =	vst v63  }
0x15: {  	_ =	swait.ge [sflag:s14], $0x4E20  }
0x16: {  	[sflag:s14] =	ssyncset.done $0x0  }
0x17: {  	s30 =	rddreg [dreg:$0x5];
	[sflag:s14] =	ssyncadd.s32 $0xFFFFB1E0  }
0x18: {  	[tilespmem:s15], [sflag:$0x5] =	stream.linear.gather [hbm4b:s30+s3], $0x4E20, $0x38;
	[tilespmem:$0x1E2A0] =	vst v63  }
0x19: {  	_ =	swait.ge [sflag:s14], $0x4E20  }
0x1a: {  	[sflag:s14] =	ssyncset.done $0x0  }
0x1b: {  	s2 =	simm.s32 $0x9C40;
	s31 =	rddreg [dreg:$0x6];
	[sflag:s14] =	ssyncadd.s32 $0xFFFFB1E0  }
0x1c: {  	[tilespmem:s2], [sflag:$0x5] =	stream.linear.gather [hbm4b:s31+s3], $0x4E20, $0x38;
	[tilespmem:$0x1E2A0] =	vst v63  }
0x1d: {  	_ =	swait.ge [sflag:s14], $0x4E20  }
0x1e: {  	[sflag:s14] =	ssyncset.done $0x0  }
0x1f: {  	s0 =	simm.s32 $0x0;
	s2 =	simm.s32 $0x100;
	[sflag:s14] =	ssyncadd.s32 $0xFFFFB1E0  }
.LBB2_2:
0x20: {  	p1 =	sne.s32 s2, $0xCF00;
	[tilespmem:s0+$0x11290] =	vst v0;
	s4 =	smov.u32 s2;
	s2 =	sadd.s32 $0x100, s2  }
.Ltmp0:
0x21: {  	[tilespmem:s0+$0x11280] =	vst v0;
	(pc) =	sbr.rel @p1 .LBB2_2-.Ltmp0, $3  }
0x22: {  	[tilespmem:s0+$0x11260] =	vst v0  }
0x23: {  	[tilespmem:s0+$0x11270] =	vst v0;
	_ =	sdelay $0x1  }
0x24: {  	s0 =	sshra.s32 s4, $0x2  }
0x25: {  	[tilespmem:s0+$0x11290] =	vst v0  }
0x26: {  	[tilespmem:s0+$0x11280] =	vst v0  }
0x27: {  	[tilespmem:s0+$0x11260] =	vst v0  }
0x28: {  	[tilespmem:s0+$0x11270] =	vst v0  }
0x29: {  	[spmem:s10] =	stream.linear.scatter [tilespmem:s17], [sflag:$0x5], $0x3400, $0x38;
	[tilespmem:$0x1E2A0] =	vst v63  }
0x2a: {  	_ =	swait.ge [sflag:s14], $0x3400  }
0x2b: {  	[sflag:s14] =	ssyncset.done $0x0  }
0x2c: {  	[sflag:s14] =	ssyncadd.s32 $0xFFFFCC00  }
0x2d: {  	[spmem:s12] =	stream.linear.scatter [tilespmem:s17], [sflag:$0x5], $0x3400, $0x38;
	[tilespmem:$0x1E2A0] =	vst v63  }
0x2e: {  	_ =	swait.ge [sflag:s14], $0x3400  }
0x2f: {  	[sflag:s14] =	ssyncset.done $0x0  }
0x30: {  	[sflag:s14] =	ssyncadd.s32 $0xFFFFCC00  }
0x31: {  	[spmem:s13] =	stream.linear.scatter [tilespmem:s17], [sflag:$0x5], $0x3400, $0x38;
	[tilespmem:$0x1E2A0] =	vst v63  }
0x32: {  	_ =	swait.ge [sflag:s14], $0x3400  }
0x33: {  	[sflag:s14] =	ssyncset.done $0x0  }
0x34: {  	s0 =	simm.s32 @!p0 $0x11260;
	[sflag:s14] =	ssyncadd.s32 $0xFFFFCC00  }
0x35: {  	[spmem:s7] =	stream.linear.scatter @!p0 [tilespmem:s0], [sflag:$0x5], $0x400, $0x38;
	[tilespmem:$0x1E2A0] =	vst v63  }
0x36: {  	s0 =	simm.s32 @!p0 $0x5  }
0x37: {  	_ =	swait.ge @!p0 [sflag:s0], $0x400  }
0x38: {  	[sflag:s0] =	ssyncset.done @!p0 $0x0  }
0x39: {  	[sflag:s0] =	ssyncadd.s32 @!p0 $0xFFFFFC00  }
0x3a: {  	s30 =	simm.s32 $0x0;
	[bflag:$0x0] =	sbarrier.arrive $0xFFFF  }
0x3b: {  	[tilespmem:s19], [sflag:$0x1] =	stream.indirect.gather [hbm4b:s8+s18], $0x40, s29, s18, $0xb8;
	[tilespmem:$0x1E2A0] =	vst v63  }
.LBB2_4:
0x3c: {  	s0 =	sshll.u32 s30, $0x1  }
0x3d: {  	v1 =	vmov s0  }
0x3e: {  	p1 =	seq.s32 s30, $0x0;
	v1 =	vmul.u32 $0x50, v1  }
0x3f: {  	s2 =	simm.s32 @!p1 $0x4;
	s0 =	sor.u32 $0x1, s0  }
0x40: {  	v2 =	vmov s29;
	_ =	swait.ge @!p1 [sflag:s2], $0x1400;
	s4 =	smul.u32 $0x140, s0;
	v1 =	vbroadcast v1, $0x0  }
0x41: {  	v3 =	vand.u32 $0x78, v2;
	[sflag:s2] =	ssyncset.done @!p1 $0x0  }
0x42: {  	v2 =	vand.u32 $0x4, v2;
	[sflag:s2] =	ssyncadd.s32 @!p1 $0xFFFFEC00;
	s31 =	sshra.s32 s4, $0x2;
	v3 =	vadd.s32 v1, v3  }
0x43: {  	[tilespmem:s20], [sflag:$0x2] =	stream.indirect.gather [hbm4b:s8+s18], $0x40, s31, s18, $0xb8;
	v2 =	vor.u32 v2, v3;
	[tilespmem:$0x1E2A0] =	vst v63  }
0x44: {  	_ =	swait.ge [sflag:s21], $0x1400  }
0x45: {  	[sflag:s21] =	ssyncset.done $0x0  }
0x46: {  	s16 =	simm.s32 $0xEAE0;
	[sflag:s21] =	ssyncadd.s32 $0xFFFFEC00  }
0x47: {  	v3 =	vld [tilespmem:s16+$0xFFFFFFB0]  }
0x48: {  	v2 =	vld.idx.msk [tilespmem:v2+s15+$0x0], $0xffff  }
0x49: {  	v4 =	vld [tilespmem:s16+$0xFFFFFF80]  }
0x4a: {  	s4 =	simm.s32 $0x1;
	v5 =	vld [tilespmem:s16+$0xFFFFFF90]  }
0x4b: {  	v7 =	vmov s4;
	v6 =	vld [tilespmem:s16+$0xFFFFFFA0]  }
0x4c: {  	v8 =	vand.u32 $0x78, v7  }
0x4d: {  	v7 =	vand.u32 $0x5, v7;
	v8 =	vadd.s32 v1, v8;
	v3 =	vmul.f32 v3, v2  }
0x4e: {  	v7 =	vor.u32 v7, v8;
	v4 =	vmul.f32 v4, v2  }
0x4f: {  	v5 =	vmul.f32 v5, v2;
	[tilespmem:s16+$0xFFFFFFB0] =	vst v3  }
0x50: {  	v2 =	vmul.f32 v6, v2;
	[tilespmem:s16+$0xFFFFFF80] =	vst v4  }
0x51: {  	[tilespmem:s16+$0xFFFFFF90] =	vst v5  }
0x52: {  	[tilespmem:s16+$0xFFFFFFA0] =	vst v2;
	v3 =	vld [tilespmem:s16+$0xFFFFFFC0]  }
0x53: {  	v2 =	vld.idx.msk [tilespmem:v7+s15+$0x0], $0xffff  }
0x54: {  	v4 =	vld [tilespmem:s16+$0xFFFFFFD0]  }
0x55: {  	s5 =	simm.s32 $0x2;
	v5 =	vld [tilespmem:s16+$0xFFFFFFF0]  }
0x56: {  	v58 =	vmov s5;
	v57 =	vld [tilespmem:s16+$0xFFFFFFE0]  }
0x57: {  	v59 =	vand.u32 $0x78, v58  }
0x58: {  	v8 =	vadd.s32 v1, v59;
	v7 =	vand.u32 $0x6, v58;
	v3 =	vmul.f32 v3, v2  }
0x59: {  	v7 =	vor.u32 v7, v8;
	v4 =	vmul.f32 v4, v2  }
0x5a: {  	v5 =	vmul.f32 v5, v2;
	[tilespmem:s16+$0xFFFFFFC0] =	vst v3  }
0x5b: {  	v2 =	vmul.f32 v57, v2;
	[tilespmem:s16+$0xFFFFFFD0] =	vst v4  }
0x5c: {  	[tilespmem:s16+$0xFFFFFFF0] =	vst v5  }
0x5d: {  	[tilespmem:s16+$0xFFFFFFE0] =	vst v2;
	v2 =	vld [tilespmem:s16+$0x0]  }
0x5e: {  	v3 =	vld.idx.msk [tilespmem:v7+s15+$0x0], $0xffff;
	_ =	sdelay $0x1  }
0x5f: {  	v4 =	vld [tilespmem:s16+$0x30]  }
0x60: {  	v5 =	vld [tilespmem:s16+$0x20]  }
0x61: {  	s6 =	simm.s32 $0x3  }
0x62: {  	v61 =	vmov s6;
	v60 =	vld [tilespmem:s16+$0x10];
	v2 =	vmul.f32 v2, v3  }
0x63: {  	v62 =	vand.u32 $0x78, v61  }
0x64: {  	v63 =	vadd.s32 v1, v62;
	v4 =	vmul.f32 v4, v3;
	[tilespmem:s16+$0x0] =	vst v2;
	v2 =	vand.u32 $0x7, v61  }
0x65: {  	v5 =	vmul.f32 v5, v3;
	v2 =	vor.u32 v2, v63  }
0x66: {  	[tilespmem:s16+$0x30] =	vst v4  }
0x67: {  	s2 =	simm.s32 $0x4;
	s4 =	simm.s32 $0xEAE0;
	v3 =	vmul.f32 v60, v3;
	[tilespmem:s16+$0x20] =	vst v5  }
.LBB2_5:
0x68: {  	p1 =	slt.u32 s2, $0x4C  }
0x69: {  	[tilespmem:s16+$0x10] =	vst v3;
	v3 =	vld [tilespmem:s16+$0x70];
	s4 =	sadd.s32 $0x100, s4;
	s5 =	smov.u32 s2;
	s2 =	sadd.s32 $0x4, s2  }
0x6a: {  	v2 =	vld.idx.msk [tilespmem:v2+s15+$0x0], $0xffff  }
0x6b: {  	v4 =	vld [tilespmem:s16+$0x50]  }
0x6c: {  	v5 =	vld [tilespmem:s16+$0x60]  }
0x6d: {  	v6 =	vld [tilespmem:s16+$0x40]  }
0x6e: {  	v7 =	vmov s5  }
0x6f: {  	v8 =	vand.u32 $0x78, v7  }
0x70: {  	v7 =	vand.u32 $0x4, v7;
	v8 =	vadd.s32 v1, v8;
	v3 =	vmul.f32 v3, v2  }
0x71: {  	v7 =	vor.u32 v7, v8;
	v4 =	vmul.f32 v4, v2;
	v5 =	vmul.f32 v5, v2  }
0x72: {  	v2 =	vmul.f32 v6, v2;
	[tilespmem:s16+$0x70] =	vst v3  }
0x73: {  	[tilespmem:s16+$0x50] =	vst v4  }
0x74: {  	v3 =	vld [tilespmem:s4+$0xFFFFFFA0];
	[tilespmem:s16+$0x60] =	vst v5  }
0x75: {  	v4 =	vld [tilespmem:s4+$0xFFFFFFB0];
	[tilespmem:s16+$0x40] =	vst v2;
	s16 =	smov.u32 s4  }
0x76: {  	v2 =	vld.idx.msk [tilespmem:v7+s15+$0x0], $0xffff  }
0x77: {  	v5 =	vld [tilespmem:s4+$0xFFFFFF80]  }
0x78: {  	v6 =	vld [tilespmem:s4+$0xFFFFFF90]  }
0x79: {  	s6 =	sadd.s32 $0x1, s5  }
0x7a: {  	v7 =	vmov s6  }
0x7b: {  	v8 =	vand.u32 $0x78, v7;
	v7 =	vand.u32 $0x5, v7  }
0x7c: {  	v8 =	vadd.s32 v1, v8;
	v4 =	vmul.f32 v4, v2;
	v5 =	vmul.f32 v5, v2  }
0x7d: {  	v6 =	vmul.f32 v6, v2;
	v2 =	vmul.f32 v3, v2;
	v3 =	vor.u32 v7, v8  }
0x7e: {  	[tilespmem:s4+$0xFFFFFFB0] =	vst v4  }
0x7f: {  	[tilespmem:s4+$0xFFFFFF80] =	vst v5  }
0x80: {  	[tilespmem:s4+$0xFFFFFF90] =	vst v6;
	v4 =	vld [tilespmem:s4+$0xFFFFFFF0]  }
0x81: {  	[tilespmem:s4+$0xFFFFFFA0] =	vst v2;
	v2 =	vld [tilespmem:s4+$0xFFFFFFD0]  }
0x82: {  	v3 =	vld.idx.msk [tilespmem:v3+s15+$0x0], $0xffff  }
0x83: {  	v5 =	vld [tilespmem:s4+$0xFFFFFFC0]  }
0x84: {  	v6 =	vld [tilespmem:s4+$0xFFFFFFE0]  }
0x85: {  	s6 =	sadd.s32 $0x2, s5  }
0x86: {  	v7 =	vmov s6  }
0x87: {  	v8 =	vand.u32 $0x78, v7;
	v7 =	vand.u32 $0x6, v7  }
0x88: {  	v8 =	vadd.s32 v1, v8;
	v2 =	vmul.f32 v2, v3;
	v5 =	vmul.f32 v5, v3  }
0x89: {  	v6 =	vmul.f32 v6, v3;
	v3 =	vmul.f32 v4, v3;
	v4 =	vor.u32 v7, v8  }
0x8a: {  	[tilespmem:s4+$0xFFFFFFC0] =	vst v5  }
0x8b: {  	[tilespmem:s4+$0xFFFFFFD0] =	vst v2  }
0x8c: {  	[tilespmem:s4+$0xFFFFFFF0] =	vst v3;
	v2 =	vld [tilespmem:s4+$0x30]  }
0x8d: {  	[tilespmem:s4+$0xFFFFFFE0] =	vst v6;
	v3 =	vld [tilespmem:s4+$0x0]  }
0x8e: {  	v4 =	vld.idx.msk [tilespmem:v4+s15+$0x0], $0xffff  }
0x8f: {  	v5 =	vld [tilespmem:s4+$0x10]  }
0x90: {  	v6 =	vld [tilespmem:s4+$0x20]  }
0x91: {  	s5 =	sadd.s32 $0x3, s5  }
0x92: {  	v7 =	vmov s5  }
0x93: {  	v8 =	vand.u32 $0x78, v7;
	v7 =	vand.u32 $0x7, v7  }
.Ltmp1:
0x94: {  	v9 =	vmul.f32 v3, v4;
	v3 =	vmul.f32 v5, v4;
	v5 =	vadd.s32 v1, v8;
	(pc) =	sbr.rel @p1 .LBB2_5-.Ltmp1, $4  }
0x95: {  	v6 =	vmul.f32 v6, v4;
	v4 =	vmul.f32 v2, v4;
	v2 =	vor.u32 v7, v5  }
0x96: {  	[tilespmem:s4+$0x0] =	vst v9  }
0x97: {  	[tilespmem:s4+$0x30] =	vst v4  }
0x98: {  	[tilespmem:s4+$0x20] =	vst v6  }
0x99: {  	_ =	sdelay $0x2  }
0x9a: {  	[tilespmem:s16+$0x10] =	vst v3;
	v1 =	vld [tilespmem:s16+$0x70]  }
0x9b: {  	v2 =	vld.idx.msk [tilespmem:v2+s15+$0x0], $0xffff  }
0x9c: {  	v3 =	vld [tilespmem:s16+$0x50]  }
0x9d: {  	v4 =	vld [tilespmem:s16+$0x60]  }
0x9e: {  	v5 =	vld [tilespmem:s16+$0x40];
	_ =	sdelay $0x1  }
0x9f: {  	v1 =	vmul.f32 v1, v2  }
0xa0: {  	v3 =	vmul.f32 v3, v2  }
0xa1: {  	s2 =	smul.u32 $0x280, s30;
	v4 =	vmul.f32 v4, v2;
	[tilespmem:s16+$0x70] =	vst v1  }
0xa2: {  	v1 =	vmul.f32 v5, v2;
	[tilespmem:s16+$0x50] =	vst v3  }
0xa3: {  	s4 =	sshra.s32 s2, $0x2;
	[tilespmem:s16+$0x60] =	vst v4  }
0xa4: {  	s4 =	sadd.s32 $0x9C40, s4;
	[tilespmem:s16+$0x40] =	vst v1;
	v1 =	vmov s0  }
0xa5: {  	[spmem:s1] =	stream.indirect.scatter.add.f32 [tilespmem:s19], [sflag:$0x3], $0x40, s4, s18, $0xb8;
	v1 =	vmul.u32 $0x50, v1;
	[tilespmem:$0x1E2A0] =	vst v63  }
0xa6: {  	s4 =	simm.s32 $0x0  }
0xa7: {  	p1 =	seq.s32 s30, $0x7C;
	_ =	swait.ge [sflag:s22], $0x1400;
	v2 =	vmov s4;
	v1 =	vbroadcast v1, $0x0  }
0xa8: {  	s0 =	sshra.s32 @!p1 s2, $0x2;
	s2 =	simm.s32 @!p1 $0x50;
	[sflag:s22] =	ssyncset.done $0x0;
	v3 =	vand.u32 $0x78, v2  }
0xa9: {  	s0 =	sadd.s32 @!p1 $0xA0, s0;
	s4 =	simm.s32 @!p1 $0xEA60;
	v2 =	vand.u32 $0x4, v2;
	[sflag:s22] =	ssyncadd.s32 $0xFFFFEC00;
	v3 =	vadd.s32 v1, v3  }
0xaa: {  	[tilespmem:s4], [sflag:$0x1] =	stream.indirect.gather @!p1 [hbm4b:s8+s2], $0x40, s0, s2, $0xb8;
	v2 =	vor.u32 v2, v3;
	[tilespmem:$0x1E2A0] =	vst v63  }
0xab: {  	_ =	swait.ge [sflag:s23], $0x1400  }
0xac: {  	[sflag:s23] =	ssyncset.done $0x0  }
0xad: {  	s0 =	simm.s32 $0xFEE0;
	[sflag:s23] =	ssyncadd.s32 $0xFFFFEC00  }
0xae: {  	v3 =	vld [tilespmem:s0+$0xFFFFFFB0]  }
0xaf: {  	v2 =	vld.idx.msk [tilespmem:v2+s15+$0x0], $0xffff  }
0xb0: {  	v4 =	vld [tilespmem:s0+$0xFFFFFF80]  }
0xb1: {  	s5 =	simm.s32 $0x1;
	v5 =	vld [tilespmem:s0+$0xFFFFFF90]  }
0xb2: {  	v7 =	vmov s5;
	v6 =	vld [tilespmem:s0+$0xFFFFFFA0]  }
0xb3: {  	v8 =	vand.u32 $0x78, v7  }
0xb4: {  	v7 =	vand.u32 $0x5, v7;
	v8 =	vadd.s32 v1, v8;
	v3 =	vmul.f32 v3, v2  }
0xb5: {  	v7 =	vor.u32 v7, v8;
	v4 =	vmul.f32 v4, v2  }
0xb6: {  	v5 =	vmul.f32 v5, v2;
	[tilespmem:s0+$0xFFFFFFB0] =	vst v3  }
0xb7: {  	v2 =	vmul.f32 v6, v2;
	[tilespmem:s0+$0xFFFFFF80] =	vst v4  }
0xb8: {  	[tilespmem:s0+$0xFFFFFF90] =	vst v5  }
0xb9: {  	[tilespmem:s0+$0xFFFFFFA0] =	vst v2;
	v3 =	vld [tilespmem:s0+$0xFFFFFFC0]  }
0xba: {  	v2 =	vld.idx.msk [tilespmem:v7+s15+$0x0], $0xffff  }
0xbb: {  	v4 =	vld [tilespmem:s0+$0xFFFFFFD0]  }
0xbc: {  	s6 =	simm.s32 $0x2;
	v5 =	vld [tilespmem:s0+$0xFFFFFFF0]  }
0xbd: {  	v58 =	vmov s6;
	v57 =	vld [tilespmem:s0+$0xFFFFFFE0]  }
0xbe: {  	v59 =	vand.u32 $0x78, v58  }
0xbf: {  	v8 =	vadd.s32 v1, v59;
	v7 =	vand.u32 $0x6, v58;
	v3 =	vmul.f32 v3, v2  }
0xc0: {  	v7 =	vor.u32 v7, v8;
	v4 =	vmul.f32 v4, v2  }
0xc1: {  	v5 =	vmul.f32 v5, v2;
	[tilespmem:s0+$0xFFFFFFC0] =	vst v3  }
0xc2: {  	v2 =	vmul.f32 v57, v2;
	[tilespmem:s0+$0xFFFFFFD0] =	vst v4  }
0xc3: {  	[tilespmem:s0+$0xFFFFFFF0] =	vst v5  }
0xc4: {  	[tilespmem:s0+$0xFFFFFFE0] =	vst v2;
	v2 =	vld [tilespmem:s0+$0x0]  }
0xc5: {  	v3 =	vld.idx.msk [tilespmem:v7+s15+$0x0], $0xffff;
	_ =	sdelay $0x1  }
0xc6: {  	v4 =	vld [tilespmem:s0+$0x30]  }
0xc7: {  	v5 =	vld [tilespmem:s0+$0x20]  }
0xc8: {  	s16 =	simm.s32 $0x3  }
0xc9: {  	v61 =	vmov s16;
	v60 =	vld [tilespmem:s0+$0x10];
	v2 =	vmul.f32 v2, v3  }
0xca: {  	v62 =	vand.u32 $0x78, v61  }
0xcb: {  	v63 =	vadd.s32 v1, v62;
	v4 =	vmul.f32 v4, v3;
	[tilespmem:s0+$0x0] =	vst v2;
	v2 =	vand.u32 $0x7, v61  }
0xcc: {  	v5 =	vmul.f32 v5, v3;
	v2 =	vor.u32 v2, v63  }
0xcd: {  	[tilespmem:s0+$0x30] =	vst v4  }
0xce: {  	s2 =	simm.s32 $0x4;
	s4 =	simm.s32 $0xFEE0;
	v3 =	vmul.f32 v60, v3;
	[tilespmem:s0+$0x20] =	vst v5  }
.LBB2_7:
0xcf: {  	p1 =	slt.u32 s2, $0x4C  }
0xd0: {  	[tilespmem:s0+$0x10] =	vst v3;
	v3 =	vld [tilespmem:s0+$0x70];
	s4 =	sadd.s32 $0x100, s4;
	s5 =	smov.u32 s2;
	s2 =	sadd.s32 $0x4, s2  }
0xd1: {  	v2 =	vld.idx.msk [tilespmem:v2+s15+$0x0], $0xffff  }
0xd2: {  	v4 =	vld [tilespmem:s0+$0x50]  }
0xd3: {  	v5 =	vld [tilespmem:s0+$0x60]  }
0xd4: {  	v6 =	vld [tilespmem:s0+$0x40]  }
0xd5: {  	v7 =	vmov s5  }
0xd6: {  	v8 =	vand.u32 $0x78, v7  }
0xd7: {  	v7 =	vand.u32 $0x4, v7;
	v8 =	vadd.s32 v1, v8;
	v3 =	vmul.f32 v3, v2  }
0xd8: {  	v7 =	vor.u32 v7, v8;
	v4 =	vmul.f32 v4, v2;
	v5 =	vmul.f32 v5, v2  }
0xd9: {  	v2 =	vmul.f32 v6, v2;
	[tilespmem:s0+$0x70] =	vst v3  }
0xda: {  	[tilespmem:s0+$0x50] =	vst v4  }
0xdb: {  	v3 =	vld [tilespmem:s4+$0xFFFFFFA0];
	[tilespmem:s0+$0x60] =	vst v5  }
0xdc: {  	v4 =	vld [tilespmem:s4+$0xFFFFFFB0];
	[tilespmem:s0+$0x40] =	vst v2;
	s0 =	smov.u32 s4  }
0xdd: {  	v2 =	vld.idx.msk [tilespmem:v7+s15+$0x0], $0xffff  }
0xde: {  	v5 =	vld [tilespmem:s4+$0xFFFFFF80]  }
0xdf: {  	v6 =	vld [tilespmem:s4+$0xFFFFFF90]  }
0xe0: {  	s6 =	sadd.s32 $0x1, s5  }
0xe1: {  	v7 =	vmov s6  }
0xe2: {  	v8 =	vand.u32 $0x78, v7;
	v7 =	vand.u32 $0x5, v7  }
0xe3: {  	v8 =	vadd.s32 v1, v8;
	v4 =	vmul.f32 v4, v2;
	v5 =	vmul.f32 v5, v2  }
0xe4: {  	v6 =	vmul.f32 v6, v2;
	v2 =	vmul.f32 v3, v2;
	v3 =	vor.u32 v7, v8  }
0xe5: {  	[tilespmem:s4+$0xFFFFFFB0] =	vst v4  }
0xe6: {  	[tilespmem:s4+$0xFFFFFF80] =	vst v5  }
0xe7: {  	[tilespmem:s4+$0xFFFFFF90] =	vst v6;
	v4 =	vld [tilespmem:s4+$0xFFFFFFF0]  }
0xe8: {  	[tilespmem:s4+$0xFFFFFFA0] =	vst v2;
	v2 =	vld [tilespmem:s4+$0xFFFFFFD0]  }
0xe9: {  	v3 =	vld.idx.msk [tilespmem:v3+s15+$0x0], $0xffff  }
0xea: {  	v5 =	vld [tilespmem:s4+$0xFFFFFFC0]  }
0xeb: {  	v6 =	vld [tilespmem:s4+$0xFFFFFFE0]  }
0xec: {  	s6 =	sadd.s32 $0x2, s5  }
0xed: {  	v7 =	vmov s6  }
0xee: {  	v8 =	vand.u32 $0x78, v7;
	v7 =	vand.u32 $0x6, v7  }
0xef: {  	v8 =	vadd.s32 v1, v8;
	v2 =	vmul.f32 v2, v3;
	v5 =	vmul.f32 v5, v3  }
0xf0: {  	v6 =	vmul.f32 v6, v3;
	v3 =	vmul.f32 v4, v3;
	v4 =	vor.u32 v7, v8  }
0xf1: {  	[tilespmem:s4+$0xFFFFFFC0] =	vst v5  }
0xf2: {  	[tilespmem:s4+$0xFFFFFFD0] =	vst v2  }
0xf3: {  	[tilespmem:s4+$0xFFFFFFF0] =	vst v3;
	v2 =	vld [tilespmem:s4+$0x30]  }
0xf4: {  	[tilespmem:s4+$0xFFFFFFE0] =	vst v6;
	v3 =	vld [tilespmem:s4+$0x0]  }
0xf5: {  	v4 =	vld.idx.msk [tilespmem:v4+s15+$0x0], $0xffff  }
0xf6: {  	v5 =	vld [tilespmem:s4+$0x10]  }
0xf7: {  	v6 =	vld [tilespmem:s4+$0x20]  }
0xf8: {  	s5 =	sadd.s32 $0x3, s5  }
0xf9: {  	v7 =	vmov s5  }
0xfa: {  	v8 =	vand.u32 $0x78, v7;
	v7 =	vand.u32 $0x7, v7  }
.Ltmp2:
0xfb: {  	v9 =	vmul.f32 v3, v4;
	v3 =	vmul.f32 v5, v4;
	v5 =	vadd.s32 v1, v8;
	(pc) =	sbr.rel @p1 .LBB2_7-.Ltmp2, $4  }
0xfc: {  	v6 =	vmul.f32 v6, v4;
	v4 =	vmul.f32 v2, v4;
	v2 =	vor.u32 v7, v5  }
0xfd: {  	[tilespmem:s4+$0x0] =	vst v9  }
0xfe: {  	[tilespmem:s4+$0x30] =	vst v4  }
0xff: {  	[tilespmem:s4+$0x20] =	vst v6  }
0x100: {  	_ =	sdelay $0x2  }
0x101: {  	[tilespmem:s0+$0x10] =	vst v3;
	v1 =	vld [tilespmem:s0+$0x70]  }
0x102: {  	v2 =	vld.idx.msk [tilespmem:v2+s15+$0x0], $0xffff  }
0x103: {  	v3 =	vld [tilespmem:s0+$0x50]  }
0x104: {  	v4 =	vld [tilespmem:s0+$0x60]  }
0x105: {  	v5 =	vld [tilespmem:s0+$0x40];
	_ =	sdelay $0x1  }
0x106: {  	s30 =	sadd.s32 $0x1, s30;
	v1 =	vmul.f32 v1, v2  }
0x107: {  	p1 =	sne.s32 s30, $0x7D;
	v3 =	vmul.f32 v3, v2  }
.Ltmp3:
0x108: {  	v4 =	vmul.f32 v4, v2;
	[tilespmem:s0+$0x70] =	vst v1;
	(pc) =	sbr.rel @p1 .LBB2_4-.Ltmp3, $4  }
0x109: {  	v1 =	vmul.f32 v5, v2;
	[tilespmem:s0+$0x50] =	vst v3  }
0x10a: {  	[tilespmem:s0+$0x60] =	vst v4  }
0x10b: {  	s31 =	sadd.s32 $0x9C40, s31;
	[tilespmem:s0+$0x40] =	vst v1  }
0x10c: {  	[spmem:s1] =	stream.indirect.scatter.add.f32 [tilespmem:s20], [sflag:$0x4], $0x40, s31, s18, $0xb8;
	[tilespmem:$0x1E2A0] =	vst v63  }
0x10d: {  	_ =	swait.ge [sflag:s26], $0x1400  }
0x10e: {  	s0 =	stileid.u32;
	[sflag:s26] =	ssyncset.done $0x0  }
0x10f: {  	s0 =	sshll.u32 s0, $0x6;
	[sflag:s26] =	ssyncadd.s32 $0xFFFFEC00  }
0x110: {  	s0 =	sor.u32 $0x1C05, s0;
	[bflag:$0x0] =	sbarrier.arrive $0xFFFF  }
0x111: {  	[hbm:s24], [sflag:s0] =	dma.local [spmem:s25], $0x1380  }
0x112: {  	_ =	swait.ge [sflag:s14], $0x1380  }
0x113: {  	s2 =	sadd.s32 @!p0 $0x13800, s9;
	s28 =	sadd.s32 $0x1, s28;
	[sflag:s14] =	ssyncset.done $0x0  }
0x114: {  	s4 =	sshrl.u32 @!p0 s7, $0x3;
	p1 =	sne.s32 s28, s11;
	[sflag:s14] =	ssyncadd.s32 $0xFFFFEC80  }
0x115: {  	[hbm:s2], [sflag:s0] =	dma.local @!p0 [spmem:s4], $0x80  }
.Ltmp4:
0x116: {  	_ = 	snop;
	(pc) =	sbr.rel @p1 .LBB2_1-.Ltmp4, $4  }
0x117: {  	s0 =	simm.s32 @!p0 $0x5  }
0x118: {  	_ =	swait.ge @!p0 [sflag:s0], $0x80  }
0x119: {  	[sflag:s0] =	ssyncset.done @!p0 $0x0  }
0x11a: {  	[sflag:s0] =	ssyncadd.s32 @!p0 $0xFFFFFF80  }
0x11b: {  	_ =	sfence.sel $0x180000  }
0x11c: {  	[bflag:$0x0] =	sbarrier.arrive $0xFFFF  }
0x11d: {  	_ =	strace $0x9000004D  }
0x11e: {  	[bflag:$0x2] =	sbarrier.arrive $0xFFFF  }
0x11f: {  	s0 =	rddreg [dreg:$0x3]  }
0x120: {  	s0 =	sadd.s32 @!p0 $0x100000, s0  }
0x121: {  	[sflag:s0] =	ssyncadd.tile.s32 @!p0 $0x1;
	_ =	shalt  }
.Lfunc_end2:
_tile_overlayer_lowered:
.L_overlay_start_2:
0x122: {  	(tag) =	ssettag $0x2  }
0x123: {  	s0 =	rddreg [dreg:$0x0];
	s2 =	stileid.u32  }
0x124: {  	s1 =	rddreg [dreg:$0x1];
	p0 =	sne.s32 s2, $0x0  }
0x125: {  	s3 =	rddreg [dreg:$0x2];
	[bflag:$0x3] =	sbarrier.arrive $0xFFFF;
	s2 =	simm.s32 @!p0 $0x1C05  }
0x126: {  	[timem:s3], [sflag:s2] =	dma.local @!p0 [hbm:s0], s1  }
0x127: {  	s0 =	simm.s32 @!p0 $0x5  }
0x128: {  	_ =	swait.ge @!p0 [sflag:s0], s1  }
0x129: {  	s1 =	ssub.s32 @!p0 $0x0, s1;
	[sflag:s0] =	ssyncset.done @!p0 $0x0  }
0x12a: {  	[sflag:s0] =	ssyncadd.s32 @!p0 s1  }
0x12b: {  	[bflag:$0x3] =	sbarrier.arrive $0xFFFF  }
0x12c: {  	_ =	shalt  }

</sc_bundles>
